<compile_context>
chip_gen: v7x
topology: tpu7x:2x2x1
jax: 0.10.2.dev20260603
libtpu: 0.0.44.dev20260713+nightly
codegen_flags: <defaults>
</compile_context>

<pallas_src>
import functools

import jax
import jax.numpy as jnp
from jax import lax
from jax.experimental import pallas as pl
from jax.experimental.pallas import tpu as pltpu
from jax.experimental.pallas import tpu_sc as plsc

N = 10000
E = 320000
D_IN = 128
H1, D1 = 4, 32
H2, D2 = 1, 128
HD = 128

NC = 2
NS = 16
FH = HD // NC
EPT = E // NS
C = 2000
NSUB = EPT // C
B = 80
NBLK = C // B
RPT = N // NS
DC = 8
EW = 8

_f32 = jnp.float32
_i32 = jnp.int32


@functools.lru_cache(maxsize=None)
def _edge_kernel(H):
  mesh = plsc.VectorSubcoreMesh(core_axis_name="c", subcore_axis_name="s")
  nh = max(H // NC, 1)
  cph = FH // nh

  @functools.partial(
      pl.kernel,
      out_type=(
          jax.ShapeDtypeStruct((NC, N, FH), _f32),
          jax.ShapeDtypeStruct((NC, N, DC), _f32),
      ),
      mesh=mesh,
      compiler_params=pltpu.CompilerParams(use_tc_tiling_on_sc=False,
                                           needs_layout_passes=False),
      scratch_types=(
          pltpu.VMEM((NBLK, B), _i32),
          pltpu.VMEM((NBLK, B), _i32),
          pltpu.VMEM((C, EW), _f32),
          pltpu.VMEM((C, EW), _f32),
          pltpu.VMEM((C, DC), _f32),
          pltpu.VMEM((2, B, FH), _f32),
          pltpu.VMEM((2, B, FH), _f32),
          pltpu.VMEM_SHARED((N, FH), _f32),
          pltpu.VMEM_SHARED((N, DC), _f32),
          pltpu.SemaphoreType.DMA,
          pltpu.SemaphoreType.DMA((2,)),
          pltpu.SemaphoreType.DMA((2,)),
      ),
  )
  def k(feat, elr, src2d, dst2d, zrow, zden, out_hbm, den_hbm,
        srcv, dstv, elg, erg, eev, fstage, ostage, out_sh, den_sh, sem,
        gsem, ssem):
    core = lax.axis_index("c")
    sub = lax.axis_index("s")
    r0 = sub * RPT

    zv = jnp.zeros((16,), _f32)
    ziota = lax.iota(_i32, 16)
    zcol = ziota % DC
    zrow_l = ziota // DC

    def zee(i, carry):
      plsc.store_scatter(eev, [i * 2 + zrow_l, zcol], zv)
      return carry
    lax.fori_loop(0, C // 2, zee, 0)

    pltpu.sync_copy(zrow, out_sh.at[pl.ds(r0, RPT)])
    pltpu.sync_copy(zden, den_sh.at[pl.ds(r0, RPT)])
    plsc.subcore_barrier()

    iota = lax.iota(_i32, 16)

    def subchunk(c0, carry):
      rbase = sub * (EPT // B) + c0 * NBLK
      pltpu.sync_copy(src2d.at[pl.ds(rbase, NBLK)], srcv)
      pltpu.sync_copy(dst2d.at[pl.ds(rbase, NBLK)], dstv)

      def gat(kk, carry2):
        pltpu.async_copy(elr.at[srcv.at[kk]], elg.at[pl.ds(kk * B, B)],
                         sem)
        pltpu.async_copy(elr.at[dstv.at[kk]], erg.at[pl.ds(kk * B, B)],
                         sem)
        return carry2
      lax.fori_loop(0, NBLK, gat, 0)

      def gatw(kk, carry2):
        pltpu.make_async_copy(elr.at[srcv.at[kk]], elg.at[pl.ds(kk * B, B)],
                              sem).wait()
        pltpu.make_async_copy(elr.at[dstv.at[kk]], erg.at[pl.ds(kk * B, B)],
                              sem).wait()
        return carry2
      lax.fori_loop(0, NBLK, gatw, 0)

      def pha(i, carry2):
        rows = i * 16 + iota
        for h in range(H):
          el = plsc.load_gather(elg, [rows, jnp.full((16,), h, _i32)])
          er = plsc.load_gather(erg, [rows, jnp.full((16,), H + h, _i32)])
          e = el + er
          e = jnp.maximum(e, e * _f32(0.2))
          plsc.store_scatter(eev, [rows, jnp.full((16,), h, _i32)],
                             jnp.exp(e))
        return carry2
      lax.fori_loop(0, C // 16, pha, 0)

      def dden(kk, carry2):
        pltpu.async_copy(eev.at[pl.ds(kk * B, B)], den_sh.at[dstv.at[kk]],
                         sem, add=True)
        return carry2
      lax.fori_loop(0, NBLK, dden, 0)

      def ddenw(kk, carry2):
        pltpu.make_async_copy(eev.at[pl.ds(kk * B, B)],
                              den_sh.at[dstv.at[kk]], sem).wait()
        return carry2
      lax.fori_loop(0, NBLK, ddenw, 0)

      def g_start(kk, p):
        pltpu.async_copy(feat.at[core].at[srcv.at[kk]], fstage.at[p],
                         gsem.at[p])

      def g_wait(kk, p):
        pltpu.make_async_copy(feat.at[core].at[srcv.at[kk]], fstage.at[p],
                              gsem.at[p]).wait()

      def s_start(kk, p):
        pltpu.async_copy(ostage.at[p], out_sh.at[dstv.at[kk]], ssem.at[p],
                         add=True)

      def s_wait(kk, p):
        pltpu.make_async_copy(ostage.at[p], out_sh.at[dstv.at[kk]],
                              ssem.at[p]).wait()

      g_start(0, 0)

      def phb(kk, carry2):
        p = kk % 2

        @pl.when(kk + 1 < NBLK)
        def _():
          g_start(kk + 1, 1 - p)
        g_wait(kk, p)

        @pl.when(kk >= 2)
        def _():
          s_wait(kk - 2, p)

        pp = jnp.full((16,), 0, _i32) + p

        def scale(j, carry3):
          rows = j * 16 + iota
          erow = kk * B + j * 16 + iota
          alphas = [
              plsc.load_gather(
                  eev,
                  [erow, jnp.full((16,), t, _i32) + core * (H // NC)])
              for t in range(nh)
          ]
          for c in range(FH):
            a = alphas[c // cph]
            col = jnp.full((16,), c, _i32)
            v = plsc.load_gather(fstage, [pp, rows, col])
            plsc.store_scatter(ostage, [pp, rows, col], v * a)
          return carry3
        lax.fori_loop(0, B // 16, scale, 0)
        s_start(kk, p)
        return carry2
      lax.fori_loop(0, NBLK, phb, 0)
      s_wait(NBLK - 2, (NBLK - 2) % 2)
      s_wait(NBLK - 1, (NBLK - 1) % 2)
      return carry
    lax.fori_loop(0, NSUB, subchunk, 0)

    plsc.subcore_barrier()
    pltpu.sync_copy(out_sh.at[pl.ds(r0, RPT)],
                    out_hbm.at[core, pl.ds(r0, RPT)])
    pltpu.sync_copy(den_sh.at[pl.ds(r0, RPT)],
                    den_hbm.at[core, pl.ds(r0, RPT)])

  return k


BS = 80
GRID = N // BS


def _lin_body(x_ref, w_ref, we_ref, feat_ref, elr_ref):
  x = x_ref[...]
  y = jnp.dot(x, w_ref[...], preferred_element_type=_f32)
  feat_ref[0] = y[:, :FH]
  feat_ref[1] = y[:, FH:]
  elr_ref[...] = jnp.dot(x, we_ref[...], preferred_element_type=_f32)


def _tc_lin(x, w, welr, h):
  return pl.pallas_call(
      _lin_body,
      grid=(GRID,),
      in_specs=[
          pl.BlockSpec((BS, HD), lambda i: (i, 0)),
          pl.BlockSpec((HD, HD), lambda i: (0, 0)),
          pl.BlockSpec((HD, EW), lambda i: (0, 0)),
      ],
      out_specs=[
          pl.BlockSpec((NC, BS, FH), lambda i: (0, i, 0)),
          pl.BlockSpec((BS, EW), lambda i: (i, 0)),
      ],
      out_shape=[
          jax.ShapeDtypeStruct((NC, N, FH), _f32),
          jax.ShapeDtypeStruct((N, EW), _f32),
      ],
  )(x, w, welr)


def _mid_body(h, op_ref, dp_ref, b_ref, s_ref, w_ref, we_ref,
              h_ref, feat_ref, elr_ref):
  acc = jnp.concatenate([op_ref[0], op_ref[1]], axis=1)
  den = dp_ref[0][:, :h]
  rden = _f32(1.0) / jnp.maximum(den, _f32(1e-9))
  rdenf = jnp.dot(rden, s_ref[...], preferred_element_type=_f32,
                  precision=lax.Precision.HIGHEST)
  hh = jnp.maximum(acc * rdenf + b_ref[...], _f32(0.0))
  h_ref[...] = hh
  y = jnp.dot(hh, w_ref[...], preferred_element_type=_f32)
  feat_ref[0] = y[:, :FH]
  feat_ref[1] = y[:, FH:]
  elr_ref[...] = jnp.dot(hh, we_ref[...], preferred_element_type=_f32)


def _tc_mid(outp, denp, bf, s, w, welr, h, h_next):
  return pl.pallas_call(
      functools.partial(_mid_body, h),
      grid=(GRID,),
      in_specs=[
          pl.BlockSpec((NC, BS, FH), lambda i: (0, i, 0)),
          pl.BlockSpec((1, BS, DC), lambda i: (0, i, 0)),
          pl.BlockSpec((1, HD), lambda i: (0, 0)),
          pl.BlockSpec((h, HD), lambda i: (0, 0)),
          pl.BlockSpec((HD, HD), lambda i: (0, 0)),
          pl.BlockSpec((HD, EW), lambda i: (0, 0)),
      ],
      out_specs=[
          pl.BlockSpec((BS, HD), lambda i: (i, 0)),
          pl.BlockSpec((NC, BS, FH), lambda i: (0, i, 0)),
          pl.BlockSpec((BS, EW), lambda i: (i, 0)),
      ],
      out_shape=[
          jax.ShapeDtypeStruct((N, HD), _f32),
          jax.ShapeDtypeStruct((NC, N, FH), _f32),
          jax.ShapeDtypeStruct((N, EW), _f32),
      ],
  )(outp, denp, bf, s, w, welr)


def _fin_body(h, op_ref, dp_ref, b_ref, s_ref, out_ref):
  acc = jnp.concatenate([op_ref[0], op_ref[1]], axis=1)
  den = dp_ref[0][:, :h]
  rden = _f32(1.0) / jnp.maximum(den, _f32(1e-9))
  rdenf = jnp.dot(rden, s_ref[...], preferred_element_type=_f32,
                  precision=lax.Precision.HIGHEST)
  out_ref[...] = acc * rdenf + b_ref[...]


def _tc_fin(outp, denp, bf, s, h):
  return pl.pallas_call(
      functools.partial(_fin_body, h),
      grid=(GRID,),
      in_specs=[
          pl.BlockSpec((NC, BS, FH), lambda i: (0, i, 0)),
          pl.BlockSpec((1, BS, DC), lambda i: (0, i, 0)),
          pl.BlockSpec((1, HD), lambda i: (0, 0)),
          pl.BlockSpec((h, HD), lambda i: (0, 0)),
      ],
      out_specs=pl.BlockSpec((BS, HD), lambda i: (i, 0)),
      out_shape=jax.ShapeDtypeStruct((N, HD), _f32),
  )(outp, denp, bf, s)


def kernel(feats, edge_index, W1, al1, ar1, b1, W2, al2, ar2, b2):
  src2d = edge_index[0].reshape(E // B, B)
  dst2d = edge_index[1].reshape(E // B, B)

  w1r = W1.reshape(D_IN, H1, D1)
  welr1 = jnp.concatenate(
      [jnp.einsum("ihd,hd->ih", w1r, al1),
       jnp.einsum("ihd,hd->ih", w1r, ar1)], axis=1)
  welr2 = jnp.concatenate(
      [W2 @ al2.T, W2 @ ar2.T,
       jnp.zeros((HD, EW - 2 * H2), _f32)], axis=1)

  zrow = jnp.zeros((RPT, FH), _f32)
  zden = jnp.zeros((RPT, DC), _f32)
  s4 = jnp.repeat(jnp.eye(H1, dtype=_f32), D1, axis=1)
  s1 = jnp.ones((H2, HD), _f32)
  b1f = b1.reshape(1, H1 * D1)
  b2f = b2.reshape(1, H2 * D2)

  feat1, elr1 = _tc_lin(feats, W1, welr1, H1)
  out1, den1 = _edge_kernel(H1)(feat1, elr1, src2d, dst2d, zrow, zden)
  h1, feat2, elr2 = _tc_mid(out1, den1, b1f, s4, W2, welr2, H1, H2)
  out2, den2 = _edge_kernel(H2)(feat2, elr2, src2d, dst2d, zrow, zden)
  h2 = _tc_fin(out2, den2, b2f, s1, H2)
  return (h2, feats, h1, h2)

# --- scband reference (transcript-rebuilt; emitter-appended) ---
"""Pipeline reference for scband-gat-64974265254098 (READ-ONLY COPY).

The authoritative reference and input builder live on the scoring server;
editing this copy changes nothing except your own understanding.
"""

import jax, jax.numpy as jnp
import numpy as np

N = 10000
E = 320000
D_IN = 128
H1, D1 = 4, 32   # layer 0: 4 heads, hidden 128//4=32 per head
H2, D2 = 1, 128  # final layer: 1 head, output_dim=128


def _gat_conv(h, src, dst, W, attn_l, attn_r, bias, H, D, apply_relu):
    # DGL-style GATConv: fc (no bias) -> per-head attention logits -> edge softmax -> weighted aggregation
    n = h.shape[0]
    feat = (h @ W).reshape(n, H, D)                     # [N, H, D]
    el = jnp.sum(feat * attn_l[None, :, :], axis=-1)    # [N, H]
    er = jnp.sum(feat * attn_r[None, :, :], axis=-1)    # [N, H]
    e = el[src] + er[dst]                               # [E, H]
    e = jax.nn.leaky_relu(e, negative_slope=0.2)
    # edge softmax over incoming edges of each dst node
    emax = jax.ops.segment_max(e, dst, num_segments=n)  # [N, H]
    emax = jnp.where(jnp.isfinite(emax), emax, 0.0)
    ee = jnp.exp(e - emax[dst])                         # [E, H]
    denom = jax.ops.segment_sum(ee, dst, num_segments=n)
    alpha = ee / jnp.maximum(denom[dst], 1e-9)          # [E, H]
    msg = feat[src] * alpha[:, :, None]                 # [E, H, D]
    out = jax.ops.segment_sum(msg, dst, num_segments=n) # [N, H, D]
    out = out + bias[None, :, :]
    if apply_relu:
        out = jax.nn.relu(out)
    return out


def setup_inputs(seed: int = 0) -> dict:
    key = jax.random.key(seed)
    ks = jax.random.split(key, 10)
    feats = jax.random.normal(ks[0], (N, D_IN), dtype=jnp.float32)
    edge_index = jax.random.randint(ks[1], (2, E), 0, N, dtype=jnp.int32)
    # layer 0 params (kaiming-ish init)
    W1 = jax.random.normal(ks[2], (D_IN, H1 * D1), dtype=jnp.float32) * np.sqrt(2.0 / D_IN)
    al1 = jax.random.normal(ks[3], (H1, D1), dtype=jnp.float32) * 0.1
    ar1 = jax.random.normal(ks[4], (H1, D1), dtype=jnp.float32) * 0.1
    b1 = jnp.zeros((H1, D1), dtype=jnp.float32)
    # layer 1 params
    W2 = jax.random.normal(ks[5], (H1 * D1, H2 * D2), dtype=jnp.float32) * np.sqrt(2.0 / (H1 * D1))
    al2 = jax.random.normal(ks[6], (H2, D2), dtype=jnp.float32) * 0.1
    ar2 = jax.random.normal(ks[7], (H2, D2), dtype=jnp.float32) * 0.1
    b2 = jnp.zeros((H2, D2), dtype=jnp.float32)
    return {"feats": feats, "edge_index": edge_index,
            "W1": W1, "al1": al1, "ar1": ar1, "b1": b1,
            "W2": W2, "al2": al2, "ar2": ar2, "b2": b2}


def reference(feats, edge_index, W1, al1, ar1, b1, W2, al2, ar2, b2):
    src = edge_index[0]
    dst = edge_index[1]
    h_list = [feats]
    # layer 0: GATConv -> flatten heads
    h = _gat_conv(feats, src, dst, W1, al1, ar1, b1, H1, D1, apply_relu=True)
    h = h.reshape(N, H1 * D1)
    h_list.append(h)
    # layer 1 (last): GATConv with 1 head, no activation -> mean over head dim
    h = _gat_conv(h, src, dst, W2, al2, ar2, b2, H2, D2, apply_relu=False)
    h = h.mean(axis=1)
    h_list.append(h)
    return (h, h_list[0], h_list[1], h_list[2])

if __name__ == "__main__":
    import jax
    _d = setup_inputs()
    print(jax.jit(kernel)(*tuple(_d.values())))

</pallas_src>

<mosaic_0001>
#map = affine_map<(d0, d1) -> (0, 0, 0)>
#map1 = affine_map<(d0, d1) -> (0, 0)>
module attributes {stable_mosaic.version = 14 : i64} {
  func.func @k(%arg0: i32, %arg1: i32, %arg2: memref<2x10000x64xf32, #tpu.memory_space<hbm>>, %arg3: memref<10000x8xf32, #tpu.memory_space<hbm>>, %arg4: memref<4000x80xi32, #tpu.memory_space<hbm>>, %arg5: memref<4000x80xi32, #tpu.memory_space<hbm>>, %arg6: memref<625x64xf32, #tpu.memory_space<hbm>>, %arg7: memref<625x8xf32, #tpu.memory_space<hbm>>, %arg8: memref<2x10000x64xf32, #tpu.memory_space<hbm>>, %arg9: memref<2x10000x8xf32, #tpu.memory_space<hbm>>, %arg10: memref<25x80xi32, #tpu.memory_space<vmem>>, %arg11: memref<25x80xi32, #tpu.memory_space<vmem>>, %arg12: memref<2000x8xf32, #tpu.memory_space<vmem>>, %arg13: memref<2000x8xf32, #tpu.memory_space<vmem>>, %arg14: memref<2000x8xf32, #tpu.memory_space<vmem>>, %arg15: memref<2x80x64xf32, #tpu.memory_space<vmem>>, %arg16: memref<2x80x64xf32, #tpu.memory_space<vmem>>, %arg17: memref<10000x64xf32, #tpu.memory_space<vmem_shared>>, %arg18: memref<10000x8xf32, #tpu.memory_space<vmem_shared>>, %arg19: memref<!tpu.dma_semaphore, #tpu.memory_space<semaphore_mem>>, %arg20: memref<2x!tpu.dma_semaphore, #tpu.memory_space<semaphore_mem>>, %arg21: memref<2x!tpu.dma_semaphore, #tpu.memory_space<semaphore_mem>>) attributes {dimension_semantics = [#tpu.dimension_semantics<core_parallel>, #tpu.dimension_semantics<subcore_parallel>], iteration_bounds = array<i64: 2, 16>, scalar_prefetch = 0 : i64, scratch_operands = 12 : i64, tpu.core_type = #tpu.core_type<sc_vector_subcore>, window_params = [{transform_indices = #map}, {transform_indices = #map1}, {transform_indices = #map1}, {transform_indices = #map1}, {transform_indices = #map1}, {transform_indices = #map1}, {transform_indices = #map}, {transform_indices = #map}]} {
    %mul3A = arith.constant 625 : i32
    %mul3A_0 = arith.muli %arg1, %mul3A : i32
    %broadcast_in_dim3A = arith.constant 0.000000e+00 : f32
    %broadcast_in_dim3A_1 = vector.broadcast %broadcast_in_dim3A : f32 to vector<16xf32>
    %iota3A = tpu.iota {dimensions = array<i32: 0>} : vector<16xi32>
    %jit3A = arith.constant 8 : i32
    %eq3A = arith.constant 0 : i32
    %eq3A_2 = arith.cmpi eq, %jit3A, %eq3A : i32
    %jit3A_3 = arith.constant 1 : i32
    %select_n3A = arith.select %eq3A_2, %jit3A_3, %jit3A : i32
    %rem3A = vector.broadcast %select_n3A : i32 to vector<16xi32>
    %rem3A_4 = arith.remsi %iota3A, %rem3A : vector<16xi32>
    %ne3A = arith.constant 0 : i32
    %ne3A_5 = vector.broadcast %ne3A : i32 to vector<16xi32>
    %ne3A_6 = arith.cmpi ne, %rem3A_4, %ne3A_5 : vector<16xi32>
    %lt3A = arith.constant 0 : i32
    %lt3A_7 = vector.broadcast %lt3A : i32 to vector<16xi32>
    %lt3A_8 = arith.cmpi slt, %rem3A_4, %lt3A_7 : vector<16xi32>
    %lt3A_9 = arith.constant 0 : i32
    %lt3A_10 = arith.cmpi slt, %select_n3A, %lt3A_9 : i32
    %ne3A_11 = vector.broadcast %lt3A_10 : i1 to vector<16xi1>
    %ne3A_12 = vector.broadcast %ne3A_11 : vector<16xi1> to vector<16xi1>
    %ne3A_13 = arith.xori %lt3A_8, %ne3A_12 : vector<16xi1>
    %and3A = arith.andi %ne3A_13, %ne3A_6 : vector<16xi1>
    %add3A = vector.broadcast %select_n3A : i32 to vector<16xi32>
    %add3A_14 = arith.addi %rem3A_4, %add3A : vector<16xi32>
    %select_n3A_15 = arith.select %and3A, %add3A_14, %rem3A_4 : vector<16xi1>, vector<16xi32>
    %jit3A_16 = arith.constant 8 : i32
    %div3A = vector.broadcast %jit3A_16 : i32 to vector<16xi32>
    %div3A_17 = arith.divsi %iota3A, %div3A : vector<16xi32>
    %sign3A = arith.constant 0 : i32
    %sign3A_18 = vector.broadcast %sign3A : i32 to vector<16xi32>
    %sign3A_19 = arith.cmpi sgt, %iota3A, %sign3A_18 : vector<16xi32>
    %sign3A_20 = arith.extui %sign3A_19 : vector<16xi1> to vector<16xi32>
    %sign3A_21 = arith.constant 0 : i32
    %sign3A_22 = vector.broadcast %sign3A_21 : i32 to vector<16xi32>
    %sign3A_23 = arith.cmpi slt, %iota3A, %sign3A_22 : vector<16xi32>
    %sign3A_24 = arith.extui %sign3A_23 : vector<16xi1> to vector<16xi32>
    %sign3A_25 = arith.subi %sign3A_20, %sign3A_24 : vector<16xi32>
    %sign3A_26 = arith.constant 0 : i32
    %sign3A_27 = arith.cmpi sgt, %jit3A_16, %sign3A_26 : i32
    %sign3A_28 = arith.extui %sign3A_27 : i1 to i32
    %sign3A_29 = arith.constant 0 : i32
    %sign3A_30 = arith.cmpi slt, %jit3A_16, %sign3A_29 : i32
    %sign3A_31 = arith.extui %sign3A_30 : i1 to i32
    %sign3A_32 = arith.subi %sign3A_28, %sign3A_31 : i32
    %ne3A_33 = vector.broadcast %sign3A_32 : i32 to vector<16xi32>
    %ne3A_34 = arith.cmpi ne, %sign3A_25, %ne3A_33 : vector<16xi32>
    %rem3A_35 = vector.broadcast %jit3A_16 : i32 to vector<16xi32>
    %rem3A_36 = arith.remsi %iota3A, %rem3A_35 : vector<16xi32>
    %ne3A_37 = arith.constant 0 : i32
    %ne3A_38 = vector.broadcast %ne3A_37 : i32 to vector<16xi32>
    %ne3A_39 = arith.cmpi ne, %rem3A_36, %ne3A_38 : vector<16xi32>
    %and3A_40 = arith.andi %ne3A_34, %ne3A_39 : vector<16xi1>
    %sub3A = arith.constant 1 : i32
    %sub3A_41 = vector.broadcast %sub3A : i32 to vector<16xi32>
    %sub3A_42 = arith.subi %div3A_17, %sub3A_41 : vector<16xi32>
    %select_n3A_43 = arith.select %and3A_40, %sub3A_42, %div3A_17 : vector<16xi1>, vector<16xi32>
    %scan3A = arith.constant 0 : i32
    %scan3A_44 = arith.constant 0 : i32
    %scan3A_45 = arith.constant 1000 : i32
    %scan3A_46 = arith.addi %scan3A_44, %scan3A_45 : i32
    %scan3A_47 = arith.constant 1 : i32
    scf.for %scan3A_57 = %scan3A_44 to %scan3A_46 step %scan3A_47  : i32 {
      %mul3A_58 = arith.constant 2 : i32
      %mul3A_59 = arith.muli %scan3A_57, %mul3A_58 : i32
      %add3A_60 = vector.broadcast %mul3A_59 : i32 to vector<16xi32>
      %add3A_61 = arith.addi %add3A_60, %select_n3A_43 : vector<16xi32>
      tpu.vector_store_idx %arg14[%add3A_61, %select_n3A_15], %broadcast_in_dim3A_1 : memref<2000x8xf32, #tpu.memory_space<vmem>>[vector<16xi32>, vector<16xi32>], vector<16xf32>,
    }
    %scan3A_48 = arith.constant 1000 : i32
    "tpu.region"() ({
      %run_scoped3A = tpu.sem_alloc : memref<!tpu.dma_semaphore, #tpu.memory_space<semaphore_mem>>
      %dma_start3A = arith.constant 0 : i32
      %dma_start3A_57 = tpu.memref_slice %arg17[%mul3A_0, %dma_start3A] : memref<10000x64xf32, #tpu.memory_space<vmem_shared>> -> memref<625x64xf32, #tpu.memory_space<vmem_shared>>
      tpu.enqueue_dma source(%arg6 : memref<625x64xf32, #tpu.memory_space<hbm>>) target(%dma_start3A_57 : memref<625x64xf32, #tpu.memory_space<vmem_shared>>) target_semaphore(%run_scoped3A : memref<!tpu.dma_semaphore, #tpu.memory_space<semaphore_mem>>)
      %dma_wait3A = arith.constant 0 : i32
      %dma_wait3A_58 = tpu.memref_slice %arg17[%mul3A_0, %dma_wait3A] : memref<10000x64xf32, #tpu.memory_space<vmem_shared>> -> memref<625x64xf32, #tpu.memory_space<vmem_shared>>
      tpu.wait_dma2 semaphore(%run_scoped3A : memref<!tpu.dma_semaphore, #tpu.memory_space<semaphore_mem>>) src(%arg6 : memref<625x64xf32, #tpu.memory_space<hbm>>) dst(%dma_wait3A_58 : memref<625x64xf32, #tpu.memory_space<vmem_shared>>)
      tpu.yield
    }) : () -> ()
    "tpu.region"() ({
      %run_scoped3A = tpu.sem_alloc : memref<!tpu.dma_semaphore, #tpu.memory_space<semaphore_mem>>
      %dma_start3A = arith.constant 0 : i32
      %dma_start3A_57 = tpu.memref_slice %arg18[%mul3A_0, %dma_start3A] : memref<10000x8xf32, #tpu.memory_space<vmem_shared>> -> memref<625x8xf32, #tpu.memory_space<vmem_shared>>
      tpu.enqueue_dma source(%arg7 : memref<625x8xf32, #tpu.memory_space<hbm>>) target(%dma_start3A_57 : memref<625x8xf32, #tpu.memory_space<vmem_shared>>) target_semaphore(%run_scoped3A : memref<!tpu.dma_semaphore, #tpu.memory_space<semaphore_mem>>)
      %dma_wait3A = arith.constant 0 : i32
      %dma_wait3A_58 = tpu.memref_slice %arg18[%mul3A_0, %dma_wait3A] : memref<10000x8xf32, #tpu.memory_space<vmem_shared>> -> memref<625x8xf32, #tpu.memory_space<vmem_shared>>
      tpu.wait_dma2 semaphore(%run_scoped3A : memref<!tpu.dma_semaphore, #tpu.memory_space<semaphore_mem>>) src(%arg7 : memref<625x8xf32, #tpu.memory_space<hbm>>) dst(%dma_wait3A_58 : memref<625x8xf32, #tpu.memory_space<vmem_shared>>)
      tpu.yield
    }) : () -> ()
    %barrier3A = arith.constant 0 : index
    tpu.barrier barrier_id(%barrier3A)
    %iota3A_49 = tpu.iota {dimensions = array<i32: 0>} : vector<16xi32>
    %scan3A_50 = arith.constant 0 : i32
    %scan3A_51 = arith.constant 0 : i32
    %scan3A_52 = arith.constant 10 : i32
    %scan3A_53 = arith.addi %scan3A_51, %scan3A_52 : i32
    %scan3A_54 = arith.constant 1 : i32
    scf.for %scan3A_57 = %scan3A_51 to %scan3A_53 step %scan3A_54  : i32 {
      %mul3A_58 = arith.constant 250 : i32
      %mul3A_59 = arith.muli %arg1, %mul3A_58 : i32
      %mul3A_60 = arith.constant 25 : i32
      %mul3A_61 = arith.muli %scan3A_57, %mul3A_60 : i32
      %add3A_62 = arith.addi %mul3A_59, %mul3A_61 : i32
      "tpu.region"() ({
        %run_scoped3A = tpu.sem_alloc : memref<!tpu.dma_semaphore, #tpu.memory_space<semaphore_mem>>
        %dma_start3A_146 = arith.constant 0 : i32
        %dma_start3A_147 = tpu.memref_slice %arg4[%add3A_62, %dma_start3A_146] : memref<4000x80xi32, #tpu.memory_space<hbm>> -> memref<25x80xi32, #tpu.memory_space<hbm>>
        %dma_start3A_148 = arith.constant 0 : i32
        %dma_start3A_149 = tpu.memref_slice %arg4[%add3A_62, %dma_start3A_148] : memref<4000x80xi32, #tpu.memory_space<hbm>> -> memref<25x80xi32, #tpu.memory_space<hbm>>
        tpu.enqueue_dma source(%dma_start3A_149 : memref<25x80xi32, #tpu.memory_space<hbm>>) target(%arg10 : memref<25x80xi32, #tpu.memory_space<vmem>>) target_semaphore(%run_scoped3A : memref<!tpu.dma_semaphore, #tpu.memory_space<semaphore_mem>>)
        %dma_wait3A_150 = arith.constant 0 : i32
        %dma_wait3A_151 = tpu.memref_slice %arg4[%add3A_62, %dma_wait3A_150] : memref<4000x80xi32, #tpu.memory_space<hbm>> -> memref<25x80xi32, #tpu.memory_space<hbm>>
        %dma_wait3A_152 = arith.constant 0 : i32
        %dma_wait3A_153 = tpu.memref_slice %arg4[%add3A_62, %dma_wait3A_152] : memref<4000x80xi32, #tpu.memory_space<hbm>> -> memref<25x80xi32, #tpu.memory_space<hbm>>
        tpu.wait_dma2 semaphore(%run_scoped3A : memref<!tpu.dma_semaphore, #tpu.memory_space<semaphore_mem>>) src(%dma_wait3A_153 : memref<25x80xi32, #tpu.memory_space<hbm>>) dst(%arg10 : memref<25x80xi32, #tpu.memory_space<vmem>>)
        tpu.yield
      }) : () -> ()
      "tpu.region"() ({
        %run_scoped3A = tpu.sem_alloc : memref<!tpu.dma_semaphore, #tpu.memory_space<semaphore_mem>>
        %dma_start3A_146 = arith.constant 0 : i32
        %dma_start3A_147 = tpu.memref_slice %arg5[%add3A_62, %dma_start3A_146] : memref<4000x80xi32, #tpu.memory_space<hbm>> -> memref<25x80xi32, #tpu.memory_space<hbm>>
        %dma_start3A_148 = arith.constant 0 : i32
        %dma_start3A_149 = tpu.memref_slice %arg5[%add3A_62, %dma_start3A_148] : memref<4000x80xi32, #tpu.memory_space<hbm>> -> memref<25x80xi32, #tpu.memory_space<hbm>>
        tpu.enqueue_dma source(%dma_start3A_149 : memref<25x80xi32, #tpu.memory_space<hbm>>) target(%arg11 : memref<25x80xi32, #tpu.memory_space<vmem>>) target_semaphore(%run_scoped3A : memref<!tpu.dma_semaphore, #tpu.memory_space<semaphore_mem>>)
        %dma_wait3A_150 = arith.constant 0 : i32
        %dma_wait3A_151 = tpu.memref_slice %arg5[%add3A_62, %dma_wait3A_150] : memref<4000x80xi32, #tpu.memory_space<hbm>> -> memref<25x80xi32, #tpu.memory_space<hbm>>
        %dma_wait3A_152 = arith.constant 0 : i32
        %dma_wait3A_153 = tpu.memref_slice %arg5[%add3A_62, %dma_wait3A_152] : memref<4000x80xi32, #tpu.memory_space<hbm>> -> memref<25x80xi32, #tpu.memory_space<hbm>>
        tpu.wait_dma2 semaphore(%run_scoped3A : memref<!tpu.dma_semaphore, #tpu.memory_space<semaphore_mem>>) src(%dma_wait3A_153 : memref<25x80xi32, #tpu.memory_space<hbm>>) dst(%arg11 : memref<25x80xi32, #tpu.memory_space<vmem>>)
        tpu.yield
      }) : () -> ()
      %scan3A_63 = arith.constant 0 : i32
      %scan3A_64 = arith.constant 0 : i32
      %scan3A_65 = arith.constant 25 : i32
      %scan3A_66 = arith.addi %scan3A_64, %scan3A_65 : i32
      %scan3A_67 = arith.constant 1 : i32
      scf.for %scan3A_146 = %scan3A_64 to %scan3A_66 step %scan3A_67  : i32 {
        %mul3A_147 = arith.constant 80 : i32
        %mul3A_148 = arith.muli %scan3A_146, %mul3A_147 : i32
        %dma_start3A_149 = arith.constant 0 : i32
        %dma_start3A_150 = tpu.memref_slice %arg12[%mul3A_148, %dma_start3A_149] : memref<2000x8xf32, #tpu.memory_space<vmem>> -> memref<80x8xf32, #tpu.memory_space<vmem>>
        %dma_start3A_151 = arith.constant 0 : i32
        %dma_start3A_152 = tpu.memref_slice %arg10[%scan3A_146, %dma_start3A_151] : memref<25x80xi32, #tpu.memory_space<vmem>> -> memref<1x80xi32, #tpu.memory_space<vmem>>
        %dma_start3A_153 = tpu.memref_squeeze %dma_start3A_152 : memref<1x80xi32, #tpu.memory_space<vmem>> -> memref<80xi32, #tpu.memory_space<vmem>>
        %dma_start3A_154 = arith.constant 0 : i32
        %dma_start3A_155 = arith.constant 0 : i32
        %dma_start3A_156 = tpu.memref_slice %arg3[%dma_start3A_154, %dma_start3A_155] : memref<10000x8xf32, #tpu.memory_space<hbm>> -> memref<10000x8xf32, #tpu.memory_space<hbm>>
        tpu.enqueue_indirect_dma source(%dma_start3A_156 : memref<10000x8xf32, #tpu.memory_space<hbm>>) target(%dma_start3A_150 : memref<80x8xf32, #tpu.memory_space<vmem>>) offsets(%dma_start3A_153 : memref<80xi32, #tpu.memory_space<vmem>>) semaphore(%arg19 : memref<!tpu.dma_semaphore, #tpu.memory_space<semaphore_mem>>)
        %mul3A_157 = arith.constant 80 : i32
        %mul3A_158 = arith.muli %scan3A_146, %mul3A_157 : i32
        %dma_start3A_159 = arith.constant 0 : i32
        %dma_start3A_160 = tpu.memref_slice %arg13[%mul3A_158, %dma_start3A_159] : memref<2000x8xf32, #tpu.memory_space<vmem>> -> memref<80x8xf32, #tpu.memory_space<vmem>>
        %dma_start3A_161 = arith.constant 0 : i32
        %dma_start3A_162 = tpu.memref_slice %arg11[%scan3A_146, %dma_start3A_161] : memref<25x80xi32, #tpu.memory_space<vmem>> -> memref<1x80xi32, #tpu.memory_space<vmem>>
        %dma_start3A_163 = tpu.memref_squeeze %dma_start3A_162 : memref<1x80xi32, #tpu.memory_space<vmem>> -> memref<80xi32, #tpu.memory_space<vmem>>
        %dma_start3A_164 = arith.constant 0 : i32
        %dma_start3A_165 = arith.constant 0 : i32
        %dma_start3A_166 = tpu.memref_slice %arg3[%dma_start3A_164, %dma_start3A_165] : memref<10000x8xf32, #tpu.memory_space<hbm>> -> memref<10000x8xf32, #tpu.memory_space<hbm>>
        tpu.enqueue_indirect_dma source(%dma_start3A_166 : memref<10000x8xf32, #tpu.memory_space<hbm>>) target(%dma_start3A_160 : memref<80x8xf32, #tpu.memory_space<vmem>>) offsets(%dma_start3A_163 : memref<80xi32, #tpu.memory_space<vmem>>) semaphore(%arg19 : memref<!tpu.dma_semaphore, #tpu.memory_space<semaphore_mem>>)
      }
      %scan3A_68 = arith.constant 25 : i32
      %scan3A_69 = arith.constant 0 : i32
      %scan3A_70 = arith.constant 0 : i32
      %scan3A_71 = arith.constant 25 : i32
      %scan3A_72 = arith.addi %scan3A_70, %scan3A_71 : i32
      %scan3A_73 = arith.constant 1 : i32
      scf.for %scan3A_146 = %scan3A_70 to %scan3A_72 step %scan3A_73  : i32 {
        %mul3A_147 = arith.constant 80 : i32
        %mul3A_148 = arith.muli %scan3A_146, %mul3A_147 : i32
        %dma_wait3A_149 = arith.constant 0 : i32
        %dma_wait3A_150 = tpu.memref_slice %arg12[%mul3A_148, %dma_wait3A_149] : memref<2000x8xf32, #tpu.memory_space<vmem>> -> memref<80x8xf32, #tpu.memory_space<vmem>>
        %dma_wait3A_151 = arith.constant 0 : i32
        %dma_wait3A_152 = tpu.memref_slice %arg10[%scan3A_146, %dma_wait3A_151] : memref<25x80xi32, #tpu.memory_space<vmem>> -> memref<1x80xi32, #tpu.memory_space<vmem>>
        %dma_wait3A_153 = tpu.memref_squeeze %dma_wait3A_152 : memref<1x80xi32, #tpu.memory_space<vmem>> -> memref<80xi32, #tpu.memory_space<vmem>>
        %dma_wait3A_154 = arith.constant 0 : i32
        %dma_wait3A_155 = arith.constant 0 : i32
        %dma_wait3A_156 = tpu.memref_slice %arg3[%dma_wait3A_154, %dma_wait3A_155] : memref<10000x8xf32, #tpu.memory_space<hbm>> -> memref<10000x8xf32, #tpu.memory_space<hbm>>
        tpu.wait_indirect_dma semaphore(%arg19 : memref<!tpu.dma_semaphore, #tpu.memory_space<semaphore_mem>>) src(%dma_wait3A_156 : memref<10000x8xf32, #tpu.memory_space<hbm>>) dst(%dma_wait3A_150 : memref<80x8xf32, #tpu.memory_space<vmem>>)
        %mul3A_157 = arith.constant 80 : i32
        %mul3A_158 = arith.muli %scan3A_146, %mul3A_157 : i32
        %dma_wait3A_159 = arith.constant 0 : i32
        %dma_wait3A_160 = tpu.memref_slice %arg13[%mul3A_158, %dma_wait3A_159] : memref<2000x8xf32, #tpu.memory_space<vmem>> -> memref<80x8xf32, #tpu.memory_space<vmem>>
        %dma_wait3A_161 = arith.constant 0 : i32
        %dma_wait3A_162 = tpu.memref_slice %arg11[%scan3A_146, %dma_wait3A_161] : memref<25x80xi32, #tpu.memory_space<vmem>> -> memref<1x80xi32, #tpu.memory_space<vmem>>
        %dma_wait3A_163 = tpu.memref_squeeze %dma_wait3A_162 : memref<1x80xi32, #tpu.memory_space<vmem>> -> memref<80xi32, #tpu.memory_space<vmem>>
        %dma_wait3A_164 = arith.constant 0 : i32
        %dma_wait3A_165 = arith.constant 0 : i32
        %dma_wait3A_166 = tpu.memref_slice %arg3[%dma_wait3A_164, %dma_wait3A_165] : memref<10000x8xf32, #tpu.memory_space<hbm>> -> memref<10000x8xf32, #tpu.memory_space<hbm>>
        tpu.wait_indirect_dma semaphore(%arg19 : memref<!tpu.dma_semaphore, #tpu.memory_space<semaphore_mem>>) src(%dma_wait3A_166 : memref<10000x8xf32, #tpu.memory_space<hbm>>) dst(%dma_wait3A_160 : memref<80x8xf32, #tpu.memory_space<vmem>>)
      }
      %scan3A_74 = arith.constant 25 : i32
      %scan3A_75 = arith.constant 0 : i32
      %scan3A_76 = arith.constant 0 : i32
      %scan3A_77 = arith.constant 125 : i32
      %scan3A_78 = arith.addi %scan3A_76, %scan3A_77 : i32
      %scan3A_79 = arith.constant 1 : i32
      scf.for %scan3A_146 = %scan3A_76 to %scan3A_78 step %scan3A_79  : i32 {
        %mul3A_147 = arith.constant 16 : i32
        %mul3A_148 = arith.muli %scan3A_146, %mul3A_147 : i32
        %add3A_149 = vector.broadcast %mul3A_148 : i32 to vector<16xi32>
        %add3A_150 = arith.addi %add3A_149, %iota3A_49 : vector<16xi32>
        %broadcast_in_dim3A_151 = arith.constant 0 : i32
        %broadcast_in_dim3A_152 = vector.broadcast %broadcast_in_dim3A_151 : i32 to vector<16xi32>
        %gather3A = tpu.vector_load_idx %arg12[%add3A_150, %broadcast_in_dim3A_152] : memref<2000x8xf32, #tpu.memory_space<vmem>>[vector<16xi32>, vector<16xi32>], vector<16xf32>,
        %broadcast_in_dim3A_153 = arith.constant 4 : i32
        %broadcast_in_dim3A_154 = vector.broadcast %broadcast_in_dim3A_153 : i32 to vector<16xi32>
        %gather3A_155 = tpu.vector_load_idx %arg13[%add3A_150, %broadcast_in_dim3A_154] : memref<2000x8xf32, #tpu.memory_space<vmem>>[vector<16xi32>, vector<16xi32>], vector<16xf32>,
        %add3A_156 = arith.addf %gather3A, %gather3A_155 : vector<16xf32>
        %mul3A_157 = arith.constant 2.000000e-01 : f32
        %mul3A_158 = vector.broadcast %mul3A_157 : f32 to vector<16xf32>
        %mul3A_159 = arith.mulf %add3A_156, %mul3A_158 : vector<16xf32>
        %max3A = arith.maximumf %add3A_156, %mul3A_159 : vector<16xf32>
        %broadcast_in_dim3A_160 = arith.constant 0 : i32
        %broadcast_in_dim3A_161 = vector.broadcast %broadcast_in_dim3A_160 : i32 to vector<16xi32>
        %exp3A = math.exp %max3A : vector<16xf32>
        tpu.vector_store_idx %arg14[%add3A_150, %broadcast_in_dim3A_161], %exp3A : memref<2000x8xf32, #tpu.memory_space<vmem>>[vector<16xi32>, vector<16xi32>], vector<16xf32>,
        %broadcast_in_dim3A_162 = arith.constant 1 : i32
        %broadcast_in_dim3A_163 = vector.broadcast %broadcast_in_dim3A_162 : i32 to vector<16xi32>
        %gather3A_164 = tpu.vector_load_idx %arg12[%add3A_150, %broadcast_in_dim3A_163] : memref<2000x8xf32, #tpu.memory_space<vmem>>[vector<16xi32>, vector<16xi32>], vector<16xf32>,
        %broadcast_in_dim3A_165 = arith.constant 5 : i32
        %broadcast_in_dim3A_166 = vector.broadcast %broadcast_in_dim3A_165 : i32 to vector<16xi32>
        %gather3A_167 = tpu.vector_load_idx %arg13[%add3A_150, %broadcast_in_dim3A_166] : memref<2000x8xf32, #tpu.memory_space<vmem>>[vector<16xi32>, vector<16xi32>], vector<16xf32>,
        %add3A_168 = arith.addf %gather3A_164, %gather3A_167 : vector<16xf32>
        %mul3A_169 = arith.constant 2.000000e-01 : f32
        %mul3A_170 = vector.broadcast %mul3A_169 : f32 to vector<16xf32>
        %mul3A_171 = arith.mulf %add3A_168, %mul3A_170 : vector<16xf32>
        %max3A_172 = arith.maximumf %add3A_168, %mul3A_171 : vector<16xf32>
        %broadcast_in_dim3A_173 = arith.constant 1 : i32
        %broadcast_in_dim3A_174 = vector.broadcast %broadcast_in_dim3A_173 : i32 to vector<16xi32>
        %exp3A_175 = math.exp %max3A_172 : vector<16xf32>
        tpu.vector_store_idx %arg14[%add3A_150, %broadcast_in_dim3A_174], %exp3A_175 : memref<2000x8xf32, #tpu.memory_space<vmem>>[vector<16xi32>, vector<16xi32>], vector<16xf32>,
        %broadcast_in_dim3A_176 = arith.constant 2 : i32
        %broadcast_in_dim3A_177 = vector.broadcast %broadcast_in_dim3A_176 : i32 to vector<16xi32>
        %gather3A_178 = tpu.vector_load_idx %arg12[%add3A_150, %broadcast_in_dim3A_177] : memref<2000x8xf32, #tpu.memory_space<vmem>>[vector<16xi32>, vector<16xi32>], vector<16xf32>,
        %broadcast_in_dim3A_179 = arith.constant 6 : i32
        %broadcast_in_dim3A_180 = vector.broadcast %broadcast_in_dim3A_179 : i32 to vector<16xi32>
        %gather3A_181 = tpu.vector_load_idx %arg13[%add3A_150, %broadcast_in_dim3A_180] : memref<2000x8xf32, #tpu.memory_space<vmem>>[vector<16xi32>, vector<16xi32>], vector<16xf32>,
        %add3A_182 = arith.addf %gather3A_178, %gather3A_181 : vector<16xf32>
        %mul3A_183 = arith.constant 2.000000e-01 : f32
        %mul3A_184 = vector.broadcast %mul3A_183 : f32 to vector<16xf32>
        %mul3A_185 = arith.mulf %add3A_182, %mul3A_184 : vector<16xf32>
        %max3A_186 = arith.maximumf %add3A_182, %mul3A_185 : vector<16xf32>
        %broadcast_in_dim3A_187 = arith.constant 2 : i32
        %broadcast_in_dim3A_188 = vector.broadcast %broadcast_in_dim3A_187 : i32 to vector<16xi32>
        %exp3A_189 = math.exp %max3A_186 : vector<16xf32>
        tpu.vector_store_idx %arg14[%add3A_150, %broadcast_in_dim3A_188], %exp3A_189 : memref<2000x8xf32, #tpu.memory_space<vmem>>[vector<16xi32>, vector<16xi32>], vector<16xf32>,
        %broadcast_in_dim3A_190 = arith.constant 3 : i32
        %broadcast_in_dim3A_191 = vector.broadcast %broadcast_in_dim3A_190 : i32 to vector<16xi32>
        %gather3A_192 = tpu.vector_load_idx %arg12[%add3A_150, %broadcast_in_dim3A_191] : memref<2000x8xf32, #tpu.memory_space<vmem>>[vector<16xi32>, vector<16xi32>], vector<16xf32>,
        %broadcast_in_dim3A_193 = arith.constant 7 : i32
        %broadcast_in_dim3A_194 = vector.broadcast %broadcast_in_dim3A_193 : i32 to vector<16xi32>
        %gather3A_195 = tpu.vector_load_idx %arg13[%add3A_150, %broadcast_in_dim3A_194] : memref<2000x8xf32, #tpu.memory_space<vmem>>[vector<16xi32>, vector<16xi32>], vector<16xf32>,
        %add3A_196 = arith.addf %gather3A_192, %gather3A_195 : vector<16xf32>
        %mul3A_197 = arith.constant 2.000000e-01 : f32
        %mul3A_198 = vector.broadcast %mul3A_197 : f32 to vector<16xf32>
        %mul3A_199 = arith.mulf %add3A_196, %mul3A_198 : vector<16xf32>
        %max3A_200 = arith.maximumf %add3A_196, %mul3A_199 : vector<16xf32>
        %broadcast_in_dim3A_201 = arith.constant 3 : i32
        %broadcast_in_dim3A_202 = vector.broadcast %broadcast_in_dim3A_201 : i32 to vector<16xi32>
        %exp3A_203 = math.exp %max3A_200 : vector<16xf32>
        tpu.vector_store_idx %arg14[%add3A_150, %broadcast_in_dim3A_202], %exp3A_203 : memref<2000x8xf32, #tpu.memory_space<vmem>>[vector<16xi32>, vector<16xi32>], vector<16xf32>,
      }
      %scan3A_80 = arith.constant 125 : i32
      %scan3A_81 = arith.constant 0 : i32
      %scan3A_82 = arith.constant 0 : i32
      %scan3A_83 = arith.constant 25 : i32
      %scan3A_84 = arith.addi %scan3A_82, %scan3A_83 : i32
      %scan3A_85 = arith.constant 1 : i32
      scf.for %scan3A_146 = %scan3A_82 to %scan3A_84 step %scan3A_85  : i32 {
        %mul3A_147 = arith.constant 80 : i32
        %mul3A_148 = arith.muli %scan3A_146, %mul3A_147 : i32
        %dma_start3A_149 = arith.constant 0 : i32
        %dma_start3A_150 = tpu.memref_slice %arg14[%mul3A_148, %dma_start3A_149] : memref<2000x8xf32, #tpu.memory_space<vmem>> -> memref<80x8xf32, #tpu.memory_space<vmem>>
        %dma_start3A_151 = arith.constant 0 : i32
        %dma_start3A_152 = tpu.memref_slice %arg11[%scan3A_146, %dma_start3A_151] : memref<25x80xi32, #tpu.memory_space<vmem>> -> memref<1x80xi32, #tpu.memory_space<vmem>>
        %dma_start3A_153 = tpu.memref_squeeze %dma_start3A_152 : memref<1x80xi32, #tpu.memory_space<vmem>> -> memref<80xi32, #tpu.memory_space<vmem>>
        %dma_start3A_154 = arith.constant 0 : i32
        %dma_start3A_155 = arith.constant 0 : i32
        %dma_start3A_156 = tpu.memref_slice %arg18[%dma_start3A_154, %dma_start3A_155] : memref<10000x8xf32, #tpu.memory_space<vmem_shared>> -> memref<10000x8xf32, #tpu.memory_space<vmem_shared>>
        tpu.enqueue_indirect_dma source(%dma_start3A_150 : memref<80x8xf32, #tpu.memory_space<vmem>>) target(%dma_start3A_156 : memref<10000x8xf32, #tpu.memory_space<vmem_shared>>) offsets(%dma_start3A_153 : memref<80xi32, #tpu.memory_space<vmem>>) semaphore(%arg19 : memref<!tpu.dma_semaphore, #tpu.memory_space<semaphore_mem>>) {add = true}
      }
      %scan3A_86 = arith.constant 25 : i32
      %scan3A_87 = arith.constant 0 : i32
      %scan3A_88 = arith.constant 0 : i32
      %scan3A_89 = arith.constant 25 : i32
      %scan3A_90 = arith.addi %scan3A_88, %scan3A_89 : i32
      %scan3A_91 = arith.constant 1 : i32
      scf.for %scan3A_146 = %scan3A_88 to %scan3A_90 step %scan3A_91  : i32 {
        %mul3A_147 = arith.constant 80 : i32
        %mul3A_148 = arith.muli %scan3A_146, %mul3A_147 : i32
        %dma_wait3A_149 = arith.constant 0 : i32
        %dma_wait3A_150 = tpu.memref_slice %arg14[%mul3A_148, %dma_wait3A_149] : memref<2000x8xf32, #tpu.memory_space<vmem>> -> memref<80x8xf32, #tpu.memory_space<vmem>>
        %dma_wait3A_151 = arith.constant 0 : i32
        %dma_wait3A_152 = tpu.memref_slice %arg11[%scan3A_146, %dma_wait3A_151] : memref<25x80xi32, #tpu.memory_space<vmem>> -> memref<1x80xi32, #tpu.memory_space<vmem>>
        %dma_wait3A_153 = tpu.memref_squeeze %dma_wait3A_152 : memref<1x80xi32, #tpu.memory_space<vmem>> -> memref<80xi32, #tpu.memory_space<vmem>>
        %dma_wait3A_154 = arith.constant 0 : i32
        %dma_wait3A_155 = arith.constant 0 : i32
        %dma_wait3A_156 = tpu.memref_slice %arg18[%dma_wait3A_154, %dma_wait3A_155] : memref<10000x8xf32, #tpu.memory_space<vmem_shared>> -> memref<10000x8xf32, #tpu.memory_space<vmem_shared>>
        tpu.wait_indirect_dma semaphore(%arg19 : memref<!tpu.dma_semaphore, #tpu.memory_space<semaphore_mem>>) src(%dma_wait3A_150 : memref<80x8xf32, #tpu.memory_space<vmem>>) dst(%dma_wait3A_156 : memref<10000x8xf32, #tpu.memory_space<vmem_shared>>)
      }
      %scan3A_92 = arith.constant 25 : i32
      %dma_start3A = arith.constant 0 : i32
      %dma_start3A_93 = arith.constant 0 : i32
      %dma_start3A_94 = arith.constant 0 : i32
      %dma_start3A_95 = arith.constant 0 : i32
      %dma_start3A_96 = arith.constant 0 : i32
      %dma_start3A_97 = tpu.memref_slice %arg15[%dma_start3A_93, %dma_start3A_95, %dma_start3A_96] : memref<2x80x64xf32, #tpu.memory_space<vmem>> -> memref<1x80x64xf32, #tpu.memory_space<vmem>>
      %dma_start3A_98 = tpu.memref_squeeze %dma_start3A_97 : memref<1x80x64xf32, #tpu.memory_space<vmem>> -> memref<80x64xf32, #tpu.memory_space<vmem>>
      %dma_start3A_99 = arith.constant 0 : i32
      %dma_start3A_100 = tpu.memref_slice %arg10[%dma_start3A, %dma_start3A_99] : memref<25x80xi32, #tpu.memory_space<vmem>> -> memref<1x80xi32, #tpu.memory_space<vmem>>
      %dma_start3A_101 = tpu.memref_squeeze %dma_start3A_100 : memref<1x80xi32, #tpu.memory_space<vmem>> -> memref<80xi32, #tpu.memory_space<vmem>>
      %dma_start3A_102 = arith.constant 0 : i32
      %dma_start3A_103 = arith.constant 0 : i32
      %dma_start3A_104 = tpu.memref_slice %arg2[%arg0, %dma_start3A_102, %dma_start3A_103] : memref<2x10000x64xf32, #tpu.memory_space<hbm>> -> memref<1x10000x64xf32, #tpu.memory_space<hbm>>
      %dma_start3A_105 = tpu.memref_squeeze %dma_start3A_104 : memref<1x10000x64xf32, #tpu.memory_space<hbm>> -> memref<10000x64xf32, #tpu.memory_space<hbm>>
      %dma_start3A_106 = arith.constant 0 : i32
      %dma_start3A_107 = arith.constant 0 : i32
      %dma_start3A_108 = tpu.memref_slice %dma_start3A_105[%dma_start3A_106, %dma_start3A_107] : memref<10000x64xf32, #tpu.memory_space<hbm>> -> memref<10000x64xf32, #tpu.memory_space<hbm>>
      %dma_start3A_109 = tpu.memref_slice %arg20[%dma_start3A_94] : memref<2x!tpu.dma_semaphore, #tpu.memory_space<semaphore_mem>> -> memref<1x!tpu.dma_semaphore, #tpu.memory_space<semaphore_mem>>
      %dma_start3A_110 = tpu.memref_squeeze %dma_start3A_109 : memref<1x!tpu.dma_semaphore, #tpu.memory_space<semaphore_mem>> -> memref<!tpu.dma_semaphore, #tpu.memory_space<semaphore_mem>>
      tpu.enqueue_indirect_dma source(%dma_start3A_108 : memref<10000x64xf32, #tpu.memory_space<hbm>>) target(%dma_start3A_98 : memref<80x64xf32, #tpu.memory_space<vmem>>) offsets(%dma_start3A_101 : memref<80xi32, #tpu.memory_space<vmem>>) semaphore(%dma_start3A_110 : memref<!tpu.dma_semaphore, #tpu.memory_space<semaphore_mem>>)
      %scan3A_111 = arith.constant 0 : i32
      %scan3A_112 = arith.constant 0 : i32
      %scan3A_113 = arith.constant 25 : i32
      %scan3A_114 = arith.addi %scan3A_112, %scan3A_113 : i32
      %scan3A_115 = arith.constant 1 : i32
      scf.for %scan3A_146 = %scan3A_112 to %scan3A_114 step %scan3A_115  : i32 {
        %jit3A_147 = arith.constant 2 : i32
        %eq3A_148 = arith.constant 0 : i32
        %eq3A_149 = arith.cmpi eq, %jit3A_147, %eq3A_148 : i32
        %jit3A_150 = arith.constant 1 : i32
        %select_n3A_151 = arith.select %eq3A_149, %jit3A_150, %jit3A_147 : i32
        %rem3A_152 = arith.remsi %scan3A_146, %select_n3A_151 : i32
        %ne3A_153 = arith.constant 0 : i32
        %ne3A_154 = arith.cmpi ne, %rem3A_152, %ne3A_153 : i32
        %lt3A_155 = arith.constant 0 : i32
        %lt3A_156 = arith.cmpi slt, %rem3A_152, %lt3A_155 : i32
        %lt3A_157 = arith.constant 0 : i32
        %lt3A_158 = arith.cmpi slt, %select_n3A_151, %lt3A_157 : i32
        %ne3A_159 = arith.xori %lt3A_156, %lt3A_158 : i1
        %and3A_160 = arith.andi %ne3A_159, %ne3A_154 : i1
        %add3A_161 = arith.addi %rem3A_152, %select_n3A_151 : i32
        %select_n3A_162 = arith.select %and3A_160, %add3A_161, %rem3A_152 : i32
        %add3A_163 = arith.constant 1 : i32
        %add3A_164 = arith.addi %scan3A_146, %add3A_163 : i32
        %lt3A_165 = arith.constant 25 : i32
        %lt3A_166 = arith.cmpi slt, %add3A_164, %lt3A_165 : i32
        %convert_element_type3A = arith.extui %lt3A_166 : i1 to i32
        %cond3A = arith.constant 0 : i32
        %cond3A_167 = arith.cmpi ne, %convert_element_type3A, %cond3A : i32
        scf.if %cond3A_167 {
          %add3A_210 = arith.constant 1 : i32
          %add3A_211 = arith.addi %scan3A_146, %add3A_210 : i32
          %sub3A_212 = arith.constant 1 : i32
          %sub3A_213 = arith.subi %sub3A_212, %select_n3A_162 : i32
          %dma_start3A_214 = arith.constant 0 : i32
          %dma_start3A_215 = arith.constant 0 : i32
          %dma_start3A_216 = tpu.memref_slice %arg15[%sub3A_213, %dma_start3A_214, %dma_start3A_215] : memref<2x80x64xf32, #tpu.memory_space<vmem>> -> memref<1x80x64xf32, #tpu.memory_space<vmem>>
          %dma_start3A_217 = tpu.memref_squeeze %dma_start3A_216 : memref<1x80x64xf32, #tpu.memory_space<vmem>> -> memref<80x64xf32, #tpu.memory_space<vmem>>
          %dma_start3A_218 = arith.constant 0 : i32
          %dma_start3A_219 = tpu.memref_slice %arg10[%add3A_211, %dma_start3A_218] : memref<25x80xi32, #tpu.memory_space<vmem>> -> memref<1x80xi32, #tpu.memory_space<vmem>>
          %dma_start3A_220 = tpu.memref_squeeze %dma_start3A_219 : memref<1x80xi32, #tpu.memory_space<vmem>> -> memref<80xi32, #tpu.memory_space<vmem>>
          %dma_start3A_221 = arith.constant 0 : i32
          %dma_start3A_222 = arith.constant 0 : i32
          %dma_start3A_223 = tpu.memref_slice %arg2[%arg0, %dma_start3A_221, %dma_start3A_222] : memref<2x10000x64xf32, #tpu.memory_space<hbm>> -> memref<1x10000x64xf32, #tpu.memory_space<hbm>>
          %dma_start3A_224 = tpu.memref_squeeze %dma_start3A_223 : memref<1x10000x64xf32, #tpu.memory_space<hbm>> -> memref<10000x64xf32, #tpu.memory_space<hbm>>
          %dma_start3A_225 = arith.constant 0 : i32
          %dma_start3A_226 = arith.constant 0 : i32
          %dma_start3A_227 = tpu.memref_slice %dma_start3A_224[%dma_start3A_225, %dma_start3A_226] : memref<10000x64xf32, #tpu.memory_space<hbm>> -> memref<10000x64xf32, #tpu.memory_space<hbm>>
          %dma_start3A_228 = tpu.memref_slice %arg20[%sub3A_213] : memref<2x!tpu.dma_semaphore, #tpu.memory_space<semaphore_mem>> -> memref<1x!tpu.dma_semaphore, #tpu.memory_space<semaphore_mem>>
          %dma_start3A_229 = tpu.memref_squeeze %dma_start3A_228 : memref<1x!tpu.dma_semaphore, #tpu.memory_space<semaphore_mem>> -> memref<!tpu.dma_semaphore, #tpu.memory_space<semaphore_mem>>
          tpu.enqueue_indirect_dma source(%dma_start3A_227 : memref<10000x64xf32, #tpu.memory_space<hbm>>) target(%dma_start3A_217 : memref<80x64xf32, #tpu.memory_space<vmem>>) offsets(%dma_start3A_220 : memref<80xi32, #tpu.memory_space<vmem>>) semaphore(%dma_start3A_229 : memref<!tpu.dma_semaphore, #tpu.memory_space<semaphore_mem>>)
        } else {
        }
        %dma_wait3A_168 = arith.constant 0 : i32
        %dma_wait3A_169 = arith.constant 0 : i32
        %dma_wait3A_170 = tpu.memref_slice %arg15[%select_n3A_162, %dma_wait3A_168, %dma_wait3A_169] : memref<2x80x64xf32, #tpu.memory_space<vmem>> -> memref<1x80x64xf32, #tpu.memory_space<vmem>>
        %dma_wait3A_171 = tpu.memref_squeeze %dma_wait3A_170 : memref<1x80x64xf32, #tpu.memory_space<vmem>> -> memref<80x64xf32, #tpu.memory_space<vmem>>
        %dma_wait3A_172 = arith.constant 0 : i32
        %dma_wait3A_173 = tpu.memref_slice %arg10[%scan3A_146, %dma_wait3A_172] : memref<25x80xi32, #tpu.memory_space<vmem>> -> memref<1x80xi32, #tpu.memory_space<vmem>>
        %dma_wait3A_174 = tpu.memref_squeeze %dma_wait3A_173 : memref<1x80xi32, #tpu.memory_space<vmem>> -> memref<80xi32, #tpu.memory_space<vmem>>
        %dma_wait3A_175 = arith.constant 0 : i32
        %dma_wait3A_176 = arith.constant 0 : i32
        %dma_wait3A_177 = tpu.memref_slice %arg2[%arg0, %dma_wait3A_175, %dma_wait3A_176] : memref<2x10000x64xf32, #tpu.memory_space<hbm>> -> memref<1x10000x64xf32, #tpu.memory_space<hbm>>
        %dma_wait3A_178 = tpu.memref_squeeze %dma_wait3A_177 : memref<1x10000x64xf32, #tpu.memory_space<hbm>> -> memref<10000x64xf32, #tpu.memory_space<hbm>>
        %dma_wait3A_179 = arith.constant 0 : i32
        %dma_wait3A_180 = arith.constant 0 : i32
        %dma_wait3A_181 = tpu.memref_slice %dma_wait3A_178[%dma_wait3A_179, %dma_wait3A_180] : memref<10000x64xf32, #tpu.memory_space<hbm>> -> memref<10000x64xf32, #tpu.memory_space<hbm>>
        %dma_wait3A_182 = tpu.memref_slice %arg20[%select_n3A_162] : memref<2x!tpu.dma_semaphore, #tpu.memory_space<semaphore_mem>> -> memref<1x!tpu.dma_semaphore, #tpu.memory_space<semaphore_mem>>
        %dma_wait3A_183 = tpu.memref_squeeze %dma_wait3A_182 : memref<1x!tpu.dma_semaphore, #tpu.memory_space<semaphore_mem>> -> memref<!tpu.dma_semaphore, #tpu.memory_space<semaphore_mem>>
        tpu.wait_indirect_dma semaphore(%dma_wait3A_183 : memref<!tpu.dma_semaphore, #tpu.memory_space<semaphore_mem>>) src(%dma_wait3A_181 : memref<10000x64xf32, #tpu.memory_space<hbm>>) dst(%dma_wait3A_171 : memref<80x64xf32, #tpu.memory_space<vmem>>)
        %ge3A = arith.constant 2 : i32
        %ge3A_184 = arith.cmpi sge, %scan3A_146, %ge3A : i32
        %convert_element_type3A_185 = arith.extui %ge3A_184 : i1 to i32
        %cond3A_186 = arith.constant 0 : i32
        %cond3A_187 = arith.cmpi ne, %convert_element_type3A_185, %cond3A_186 : i32
        scf.if %cond3A_187 {
          %sub3A_210 = arith.constant 2 : i32
          %sub3A_211 = arith.subi %scan3A_146, %sub3A_210 : i32
          %dma_wait3A_212 = arith.constant 0 : i32
          %dma_wait3A_213 = arith.constant 0 : i32
          %dma_wait3A_214 = tpu.memref_slice %arg16[%select_n3A_162, %dma_wait3A_212, %dma_wait3A_213] : memref<2x80x64xf32, #tpu.memory_space<vmem>> -> memref<1x80x64xf32, #tpu.memory_space<vmem>>
          %dma_wait3A_215 = tpu.memref_squeeze %dma_wait3A_214 : memref<1x80x64xf32, #tpu.memory_space<vmem>> -> memref<80x64xf32, #tpu.memory_space<vmem>>
          %dma_wait3A_216 = arith.constant 0 : i32
          %dma_wait3A_217 = tpu.memref_slice %arg11[%sub3A_211, %dma_wait3A_216] : memref<25x80xi32, #tpu.memory_space<vmem>> -> memref<1x80xi32, #tpu.memory_space<vmem>>
          %dma_wait3A_218 = tpu.memref_squeeze %dma_wait3A_217 : memref<1x80xi32, #tpu.memory_space<vmem>> -> memref<80xi32, #tpu.memory_space<vmem>>
          %dma_wait3A_219 = arith.constant 0 : i32
          %dma_wait3A_220 = arith.constant 0 : i32
          %dma_wait3A_221 = tpu.memref_slice %arg17[%dma_wait3A_219, %dma_wait3A_220] : memref<10000x64xf32, #tpu.memory_space<vmem_shared>> -> memref<10000x64xf32, #tpu.memory_space<vmem_shared>>
          %dma_wait3A_222 = tpu.memref_slice %arg21[%select_n3A_162] : memref<2x!tpu.dma_semaphore, #tpu.memory_space<semaphore_mem>> -> memref<1x!tpu.dma_semaphore, #tpu.memory_space<semaphore_mem>>
          %dma_wait3A_223 = tpu.memref_squeeze %dma_wait3A_222 : memref<1x!tpu.dma_semaphore, #tpu.memory_space<semaphore_mem>> -> memref<!tpu.dma_semaphore, #tpu.memory_space<semaphore_mem>>
          tpu.wait_indirect_dma semaphore(%dma_wait3A_223 : memref<!tpu.dma_semaphore, #tpu.memory_space<semaphore_mem>>) src(%dma_wait3A_215 : memref<80x64xf32, #tpu.memory_space<vmem>>) dst(%dma_wait3A_221 : memref<10000x64xf32, #tpu.memory_space<vmem_shared>>)
        } else {
        }
        %broadcast_in_dim3A_188 = arith.constant 0 : i32
        %broadcast_in_dim3A_189 = vector.broadcast %broadcast_in_dim3A_188 : i32 to vector<16xi32>
        %add3A_190 = vector.broadcast %select_n3A_162 : i32 to vector<16xi32>
        %add3A_191 = arith.addi %broadcast_in_dim3A_189, %add3A_190 : vector<16xi32>
        %scan3A_192 = arith.constant 0 : i32
        %scan3A_193 = arith.constant 0 : i32
        %scan3A_194 = arith.constant 5 : i32
        %scan3A_195 = arith.addi %scan3A_193, %scan3A_194 : i32
        %scan3A_196 = arith.constant 1 : i32
        scf.for %scan3A_210 = %scan3A_193 to %scan3A_195 step %scan3A_196  : i32 {
          %mul3A_211 = arith.constant 16 : i32
          %mul3A_212 = arith.muli %scan3A_210, %mul3A_211 : i32
          %add3A_213 = vector.broadcast %mul3A_212 : i32 to vector<16xi32>
          %add3A_214 = arith.addi %add3A_213, %iota3A_49 : vector<16xi32>
          %mul3A_215 = arith.constant 80 : i32
          %mul3A_216 = arith.muli %scan3A_146, %mul3A_215 : i32
          %mul3A_217 = arith.constant 16 : i32
          %mul3A_218 = arith.muli %scan3A_210, %mul3A_217 : i32
          %add3A_219 = arith.addi %mul3A_216, %mul3A_218 : i32
          %add3A_220 = vector.broadcast %add3A_219 : i32 to vector<16xi32>
          %add3A_221 = arith.addi %add3A_220, %iota3A_49 : vector<16xi32>
          %broadcast_in_dim3A_222 = arith.constant 0 : i32
          %broadcast_in_dim3A_223 = vector.broadcast %broadcast_in_dim3A_222 : i32 to vector<16xi32>
          %mul3A_224 = arith.constant 2 : i32
          %mul3A_225 = arith.muli %arg0, %mul3A_224 : i32
          %add3A_226 = vector.broadcast %mul3A_225 : i32 to vector<16xi32>
          %add3A_227 = arith.addi %broadcast_in_dim3A_223, %add3A_226 : vector<16xi32>
          %gather3A = tpu.vector_load_idx %arg14[%add3A_221, %add3A_227] : memref<2000x8xf32, #tpu.memory_space<vmem>>[vector<16xi32>, vector<16xi32>], vector<16xf32>,
          %broadcast_in_dim3A_228 = arith.constant 1 : i32
          %broadcast_in_dim3A_229 = vector.broadcast %broadcast_in_dim3A_228 : i32 to vector<16xi32>
          %mul3A_230 = arith.constant 2 : i32
          %mul3A_231 = arith.muli %arg0, %mul3A_230 : i32
          %add3A_232 = vector.broadcast %mul3A_231 : i32 to vector<16xi32>
          %add3A_233 = arith.addi %broadcast_in_dim3A_229, %add3A_232 : vector<16xi32>
          %gather3A_234 = tpu.vector_load_idx %arg14[%add3A_221, %add3A_233] : memref<2000x8xf32, #tpu.memory_space<vmem>>[vector<16xi32>, vector<16xi32>], vector<16xf32>,
          %broadcast_in_dim3A_235 = arith.constant 0 : i32
          %broadcast_in_dim3A_236 = vector.broadcast %broadcast_in_dim3A_235 : i32 to vector<16xi32>
          %gather3A_237 = tpu.vector_load_idx %arg15[%add3A_191, %add3A_214, %broadcast_in_dim3A_236] : memref<2x80x64xf32, #tpu.memory_space<vmem>>[vector<16xi32>, vector<16xi32>, vector<16xi32>], vector<16xf32>,
          %mul3A_238 = arith.mulf %gather3A_237, %gather3A : vector<16xf32>
          tpu.vector_store_idx %arg16[%add3A_191, %add3A_214, %broadcast_in_dim3A_236], %mul3A_238 : memref<2x80x64xf32, #tpu.memory_space<vmem>>[vector<16xi32>, vector<16xi32>, vector<16xi32>], vector<16xf32>,
          %broadcast_in_dim3A_239 = arith.constant 1 : i32
          %broadcast_in_dim3A_240 = vector.broadcast %broadcast_in_dim3A_239 : i32 to vector<16xi32>
          %gather3A_241 = tpu.vector_load_idx %arg15[%add3A_191, %add3A_214, %broadcast_in_dim3A_240] : memref<2x80x64xf32, #tpu.memory_space<vmem>>[vector<16xi32>, vector<16xi32>, vector<16xi32>], vector<16xf32>,
          %mul3A_242 = arith.mulf %gather3A_241, %gather3A : vector<16xf32>
          tpu.vector_store_idx %arg16[%add3A_191, %add3A_214, %broadcast_in_dim3A_240], %mul3A_242 : memref<2x80x64xf32, #tpu.memory_space<vmem>>[vector<16xi32>, vector<16xi32>, vector<16xi32>], vector<16xf32>,
          %broadcast_in_dim3A_243 = arith.constant 2 : i32
          %broadcast_in_dim3A_244 = vector.broadcast %broadcast_in_dim3A_243 : i32 to vector<16xi32>
          %gather3A_245 = tpu.vector_load_idx %arg15[%add3A_191, %add3A_214, %broadcast_in_dim3A_244] : memref<2x80x64xf32, #tpu.memory_space<vmem>>[vector<16xi32>, vector<16xi32>, vector<16xi32>], vector<16xf32>,
          %mul3A_246 = arith.mulf %gather3A_245, %gather3A : vector<16xf32>
          tpu.vector_store_idx %arg16[%add3A_191, %add3A_214, %broadcast_in_dim3A_244], %mul3A_246 : memref<2x80x64xf32, #tpu.memory_space<vmem>>[vector<16xi32>, vector<16xi32>, vector<16xi32>], vector<16xf32>,
          %broadcast_in_dim3A_247 = arith.constant 3 : i32
          %broadcast_in_dim3A_248 = vector.broadcast %broadcast_in_dim3A_247 : i32 to vector<16xi32>
          %gather3A_249 = tpu.vector_load_idx %arg15[%add3A_191, %add3A_214, %broadcast_in_dim3A_248] : memref<2x80x64xf32, #tpu.memory_space<vmem>>[vector<16xi32>, vector<16xi32>, vector<16xi32>], vector<16xf32>,
          %mul3A_250 = arith.mulf %gather3A_249, %gather3A : vector<16xf32>
          tpu.vector_store_idx %arg16[%add3A_191, %add3A_214, %broadcast_in_dim3A_248], %mul3A_250 : memref<2x80x64xf32, #tpu.memory_space<vmem>>[vector<16xi32>, vector<16xi32>, vector<16xi32>], vector<16xf32>,
          %broadcast_in_dim3A_251 = arith.constant 4 : i32
          %broadcast_in_dim3A_252 = vector.broadcast %broadcast_in_dim3A_251 : i32 to vector<16xi32>
          %gather3A_253 = tpu.vector_load_idx %arg15[%add3A_191, %add3A_214, %broadcast_in_dim3A_252] : memref<2x80x64xf32, #tpu.memory_space<vmem>>[vector<16xi32>, vector<16xi32>, vector<16xi32>], vector<16xf32>,
          %mul3A_254 = arith.mulf %gather3A_253, %gather3A : vector<16xf32>
          tpu.vector_store_idx %arg16[%add3A_191, %add3A_214, %broadcast_in_dim3A_252], %mul3A_254 : memref<2x80x64xf32, #tpu.memory_space<vmem>>[vector<16xi32>, vector<16xi32>, vector<16xi32>], vector<16xf32>,
          %broadcast_in_dim3A_255 = arith.constant 5 : i32
          %broadcast_in_dim3A_256 = vector.broadcast %broadcast_in_dim3A_255 : i32 to vector<16xi32>
          %gather3A_257 = tpu.vector_load_idx %arg15[%add3A_191, %add3A_214, %broadcast_in_dim3A_256] : memref<2x80x64xf32, #tpu.memory_space<vmem>>[vector<16xi32>, vector<16xi32>, vector<16xi32>], vector<16xf32>,
          %mul3A_258 = arith.mulf %gather3A_257, %gather3A : vector<16xf32>
          tpu.vector_store_idx %arg16[%add3A_191, %add3A_214, %broadcast_in_dim3A_256], %mul3A_258 : memref<2x80x64xf32, #tpu.memory_space<vmem>>[vector<16xi32>, vector<16xi32>, vector<16xi32>], vector<16xf32>,
          %broadcast_in_dim3A_259 = arith.constant 6 : i32
          %broadcast_in_dim3A_260 = vector.broadcast %broadcast_in_dim3A_259 : i32 to vector<16xi32>
          %gather3A_261 = tpu.vector_load_idx %arg15[%add3A_191, %add3A_214, %broadcast_in_dim3A_260] : memref<2x80x64xf32, #tpu.memory_space<vmem>>[vector<16xi32>, vector<16xi32>, vector<16xi32>], vector<16xf32>,
          %mul3A_262 = arith.mulf %gather3A_261, %gather3A : vector<16xf32>
          tpu.vector_store_idx %arg16[%add3A_191, %add3A_214, %broadcast_in_dim3A_260], %mul3A_262 : memref<2x80x64xf32, #tpu.memory_space<vmem>>[vector<16xi32>, vector<16xi32>, vector<16xi32>], vector<16xf32>,
          %broadcast_in_dim3A_263 = arith.constant 7 : i32
          %broadcast_in_dim3A_264 = vector.broadcast %broadcast_in_dim3A_263 : i32 to vector<16xi32>
          %gather3A_265 = tpu.vector_load_idx %arg15[%add3A_191, %add3A_214, %broadcast_in_dim3A_264] : memref<2x80x64xf32, #tpu.memory_space<vmem>>[vector<16xi32>, vector<16xi32>, vector<16xi32>], vector<16xf32>,
          %mul3A_266 = arith.mulf %gather3A_265, %gather3A : vector<16xf32>
          tpu.vector_store_idx %arg16[%add3A_191, %add3A_214, %broadcast_in_dim3A_264], %mul3A_266 : memref<2x80x64xf32, #tpu.memory_space<vmem>>[vector<16xi32>, vector<16xi32>, vector<16xi32>], vector<16xf32>,
          %broadcast_in_dim3A_267 = arith.constant 8 : i32
          %broadcast_in_dim3A_268 = vector.broadcast %broadcast_in_dim3A_267 : i32 to vector<16xi32>
          %gather3A_269 = tpu.vector_load_idx %arg15[%add3A_191, %add3A_214, %broadcast_in_dim3A_268] : memref<2x80x64xf32, #tpu.memory_space<vmem>>[vector<16xi32>, vector<16xi32>, vector<16xi32>], vector<16xf32>,
          %mul3A_270 = arith.mulf %gather3A_269, %gather3A : vector<16xf32>
          tpu.vector_store_idx %arg16[%add3A_191, %add3A_214, %broadcast_in_dim3A_268], %mul3A_270 : memref<2x80x64xf32, #tpu.memory_space<vmem>>[vector<16xi32>, vector<16xi32>, vector<16xi32>], vector<16xf32>,
          %broadcast_in_dim3A_271 = arith.constant 9 : i32
          %broadcast_in_dim3A_272 = vector.broadcast %broadcast_in_dim3A_271 : i32 to vector<16xi32>
          %gather3A_273 = tpu.vector_load_idx %arg15[%add3A_191, %add3A_214, %broadcast_in_dim3A_272] : memref<2x80x64xf32, #tpu.memory_space<vmem>>[vector<16xi32>, vector<16xi32>, vector<16xi32>], vector<16xf32>,
          %mul3A_274 = arith.mulf %gather3A_273, %gather3A : vector<16xf32>
          tpu.vector_store_idx %arg16[%add3A_191, %add3A_214, %broadcast_in_dim3A_272], %mul3A_274 : memref<2x80x64xf32, #tpu.memory_space<vmem>>[vector<16xi32>, vector<16xi32>, vector<16xi32>], vector<16xf32>,
          %broadcast_in_dim3A_275 = arith.constant 10 : i32
          %broadcast_in_dim3A_276 = vector.broadcast %broadcast_in_dim3A_275 : i32 to vector<16xi32>
          %gather3A_277 = tpu.vector_load_idx %arg15[%add3A_191, %add3A_214, %broadcast_in_dim3A_276] : memref<2x80x64xf32, #tpu.memory_space<vmem>>[vector<16xi32>, vector<16xi32>, vector<16xi32>], vector<16xf32>,
          %mul3A_278 = arith.mulf %gather3A_277, %gather3A : vector<16xf32>
          tpu.vector_store_idx %arg16[%add3A_191, %add3A_214, %broadcast_in_dim3A_276], %mul3A_278 : memref<2x80x64xf32, #tpu.memory_space<vmem>>[vector<16xi32>, vector<16xi32>, vector<16xi32>], vector<16xf32>,
          %broadcast_in_dim3A_279 = arith.constant 11 : i32
          %broadcast_in_dim3A_280 = vector.broadcast %broadcast_in_dim3A_279 : i32 to vector<16xi32>
          %gather3A_281 = tpu.vector_load_idx %arg15[%add3A_191, %add3A_214, %broadcast_in_dim3A_280] : memref<2x80x64xf32, #tpu.memory_space<vmem>>[vector<16xi32>, vector<16xi32>, vector<16xi32>], vector<16xf32>,
          %mul3A_282 = arith.mulf %gather3A_281, %gather3A : vector<16xf32>
          tpu.vector_store_idx %arg16[%add3A_191, %add3A_214, %broadcast_in_dim3A_280], %mul3A_282 : memref<2x80x64xf32, #tpu.memory_space<vmem>>[vector<16xi32>, vector<16xi32>, vector<16xi32>], vector<16xf32>,
          %broadcast_in_dim3A_283 = arith.constant 12 : i32
          %broadcast_in_dim3A_284 = vector.broadcast %broadcast_in_dim3A_283 : i32 to vector<16xi32>
          %gather3A_285 = tpu.vector_load_idx %arg15[%add3A_191, %add3A_214, %broadcast_in_dim3A_284] : memref<2x80x64xf32, #tpu.memory_space<vmem>>[vector<16xi32>, vector<16xi32>, vector<16xi32>], vector<16xf32>,
          %mul3A_286 = arith.mulf %gather3A_285, %gather3A : vector<16xf32>
          tpu.vector_store_idx %arg16[%add3A_191, %add3A_214, %broadcast_in_dim3A_284], %mul3A_286 : memref<2x80x64xf32, #tpu.memory_space<vmem>>[vector<16xi32>, vector<16xi32>, vector<16xi32>], vector<16xf32>,
          %broadcast_in_dim3A_287 = arith.constant 13 : i32
          %broadcast_in_dim3A_288 = vector.broadcast %broadcast_in_dim3A_287 : i32 to vector<16xi32>
          %gather3A_289 = tpu.vector_load_idx %arg15[%add3A_191, %add3A_214, %broadcast_in_dim3A_288] : memref<2x80x64xf32, #tpu.memory_space<vmem>>[vector<16xi32>, vector<16xi32>, vector<16xi32>], vector<16xf32>,
          %mul3A_290 = arith.mulf %gather3A_289, %gather3A : vector<16xf32>
          tpu.vector_store_idx %arg16[%add3A_191, %add3A_214, %broadcast_in_dim3A_288], %mul3A_290 : memref<2x80x64xf32, #tpu.memory_space<vmem>>[vector<16xi32>, vector<16xi32>, vector<16xi32>], vector<16xf32>,
          %broadcast_in_dim3A_291 = arith.constant 14 : i32
          %broadcast_in_dim3A_292 = vector.broadcast %broadcast_in_dim3A_291 : i32 to vector<16xi32>
          %gather3A_293 = tpu.vector_load_idx %arg15[%add3A_191, %add3A_214, %broadcast_in_dim3A_292] : memref<2x80x64xf32, #tpu.memory_space<vmem>>[vector<16xi32>, vector<16xi32>, vector<16xi32>], vector<16xf32>,
          %mul3A_294 = arith.mulf %gather3A_293, %gather3A : vector<16xf32>
          tpu.vector_store_idx %arg16[%add3A_191, %add3A_214, %broadcast_in_dim3A_292], %mul3A_294 : memref<2x80x64xf32, #tpu.memory_space<vmem>>[vector<16xi32>, vector<16xi32>, vector<16xi32>], vector<16xf32>,
          %broadcast_in_dim3A_295 = arith.constant 15 : i32
          %broadcast_in_dim3A_296 = vector.broadcast %broadcast_in_dim3A_295 : i32 to vector<16xi32>
          %gather3A_297 = tpu.vector_load_idx %arg15[%add3A_191, %add3A_214, %broadcast_in_dim3A_296] : memref<2x80x64xf32, #tpu.memory_space<vmem>>[vector<16xi32>, vector<16xi32>, vector<16xi32>], vector<16xf32>,
          %mul3A_298 = arith.mulf %gather3A_297, %gather3A : vector<16xf32>
          tpu.vector_store_idx %arg16[%add3A_191, %add3A_214, %broadcast_in_dim3A_296], %mul3A_298 : memref<2x80x64xf32, #tpu.memory_space<vmem>>[vector<16xi32>, vector<16xi32>, vector<16xi32>], vector<16xf32>,
          %broadcast_in_dim3A_299 = arith.constant 16 : i32
          %broadcast_in_dim3A_300 = vector.broadcast %broadcast_in_dim3A_299 : i32 to vector<16xi32>
          %gather3A_301 = tpu.vector_load_idx %arg15[%add3A_191, %add3A_214, %broadcast_in_dim3A_300] : memref<2x80x64xf32, #tpu.memory_space<vmem>>[vector<16xi32>, vector<16xi32>, vector<16xi32>], vector<16xf32>,
          %mul3A_302 = arith.mulf %gather3A_301, %gather3A : vector<16xf32>
          tpu.vector_store_idx %arg16[%add3A_191, %add3A_214, %broadcast_in_dim3A_300], %mul3A_302 : memref<2x80x64xf32, #tpu.memory_space<vmem>>[vector<16xi32>, vector<16xi32>, vector<16xi32>], vector<16xf32>,
          %broadcast_in_dim3A_303 = arith.constant 17 : i32
          %broadcast_in_dim3A_304 = vector.broadcast %broadcast_in_dim3A_303 : i32 to vector<16xi32>
          %gather3A_305 = tpu.vector_load_idx %arg15[%add3A_191, %add3A_214, %broadcast_in_dim3A_304] : memref<2x80x64xf32, #tpu.memory_space<vmem>>[vector<16xi32>, vector<16xi32>, vector<16xi32>], vector<16xf32>,
          %mul3A_306 = arith.mulf %gather3A_305, %gather3A : vector<16xf32>
          tpu.vector_store_idx %arg16[%add3A_191, %add3A_214, %broadcast_in_dim3A_304], %mul3A_306 : memref<2x80x64xf32, #tpu.memory_space<vmem>>[vector<16xi32>, vector<16xi32>, vector<16xi32>], vector<16xf32>,
          %broadcast_in_dim3A_307 = arith.constant 18 : i32
          %broadcast_in_dim3A_308 = vector.broadcast %broadcast_in_dim3A_307 : i32 to vector<16xi32>
          %gather3A_309 = tpu.vector_load_idx %arg15[%add3A_191, %add3A_214, %broadcast_in_dim3A_308] : memref<2x80x64xf32, #tpu.memory_space<vmem>>[vector<16xi32>, vector<16xi32>, vector<16xi32>], vector<16xf32>,
          %mul3A_310 = arith.mulf %gather3A_309, %gather3A : vector<16xf32>
          tpu.vector_store_idx %arg16[%add3A_191, %add3A_214, %broadcast_in_dim3A_308], %mul3A_310 : memref<2x80x64xf32, #tpu.memory_space<vmem>>[vector<16xi32>, vector<16xi32>, vector<16xi32>], vector<16xf32>,
          %broadcast_in_dim3A_311 = arith.constant 19 : i32
          %broadcast_in_dim3A_312 = vector.broadcast %broadcast_in_dim3A_311 : i32 to vector<16xi32>
          %gather3A_313 = tpu.vector_load_idx %arg15[%add3A_191, %add3A_214, %broadcast_in_dim3A_312] : memref<2x80x64xf32, #tpu.memory_space<vmem>>[vector<16xi32>, vector<16xi32>, vector<16xi32>], vector<16xf32>,
          %mul3A_314 = arith.mulf %gather3A_313, %gather3A : vector<16xf32>
          tpu.vector_store_idx %arg16[%add3A_191, %add3A_214, %broadcast_in_dim3A_312], %mul3A_314 : memref<2x80x64xf32, #tpu.memory_space<vmem>>[vector<16xi32>, vector<16xi32>, vector<16xi32>], vector<16xf32>,
          %broadcast_in_dim3A_315 = arith.constant 20 : i32
          %broadcast_in_dim3A_316 = vector.broadcast %broadcast_in_dim3A_315 : i32 to vector<16xi32>
          %gather3A_317 = tpu.vector_load_idx %arg15[%add3A_191, %add3A_214, %broadcast_in_dim3A_316] : memref<2x80x64xf32, #tpu.memory_space<vmem>>[vector<16xi32>, vector<16xi32>, vector<16xi32>], vector<16xf32>,
          %mul3A_318 = arith.mulf %gather3A_317, %gather3A : vector<16xf32>
          tpu.vector_store_idx %arg16[%add3A_191, %add3A_214, %broadcast_in_dim3A_316], %mul3A_318 : memref<2x80x64xf32, #tpu.memory_space<vmem>>[vector<16xi32>, vector<16xi32>, vector<16xi32>], vector<16xf32>,
          %broadcast_in_dim3A_319 = arith.constant 21 : i32
          %broadcast_in_dim3A_320 = vector.broadcast %broadcast_in_dim3A_319 : i32 to vector<16xi32>
          %gather3A_321 = tpu.vector_load_idx %arg15[%add3A_191, %add3A_214, %broadcast_in_dim3A_320] : memref<2x80x64xf32, #tpu.memory_space<vmem>>[vector<16xi32>, vector<16xi32>, vector<16xi32>], vector<16xf32>,
          %mul3A_322 = arith.mulf %gather3A_321, %gather3A : vector<16xf32>
          tpu.vector_store_idx %arg16[%add3A_191, %add3A_214, %broadcast_in_dim3A_320], %mul3A_322 : memref<2x80x64xf32, #tpu.memory_space<vmem>>[vector<16xi32>, vector<16xi32>, vector<16xi32>], vector<16xf32>,
          %broadcast_in_dim3A_323 = arith.constant 22 : i32
          %broadcast_in_dim3A_324 = vector.broadcast %broadcast_in_dim3A_323 : i32 to vector<16xi32>
          %gather3A_325 = tpu.vector_load_idx %arg15[%add3A_191, %add3A_214, %broadcast_in_dim3A_324] : memref<2x80x64xf32, #tpu.memory_space<vmem>>[vector<16xi32>, vector<16xi32>, vector<16xi32>], vector<16xf32>,
          %mul3A_326 = arith.mulf %gather3A_325, %gather3A : vector<16xf32>
          tpu.vector_store_idx %arg16[%add3A_191, %add3A_214, %broadcast_in_dim3A_324], %mul3A_326 : memref<2x80x64xf32, #tpu.memory_space<vmem>>[vector<16xi32>, vector<16xi32>, vector<16xi32>], vector<16xf32>,
          %broadcast_in_dim3A_327 = arith.constant 23 : i32
          %broadcast_in_dim3A_328 = vector.broadcast %broadcast_in_dim3A_327 : i32 to vector<16xi32>
          %gather3A_329 = tpu.vector_load_idx %arg15[%add3A_191, %add3A_214, %broadcast_in_dim3A_328] : memref<2x80x64xf32, #tpu.memory_space<vmem>>[vector<16xi32>, vector<16xi32>, vector<16xi32>], vector<16xf32>,
          %mul3A_330 = arith.mulf %gather3A_329, %gather3A : vector<16xf32>
          tpu.vector_store_idx %arg16[%add3A_191, %add3A_214, %broadcast_in_dim3A_328], %mul3A_330 : memref<2x80x64xf32, #tpu.memory_space<vmem>>[vector<16xi32>, vector<16xi32>, vector<16xi32>], vector<16xf32>,
          %broadcast_in_dim3A_331 = arith.constant 24 : i32
          %broadcast_in_dim3A_332 = vector.broadcast %broadcast_in_dim3A_331 : i32 to vector<16xi32>
          %gather3A_333 = tpu.vector_load_idx %arg15[%add3A_191, %add3A_214, %broadcast_in_dim3A_332] : memref<2x80x64xf32, #tpu.memory_space<vmem>>[vector<16xi32>, vector<16xi32>, vector<16xi32>], vector<16xf32>,
          %mul3A_334 = arith.mulf %gather3A_333, %gather3A : vector<16xf32>
          tpu.vector_store_idx %arg16[%add3A_191, %add3A_214, %broadcast_in_dim3A_332], %mul3A_334 : memref<2x80x64xf32, #tpu.memory_space<vmem>>[vector<16xi32>, vector<16xi32>, vector<16xi32>], vector<16xf32>,
          %broadcast_in_dim3A_335 = arith.constant 25 : i32
          %broadcast_in_dim3A_336 = vector.broadcast %broadcast_in_dim3A_335 : i32 to vector<16xi32>
          %gather3A_337 = tpu.vector_load_idx %arg15[%add3A_191, %add3A_214, %broadcast_in_dim3A_336] : memref<2x80x64xf32, #tpu.memory_space<vmem>>[vector<16xi32>, vector<16xi32>, vector<16xi32>], vector<16xf32>,
          %mul3A_338 = arith.mulf %gather3A_337, %gather3A : vector<16xf32>
          tpu.vector_store_idx %arg16[%add3A_191, %add3A_214, %broadcast_in_dim3A_336], %mul3A_338 : memref<2x80x64xf32, #tpu.memory_space<vmem>>[vector<16xi32>, vector<16xi32>, vector<16xi32>], vector<16xf32>,
          %broadcast_in_dim3A_339 = arith.constant 26 : i32
          %broadcast_in_dim3A_340 = vector.broadcast %broadcast_in_dim3A_339 : i32 to vector<16xi32>
          %gather3A_341 = tpu.vector_load_idx %arg15[%add3A_191, %add3A_214, %broadcast_in_dim3A_340] : memref<2x80x64xf32, #tpu.memory_space<vmem>>[vector<16xi32>, vector<16xi32>, vector<16xi32>], vector<16xf32>,
          %mul3A_342 = arith.mulf %gather3A_341, %gather3A : vector<16xf32>
          tpu.vector_store_idx %arg16[%add3A_191, %add3A_214, %broadcast_in_dim3A_340], %mul3A_342 : memref<2x80x64xf32, #tpu.memory_space<vmem>>[vector<16xi32>, vector<16xi32>, vector<16xi32>], vector<16xf32>,
          %broadcast_in_dim3A_343 = arith.constant 27 : i32
          %broadcast_in_dim3A_344 = vector.broadcast %broadcast_in_dim3A_343 : i32 to vector<16xi32>
          %gather3A_345 = tpu.vector_load_idx %arg15[%add3A_191, %add3A_214, %broadcast_in_dim3A_344] : memref<2x80x64xf32, #tpu.memory_space<vmem>>[vector<16xi32>, vector<16xi32>, vector<16xi32>], vector<16xf32>,
          %mul3A_346 = arith.mulf %gather3A_345, %gather3A : vector<16xf32>
          tpu.vector_store_idx %arg16[%add3A_191, %add3A_214, %broadcast_in_dim3A_344], %mul3A_346 : memref<2x80x64xf32, #tpu.memory_space<vmem>>[vector<16xi32>, vector<16xi32>, vector<16xi32>], vector<16xf32>,
          %broadcast_in_dim3A_347 = arith.constant 28 : i32
          %broadcast_in_dim3A_348 = vector.broadcast %broadcast_in_dim3A_347 : i32 to vector<16xi32>
          %gather3A_349 = tpu.vector_load_idx %arg15[%add3A_191, %add3A_214, %broadcast_in_dim3A_348] : memref<2x80x64xf32, #tpu.memory_space<vmem>>[vector<16xi32>, vector<16xi32>, vector<16xi32>], vector<16xf32>,
          %mul3A_350 = arith.mulf %gather3A_349, %gather3A : vector<16xf32>
          tpu.vector_store_idx %arg16[%add3A_191, %add3A_214, %broadcast_in_dim3A_348], %mul3A_350 : memref<2x80x64xf32, #tpu.memory_space<vmem>>[vector<16xi32>, vector<16xi32>, vector<16xi32>], vector<16xf32>,
          %broadcast_in_dim3A_351 = arith.constant 29 : i32
          %broadcast_in_dim3A_352 = vector.broadcast %broadcast_in_dim3A_351 : i32 to vector<16xi32>
          %gather3A_353 = tpu.vector_load_idx %arg15[%add3A_191, %add3A_214, %broadcast_in_dim3A_352] : memref<2x80x64xf32, #tpu.memory_space<vmem>>[vector<16xi32>, vector<16xi32>, vector<16xi32>], vector<16xf32>,
          %mul3A_354 = arith.mulf %gather3A_353, %gather3A : vector<16xf32>
          tpu.vector_store_idx %arg16[%add3A_191, %add3A_214, %broadcast_in_dim3A_352], %mul3A_354 : memref<2x80x64xf32, #tpu.memory_space<vmem>>[vector<16xi32>, vector<16xi32>, vector<16xi32>], vector<16xf32>,
          %broadcast_in_dim3A_355 = arith.constant 30 : i32
          %broadcast_in_dim3A_356 = vector.broadcast %broadcast_in_dim3A_355 : i32 to vector<16xi32>
          %gather3A_357 = tpu.vector_load_idx %arg15[%add3A_191, %add3A_214, %broadcast_in_dim3A_356] : memref<2x80x64xf32, #tpu.memory_space<vmem>>[vector<16xi32>, vector<16xi32>, vector<16xi32>], vector<16xf32>,
          %mul3A_358 = arith.mulf %gather3A_357, %gather3A : vector<16xf32>
          tpu.vector_store_idx %arg16[%add3A_191, %add3A_214, %broadcast_in_dim3A_356], %mul3A_358 : memref<2x80x64xf32, #tpu.memory_space<vmem>>[vector<16xi32>, vector<16xi32>, vector<16xi32>], vector<16xf32>,
          %broadcast_in_dim3A_359 = arith.constant 31 : i32
          %broadcast_in_dim3A_360 = vector.broadcast %broadcast_in_dim3A_359 : i32 to vector<16xi32>
          %gather3A_361 = tpu.vector_load_idx %arg15[%add3A_191, %add3A_214, %broadcast_in_dim3A_360] : memref<2x80x64xf32, #tpu.memory_space<vmem>>[vector<16xi32>, vector<16xi32>, vector<16xi32>], vector<16xf32>,
          %mul3A_362 = arith.mulf %gather3A_361, %gather3A : vector<16xf32>
          tpu.vector_store_idx %arg16[%add3A_191, %add3A_214, %broadcast_in_dim3A_360], %mul3A_362 : memref<2x80x64xf32, #tpu.memory_space<vmem>>[vector<16xi32>, vector<16xi32>, vector<16xi32>], vector<16xf32>,
          %broadcast_in_dim3A_363 = arith.constant 32 : i32
          %broadcast_in_dim3A_364 = vector.broadcast %broadcast_in_dim3A_363 : i32 to vector<16xi32>
          %gather3A_365 = tpu.vector_load_idx %arg15[%add3A_191, %add3A_214, %broadcast_in_dim3A_364] : memref<2x80x64xf32, #tpu.memory_space<vmem>>[vector<16xi32>, vector<16xi32>, vector<16xi32>], vector<16xf32>,
          %mul3A_366 = arith.mulf %gather3A_365, %gather3A_234 : vector<16xf32>
          tpu.vector_store_idx %arg16[%add3A_191, %add3A_214, %broadcast_in_dim3A_364], %mul3A_366 : memref<2x80x64xf32, #tpu.memory_space<vmem>>[vector<16xi32>, vector<16xi32>, vector<16xi32>], vector<16xf32>,
          %broadcast_in_dim3A_367 = arith.constant 33 : i32
          %broadcast_in_dim3A_368 = vector.broadcast %broadcast_in_dim3A_367 : i32 to vector<16xi32>
          %gather3A_369 = tpu.vector_load_idx %arg15[%add3A_191, %add3A_214, %broadcast_in_dim3A_368] : memref<2x80x64xf32, #tpu.memory_space<vmem>>[vector<16xi32>, vector<16xi32>, vector<16xi32>], vector<16xf32>,
          %mul3A_370 = arith.mulf %gather3A_369, %gather3A_234 : vector<16xf32>
          tpu.vector_store_idx %arg16[%add3A_191, %add3A_214, %broadcast_in_dim3A_368], %mul3A_370 : memref<2x80x64xf32, #tpu.memory_space<vmem>>[vector<16xi32>, vector<16xi32>, vector<16xi32>], vector<16xf32>,
          %broadcast_in_dim3A_371 = arith.constant 34 : i32
          %broadcast_in_dim3A_372 = vector.broadcast %broadcast_in_dim3A_371 : i32 to vector<16xi32>
          %gather3A_373 = tpu.vector_load_idx %arg15[%add3A_191, %add3A_214, %broadcast_in_dim3A_372] : memref<2x80x64xf32, #tpu.memory_space<vmem>>[vector<16xi32>, vector<16xi32>, vector<16xi32>], vector<16xf32>,
          %mul3A_374 = arith.mulf %gather3A_373, %gather3A_234 : vector<16xf32>
          tpu.vector_store_idx %arg16[%add3A_191, %add3A_214, %broadcast_in_dim3A_372], %mul3A_374 : memref<2x80x64xf32, #tpu.memory_space<vmem>>[vector<16xi32>, vector<16xi32>, vector<16xi32>], vector<16xf32>,
          %broadcast_in_dim3A_375 = arith.constant 35 : i32
          %broadcast_in_dim3A_376 = vector.broadcast %broadcast_in_dim3A_375 : i32 to vector<16xi32>
          %gather3A_377 = tpu.vector_load_idx %arg15[%add3A_191, %add3A_214, %broadcast_in_dim3A_376] : memref<2x80x64xf32, #tpu.memory_space<vmem>>[vector<16xi32>, vector<16xi32>, vector<16xi32>], vector<16xf32>,
          %mul3A_378 = arith.mulf %gather3A_377, %gather3A_234 : vector<16xf32>
          tpu.vector_store_idx %arg16[%add3A_191, %add3A_214, %broadcast_in_dim3A_376], %mul3A_378 : memref<2x80x64xf32, #tpu.memory_space<vmem>>[vector<16xi32>, vector<16xi32>, vector<16xi32>], vector<16xf32>,
          %broadcast_in_dim3A_379 = arith.constant 36 : i32
          %broadcast_in_dim3A_380 = vector.broadcast %broadcast_in_dim3A_379 : i32 to vector<16xi32>
          %gather3A_381 = tpu.vector_load_idx %arg15[%add3A_191, %add3A_214, %broadcast_in_dim3A_380] : memref<2x80x64xf32, #tpu.memory_space<vmem>>[vector<16xi32>, vector<16xi32>, vector<16xi32>], vector<16xf32>,
          %mul3A_382 = arith.mulf %gather3A_381, %gather3A_234 : vector<16xf32>
          tpu.vector_store_idx %arg16[%add3A_191, %add3A_214, %broadcast_in_dim3A_380], %mul3A_382 : memref<2x80x64xf32, #tpu.memory_space<vmem>>[vector<16xi32>, vector<16xi32>, vector<16xi32>], vector<16xf32>,
          %broadcast_in_dim3A_383 = arith.constant 37 : i32
          %broadcast_in_dim3A_384 = vector.broadcast %broadcast_in_dim3A_383 : i32 to vector<16xi32>
          %gather3A_385 = tpu.vector_load_idx %arg15[%add3A_191, %add3A_214, %broadcast_in_dim3A_384] : memref<2x80x64xf32, #tpu.memory_space<vmem>>[vector<16xi32>, vector<16xi32>, vector<16xi32>], vector<16xf32>,
          %mul3A_386 = arith.mulf %gather3A_385, %gather3A_234 : vector<16xf32>
          tpu.vector_store_idx %arg16[%add3A_191, %add3A_214, %broadcast_in_dim3A_384], %mul3A_386 : memref<2x80x64xf32, #tpu.memory_space<vmem>>[vector<16xi32>, vector<16xi32>, vector<16xi32>], vector<16xf32>,
          %broadcast_in_dim3A_387 = arith.constant 38 : i32
          %broadcast_in_dim3A_388 = vector.broadcast %broadcast_in_dim3A_387 : i32 to vector<16xi32>
          %gather3A_389 = tpu.vector_load_idx %arg15[%add3A_191, %add3A_214, %broadcast_in_dim3A_388] : memref<2x80x64xf32, #tpu.memory_space<vmem>>[vector<16xi32>, vector<16xi32>, vector<16xi32>], vector<16xf32>,
          %mul3A_390 = arith.mulf %gather3A_389, %gather3A_234 : vector<16xf32>
          tpu.vector_store_idx %arg16[%add3A_191, %add3A_214, %broadcast_in_dim3A_388], %mul3A_390 : memref<2x80x64xf32, #tpu.memory_space<vmem>>[vector<16xi32>, vector<16xi32>, vector<16xi32>], vector<16xf32>,
          %broadcast_in_dim3A_391 = arith.constant 39 : i32
          %broadcast_in_dim3A_392 = vector.broadcast %broadcast_in_dim3A_391 : i32 to vector<16xi32>
          %gather3A_393 = tpu.vector_load_idx %arg15[%add3A_191, %add3A_214, %broadcast_in_dim3A_392] : memref<2x80x64xf32, #tpu.memory_space<vmem>>[vector<16xi32>, vector<16xi32>, vector<16xi32>], vector<16xf32>,
          %mul3A_394 = arith.mulf %gather3A_393, %gather3A_234 : vector<16xf32>
          tpu.vector_store_idx %arg16[%add3A_191, %add3A_214, %broadcast_in_dim3A_392], %mul3A_394 : memref<2x80x64xf32, #tpu.memory_space<vmem>>[vector<16xi32>, vector<16xi32>, vector<16xi32>], vector<16xf32>,
          %broadcast_in_dim3A_395 = arith.constant 40 : i32
          %broadcast_in_dim3A_396 = vector.broadcast %broadcast_in_dim3A_395 : i32 to vector<16xi32>
          %gather3A_397 = tpu.vector_load_idx %arg15[%add3A_191, %add3A_214, %broadcast_in_dim3A_396] : memref<2x80x64xf32, #tpu.memory_space<vmem>>[vector<16xi32>, vector<16xi32>, vector<16xi32>], vector<16xf32>,
          %mul3A_398 = arith.mulf %gather3A_397, %gather3A_234 : vector<16xf32>
          tpu.vector_store_idx %arg16[%add3A_191, %add3A_214, %broadcast_in_dim3A_396], %mul3A_398 : memref<2x80x64xf32, #tpu.memory_space<vmem>>[vector<16xi32>, vector<16xi32>, vector<16xi32>], vector<16xf32>,
          %broadcast_in_dim3A_399 = arith.constant 41 : i32
          %broadcast_in_dim3A_400 = vector.broadcast %broadcast_in_dim3A_399 : i32 to vector<16xi32>
          %gather3A_401 = tpu.vector_load_idx %arg15[%add3A_191, %add3A_214, %broadcast_in_dim3A_400] : memref<2x80x64xf32, #tpu.memory_space<vmem>>[vector<16xi32>, vector<16xi32>, vector<16xi32>], vector<16xf32>,
          %mul3A_402 = arith.mulf %gather3A_401, %gather3A_234 : vector<16xf32>
          tpu.vector_store_idx %arg16[%add3A_191, %add3A_214, %broadcast_in_dim3A_400], %mul3A_402 : memref<2x80x64xf32, #tpu.memory_space<vmem>>[vector<16xi32>, vector<16xi32>, vector<16xi32>], vector<16xf32>,
          %broadcast_in_dim3A_403 = arith.constant 42 : i32
          %broadcast_in_dim3A_404 = vector.broadcast %broadcast_in_dim3A_403 : i32 to vector<16xi32>
          %gather3A_405 = tpu.vector_load_idx %arg15[%add3A_191, %add3A_214, %broadcast_in_dim3A_404] : memref<2x80x64xf32, #tpu.memory_space<vmem>>[vector<16xi32>, vector<16xi32>, vector<16xi32>], vector<16xf32>,
          %mul3A_406 = arith.mulf %gather3A_405, %gather3A_234 : vector<16xf32>
          tpu.vector_store_idx %arg16[%add3A_191, %add3A_214, %broadcast_in_dim3A_404], %mul3A_406 : memref<2x80x64xf32, #tpu.memory_space<vmem>>[vector<16xi32>, vector<16xi32>, vector<16xi32>], vector<16xf32>,
          %broadcast_in_dim3A_407 = arith.constant 43 : i32
          %broadcast_in_dim3A_408 = vector.broadcast %broadcast_in_dim3A_407 : i32 to vector<16xi32>
          %gather3A_409 = tpu.vector_load_idx %arg15[%add3A_191, %add3A_214, %broadcast_in_dim3A_408] : memref<2x80x64xf32, #tpu.memory_space<vmem>>[vector<16xi32>, vector<16xi32>, vector<16xi32>], vector<16xf32>,
          %mul3A_410 = arith.mulf %gather3A_409, %gather3A_234 : vector<16xf32>
          tpu.vector_store_idx %arg16[%add3A_191, %add3A_214, %broadcast_in_dim3A_408], %mul3A_410 : memref<2x80x64xf32, #tpu.memory_space<vmem>>[vector<16xi32>, vector<16xi32>, vector<16xi32>], vector<16xf32>,
          %broadcast_in_dim3A_411 = arith.constant 44 : i32
          %broadcast_in_dim3A_412 = vector.broadcast %broadcast_in_dim3A_411 : i32 to vector<16xi32>
          %gather3A_413 = tpu.vector_load_idx %arg15[%add3A_191, %add3A_214, %broadcast_in_dim3A_412] : memref<2x80x64xf32, #tpu.memory_space<vmem>>[vector<16xi32>, vector<16xi32>, vector<16xi32>], vector<16xf32>,
          %mul3A_414 = arith.mulf %gather3A_413, %gather3A_234 : vector<16xf32>
          tpu.vector_store_idx %arg16[%add3A_191, %add3A_214, %broadcast_in_dim3A_412], %mul3A_414 : memref<2x80x64xf32, #tpu.memory_space<vmem>>[vector<16xi32>, vector<16xi32>, vector<16xi32>], vector<16xf32>,
          %broadcast_in_dim3A_415 = arith.constant 45 : i32
          %broadcast_in_dim3A_416 = vector.broadcast %broadcast_in_dim3A_415 : i32 to vector<16xi32>
          %gather3A_417 = tpu.vector_load_idx %arg15[%add3A_191, %add3A_214, %broadcast_in_dim3A_416] : memref<2x80x64xf32, #tpu.memory_space<vmem>>[vector<16xi32>, vector<16xi32>, vector<16xi32>], vector<16xf32>,
          %mul3A_418 = arith.mulf %gather3A_417, %gather3A_234 : vector<16xf32>
          tpu.vector_store_idx %arg16[%add3A_191, %add3A_214, %broadcast_in_dim3A_416], %mul3A_418 : memref<2x80x64xf32, #tpu.memory_space<vmem>>[vector<16xi32>, vector<16xi32>, vector<16xi32>], vector<16xf32>,
          %broadcast_in_dim3A_419 = arith.constant 46 : i32
          %broadcast_in_dim3A_420 = vector.broadcast %broadcast_in_dim3A_419 : i32 to vector<16xi32>
          %gather3A_421 = tpu.vector_load_idx %arg15[%add3A_191, %add3A_214, %broadcast_in_dim3A_420] : memref<2x80x64xf32, #tpu.memory_space<vmem>>[vector<16xi32>, vector<16xi32>, vector<16xi32>], vector<16xf32>,
          %mul3A_422 = arith.mulf %gather3A_421, %gather3A_234 : vector<16xf32>
          tpu.vector_store_idx %arg16[%add3A_191, %add3A_214, %broadcast_in_dim3A_420], %mul3A_422 : memref<2x80x64xf32, #tpu.memory_space<vmem>>[vector<16xi32>, vector<16xi32>, vector<16xi32>], vector<16xf32>,
          %broadcast_in_dim3A_423 = arith.constant 47 : i32
          %broadcast_in_dim3A_424 = vector.broadcast %broadcast_in_dim3A_423 : i32 to vector<16xi32>
          %gather3A_425 = tpu.vector_load_idx %arg15[%add3A_191, %add3A_214, %broadcast_in_dim3A_424] : memref<2x80x64xf32, #tpu.memory_space<vmem>>[vector<16xi32>, vector<16xi32>, vector<16xi32>], vector<16xf32>,
          %mul3A_426 = arith.mulf %gather3A_425, %gather3A_234 : vector<16xf32>
          tpu.vector_store_idx %arg16[%add3A_191, %add3A_214, %broadcast_in_dim3A_424], %mul3A_426 : memref<2x80x64xf32, #tpu.memory_space<vmem>>[vector<16xi32>, vector<16xi32>, vector<16xi32>], vector<16xf32>,
          %broadcast_in_dim3A_427 = arith.constant 48 : i32
          %broadcast_in_dim3A_428 = vector.broadcast %broadcast_in_dim3A_427 : i32 to vector<16xi32>
          %gather3A_429 = tpu.vector_load_idx %arg15[%add3A_191, %add3A_214, %broadcast_in_dim3A_428] : memref<2x80x64xf32, #tpu.memory_space<vmem>>[vector<16xi32>, vector<16xi32>, vector<16xi32>], vector<16xf32>,
          %mul3A_430 = arith.mulf %gather3A_429, %gather3A_234 : vector<16xf32>
          tpu.vector_store_idx %arg16[%add3A_191, %add3A_214, %broadcast_in_dim3A_428], %mul3A_430 : memref<2x80x64xf32, #tpu.memory_space<vmem>>[vector<16xi32>, vector<16xi32>, vector<16xi32>], vector<16xf32>,
          %broadcast_in_dim3A_431 = arith.constant 49 : i32
          %broadcast_in_dim3A_432 = vector.broadcast %broadcast_in_dim3A_431 : i32 to vector<16xi32>
          %gather3A_433 = tpu.vector_load_idx %arg15[%add3A_191, %add3A_214, %broadcast_in_dim3A_432] : memref<2x80x64xf32, #tpu.memory_space<vmem>>[vector<16xi32>, vector<16xi32>, vector<16xi32>], vector<16xf32>,
          %mul3A_434 = arith.mulf %gather3A_433, %gather3A_234 : vector<16xf32>
          tpu.vector_store_idx %arg16[%add3A_191, %add3A_214, %broadcast_in_dim3A_432], %mul3A_434 : memref<2x80x64xf32, #tpu.memory_space<vmem>>[vector<16xi32>, vector<16xi32>, vector<16xi32>], vector<16xf32>,
          %broadcast_in_dim3A_435 = arith.constant 50 : i32
          %broadcast_in_dim3A_436 = vector.broadcast %broadcast_in_dim3A_435 : i32 to vector<16xi32>
          %gather3A_437 = tpu.vector_load_idx %arg15[%add3A_191, %add3A_214, %broadcast_in_dim3A_436] : memref<2x80x64xf32, #tpu.memory_space<vmem>>[vector<16xi32>, vector<16xi32>, vector<16xi32>], vector<16xf32>,
          %mul3A_438 = arith.mulf %gather3A_437, %gather3A_234 : vector<16xf32>
          tpu.vector_store_idx %arg16[%add3A_191, %add3A_214, %broadcast_in_dim3A_436], %mul3A_438 : memref<2x80x64xf32, #tpu.memory_space<vmem>>[vector<16xi32>, vector<16xi32>, vector<16xi32>], vector<16xf32>,
          %broadcast_in_dim3A_439 = arith.constant 51 : i32
          %broadcast_in_dim3A_440 = vector.broadcast %broadcast_in_dim3A_439 : i32 to vector<16xi32>
          %gather3A_441 = tpu.vector_load_idx %arg15[%add3A_191, %add3A_214, %broadcast_in_dim3A_440] : memref<2x80x64xf32, #tpu.memory_space<vmem>>[vector<16xi32>, vector<16xi32>, vector<16xi32>], vector<16xf32>,
          %mul3A_442 = arith.mulf %gather3A_441, %gather3A_234 : vector<16xf32>
          tpu.vector_store_idx %arg16[%add3A_191, %add3A_214, %broadcast_in_dim3A_440], %mul3A_442 : memref<2x80x64xf32, #tpu.memory_space<vmem>>[vector<16xi32>, vector<16xi32>, vector<16xi32>], vector<16xf32>,
          %broadcast_in_dim3A_443 = arith.constant 52 : i32
          %broadcast_in_dim3A_444 = vector.broadcast %broadcast_in_dim3A_443 : i32 to vector<16xi32>
          %gather3A_445 = tpu.vector_load_idx %arg15[%add3A_191, %add3A_214, %broadcast_in_dim3A_444] : memref<2x80x64xf32, #tpu.memory_space<vmem>>[vector<16xi32>, vector<16xi32>, vector<16xi32>], vector<16xf32>,
          %mul3A_446 = arith.mulf %gather3A_445, %gather3A_234 : vector<16xf32>
          tpu.vector_store_idx %arg16[%add3A_191, %add3A_214, %broadcast_in_dim3A_444], %mul3A_446 : memref<2x80x64xf32, #tpu.memory_space<vmem>>[vector<16xi32>, vector<16xi32>, vector<16xi32>], vector<16xf32>,
          %broadcast_in_dim3A_447 = arith.constant 53 : i32
          %broadcast_in_dim3A_448 = vector.broadcast %broadcast_in_dim3A_447 : i32 to vector<16xi32>
          %gather3A_449 = tpu.vector_load_idx %arg15[%add3A_191, %add3A_214, %broadcast_in_dim3A_448] : memref<2x80x64xf32, #tpu.memory_space<vmem>>[vector<16xi32>, vector<16xi32>, vector<16xi32>], vector<16xf32>,
          %mul3A_450 = arith.mulf %gather3A_449, %gather3A_234 : vector<16xf32>
          tpu.vector_store_idx %arg16[%add3A_191, %add3A_214, %broadcast_in_dim3A_448], %mul3A_450 : memref<2x80x64xf32, #tpu.memory_space<vmem>>[vector<16xi32>, vector<16xi32>, vector<16xi32>], vector<16xf32>,
          %broadcast_in_dim3A_451 = arith.constant 54 : i32
          %broadcast_in_dim3A_452 = vector.broadcast %broadcast_in_dim3A_451 : i32 to vector<16xi32>
          %gather3A_453 = tpu.vector_load_idx %arg15[%add3A_191, %add3A_214, %broadcast_in_dim3A_452] : memref<2x80x64xf32, #tpu.memory_space<vmem>>[vector<16xi32>, vector<16xi32>, vector<16xi32>], vector<16xf32>,
          %mul3A_454 = arith.mulf %gather3A_453, %gather3A_234 : vector<16xf32>
          tpu.vector_store_idx %arg16[%add3A_191, %add3A_214, %broadcast_in_dim3A_452], %mul3A_454 : memref<2x80x64xf32, #tpu.memory_space<vmem>>[vector<16xi32>, vector<16xi32>, vector<16xi32>], vector<16xf32>,
          %broadcast_in_dim3A_455 = arith.constant 55 : i32
          %broadcast_in_dim3A_456 = vector.broadcast %broadcast_in_dim3A_455 : i32 to vector<16xi32>
          %gather3A_457 = tpu.vector_load_idx %arg15[%add3A_191, %add3A_214, %broadcast_in_dim3A_456] : memref<2x80x64xf32, #tpu.memory_space<vmem>>[vector<16xi32>, vector<16xi32>, vector<16xi32>], vector<16xf32>,
          %mul3A_458 = arith.mulf %gather3A_457, %gather3A_234 : vector<16xf32>
          tpu.vector_store_idx %arg16[%add3A_191, %add3A_214, %broadcast_in_dim3A_456], %mul3A_458 : memref<2x80x64xf32, #tpu.memory_space<vmem>>[vector<16xi32>, vector<16xi32>, vector<16xi32>], vector<16xf32>,
          %broadcast_in_dim3A_459 = arith.constant 56 : i32
          %broadcast_in_dim3A_460 = vector.broadcast %broadcast_in_dim3A_459 : i32 to vector<16xi32>
          %gather3A_461 = tpu.vector_load_idx %arg15[%add3A_191, %add3A_214, %broadcast_in_dim3A_460] : memref<2x80x64xf32, #tpu.memory_space<vmem>>[vector<16xi32>, vector<16xi32>, vector<16xi32>], vector<16xf32>,
          %mul3A_462 = arith.mulf %gather3A_461, %gather3A_234 : vector<16xf32>
          tpu.vector_store_idx %arg16[%add3A_191, %add3A_214, %broadcast_in_dim3A_460], %mul3A_462 : memref<2x80x64xf32, #tpu.memory_space<vmem>>[vector<16xi32>, vector<16xi32>, vector<16xi32>], vector<16xf32>,
          %broadcast_in_dim3A_463 = arith.constant 57 : i32
          %broadcast_in_dim3A_464 = vector.broadcast %broadcast_in_dim3A_463 : i32 to vector<16xi32>
          %gather3A_465 = tpu.vector_load_idx %arg15[%add3A_191, %add3A_214, %broadcast_in_dim3A_464] : memref<2x80x64xf32, #tpu.memory_space<vmem>>[vector<16xi32>, vector<16xi32>, vector<16xi32>], vector<16xf32>,
          %mul3A_466 = arith.mulf %gather3A_465, %gather3A_234 : vector<16xf32>
          tpu.vector_store_idx %arg16[%add3A_191, %add3A_214, %broadcast_in_dim3A_464], %mul3A_466 : memref<2x80x64xf32, #tpu.memory_space<vmem>>[vector<16xi32>, vector<16xi32>, vector<16xi32>], vector<16xf32>,
          %broadcast_in_dim3A_467 = arith.constant 58 : i32
          %broadcast_in_dim3A_468 = vector.broadcast %broadcast_in_dim3A_467 : i32 to vector<16xi32>
          %gather3A_469 = tpu.vector_load_idx %arg15[%add3A_191, %add3A_214, %broadcast_in_dim3A_468] : memref<2x80x64xf32, #tpu.memory_space<vmem>>[vector<16xi32>, vector<16xi32>, vector<16xi32>], vector<16xf32>,
          %mul3A_470 = arith.mulf %gather3A_469, %gather3A_234 : vector<16xf32>
          tpu.vector_store_idx %arg16[%add3A_191, %add3A_214, %broadcast_in_dim3A_468], %mul3A_470 : memref<2x80x64xf32, #tpu.memory_space<vmem>>[vector<16xi32>, vector<16xi32>, vector<16xi32>], vector<16xf32>,
          %broadcast_in_dim3A_471 = arith.constant 59 : i32
          %broadcast_in_dim3A_472 = vector.broadcast %broadcast_in_dim3A_471 : i32 to vector<16xi32>
          %gather3A_473 = tpu.vector_load_idx %arg15[%add3A_191, %add3A_214, %broadcast_in_dim3A_472] : memref<2x80x64xf32, #tpu.memory_space<vmem>>[vector<16xi32>, vector<16xi32>, vector<16xi32>], vector<16xf32>,
          %mul3A_474 = arith.mulf %gather3A_473, %gather3A_234 : vector<16xf32>
          tpu.vector_store_idx %arg16[%add3A_191, %add3A_214, %broadcast_in_dim3A_472], %mul3A_474 : memref<2x80x64xf32, #tpu.memory_space<vmem>>[vector<16xi32>, vector<16xi32>, vector<16xi32>], vector<16xf32>,
          %broadcast_in_dim3A_475 = arith.constant 60 : i32
          %broadcast_in_dim3A_476 = vector.broadcast %broadcast_in_dim3A_475 : i32 to vector<16xi32>
          %gather3A_477 = tpu.vector_load_idx %arg15[%add3A_191, %add3A_214, %broadcast_in_dim3A_476] : memref<2x80x64xf32, #tpu.memory_space<vmem>>[vector<16xi32>, vector<16xi32>, vector<16xi32>], vector<16xf32>,
          %mul3A_478 = arith.mulf %gather3A_477, %gather3A_234 : vector<16xf32>
          tpu.vector_store_idx %arg16[%add3A_191, %add3A_214, %broadcast_in_dim3A_476], %mul3A_478 : memref<2x80x64xf32, #tpu.memory_space<vmem>>[vector<16xi32>, vector<16xi32>, vector<16xi32>], vector<16xf32>,
          %broadcast_in_dim3A_479 = arith.constant 61 : i32
          %broadcast_in_dim3A_480 = vector.broadcast %broadcast_in_dim3A_479 : i32 to vector<16xi32>
          %gather3A_481 = tpu.vector_load_idx %arg15[%add3A_191, %add3A_214, %broadcast_in_dim3A_480] : memref<2x80x64xf32, #tpu.memory_space<vmem>>[vector<16xi32>, vector<16xi32>, vector<16xi32>], vector<16xf32>,
          %mul3A_482 = arith.mulf %gather3A_481, %gather3A_234 : vector<16xf32>
          tpu.vector_store_idx %arg16[%add3A_191, %add3A_214, %broadcast_in_dim3A_480], %mul3A_482 : memref<2x80x64xf32, #tpu.memory_space<vmem>>[vector<16xi32>, vector<16xi32>, vector<16xi32>], vector<16xf32>,
          %broadcast_in_dim3A_483 = arith.constant 62 : i32
          %broadcast_in_dim3A_484 = vector.broadcast %broadcast_in_dim3A_483 : i32 to vector<16xi32>
          %gather3A_485 = tpu.vector_load_idx %arg15[%add3A_191, %add3A_214, %broadcast_in_dim3A_484] : memref<2x80x64xf32, #tpu.memory_space<vmem>>[vector<16xi32>, vector<16xi32>, vector<16xi32>], vector<16xf32>,
          %mul3A_486 = arith.mulf %gather3A_485, %gather3A_234 : vector<16xf32>
          tpu.vector_store_idx %arg16[%add3A_191, %add3A_214, %broadcast_in_dim3A_484], %mul3A_486 : memref<2x80x64xf32, #tpu.memory_space<vmem>>[vector<16xi32>, vector<16xi32>, vector<16xi32>], vector<16xf32>,
          %broadcast_in_dim3A_487 = arith.constant 63 : i32
          %broadcast_in_dim3A_488 = vector.broadcast %broadcast_in_dim3A_487 : i32 to vector<16xi32>
          %gather3A_489 = tpu.vector_load_idx %arg15[%add3A_191, %add3A_214, %broadcast_in_dim3A_488] : memref<2x80x64xf32, #tpu.memory_space<vmem>>[vector<16xi32>, vector<16xi32>, vector<16xi32>], vector<16xf32>,
          %mul3A_490 = arith.mulf %gather3A_489, %gather3A_234 : vector<16xf32>
          tpu.vector_store_idx %arg16[%add3A_191, %add3A_214, %broadcast_in_dim3A_488], %mul3A_490 : memref<2x80x64xf32, #tpu.memory_space<vmem>>[vector<16xi32>, vector<16xi32>, vector<16xi32>], vector<16xf32>,
        }
        %scan3A_197 = arith.constant 5 : i32
        %dma_start3A_198 = arith.constant 0 : i32
        %dma_start3A_199 = arith.constant 0 : i32
        %dma_start3A_200 = tpu.memref_slice %arg16[%select_n3A_162, %dma_start3A_198, %dma_start3A_199] : memref<2x80x64xf32, #tpu.memory_space<vmem>> -> memref<1x80x64xf32, #tpu.memory_space<vmem>>
        %dma_start3A_201 = tpu.memref_squeeze %dma_start3A_200 : memref<1x80x64xf32, #tpu.memory_space<vmem>> -> memref<80x64xf32, #tpu.memory_space<vmem>>
        %dma_start3A_202 = arith.constant 0 : i32
        %dma_start3A_203 = tpu.memref_slice %arg11[%scan3A_146, %dma_start3A_202] : memref<25x80xi32, #tpu.memory_space<vmem>> -> memref<1x80xi32, #tpu.memory_space<vmem>>
        %dma_start3A_204 = tpu.memref_squeeze %dma_start3A_203 : memref<1x80xi32, #tpu.memory_space<vmem>> -> memref<80xi32, #tpu.memory_space<vmem>>
        %dma_start3A_205 = arith.constant 0 : i32
        %dma_start3A_206 = arith.constant 0 : i32
        %dma_start3A_207 = tpu.memref_slice %arg17[%dma_start3A_205, %dma_start3A_206] : memref<10000x64xf32, #tpu.memory_space<vmem_shared>> -> memref<10000x64xf32, #tpu.memory_space<vmem_shared>>
        %dma_start3A_208 = tpu.memref_slice %arg21[%select_n3A_162] : memref<2x!tpu.dma_semaphore, #tpu.memory_space<semaphore_mem>> -> memref<1x!tpu.dma_semaphore, #tpu.memory_space<semaphore_mem>>
        %dma_start3A_209 = tpu.memref_squeeze %dma_start3A_208 : memref<1x!tpu.dma_semaphore, #tpu.memory_space<semaphore_mem>> -> memref<!tpu.dma_semaphore, #tpu.memory_space<semaphore_mem>>
        tpu.enqueue_indirect_dma source(%dma_start3A_201 : memref<80x64xf32, #tpu.memory_space<vmem>>) target(%dma_start3A_207 : memref<10000x64xf32, #tpu.memory_space<vmem_shared>>) offsets(%dma_start3A_204 : memref<80xi32, #tpu.memory_space<vmem>>) semaphore(%dma_start3A_209 : memref<!tpu.dma_semaphore, #tpu.memory_space<semaphore_mem>>) {add = true}
      }
      %scan3A_116 = arith.constant 25 : i32
      %dma_wait3A = arith.constant 1 : i32
      %dma_wait3A_117 = arith.constant 23 : i32
      %dma_wait3A_118 = arith.constant 1 : i32
      %dma_wait3A_119 = arith.constant 0 : i32
      %dma_wait3A_120 = arith.constant 0 : i32
      %dma_wait3A_121 = tpu.memref_slice %arg16[%dma_wait3A, %dma_wait3A_119, %dma_wait3A_120] : memref<2x80x64xf32, #tpu.memory_space<vmem>> -> memref<1x80x64xf32, #tpu.memory_space<vmem>>
      %dma_wait3A_122 = tpu.memref_squeeze %dma_wait3A_121 : memref<1x80x64xf32, #tpu.memory_space<vmem>> -> memref<80x64xf32, #tpu.memory_space<vmem>>
      %dma_wait3A_123 = arith.constant 0 : i32
      %dma_wait3A_124 = tpu.memref_slice %arg11[%dma_wait3A_117, %dma_wait3A_123] : memref<25x80xi32, #tpu.memory_space<vmem>> -> memref<1x80xi32, #tpu.memory_space<vmem>>
      %dma_wait3A_125 = tpu.memref_squeeze %dma_wait3A_124 : memref<1x80xi32, #tpu.memory_space<vmem>> -> memref<80xi32, #tpu.memory_space<vmem>>
      %dma_wait3A_126 = arith.constant 0 : i32
      %dma_wait3A_127 = arith.constant 0 : i32
      %dma_wait3A_128 = tpu.memref_slice %arg17[%dma_wait3A_126, %dma_wait3A_127] : memref<10000x64xf32, #tpu.memory_space<vmem_shared>> -> memref<10000x64xf32, #tpu.memory_space<vmem_shared>>
      %dma_wait3A_129 = tpu.memref_slice %arg21[%dma_wait3A_118] : memref<2x!tpu.dma_semaphore, #tpu.memory_space<semaphore_mem>> -> memref<1x!tpu.dma_semaphore, #tpu.memory_space<semaphore_mem>>
      %dma_wait3A_130 = tpu.memref_squeeze %dma_wait3A_129 : memref<1x!tpu.dma_semaphore, #tpu.memory_space<semaphore_mem>> -> memref<!tpu.dma_semaphore, #tpu.memory_space<semaphore_mem>>
      tpu.wait_indirect_dma semaphore(%dma_wait3A_130 : memref<!tpu.dma_semaphore, #tpu.memory_space<semaphore_mem>>) src(%dma_wait3A_122 : memref<80x64xf32, #tpu.memory_space<vmem>>) dst(%dma_wait3A_128 : memref<10000x64xf32, #tpu.memory_space<vmem_shared>>)
      %dma_wait3A_131 = arith.constant 0 : i32
      %dma_wait3A_132 = arith.constant 24 : i32
      %dma_wait3A_133 = arith.constant 0 : i32
      %dma_wait3A_134 = arith.constant 0 : i32
      %dma_wait3A_135 = arith.constant 0 : i32
      %dma_wait3A_136 = tpu.memref_slice %arg16[%dma_wait3A_131, %dma_wait3A_134, %dma_wait3A_135] : memref<2x80x64xf32, #tpu.memory_space<vmem>> -> memref<1x80x64xf32, #tpu.memory_space<vmem>>
      %dma_wait3A_137 = tpu.memref_squeeze %dma_wait3A_136 : memref<1x80x64xf32, #tpu.memory_space<vmem>> -> memref<80x64xf32, #tpu.memory_space<vmem>>
      %dma_wait3A_138 = arith.constant 0 : i32
      %dma_wait3A_139 = tpu.memref_slice %arg11[%dma_wait3A_132, %dma_wait3A_138] : memref<25x80xi32, #tpu.memory_space<vmem>> -> memref<1x80xi32, #tpu.memory_space<vmem>>
      %dma_wait3A_140 = tpu.memref_squeeze %dma_wait3A_139 : memref<1x80xi32, #tpu.memory_space<vmem>> -> memref<80xi32, #tpu.memory_space<vmem>>
      %dma_wait3A_141 = arith.constant 0 : i32
      %dma_wait3A_142 = arith.constant 0 : i32
      %dma_wait3A_143 = tpu.memref_slice %arg17[%dma_wait3A_141, %dma_wait3A_142] : memref<10000x64xf32, #tpu.memory_space<vmem_shared>> -> memref<10000x64xf32, #tpu.memory_space<vmem_shared>>
      %dma_wait3A_144 = tpu.memref_slice %arg21[%dma_wait3A_133] : memref<2x!tpu.dma_semaphore, #tpu.memory_space<semaphore_mem>> -> memref<1x!tpu.dma_semaphore, #tpu.memory_space<semaphore_mem>>
      %dma_wait3A_145 = tpu.memref_squeeze %dma_wait3A_144 : memref<1x!tpu.dma_semaphore, #tpu.memory_space<semaphore_mem>> -> memref<!tpu.dma_semaphore, #tpu.memory_space<semaphore_mem>>
      tpu.wait_indirect_dma semaphore(%dma_wait3A_145 : memref<!tpu.dma_semaphore, #tpu.memory_space<semaphore_mem>>) src(%dma_wait3A_137 : memref<80x64xf32, #tpu.memory_space<vmem>>) dst(%dma_wait3A_143 : memref<10000x64xf32, #tpu.memory_space<vmem_shared>>)
    }
    %scan3A_55 = arith.constant 10 : i32
    %barrier3A_56 = arith.constant 0 : index
    tpu.barrier barrier_id(%barrier3A_56)
    "tpu.region"() ({
      %run_scoped3A = tpu.sem_alloc : memref<!tpu.dma_semaphore, #tpu.memory_space<semaphore_mem>>
      %dma_start3A = arith.constant 0 : i32
      %dma_start3A_57 = tpu.memref_slice %arg8[%arg0, %mul3A_0, %dma_start3A] : memref<2x10000x64xf32, #tpu.memory_space<hbm>> -> memref<1x625x64xf32, #tpu.memory_space<hbm>>
      %dma_start3A_58 = tpu.memref_squeeze %dma_start3A_57 : memref<1x625x64xf32, #tpu.memory_space<hbm>> -> memref<625x64xf32, #tpu.memory_space<hbm>>
      %dma_start3A_59 = arith.constant 0 : i32
      %dma_start3A_60 = tpu.memref_slice %arg17[%mul3A_0, %dma_start3A_59] : memref<10000x64xf32, #tpu.memory_space<vmem_shared>> -> memref<625x64xf32, #tpu.memory_space<vmem_shared>>
      tpu.enqueue_dma source(%dma_start3A_60 : memref<625x64xf32, #tpu.memory_space<vmem_shared>>) target(%dma_start3A_58 : memref<625x64xf32, #tpu.memory_space<hbm>>) target_semaphore(%run_scoped3A : memref<!tpu.dma_semaphore, #tpu.memory_space<semaphore_mem>>)
      %dma_wait3A = arith.constant 0 : i32
      %dma_wait3A_61 = tpu.memref_slice %arg8[%arg0, %mul3A_0, %dma_wait3A] : memref<2x10000x64xf32, #tpu.memory_space<hbm>> -> memref<1x625x64xf32, #tpu.memory_space<hbm>>
      %dma_wait3A_62 = tpu.memref_squeeze %dma_wait3A_61 : memref<1x625x64xf32, #tpu.memory_space<hbm>> -> memref<625x64xf32, #tpu.memory_space<hbm>>
      %dma_wait3A_63 = arith.constant 0 : i32
      %dma_wait3A_64 = tpu.memref_slice %arg17[%mul3A_0, %dma_wait3A_63] : memref<10000x64xf32, #tpu.memory_space<vmem_shared>> -> memref<625x64xf32, #tpu.memory_space<vmem_shared>>
      tpu.wait_dma2 semaphore(%run_scoped3A : memref<!tpu.dma_semaphore, #tpu.memory_space<semaphore_mem>>) src(%dma_wait3A_64 : memref<625x64xf32, #tpu.memory_space<vmem_shared>>) dst(%dma_wait3A_62 : memref<625x64xf32, #tpu.memory_space<hbm>>)
      tpu.yield
    }) : () -> ()
    "tpu.region"() ({
      %run_scoped3A = tpu.sem_alloc : memref<!tpu.dma_semaphore, #tpu.memory_space<semaphore_mem>>
      %dma_start3A = arith.constant 0 : i32
      %dma_start3A_57 = tpu.memref_slice %arg9[%arg0, %mul3A_0, %dma_start3A] : memref<2x10000x8xf32, #tpu.memory_space<hbm>> -> memref<1x625x8xf32, #tpu.memory_space<hbm>>
      %dma_start3A_58 = tpu.memref_squeeze %dma_start3A_57 : memref<1x625x8xf32, #tpu.memory_space<hbm>> -> memref<625x8xf32, #tpu.memory_space<hbm>>
      %dma_start3A_59 = arith.constant 0 : i32
      %dma_start3A_60 = tpu.memref_slice %arg18[%mul3A_0, %dma_start3A_59] : memref<10000x8xf32, #tpu.memory_space<vmem_shared>> -> memref<625x8xf32, #tpu.memory_space<vmem_shared>>
      tpu.enqueue_dma source(%dma_start3A_60 : memref<625x8xf32, #tpu.memory_space<vmem_shared>>) target(%dma_start3A_58 : memref<625x8xf32, #tpu.memory_space<hbm>>) target_semaphore(%run_scoped3A : memref<!tpu.dma_semaphore, #tpu.memory_space<semaphore_mem>>)
      %dma_wait3A = arith.constant 0 : i32
      %dma_wait3A_61 = tpu.memref_slice %arg9[%arg0, %mul3A_0, %dma_wait3A] : memref<2x10000x8xf32, #tpu.memory_space<hbm>> -> memref<1x625x8xf32, #tpu.memory_space<hbm>>
      %dma_wait3A_62 = tpu.memref_squeeze %dma_wait3A_61 : memref<1x625x8xf32, #tpu.memory_space<hbm>> -> memref<625x8xf32, #tpu.memory_space<hbm>>
      %dma_wait3A_63 = arith.constant 0 : i32
      %dma_wait3A_64 = tpu.memref_slice %arg18[%mul3A_0, %dma_wait3A_63] : memref<10000x8xf32, #tpu.memory_space<vmem_shared>> -> memref<625x8xf32, #tpu.memory_space<vmem_shared>>
      tpu.wait_dma2 semaphore(%run_scoped3A : memref<!tpu.dma_semaphore, #tpu.memory_space<semaphore_mem>>) src(%dma_wait3A_64 : memref<625x8xf32, #tpu.memory_space<vmem_shared>>) dst(%dma_wait3A_62 : memref<625x8xf32, #tpu.memory_space<hbm>>)
      tpu.yield
    }) : () -> ()
    return
  }
}

#map = affine_map<(d0, d1) -> (0, 0, 0)>
#map1 = affine_map<(d0, d1) -> (0, 0)>
module attributes {stable_mosaic.version = 14 : i64} {
  func.func @k(%arg0: i32, %arg1: i32, %arg2: memref<2x10000x64xf32, #tpu.memory_space<hbm>>, %arg3: memref<10000x8xf32, #tpu.memory_space<hbm>>, %arg4: memref<4000x80xi32, #tpu.memory_space<hbm>>, %arg5: memref<4000x80xi32, #tpu.memory_space<hbm>>, %arg6: memref<625x64xf32, #tpu.memory_space<hbm>>, %arg7: memref<625x8xf32, #tpu.memory_space<hbm>>, %arg8: memref<2x10000x64xf32, #tpu.memory_space<hbm>>, %arg9: memref<2x10000x8xf32, #tpu.memory_space<hbm>>, %arg10: memref<25x80xi32, #tpu.memory_space<vmem>>, %arg11: memref<25x80xi32, #tpu.memory_space<vmem>>, %arg12: memref<2000x8xf32, #tpu.memory_space<vmem>>, %arg13: memref<2000x8xf32, #tpu.memory_space<vmem>>, %arg14: memref<2000x8xf32, #tpu.memory_space<vmem>>, %arg15: memref<2x80x64xf32, #tpu.memory_space<vmem>>, %arg16: memref<2x80x64xf32, #tpu.memory_space<vmem>>, %arg17: memref<10000x64xf32, #tpu.memory_space<vmem_shared>>, %arg18: memref<10000x8xf32, #tpu.memory_space<vmem_shared>>, %arg19: memref<!tpu.dma_semaphore, #tpu.memory_space<semaphore_mem>>, %arg20: memref<2x!tpu.dma_semaphore, #tpu.memory_space<semaphore_mem>>, %arg21: memref<2x!tpu.dma_semaphore, #tpu.memory_space<semaphore_mem>>) attributes {dimension_semantics = [#tpu.dimension_semantics<core_parallel>, #tpu.dimension_semantics<subcore_parallel>], iteration_bounds = array<i64: 2, 16>, scalar_prefetch = 0 : i64, scratch_operands = 12 : i64, tpu.core_type = #tpu.core_type<sc_vector_subcore>, window_params = [{transform_indices = #map}, {transform_indices = #map1}, {transform_indices = #map1}, {transform_indices = #map1}, {transform_indices = #map1}, {transform_indices = #map1}, {transform_indices = #map}, {transform_indices = #map}]} {
    %mul3A = arith.constant 625 : i32
    %mul3A_0 = arith.muli %arg1, %mul3A : i32
    %broadcast_in_dim3A = arith.constant 0.000000e+00 : f32
    %broadcast_in_dim3A_1 = vector.broadcast %broadcast_in_dim3A : f32 to vector<16xf32>
    %iota3A = tpu.iota {dimensions = array<i32: 0>} : vector<16xi32>
    %jit3A = arith.constant 8 : i32
    %eq3A = arith.constant 0 : i32
    %eq3A_2 = arith.cmpi eq, %jit3A, %eq3A : i32
    %jit3A_3 = arith.constant 1 : i32
    %select_n3A = arith.select %eq3A_2, %jit3A_3, %jit3A : i32
    %rem3A = vector.broadcast %select_n3A : i32 to vector<16xi32>
    %rem3A_4 = arith.remsi %iota3A, %rem3A : vector<16xi32>
    %ne3A = arith.constant 0 : i32
    %ne3A_5 = vector.broadcast %ne3A : i32 to vector<16xi32>
    %ne3A_6 = arith.cmpi ne, %rem3A_4, %ne3A_5 : vector<16xi32>
    %lt3A = arith.constant 0 : i32
    %lt3A_7 = vector.broadcast %lt3A : i32 to vector<16xi32>
    %lt3A_8 = arith.cmpi slt, %rem3A_4, %lt3A_7 : vector<16xi32>
    %lt3A_9 = arith.constant 0 : i32
    %lt3A_10 = arith.cmpi slt, %select_n3A, %lt3A_9 : i32
    %ne3A_11 = vector.broadcast %lt3A_10 : i1 to vector<16xi1>
    %ne3A_12 = vector.broadcast %ne3A_11 : vector<16xi1> to vector<16xi1>
    %ne3A_13 = arith.xori %lt3A_8, %ne3A_12 : vector<16xi1>
    %and3A = arith.andi %ne3A_13, %ne3A_6 : vector<16xi1>
    %add3A = vector.broadcast %select_n3A : i32 to vector<16xi32>
    %add3A_14 = arith.addi %rem3A_4, %add3A : vector<16xi32>
    %select_n3A_15 = arith.select %and3A, %add3A_14, %rem3A_4 : vector<16xi1>, vector<16xi32>
    %jit3A_16 = arith.constant 8 : i32
    %div3A = vector.broadcast %jit3A_16 : i32 to vector<16xi32>
    %div3A_17 = arith.divsi %iota3A, %div3A : vector<16xi32>
    %sign3A = arith.constant 0 : i32
    %sign3A_18 = vector.broadcast %sign3A : i32 to vector<16xi32>
    %sign3A_19 = arith.cmpi sgt, %iota3A, %sign3A_18 : vector<16xi32>
    %sign3A_20 = arith.extui %sign3A_19 : vector<16xi1> to vector<16xi32>
    %sign3A_21 = arith.constant 0 : i32
    %sign3A_22 = vector.broadcast %sign3A_21 : i32 to vector<16xi32>
    %sign3A_23 = arith.cmpi slt, %iota3A, %sign3A_22 : vector<16xi32>
    %sign3A_24 = arith.extui %sign3A_23 : vector<16xi1> to vector<16xi32>
    %sign3A_25 = arith.subi %sign3A_20, %sign3A_24 : vector<16xi32>
    %sign3A_26 = arith.constant 0 : i32
    %sign3A_27 = arith.cmpi sgt, %jit3A_16, %sign3A_26 : i32
    %sign3A_28 = arith.extui %sign3A_27 : i1 to i32
    %sign3A_29 = arith.constant 0 : i32
    %sign3A_30 = arith.cmpi slt, %jit3A_16, %sign3A_29 : i32
    %sign3A_31 = arith.extui %sign3A_30 : i1 to i32
    %sign3A_32 = arith.subi %sign3A_28, %sign3A_31 : i32
    %ne3A_33 = vector.broadcast %sign3A_32 : i32 to vector<16xi32>
    %ne3A_34 = arith.cmpi ne, %sign3A_25, %ne3A_33 : vector<16xi32>
    %rem3A_35 = vector.broadcast %jit3A_16 : i32 to vector<16xi32>
    %rem3A_36 = arith.remsi %iota3A, %rem3A_35 : vector<16xi32>
    %ne3A_37 = arith.constant 0 : i32
    %ne3A_38 = vector.broadcast %ne3A_37 : i32 to vector<16xi32>
    %ne3A_39 = arith.cmpi ne, %rem3A_36, %ne3A_38 : vector<16xi32>
    %and3A_40 = arith.andi %ne3A_34, %ne3A_39 : vector<16xi1>
    %sub3A = arith.constant 1 : i32
    %sub3A_41 = vector.broadcast %sub3A : i32 to vector<16xi32>
    %sub3A_42 = arith.subi %div3A_17, %sub3A_41 : vector<16xi32>
    %select_n3A_43 = arith.select %and3A_40, %sub3A_42, %div3A_17 : vector<16xi1>, vector<16xi32>
    %scan3A = arith.constant 0 : i32
    %scan3A_44 = arith.constant 0 : i32
    %scan3A_45 = arith.constant 1000 : i32
    %scan3A_46 = arith.addi %scan3A_44, %scan3A_45 : i32
    %scan3A_47 = arith.constant 1 : i32
    scf.for %scan3A_57 = %scan3A_44 to %scan3A_46 step %scan3A_47  : i32 {
      %mul3A_58 = arith.constant 2 : i32
      %mul3A_59 = arith.muli %scan3A_57, %mul3A_58 : i32
      %add3A_60 = vector.broadcast %mul3A_59 : i32 to vector<16xi32>
      %add3A_61 = arith.addi %add3A_60, %select_n3A_43 : vector<16xi32>
      tpu.vector_store_idx %arg14[%add3A_61, %select_n3A_15], %broadcast_in_dim3A_1 : memref<2000x8xf32, #tpu.memory_space<vmem>>[vector<16xi32>, vector<16xi32>], vector<16xf32>,
    }
    %scan3A_48 = arith.constant 1000 : i32
    "tpu.region"() ({
      %run_scoped3A = tpu.sem_alloc : memref<!tpu.dma_semaphore, #tpu.memory_space<semaphore_mem>>
      %dma_start3A = arith.constant 0 : i32
      %dma_start3A_57 = tpu.memref_slice %arg17[%mul3A_0, %dma_start3A] : memref<10000x64xf32, #tpu.memory_space<vmem_shared>> -> memref<625x64xf32, #tpu.memory_space<vmem_shared>>
      tpu.enqueue_dma source(%arg6 : memref<625x64xf32, #tpu.memory_space<hbm>>) target(%dma_start3A_57 : memref<625x64xf32, #tpu.memory_space<vmem_shared>>) target_semaphore(%run_scoped3A : memref<!tpu.dma_semaphore, #tpu.memory_space<semaphore_mem>>)
      %dma_wait3A = arith.constant 0 : i32
      %dma_wait3A_58 = tpu.memref_slice %arg17[%mul3A_0, %dma_wait3A] : memref<10000x64xf32, #tpu.memory_space<vmem_shared>> -> memref<625x64xf32, #tpu.memory_space<vmem_shared>>
      tpu.wait_dma2 semaphore(%run_scoped3A : memref<!tpu.dma_semaphore, #tpu.memory_space<semaphore_mem>>) src(%arg6 : memref<625x64xf32, #tpu.memory_space<hbm>>) dst(%dma_wait3A_58 : memref<625x64xf32, #tpu.memory_space<vmem_shared>>)
      tpu.yield
    }) : () -> ()
    "tpu.region"() ({
      %run_scoped3A = tpu.sem_alloc : memref<!tpu.dma_semaphore, #tpu.memory_space<semaphore_mem>>
      %dma_start3A = arith.constant 0 : i32
      %dma_start3A_57 = tpu.memref_slice %arg18[%mul3A_0, %dma_start3A] : memref<10000x8xf32, #tpu.memory_space<vmem_shared>> -> memref<625x8xf32, #tpu.memory_space<vmem_shared>>
      tpu.enqueue_dma source(%arg7 : memref<625x8xf32, #tpu.memory_space<hbm>>) target(%dma_start3A_57 : memref<625x8xf32, #tpu.memory_space<vmem_shared>>) target_semaphore(%run_scoped3A : memref<!tpu.dma_semaphore, #tpu.memory_space<semaphore_mem>>)
      %dma_wait3A = arith.constant 0 : i32
      %dma_wait3A_58 = tpu.memref_slice %arg18[%mul3A_0, %dma_wait3A] : memref<10000x8xf32, #tpu.memory_space<vmem_shared>> -> memref<625x8xf32, #tpu.memory_space<vmem_shared>>
      tpu.wait_dma2 semaphore(%run_scoped3A : memref<!tpu.dma_semaphore, #tpu.memory_space<semaphore_mem>>) src(%arg7 : memref<625x8xf32, #tpu.memory_space<hbm>>) dst(%dma_wait3A_58 : memref<625x8xf32, #tpu.memory_space<vmem_shared>>)
      tpu.yield
    }) : () -> ()
    %barrier3A = arith.constant 0 : index
    tpu.barrier barrier_id(%barrier3A)
    %iota3A_49 = tpu.iota {dimensions = array<i32: 0>} : vector<16xi32>
    %scan3A_50 = arith.constant 0 : i32
    %scan3A_51 = arith.constant 0 : i32
    %scan3A_52 = arith.constant 10 : i32
    %scan3A_53 = arith.addi %scan3A_51, %scan3A_52 : i32
    %scan3A_54 = arith.constant 1 : i32
    scf.for %scan3A_57 = %scan3A_51 to %scan3A_53 step %scan3A_54  : i32 {
      %mul3A_58 = arith.constant 250 : i32
      %mul3A_59 = arith.muli %arg1, %mul3A_58 : i32
      %mul3A_60 = arith.constant 25 : i32
      %mul3A_61 = arith.muli %scan3A_57, %mul3A_60 : i32
      %add3A_62 = arith.addi %mul3A_59, %mul3A_61 : i32
      "tpu.region"() ({
        %run_scoped3A = tpu.sem_alloc : memref<!tpu.dma_semaphore, #tpu.memory_space<semaphore_mem>>
        %dma_start3A_146 = arith.constant 0 : i32
        %dma_start3A_147 = tpu.memref_slice %arg4[%add3A_62, %dma_start3A_146] : memref<4000x80xi32, #tpu.memory_space<hbm>> -> memref<25x80xi32, #tpu.memory_space<hbm>>
        %dma_start3A_148 = arith.constant 0 : i32
        %dma_start3A_149 = tpu.memref_slice %arg4[%add3A_62, %dma_start3A_148] : memref<4000x80xi32, #tpu.memory_space<hbm>> -> memref<25x80xi32, #tpu.memory_space<hbm>>
        tpu.enqueue_dma source(%dma_start3A_149 : memref<25x80xi32, #tpu.memory_space<hbm>>) target(%arg10 : memref<25x80xi32, #tpu.memory_space<vmem>>) target_semaphore(%run_scoped3A : memref<!tpu.dma_semaphore, #tpu.memory_space<semaphore_mem>>)
        %dma_wait3A_150 = arith.constant 0 : i32
        %dma_wait3A_151 = tpu.memref_slice %arg4[%add3A_62, %dma_wait3A_150] : memref<4000x80xi32, #tpu.memory_space<hbm>> -> memref<25x80xi32, #tpu.memory_space<hbm>>
        %dma_wait3A_152 = arith.constant 0 : i32
        %dma_wait3A_153 = tpu.memref_slice %arg4[%add3A_62, %dma_wait3A_152] : memref<4000x80xi32, #tpu.memory_space<hbm>> -> memref<25x80xi32, #tpu.memory_space<hbm>>
        tpu.wait_dma2 semaphore(%run_scoped3A : memref<!tpu.dma_semaphore, #tpu.memory_space<semaphore_mem>>) src(%dma_wait3A_153 : memref<25x80xi32, #tpu.memory_space<hbm>>) dst(%arg10 : memref<25x80xi32, #tpu.memory_space<vmem>>)
        tpu.yield
      }) : () -> ()
      "tpu.region"() ({
        %run_scoped3A = tpu.sem_alloc : memref<!tpu.dma_semaphore, #tpu.memory_space<semaphore_mem>>
        %dma_start3A_146 = arith.constant 0 : i32
        %dma_start3A_147 = tpu.memref_slice %arg5[%add3A_62, %dma_start3A_146] : memref<4000x80xi32, #tpu.memory_space<hbm>> -> memref<25x80xi32, #tpu.memory_space<hbm>>
        %dma_start3A_148 = arith.constant 0 : i32
        %dma_start3A_149 = tpu.memref_slice %arg5[%add3A_62, %dma_start3A_148] : memref<4000x80xi32, #tpu.memory_space<hbm>> -> memref<25x80xi32, #tpu.memory_space<hbm>>
        tpu.enqueue_dma source(%dma_start3A_149 : memref<25x80xi32, #tpu.memory_space<hbm>>) target(%arg11 : memref<25x80xi32, #tpu.memory_space<vmem>>) target_semaphore(%run_scoped3A : memref<!tpu.dma_semaphore, #tpu.memory_space<semaphore_mem>>)
        %dma_wait3A_150 = arith.constant 0 : i32
        %dma_wait3A_151 = tpu.memref_slice %arg5[%add3A_62, %dma_wait3A_150] : memref<4000x80xi32, #tpu.memory_space<hbm>> -> memref<25x80xi32, #tpu.memory_space<hbm>>
        %dma_wait3A_152 = arith.constant 0 : i32
        %dma_wait3A_153 = tpu.memref_slice %arg5[%add3A_62, %dma_wait3A_152] : memref<4000x80xi32, #tpu.memory_space<hbm>> -> memref<25x80xi32, #tpu.memory_space<hbm>>
        tpu.wait_dma2 semaphore(%run_scoped3A : memref<!tpu.dma_semaphore, #tpu.memory_space<semaphore_mem>>) src(%dma_wait3A_153 : memref<25x80xi32, #tpu.memory_space<hbm>>) dst(%arg11 : memref<25x80xi32, #tpu.memory_space<vmem>>)
        tpu.yield
      }) : () -> ()
      %scan3A_63 = arith.constant 0 : i32
      %scan3A_64 = arith.constant 0 : i32
      %scan3A_65 = arith.constant 25 : i32
      %scan3A_66 = arith.addi %scan3A_64, %scan3A_65 : i32
      %scan3A_67 = arith.constant 1 : i32
      scf.for %scan3A_146 = %scan3A_64 to %scan3A_66 step %scan3A_67  : i32 {
        %mul3A_147 = arith.constant 80 : i32
        %mul3A_148 = arith.muli %scan3A_146, %mul3A_147 : i32
        %dma_start3A_149 = arith.constant 0 : i32
        %dma_start3A_150 = tpu.memref_slice %arg12[%mul3A_148, %dma_start3A_149] : memref<2000x8xf32, #tpu.memory_space<vmem>> -> memref<80x8xf32, #tpu.memory_space<vmem>>
        %dma_start3A_151 = arith.constant 0 : i32
        %dma_start3A_152 = tpu.memref_slice %arg10[%scan3A_146, %dma_start3A_151] : memref<25x80xi32, #tpu.memory_space<vmem>> -> memref<1x80xi32, #tpu.memory_space<vmem>>
        %dma_start3A_153 = tpu.memref_squeeze %dma_start3A_152 : memref<1x80xi32, #tpu.memory_space<vmem>> -> memref<80xi32, #tpu.memory_space<vmem>>
        %dma_start3A_154 = arith.constant 0 : i32
        %dma_start3A_155 = arith.constant 0 : i32
        %dma_start3A_156 = tpu.memref_slice %arg3[%dma_start3A_154, %dma_start3A_155] : memref<10000x8xf32, #tpu.memory_space<hbm>> -> memref<10000x8xf32, #tpu.memory_space<hbm>>
        tpu.enqueue_indirect_dma source(%dma_start3A_156 : memref<10000x8xf32, #tpu.memory_space<hbm>>) target(%dma_start3A_150 : memref<80x8xf32, #tpu.memory_space<vmem>>) offsets(%dma_start3A_153 : memref<80xi32, #tpu.memory_space<vmem>>) semaphore(%arg19 : memref<!tpu.dma_semaphore, #tpu.memory_space<semaphore_mem>>)
        %mul3A_157 = arith.constant 80 : i32
        %mul3A_158 = arith.muli %scan3A_146, %mul3A_157 : i32
        %dma_start3A_159 = arith.constant 0 : i32
        %dma_start3A_160 = tpu.memref_slice %arg13[%mul3A_158, %dma_start3A_159] : memref<2000x8xf32, #tpu.memory_space<vmem>> -> memref<80x8xf32, #tpu.memory_space<vmem>>
        %dma_start3A_161 = arith.constant 0 : i32
        %dma_start3A_162 = tpu.memref_slice %arg11[%scan3A_146, %dma_start3A_161] : memref<25x80xi32, #tpu.memory_space<vmem>> -> memref<1x80xi32, #tpu.memory_space<vmem>>
        %dma_start3A_163 = tpu.memref_squeeze %dma_start3A_162 : memref<1x80xi32, #tpu.memory_space<vmem>> -> memref<80xi32, #tpu.memory_space<vmem>>
        %dma_start3A_164 = arith.constant 0 : i32
        %dma_start3A_165 = arith.constant 0 : i32
        %dma_start3A_166 = tpu.memref_slice %arg3[%dma_start3A_164, %dma_start3A_165] : memref<10000x8xf32, #tpu.memory_space<hbm>> -> memref<10000x8xf32, #tpu.memory_space<hbm>>
        tpu.enqueue_indirect_dma source(%dma_start3A_166 : memref<10000x8xf32, #tpu.memory_space<hbm>>) target(%dma_start3A_160 : memref<80x8xf32, #tpu.memory_space<vmem>>) offsets(%dma_start3A_163 : memref<80xi32, #tpu.memory_space<vmem>>) semaphore(%arg19 : memref<!tpu.dma_semaphore, #tpu.memory_space<semaphore_mem>>)
      }
      %scan3A_68 = arith.constant 25 : i32
      %scan3A_69 = arith.constant 0 : i32
      %scan3A_70 = arith.constant 0 : i32
      %scan3A_71 = arith.constant 25 : i32
      %scan3A_72 = arith.addi %scan3A_70, %scan3A_71 : i32
      %scan3A_73 = arith.constant 1 : i32
      scf.for %scan3A_146 = %scan3A_70 to %scan3A_72 step %scan3A_73  : i32 {
        %mul3A_147 = arith.constant 80 : i32
        %mul3A_148 = arith.muli %scan3A_146, %mul3A_147 : i32
        %dma_wait3A_149 = arith.constant 0 : i32
        %dma_wait3A_150 = tpu.memref_slice %arg12[%mul3A_148, %dma_wait3A_149] : memref<2000x8xf32, #tpu.memory_space<vmem>> -> memref<80x8xf32, #tpu.memory_space<vmem>>
        %dma_wait3A_151 = arith.constant 0 : i32
        %dma_wait3A_152 = tpu.memref_slice %arg10[%scan3A_146, %dma_wait3A_151] : memref<25x80xi32, #tpu.memory_space<vmem>> -> memref<1x80xi32, #tpu.memory_space<vmem>>
        %dma_wait3A_153 = tpu.memref_squeeze %dma_wait3A_152 : memref<1x80xi32, #tpu.memory_space<vmem>> -> memref<80xi32, #tpu.memory_space<vmem>>
        %dma_wait3A_154 = arith.constant 0 : i32
        %dma_wait3A_155 = arith.constant 0 : i32
        %dma_wait3A_156 = tpu.memref_slice %arg3[%dma_wait3A_154, %dma_wait3A_155] : memref<10000x8xf32, #tpu.memory_space<hbm>> -> memref<10000x8xf32, #tpu.memory_space<hbm>>
        tpu.wait_indirect_dma semaphore(%arg19 : memref<!tpu.dma_semaphore, #tpu.memory_space<semaphore_mem>>) src(%dma_wait3A_156 : memref<10000x8xf32, #tpu.memory_space<hbm>>) dst(%dma_wait3A_150 : memref<80x8xf32, #tpu.memory_space<vmem>>)
        %mul3A_157 = arith.constant 80 : i32
        %mul3A_158 = arith.muli %scan3A_146, %mul3A_157 : i32
        %dma_wait3A_159 = arith.constant 0 : i32
        %dma_wait3A_160 = tpu.memref_slice %arg13[%mul3A_158, %dma_wait3A_159] : memref<2000x8xf32, #tpu.memory_space<vmem>> -> memref<80x8xf32, #tpu.memory_space<vmem>>
        %dma_wait3A_161 = arith.constant 0 : i32
        %dma_wait3A_162 = tpu.memref_slice %arg11[%scan3A_146, %dma_wait3A_161] : memref<25x80xi32, #tpu.memory_space<vmem>> -> memref<1x80xi32, #tpu.memory_space<vmem>>
        %dma_wait3A_163 = tpu.memref_squeeze %dma_wait3A_162 : memref<1x80xi32, #tpu.memory_space<vmem>> -> memref<80xi32, #tpu.memory_space<vmem>>
        %dma_wait3A_164 = arith.constant 0 : i32
        %dma_wait3A_165 = arith.constant 0 : i32
        %dma_wait3A_166 = tpu.memref_slice %arg3[%dma_wait3A_164, %dma_wait3A_165] : memref<10000x8xf32, #tpu.memory_space<hbm>> -> memref<10000x8xf32, #tpu.memory_space<hbm>>
        tpu.wait_indirect_dma semaphore(%arg19 : memref<!tpu.dma_semaphore, #tpu.memory_space<semaphore_mem>>) src(%dma_wait3A_166 : memref<10000x8xf32, #tpu.memory_space<hbm>>) dst(%dma_wait3A_160 : memref<80x8xf32, #tpu.memory_space<vmem>>)
      }
      %scan3A_74 = arith.constant 25 : i32
      %scan3A_75 = arith.constant 0 : i32
      %scan3A_76 = arith.constant 0 : i32
      %scan3A_77 = arith.constant 125 : i32
      %scan3A_78 = arith.addi %scan3A_76, %scan3A_77 : i32
      %scan3A_79 = arith.constant 1 : i32
      scf.for %scan3A_146 = %scan3A_76 to %scan3A_78 step %scan3A_79  : i32 {
        %mul3A_147 = arith.constant 16 : i32
        %mul3A_148 = arith.muli %scan3A_146, %mul3A_147 : i32
        %add3A_149 = vector.broadcast %mul3A_148 : i32 to vector<16xi32>
        %add3A_150 = arith.addi %add3A_149, %iota3A_49 : vector<16xi32>
        %broadcast_in_dim3A_151 = arith.constant 0 : i32
        %broadcast_in_dim3A_152 = vector.broadcast %broadcast_in_dim3A_151 : i32 to vector<16xi32>
        %gather3A = tpu.vector_load_idx %arg12[%add3A_150, %broadcast_in_dim3A_152] : memref<2000x8xf32, #tpu.memory_space<vmem>>[vector<16xi32>, vector<16xi32>], vector<16xf32>,
        %broadcast_in_dim3A_153 = arith.constant 1 : i32
        %broadcast_in_dim3A_154 = vector.broadcast %broadcast_in_dim3A_153 : i32 to vector<16xi32>
        %gather3A_155 = tpu.vector_load_idx %arg13[%add3A_150, %broadcast_in_dim3A_154] : memref<2000x8xf32, #tpu.memory_space<vmem>>[vector<16xi32>, vector<16xi32>], vector<16xf32>,
        %add3A_156 = arith.addf %gather3A, %gather3A_155 : vector<16xf32>
        %mul3A_157 = arith.constant 2.000000e-01 : f32
        %mul3A_158 = vector.broadcast %mul3A_157 : f32 to vector<16xf32>
        %mul3A_159 = arith.mulf %add3A_156, %mul3A_158 : vector<16xf32>
        %max3A = arith.maximumf %add3A_156, %mul3A_159 : vector<16xf32>
        %broadcast_in_dim3A_160 = arith.constant 0 : i32
        %broadcast_in_dim3A_161 = vector.broadcast %broadcast_in_dim3A_160 : i32 to vector<16xi32>
        %exp3A = math.exp %max3A : vector<16xf32>
        tpu.vector_store_idx %arg14[%add3A_150, %broadcast_in_dim3A_161], %exp3A : memref<2000x8xf32, #tpu.memory_space<vmem>>[vector<16xi32>, vector<16xi32>], vector<16xf32>,
      }
      %scan3A_80 = arith.constant 125 : i32
      %scan3A_81 = arith.constant 0 : i32
      %scan3A_82 = arith.constant 0 : i32
      %scan3A_83 = arith.constant 25 : i32
      %scan3A_84 = arith.addi %scan3A_82, %scan3A_83 : i32
      %scan3A_85 = arith.constant 1 : i32
      scf.for %scan3A_146 = %scan3A_82 to %scan3A_84 step %scan3A_85  : i32 {
        %mul3A_147 = arith.constant 80 : i32
        %mul3A_148 = arith.muli %scan3A_146, %mul3A_147 : i32
        %dma_start3A_149 = arith.constant 0 : i32
        %dma_start3A_150 = tpu.memref_slice %arg14[%mul3A_148, %dma_start3A_149] : memref<2000x8xf32, #tpu.memory_space<vmem>> -> memref<80x8xf32, #tpu.memory_space<vmem>>
        %dma_start3A_151 = arith.constant 0 : i32
        %dma_start3A_152 = tpu.memref_slice %arg11[%scan3A_146, %dma_start3A_151] : memref<25x80xi32, #tpu.memory_space<vmem>> -> memref<1x80xi32, #tpu.memory_space<vmem>>
        %dma_start3A_153 = tpu.memref_squeeze %dma_start3A_152 : memref<1x80xi32, #tpu.memory_space<vmem>> -> memref<80xi32, #tpu.memory_space<vmem>>
        %dma_start3A_154 = arith.constant 0 : i32
        %dma_start3A_155 = arith.constant 0 : i32
        %dma_start3A_156 = tpu.memref_slice %arg18[%dma_start3A_154, %dma_start3A_155] : memref<10000x8xf32, #tpu.memory_space<vmem_shared>> -> memref<10000x8xf32, #tpu.memory_space<vmem_shared>>
        tpu.enqueue_indirect_dma source(%dma_start3A_150 : memref<80x8xf32, #tpu.memory_space<vmem>>) target(%dma_start3A_156 : memref<10000x8xf32, #tpu.memory_space<vmem_shared>>) offsets(%dma_start3A_153 : memref<80xi32, #tpu.memory_space<vmem>>) semaphore(%arg19 : memref<!tpu.dma_semaphore, #tpu.memory_space<semaphore_mem>>) {add = true}
      }
      %scan3A_86 = arith.constant 25 : i32
      %scan3A_87 = arith.constant 0 : i32
      %scan3A_88 = arith.constant 0 : i32
      %scan3A_89 = arith.constant 25 : i32
      %scan3A_90 = arith.addi %scan3A_88, %scan3A_89 : i32
      %scan3A_91 = arith.constant 1 : i32
      scf.for %scan3A_146 = %scan3A_88 to %scan3A_90 step %scan3A_91  : i32 {
        %mul3A_147 = arith.constant 80 : i32
        %mul3A_148 = arith.muli %scan3A_146, %mul3A_147 : i32
        %dma_wait3A_149 = arith.constant 0 : i32
        %dma_wait3A_150 = tpu.memref_slice %arg14[%mul3A_148, %dma_wait3A_149] : memref<2000x8xf32, #tpu.memory_space<vmem>> -> memref<80x8xf32, #tpu.memory_space<vmem>>
        %dma_wait3A_151 = arith.constant 0 : i32
        %dma_wait3A_152 = tpu.memref_slice %arg11[%scan3A_146, %dma_wait3A_151] : memref<25x80xi32, #tpu.memory_space<vmem>> -> memref<1x80xi32, #tpu.memory_space<vmem>>
        %dma_wait3A_153 = tpu.memref_squeeze %dma_wait3A_152 : memref<1x80xi32, #tpu.memory_space<vmem>> -> memref<80xi32, #tpu.memory_space<vmem>>
        %dma_wait3A_154 = arith.constant 0 : i32
        %dma_wait3A_155 = arith.constant 0 : i32
        %dma_wait3A_156 = tpu.memref_slice %arg18[%dma_wait3A_154, %dma_wait3A_155] : memref<10000x8xf32, #tpu.memory_space<vmem_shared>> -> memref<10000x8xf32, #tpu.memory_space<vmem_shared>>
        tpu.wait_indirect_dma semaphore(%arg19 : memref<!tpu.dma_semaphore, #tpu.memory_space<semaphore_mem>>) src(%dma_wait3A_150 : memref<80x8xf32, #tpu.memory_space<vmem>>) dst(%dma_wait3A_156 : memref<10000x8xf32, #tpu.memory_space<vmem_shared>>)
      }
      %scan3A_92 = arith.constant 25 : i32
      %dma_start3A = arith.constant 0 : i32
      %dma_start3A_93 = arith.constant 0 : i32
      %dma_start3A_94 = arith.constant 0 : i32
      %dma_start3A_95 = arith.constant 0 : i32
      %dma_start3A_96 = arith.constant 0 : i32
      %dma_start3A_97 = tpu.memref_slice %arg15[%dma_start3A_93, %dma_start3A_95, %dma_start3A_96] : memref<2x80x64xf32, #tpu.memory_space<vmem>> -> memref<1x80x64xf32, #tpu.memory_space<vmem>>
      %dma_start3A_98 = tpu.memref_squeeze %dma_start3A_97 : memref<1x80x64xf32, #tpu.memory_space<vmem>> -> memref<80x64xf32, #tpu.memory_space<vmem>>
      %dma_start3A_99 = arith.constant 0 : i32
      %dma_start3A_100 = tpu.memref_slice %arg10[%dma_start3A, %dma_start3A_99] : memref<25x80xi32, #tpu.memory_space<vmem>> -> memref<1x80xi32, #tpu.memory_space<vmem>>
      %dma_start3A_101 = tpu.memref_squeeze %dma_start3A_100 : memref<1x80xi32, #tpu.memory_space<vmem>> -> memref<80xi32, #tpu.memory_space<vmem>>
      %dma_start3A_102 = arith.constant 0 : i32
      %dma_start3A_103 = arith.constant 0 : i32
      %dma_start3A_104 = tpu.memref_slice %arg2[%arg0, %dma_start3A_102, %dma_start3A_103] : memref<2x10000x64xf32, #tpu.memory_space<hbm>> -> memref<1x10000x64xf32, #tpu.memory_space<hbm>>
      %dma_start3A_105 = tpu.memref_squeeze %dma_start3A_104 : memref<1x10000x64xf32, #tpu.memory_space<hbm>> -> memref<10000x64xf32, #tpu.memory_space<hbm>>
      %dma_start3A_106 = arith.constant 0 : i32
      %dma_start3A_107 = arith.constant 0 : i32
      %dma_start3A_108 = tpu.memref_slice %dma_start3A_105[%dma_start3A_106, %dma_start3A_107] : memref<10000x64xf32, #tpu.memory_space<hbm>> -> memref<10000x64xf32, #tpu.memory_space<hbm>>
      %dma_start3A_109 = tpu.memref_slice %arg20[%dma_start3A_94] : memref<2x!tpu.dma_semaphore, #tpu.memory_space<semaphore_mem>> -> memref<1x!tpu.dma_semaphore, #tpu.memory_space<semaphore_mem>>
      %dma_start3A_110 = tpu.memref_squeeze %dma_start3A_109 : memref<1x!tpu.dma_semaphore, #tpu.memory_space<semaphore_mem>> -> memref<!tpu.dma_semaphore, #tpu.memory_space<semaphore_mem>>
      tpu.enqueue_indirect_dma source(%dma_start3A_108 : memref<10000x64xf32, #tpu.memory_space<hbm>>) target(%dma_start3A_98 : memref<80x64xf32, #tpu.memory_space<vmem>>) offsets(%dma_start3A_101 : memref<80xi32, #tpu.memory_space<vmem>>) semaphore(%dma_start3A_110 : memref<!tpu.dma_semaphore, #tpu.memory_space<semaphore_mem>>)
      %scan3A_111 = arith.constant 0 : i32
      %scan3A_112 = arith.constant 0 : i32
      %scan3A_113 = arith.constant 25 : i32
      %scan3A_114 = arith.addi %scan3A_112, %scan3A_113 : i32
      %scan3A_115 = arith.constant 1 : i32
      scf.for %scan3A_146 = %scan3A_112 to %scan3A_114 step %scan3A_115  : i32 {
        %jit3A_147 = arith.constant 2 : i32
        %eq3A_148 = arith.constant 0 : i32
        %eq3A_149 = arith.cmpi eq, %jit3A_147, %eq3A_148 : i32
        %jit3A_150 = arith.constant 1 : i32
        %select_n3A_151 = arith.select %eq3A_149, %jit3A_150, %jit3A_147 : i32
        %rem3A_152 = arith.remsi %scan3A_146, %select_n3A_151 : i32
        %ne3A_153 = arith.constant 0 : i32
        %ne3A_154 = arith.cmpi ne, %rem3A_152, %ne3A_153 : i32
        %lt3A_155 = arith.constant 0 : i32
        %lt3A_156 = arith.cmpi slt, %rem3A_152, %lt3A_155 : i32
        %lt3A_157 = arith.constant 0 : i32
        %lt3A_158 = arith.cmpi slt, %select_n3A_151, %lt3A_157 : i32
        %ne3A_159 = arith.xori %lt3A_156, %lt3A_158 : i1
        %and3A_160 = arith.andi %ne3A_159, %ne3A_154 : i1
        %add3A_161 = arith.addi %rem3A_152, %select_n3A_151 : i32
        %select_n3A_162 = arith.select %and3A_160, %add3A_161, %rem3A_152 : i32
        %add3A_163 = arith.constant 1 : i32
        %add3A_164 = arith.addi %scan3A_146, %add3A_163 : i32
        %lt3A_165 = arith.constant 25 : i32
        %lt3A_166 = arith.cmpi slt, %add3A_164, %lt3A_165 : i32
        %convert_element_type3A = arith.extui %lt3A_166 : i1 to i32
        %cond3A = arith.constant 0 : i32
        %cond3A_167 = arith.cmpi ne, %convert_element_type3A, %cond3A : i32
        scf.if %cond3A_167 {
          %add3A_210 = arith.constant 1 : i32
          %add3A_211 = arith.addi %scan3A_146, %add3A_210 : i32
          %sub3A_212 = arith.constant 1 : i32
          %sub3A_213 = arith.subi %sub3A_212, %select_n3A_162 : i32
          %dma_start3A_214 = arith.constant 0 : i32
          %dma_start3A_215 = arith.constant 0 : i32
          %dma_start3A_216 = tpu.memref_slice %arg15[%sub3A_213, %dma_start3A_214, %dma_start3A_215] : memref<2x80x64xf32, #tpu.memory_space<vmem>> -> memref<1x80x64xf32, #tpu.memory_space<vmem>>
          %dma_start3A_217 = tpu.memref_squeeze %dma_start3A_216 : memref<1x80x64xf32, #tpu.memory_space<vmem>> -> memref<80x64xf32, #tpu.memory_space<vmem>>
          %dma_start3A_218 = arith.constant 0 : i32
          %dma_start3A_219 = tpu.memref_slice %arg10[%add3A_211, %dma_start3A_218] : memref<25x80xi32, #tpu.memory_space<vmem>> -> memref<1x80xi32, #tpu.memory_space<vmem>>
          %dma_start3A_220 = tpu.memref_squeeze %dma_start3A_219 : memref<1x80xi32, #tpu.memory_space<vmem>> -> memref<80xi32, #tpu.memory_space<vmem>>
          %dma_start3A_221 = arith.constant 0 : i32
          %dma_start3A_222 = arith.constant 0 : i32
          %dma_start3A_223 = tpu.memref_slice %arg2[%arg0, %dma_start3A_221, %dma_start3A_222] : memref<2x10000x64xf32, #tpu.memory_space<hbm>> -> memref<1x10000x64xf32, #tpu.memory_space<hbm>>
          %dma_start3A_224 = tpu.memref_squeeze %dma_start3A_223 : memref<1x10000x64xf32, #tpu.memory_space<hbm>> -> memref<10000x64xf32, #tpu.memory_space<hbm>>
          %dma_start3A_225 = arith.constant 0 : i32
          %dma_start3A_226 = arith.constant 0 : i32
          %dma_start3A_227 = tpu.memref_slice %dma_start3A_224[%dma_start3A_225, %dma_start3A_226] : memref<10000x64xf32, #tpu.memory_space<hbm>> -> memref<10000x64xf32, #tpu.memory_space<hbm>>
          %dma_start3A_228 = tpu.memref_slice %arg20[%sub3A_213] : memref<2x!tpu.dma_semaphore, #tpu.memory_space<semaphore_mem>> -> memref<1x!tpu.dma_semaphore, #tpu.memory_space<semaphore_mem>>
          %dma_start3A_229 = tpu.memref_squeeze %dma_start3A_228 : memref<1x!tpu.dma_semaphore, #tpu.memory_space<semaphore_mem>> -> memref<!tpu.dma_semaphore, #tpu.memory_space<semaphore_mem>>
          tpu.enqueue_indirect_dma source(%dma_start3A_227 : memref<10000x64xf32, #tpu.memory_space<hbm>>) target(%dma_start3A_217 : memref<80x64xf32, #tpu.memory_space<vmem>>) offsets(%dma_start3A_220 : memref<80xi32, #tpu.memory_space<vmem>>) semaphore(%dma_start3A_229 : memref<!tpu.dma_semaphore, #tpu.memory_space<semaphore_mem>>)
        } else {
        }
        %dma_wait3A_168 = arith.constant 0 : i32
        %dma_wait3A_169 = arith.constant 0 : i32
        %dma_wait3A_170 = tpu.memref_slice %arg15[%select_n3A_162, %dma_wait3A_168, %dma_wait3A_169] : memref<2x80x64xf32, #tpu.memory_space<vmem>> -> memref<1x80x64xf32, #tpu.memory_space<vmem>>
        %dma_wait3A_171 = tpu.memref_squeeze %dma_wait3A_170 : memref<1x80x64xf32, #tpu.memory_space<vmem>> -> memref<80x64xf32, #tpu.memory_space<vmem>>
        %dma_wait3A_172 = arith.constant 0 : i32
        %dma_wait3A_173 = tpu.memref_slice %arg10[%scan3A_146, %dma_wait3A_172] : memref<25x80xi32, #tpu.memory_space<vmem>> -> memref<1x80xi32, #tpu.memory_space<vmem>>
        %dma_wait3A_174 = tpu.memref_squeeze %dma_wait3A_173 : memref<1x80xi32, #tpu.memory_space<vmem>> -> memref<80xi32, #tpu.memory_space<vmem>>
        %dma_wait3A_175 = arith.constant 0 : i32
        %dma_wait3A_176 = arith.constant 0 : i32
        %dma_wait3A_177 = tpu.memref_slice %arg2[%arg0, %dma_wait3A_175, %dma_wait3A_176] : memref<2x10000x64xf32, #tpu.memory_space<hbm>> -> memref<1x10000x64xf32, #tpu.memory_space<hbm>>
        %dma_wait3A_178 = tpu.memref_squeeze %dma_wait3A_177 : memref<1x10000x64xf32, #tpu.memory_space<hbm>> -> memref<10000x64xf32, #tpu.memory_space<hbm>>
        %dma_wait3A_179 = arith.constant 0 : i32
        %dma_wait3A_180 = arith.constant 0 : i32
        %dma_wait3A_181 = tpu.memref_slice %dma_wait3A_178[%dma_wait3A_179, %dma_wait3A_180] : memref<10000x64xf32, #tpu.memory_space<hbm>> -> memref<10000x64xf32, #tpu.memory_space<hbm>>
        %dma_wait3A_182 = tpu.memref_slice %arg20[%select_n3A_162] : memref<2x!tpu.dma_semaphore, #tpu.memory_space<semaphore_mem>> -> memref<1x!tpu.dma_semaphore, #tpu.memory_space<semaphore_mem>>
        %dma_wait3A_183 = tpu.memref_squeeze %dma_wait3A_182 : memref<1x!tpu.dma_semaphore, #tpu.memory_space<semaphore_mem>> -> memref<!tpu.dma_semaphore, #tpu.memory_space<semaphore_mem>>
        tpu.wait_indirect_dma semaphore(%dma_wait3A_183 : memref<!tpu.dma_semaphore, #tpu.memory_space<semaphore_mem>>) src(%dma_wait3A_181 : memref<10000x64xf32, #tpu.memory_space<hbm>>) dst(%dma_wait3A_171 : memref<80x64xf32, #tpu.memory_space<vmem>>)
        %ge3A = arith.constant 2 : i32
        %ge3A_184 = arith.cmpi sge, %scan3A_146, %ge3A : i32
        %convert_element_type3A_185 = arith.extui %ge3A_184 : i1 to i32
        %cond3A_186 = arith.constant 0 : i32
        %cond3A_187 = arith.cmpi ne, %convert_element_type3A_185, %cond3A_186 : i32
        scf.if %cond3A_187 {
          %sub3A_210 = arith.constant 2 : i32
          %sub3A_211 = arith.subi %scan3A_146, %sub3A_210 : i32
          %dma_wait3A_212 = arith.constant 0 : i32
          %dma_wait3A_213 = arith.constant 0 : i32
          %dma_wait3A_214 = tpu.memref_slice %arg16[%select_n3A_162, %dma_wait3A_212, %dma_wait3A_213] : memref<2x80x64xf32, #tpu.memory_space<vmem>> -> memref<1x80x64xf32, #tpu.memory_space<vmem>>
          %dma_wait3A_215 = tpu.memref_squeeze %dma_wait3A_214 : memref<1x80x64xf32, #tpu.memory_space<vmem>> -> memref<80x64xf32, #tpu.memory_space<vmem>>
          %dma_wait3A_216 = arith.constant 0 : i32
          %dma_wait3A_217 = tpu.memref_slice %arg11[%sub3A_211, %dma_wait3A_216] : memref<25x80xi32, #tpu.memory_space<vmem>> -> memref<1x80xi32, #tpu.memory_space<vmem>>
          %dma_wait3A_218 = tpu.memref_squeeze %dma_wait3A_217 : memref<1x80xi32, #tpu.memory_space<vmem>> -> memref<80xi32, #tpu.memory_space<vmem>>
          %dma_wait3A_219 = arith.constant 0 : i32
          %dma_wait3A_220 = arith.constant 0 : i32
          %dma_wait3A_221 = tpu.memref_slice %arg17[%dma_wait3A_219, %dma_wait3A_220] : memref<10000x64xf32, #tpu.memory_space<vmem_shared>> -> memref<10000x64xf32, #tpu.memory_space<vmem_shared>>
          %dma_wait3A_222 = tpu.memref_slice %arg21[%select_n3A_162] : memref<2x!tpu.dma_semaphore, #tpu.memory_space<semaphore_mem>> -> memref<1x!tpu.dma_semaphore, #tpu.memory_space<semaphore_mem>>
          %dma_wait3A_223 = tpu.memref_squeeze %dma_wait3A_222 : memref<1x!tpu.dma_semaphore, #tpu.memory_space<semaphore_mem>> -> memref<!tpu.dma_semaphore, #tpu.memory_space<semaphore_mem>>
          tpu.wait_indirect_dma semaphore(%dma_wait3A_223 : memref<!tpu.dma_semaphore, #tpu.memory_space<semaphore_mem>>) src(%dma_wait3A_215 : memref<80x64xf32, #tpu.memory_space<vmem>>) dst(%dma_wait3A_221 : memref<10000x64xf32, #tpu.memory_space<vmem_shared>>)
        } else {
        }
        %broadcast_in_dim3A_188 = arith.constant 0 : i32
        %broadcast_in_dim3A_189 = vector.broadcast %broadcast_in_dim3A_188 : i32 to vector<16xi32>
        %add3A_190 = vector.broadcast %select_n3A_162 : i32 to vector<16xi32>
        %add3A_191 = arith.addi %broadcast_in_dim3A_189, %add3A_190 : vector<16xi32>
        %scan3A_192 = arith.constant 0 : i32
        %scan3A_193 = arith.constant 0 : i32
        %scan3A_194 = arith.constant 5 : i32
        %scan3A_195 = arith.addi %scan3A_193, %scan3A_194 : i32
        %scan3A_196 = arith.constant 1 : i32
        scf.for %scan3A_210 = %scan3A_193 to %scan3A_195 step %scan3A_196  : i32 {
          %mul3A_211 = arith.constant 16 : i32
          %mul3A_212 = arith.muli %scan3A_210, %mul3A_211 : i32
          %add3A_213 = vector.broadcast %mul3A_212 : i32 to vector<16xi32>
          %add3A_214 = arith.addi %add3A_213, %iota3A_49 : vector<16xi32>
          %mul3A_215 = arith.constant 80 : i32
          %mul3A_216 = arith.muli %scan3A_146, %mul3A_215 : i32
          %mul3A_217 = arith.constant 16 : i32
          %mul3A_218 = arith.muli %scan3A_210, %mul3A_217 : i32
          %add3A_219 = arith.addi %mul3A_216, %mul3A_218 : i32
          %add3A_220 = vector.broadcast %add3A_219 : i32 to vector<16xi32>
          %add3A_221 = arith.addi %add3A_220, %iota3A_49 : vector<16xi32>
          %broadcast_in_dim3A_222 = arith.constant 0 : i32
          %broadcast_in_dim3A_223 = vector.broadcast %broadcast_in_dim3A_222 : i32 to vector<16xi32>
          %mul3A_224 = arith.constant 0 : i32
          %mul3A_225 = arith.muli %arg0, %mul3A_224 : i32
          %add3A_226 = vector.broadcast %mul3A_225 : i32 to vector<16xi32>
          %add3A_227 = arith.addi %broadcast_in_dim3A_223, %add3A_226 : vector<16xi32>
          %gather3A = tpu.vector_load_idx %arg14[%add3A_221, %add3A_227] : memref<2000x8xf32, #tpu.memory_space<vmem>>[vector<16xi32>, vector<16xi32>], vector<16xf32>,
          %broadcast_in_dim3A_228 = arith.constant 0 : i32
          %broadcast_in_dim3A_229 = vector.broadcast %broadcast_in_dim3A_228 : i32 to vector<16xi32>
          %gather3A_230 = tpu.vector_load_idx %arg15[%add3A_191, %add3A_214, %broadcast_in_dim3A_229] : memref<2x80x64xf32, #tpu.memory_space<vmem>>[vector<16xi32>, vector<16xi32>, vector<16xi32>], vector<16xf32>,
          %mul3A_231 = arith.mulf %gather3A_230, %gather3A : vector<16xf32>
          tpu.vector_store_idx %arg16[%add3A_191, %add3A_214, %broadcast_in_dim3A_229], %mul3A_231 : memref<2x80x64xf32, #tpu.memory_space<vmem>>[vector<16xi32>, vector<16xi32>, vector<16xi32>], vector<16xf32>,
          %broadcast_in_dim3A_232 = arith.constant 1 : i32
          %broadcast_in_dim3A_233 = vector.broadcast %broadcast_in_dim3A_232 : i32 to vector<16xi32>
          %gather3A_234 = tpu.vector_load_idx %arg15[%add3A_191, %add3A_214, %broadcast_in_dim3A_233] : memref<2x80x64xf32, #tpu.memory_space<vmem>>[vector<16xi32>, vector<16xi32>, vector<16xi32>], vector<16xf32>,
          %mul3A_235 = arith.mulf %gather3A_234, %gather3A : vector<16xf32>
          tpu.vector_store_idx %arg16[%add3A_191, %add3A_214, %broadcast_in_dim3A_233], %mul3A_235 : memref<2x80x64xf32, #tpu.memory_space<vmem>>[vector<16xi32>, vector<16xi32>, vector<16xi32>], vector<16xf32>,
          %broadcast_in_dim3A_236 = arith.constant 2 : i32
          %broadcast_in_dim3A_237 = vector.broadcast %broadcast_in_dim3A_236 : i32 to vector<16xi32>
          %gather3A_238 = tpu.vector_load_idx %arg15[%add3A_191, %add3A_214, %broadcast_in_dim3A_237] : memref<2x80x64xf32, #tpu.memory_space<vmem>>[vector<16xi32>, vector<16xi32>, vector<16xi32>], vector<16xf32>,
          %mul3A_239 = arith.mulf %gather3A_238, %gather3A : vector<16xf32>
          tpu.vector_store_idx %arg16[%add3A_191, %add3A_214, %broadcast_in_dim3A_237], %mul3A_239 : memref<2x80x64xf32, #tpu.memory_space<vmem>>[vector<16xi32>, vector<16xi32>, vector<16xi32>], vector<16xf32>,
          %broadcast_in_dim3A_240 = arith.constant 3 : i32
          %broadcast_in_dim3A_241 = vector.broadcast %broadcast_in_dim3A_240 : i32 to vector<16xi32>
          %gather3A_242 = tpu.vector_load_idx %arg15[%add3A_191, %add3A_214, %broadcast_in_dim3A_241] : memref<2x80x64xf32, #tpu.memory_space<vmem>>[vector<16xi32>, vector<16xi32>, vector<16xi32>], vector<16xf32>,
          %mul3A_243 = arith.mulf %gather3A_242, %gather3A : vector<16xf32>
          tpu.vector_store_idx %arg16[%add3A_191, %add3A_214, %broadcast_in_dim3A_241], %mul3A_243 : memref<2x80x64xf32, #tpu.memory_space<vmem>>[vector<16xi32>, vector<16xi32>, vector<16xi32>], vector<16xf32>,
          %broadcast_in_dim3A_244 = arith.constant 4 : i32
          %broadcast_in_dim3A_245 = vector.broadcast %broadcast_in_dim3A_244 : i32 to vector<16xi32>
          %gather3A_246 = tpu.vector_load_idx %arg15[%add3A_191, %add3A_214, %broadcast_in_dim3A_245] : memref<2x80x64xf32, #tpu.memory_space<vmem>>[vector<16xi32>, vector<16xi32>, vector<16xi32>], vector<16xf32>,
          %mul3A_247 = arith.mulf %gather3A_246, %gather3A : vector<16xf32>
          tpu.vector_store_idx %arg16[%add3A_191, %add3A_214, %broadcast_in_dim3A_245], %mul3A_247 : memref<2x80x64xf32, #tpu.memory_space<vmem>>[vector<16xi32>, vector<16xi32>, vector<16xi32>], vector<16xf32>,
          %broadcast_in_dim3A_248 = arith.constant 5 : i32
          %broadcast_in_dim3A_249 = vector.broadcast %broadcast_in_dim3A_248 : i32 to vector<16xi32>
          %gather3A_250 = tpu.vector_load_idx %arg15[%add3A_191, %add3A_214, %broadcast_in_dim3A_249] : memref<2x80x64xf32, #tpu.memory_space<vmem>>[vector<16xi32>, vector<16xi32>, vector<16xi32>], vector<16xf32>,
          %mul3A_251 = arith.mulf %gather3A_250, %gather3A : vector<16xf32>
          tpu.vector_store_idx %arg16[%add3A_191, %add3A_214, %broadcast_in_dim3A_249], %mul3A_251 : memref<2x80x64xf32, #tpu.memory_space<vmem>>[vector<16xi32>, vector<16xi32>, vector<16xi32>], vector<16xf32>,
          %broadcast_in_dim3A_252 = arith.constant 6 : i32
          %broadcast_in_dim3A_253 = vector.broadcast %broadcast_in_dim3A_252 : i32 to vector<16xi32>
          %gather3A_254 = tpu.vector_load_idx %arg15[%add3A_191, %add3A_214, %broadcast_in_dim3A_253] : memref<2x80x64xf32, #tpu.memory_space<vmem>>[vector<16xi32>, vector<16xi32>, vector<16xi32>], vector<16xf32>,
          %mul3A_255 = arith.mulf %gather3A_254, %gather3A : vector<16xf32>
          tpu.vector_store_idx %arg16[%add3A_191, %add3A_214, %broadcast_in_dim3A_253], %mul3A_255 : memref<2x80x64xf32, #tpu.memory_space<vmem>>[vector<16xi32>, vector<16xi32>, vector<16xi32>], vector<16xf32>,
          %broadcast_in_dim3A_256 = arith.constant 7 : i32
          %broadcast_in_dim3A_257 = vector.broadcast %broadcast_in_dim3A_256 : i32 to vector<16xi32>
          %gather3A_258 = tpu.vector_load_idx %arg15[%add3A_191, %add3A_214, %broadcast_in_dim3A_257] : memref<2x80x64xf32, #tpu.memory_space<vmem>>[vector<16xi32>, vector<16xi32>, vector<16xi32>], vector<16xf32>,
          %mul3A_259 = arith.mulf %gather3A_258, %gather3A : vector<16xf32>
          tpu.vector_store_idx %arg16[%add3A_191, %add3A_214, %broadcast_in_dim3A_257], %mul3A_259 : memref<2x80x64xf32, #tpu.memory_space<vmem>>[vector<16xi32>, vector<16xi32>, vector<16xi32>], vector<16xf32>,
          %broadcast_in_dim3A_260 = arith.constant 8 : i32
          %broadcast_in_dim3A_261 = vector.broadcast %broadcast_in_dim3A_260 : i32 to vector<16xi32>
          %gather3A_262 = tpu.vector_load_idx %arg15[%add3A_191, %add3A_214, %broadcast_in_dim3A_261] : memref<2x80x64xf32, #tpu.memory_space<vmem>>[vector<16xi32>, vector<16xi32>, vector<16xi32>], vector<16xf32>,
          %mul3A_263 = arith.mulf %gather3A_262, %gather3A : vector<16xf32>
          tpu.vector_store_idx %arg16[%add3A_191, %add3A_214, %broadcast_in_dim3A_261], %mul3A_263 : memref<2x80x64xf32, #tpu.memory_space<vmem>>[vector<16xi32>, vector<16xi32>, vector<16xi32>], vector<16xf32>,
          %broadcast_in_dim3A_264 = arith.constant 9 : i32
          %broadcast_in_dim3A_265 = vector.broadcast %broadcast_in_dim3A_264 : i32 to vector<16xi32>
          %gather3A_266 = tpu.vector_load_idx %arg15[%add3A_191, %add3A_214, %broadcast_in_dim3A_265] : memref<2x80x64xf32, #tpu.memory_space<vmem>>[vector<16xi32>, vector<16xi32>, vector<16xi32>], vector<16xf32>,
          %mul3A_267 = arith.mulf %gather3A_266, %gather3A : vector<16xf32>
          tpu.vector_store_idx %arg16[%add3A_191, %add3A_214, %broadcast_in_dim3A_265], %mul3A_267 : memref<2x80x64xf32, #tpu.memory_space<vmem>>[vector<16xi32>, vector<16xi32>, vector<16xi32>], vector<16xf32>,
          %broadcast_in_dim3A_268 = arith.constant 10 : i32
          %broadcast_in_dim3A_269 = vector.broadcast %broadcast_in_dim3A_268 : i32 to vector<16xi32>
          %gather3A_270 = tpu.vector_load_idx %arg15[%add3A_191, %add3A_214, %broadcast_in_dim3A_269] : memref<2x80x64xf32, #tpu.memory_space<vmem>>[vector<16xi32>, vector<16xi32>, vector<16xi32>], vector<16xf32>,
          %mul3A_271 = arith.mulf %gather3A_270, %gather3A : vector<16xf32>
          tpu.vector_store_idx %arg16[%add3A_191, %add3A_214, %broadcast_in_dim3A_269], %mul3A_271 : memref<2x80x64xf32, #tpu.memory_space<vmem>>[vector<16xi32>, vector<16xi32>, vector<16xi32>], vector<16xf32>,
          %broadcast_in_dim3A_272 = arith.constant 11 : i32
          %broadcast_in_dim3A_273 = vector.broadcast %broadcast_in_dim3A_272 : i32 to vector<16xi32>
          %gather3A_274 = tpu.vector_load_idx %arg15[%add3A_191, %add3A_214, %broadcast_in_dim3A_273] : memref<2x80x64xf32, #tpu.memory_space<vmem>>[vector<16xi32>, vector<16xi32>, vector<16xi32>], vector<16xf32>,
          %mul3A_275 = arith.mulf %gather3A_274, %gather3A : vector<16xf32>
          tpu.vector_store_idx %arg16[%add3A_191, %add3A_214, %broadcast_in_dim3A_273], %mul3A_275 : memref<2x80x64xf32, #tpu.memory_space<vmem>>[vector<16xi32>, vector<16xi32>, vector<16xi32>], vector<16xf32>,
          %broadcast_in_dim3A_276 = arith.constant 12 : i32
          %broadcast_in_dim3A_277 = vector.broadcast %broadcast_in_dim3A_276 : i32 to vector<16xi32>
          %gather3A_278 = tpu.vector_load_idx %arg15[%add3A_191, %add3A_214, %broadcast_in_dim3A_277] : memref<2x80x64xf32, #tpu.memory_space<vmem>>[vector<16xi32>, vector<16xi32>, vector<16xi32>], vector<16xf32>,
          %mul3A_279 = arith.mulf %gather3A_278, %gather3A : vector<16xf32>
          tpu.vector_store_idx %arg16[%add3A_191, %add3A_214, %broadcast_in_dim3A_277], %mul3A_279 : memref<2x80x64xf32, #tpu.memory_space<vmem>>[vector<16xi32>, vector<16xi32>, vector<16xi32>], vector<16xf32>,
          %broadcast_in_dim3A_280 = arith.constant 13 : i32
          %broadcast_in_dim3A_281 = vector.broadcast %broadcast_in_dim3A_280 : i32 to vector<16xi32>
          %gather3A_282 = tpu.vector_load_idx %arg15[%add3A_191, %add3A_214, %broadcast_in_dim3A_281] : memref<2x80x64xf32, #tpu.memory_space<vmem>>[vector<16xi32>, vector<16xi32>, vector<16xi32>], vector<16xf32>,
          %mul3A_283 = arith.mulf %gather3A_282, %gather3A : vector<16xf32>
          tpu.vector_store_idx %arg16[%add3A_191, %add3A_214, %broadcast_in_dim3A_281], %mul3A_283 : memref<2x80x64xf32, #tpu.memory_space<vmem>>[vector<16xi32>, vector<16xi32>, vector<16xi32>], vector<16xf32>,
          %broadcast_in_dim3A_284 = arith.constant 14 : i32
          %broadcast_in_dim3A_285 = vector.broadcast %broadcast_in_dim3A_284 : i32 to vector<16xi32>
          %gather3A_286 = tpu.vector_load_idx %arg15[%add3A_191, %add3A_214, %broadcast_in_dim3A_285] : memref<2x80x64xf32, #tpu.memory_space<vmem>>[vector<16xi32>, vector<16xi32>, vector<16xi32>], vector<16xf32>,
          %mul3A_287 = arith.mulf %gather3A_286, %gather3A : vector<16xf32>
          tpu.vector_store_idx %arg16[%add3A_191, %add3A_214, %broadcast_in_dim3A_285], %mul3A_287 : memref<2x80x64xf32, #tpu.memory_space<vmem>>[vector<16xi32>, vector<16xi32>, vector<16xi32>], vector<16xf32>,
          %broadcast_in_dim3A_288 = arith.constant 15 : i32
          %broadcast_in_dim3A_289 = vector.broadcast %broadcast_in_dim3A_288 : i32 to vector<16xi32>
          %gather3A_290 = tpu.vector_load_idx %arg15[%add3A_191, %add3A_214, %broadcast_in_dim3A_289] : memref<2x80x64xf32, #tpu.memory_space<vmem>>[vector<16xi32>, vector<16xi32>, vector<16xi32>], vector<16xf32>,
          %mul3A_291 = arith.mulf %gather3A_290, %gather3A : vector<16xf32>
          tpu.vector_store_idx %arg16[%add3A_191, %add3A_214, %broadcast_in_dim3A_289], %mul3A_291 : memref<2x80x64xf32, #tpu.memory_space<vmem>>[vector<16xi32>, vector<16xi32>, vector<16xi32>], vector<16xf32>,
          %broadcast_in_dim3A_292 = arith.constant 16 : i32
          %broadcast_in_dim3A_293 = vector.broadcast %broadcast_in_dim3A_292 : i32 to vector<16xi32>
          %gather3A_294 = tpu.vector_load_idx %arg15[%add3A_191, %add3A_214, %broadcast_in_dim3A_293] : memref<2x80x64xf32, #tpu.memory_space<vmem>>[vector<16xi32>, vector<16xi32>, vector<16xi32>], vector<16xf32>,
          %mul3A_295 = arith.mulf %gather3A_294, %gather3A : vector<16xf32>
          tpu.vector_store_idx %arg16[%add3A_191, %add3A_214, %broadcast_in_dim3A_293], %mul3A_295 : memref<2x80x64xf32, #tpu.memory_space<vmem>>[vector<16xi32>, vector<16xi32>, vector<16xi32>], vector<16xf32>,
          %broadcast_in_dim3A_296 = arith.constant 17 : i32
          %broadcast_in_dim3A_297 = vector.broadcast %broadcast_in_dim3A_296 : i32 to vector<16xi32>
          %gather3A_298 = tpu.vector_load_idx %arg15[%add3A_191, %add3A_214, %broadcast_in_dim3A_297] : memref<2x80x64xf32, #tpu.memory_space<vmem>>[vector<16xi32>, vector<16xi32>, vector<16xi32>], vector<16xf32>,
          %mul3A_299 = arith.mulf %gather3A_298, %gather3A : vector<16xf32>
          tpu.vector_store_idx %arg16[%add3A_191, %add3A_214, %broadcast_in_dim3A_297], %mul3A_299 : memref<2x80x64xf32, #tpu.memory_space<vmem>>[vector<16xi32>, vector<16xi32>, vector<16xi32>], vector<16xf32>,
          %broadcast_in_dim3A_300 = arith.constant 18 : i32
          %broadcast_in_dim3A_301 = vector.broadcast %broadcast_in_dim3A_300 : i32 to vector<16xi32>
          %gather3A_302 = tpu.vector_load_idx %arg15[%add3A_191, %add3A_214, %broadcast_in_dim3A_301] : memref<2x80x64xf32, #tpu.memory_space<vmem>>[vector<16xi32>, vector<16xi32>, vector<16xi32>], vector<16xf32>,
          %mul3A_303 = arith.mulf %gather3A_302, %gather3A : vector<16xf32>
          tpu.vector_store_idx %arg16[%add3A_191, %add3A_214, %broadcast_in_dim3A_301], %mul3A_303 : memref<2x80x64xf32, #tpu.memory_space<vmem>>[vector<16xi32>, vector<16xi32>, vector<16xi32>], vector<16xf32>,
          %broadcast_in_dim3A_304 = arith.constant 19 : i32
          %broadcast_in_dim3A_305 = vector.broadcast %broadcast_in_dim3A_304 : i32 to vector<16xi32>
          %gather3A_306 = tpu.vector_load_idx %arg15[%add3A_191, %add3A_214, %broadcast_in_dim3A_305] : memref<2x80x64xf32, #tpu.memory_space<vmem>>[vector<16xi32>, vector<16xi32>, vector<16xi32>], vector<16xf32>,
          %mul3A_307 = arith.mulf %gather3A_306, %gather3A : vector<16xf32>
          tpu.vector_store_idx %arg16[%add3A_191, %add3A_214, %broadcast_in_dim3A_305], %mul3A_307 : memref<2x80x64xf32, #tpu.memory_space<vmem>>[vector<16xi32>, vector<16xi32>, vector<16xi32>], vector<16xf32>,
          %broadcast_in_dim3A_308 = arith.constant 20 : i32
          %broadcast_in_dim3A_309 = vector.broadcast %broadcast_in_dim3A_308 : i32 to vector<16xi32>
          %gather3A_310 = tpu.vector_load_idx %arg15[%add3A_191, %add3A_214, %broadcast_in_dim3A_309] : memref<2x80x64xf32, #tpu.memory_space<vmem>>[vector<16xi32>, vector<16xi32>, vector<16xi32>], vector<16xf32>,
          %mul3A_311 = arith.mulf %gather3A_310, %gather3A : vector<16xf32>
          tpu.vector_store_idx %arg16[%add3A_191, %add3A_214, %broadcast_in_dim3A_309], %mul3A_311 : memref<2x80x64xf32, #tpu.memory_space<vmem>>[vector<16xi32>, vector<16xi32>, vector<16xi32>], vector<16xf32>,
          %broadcast_in_dim3A_312 = arith.constant 21 : i32
          %broadcast_in_dim3A_313 = vector.broadcast %broadcast_in_dim3A_312 : i32 to vector<16xi32>
          %gather3A_314 = tpu.vector_load_idx %arg15[%add3A_191, %add3A_214, %broadcast_in_dim3A_313] : memref<2x80x64xf32, #tpu.memory_space<vmem>>[vector<16xi32>, vector<16xi32>, vector<16xi32>], vector<16xf32>,
          %mul3A_315 = arith.mulf %gather3A_314, %gather3A : vector<16xf32>
          tpu.vector_store_idx %arg16[%add3A_191, %add3A_214, %broadcast_in_dim3A_313], %mul3A_315 : memref<2x80x64xf32, #tpu.memory_space<vmem>>[vector<16xi32>, vector<16xi32>, vector<16xi32>], vector<16xf32>,
          %broadcast_in_dim3A_316 = arith.constant 22 : i32
          %broadcast_in_dim3A_317 = vector.broadcast %broadcast_in_dim3A_316 : i32 to vector<16xi32>
          %gather3A_318 = tpu.vector_load_idx %arg15[%add3A_191, %add3A_214, %broadcast_in_dim3A_317] : memref<2x80x64xf32, #tpu.memory_space<vmem>>[vector<16xi32>, vector<16xi32>, vector<16xi32>], vector<16xf32>,
          %mul3A_319 = arith.mulf %gather3A_318, %gather3A : vector<16xf32>
          tpu.vector_store_idx %arg16[%add3A_191, %add3A_214, %broadcast_in_dim3A_317], %mul3A_319 : memref<2x80x64xf32, #tpu.memory_space<vmem>>[vector<16xi32>, vector<16xi32>, vector<16xi32>], vector<16xf32>,
          %broadcast_in_dim3A_320 = arith.constant 23 : i32
          %broadcast_in_dim3A_321 = vector.broadcast %broadcast_in_dim3A_320 : i32 to vector<16xi32>
          %gather3A_322 = tpu.vector_load_idx %arg15[%add3A_191, %add3A_214, %broadcast_in_dim3A_321] : memref<2x80x64xf32, #tpu.memory_space<vmem>>[vector<16xi32>, vector<16xi32>, vector<16xi32>], vector<16xf32>,
          %mul3A_323 = arith.mulf %gather3A_322, %gather3A : vector<16xf32>
          tpu.vector_store_idx %arg16[%add3A_191, %add3A_214, %broadcast_in_dim3A_321], %mul3A_323 : memref<2x80x64xf32, #tpu.memory_space<vmem>>[vector<16xi32>, vector<16xi32>, vector<16xi32>], vector<16xf32>,
          %broadcast_in_dim3A_324 = arith.constant 24 : i32
          %broadcast_in_dim3A_325 = vector.broadcast %broadcast_in_dim3A_324 : i32 to vector<16xi32>
          %gather3A_326 = tpu.vector_load_idx %arg15[%add3A_191, %add3A_214, %broadcast_in_dim3A_325] : memref<2x80x64xf32, #tpu.memory_space<vmem>>[vector<16xi32>, vector<16xi32>, vector<16xi32>], vector<16xf32>,
          %mul3A_327 = arith.mulf %gather3A_326, %gather3A : vector<16xf32>
          tpu.vector_store_idx %arg16[%add3A_191, %add3A_214, %broadcast_in_dim3A_325], %mul3A_327 : memref<2x80x64xf32, #tpu.memory_space<vmem>>[vector<16xi32>, vector<16xi32>, vector<16xi32>], vector<16xf32>,
          %broadcast_in_dim3A_328 = arith.constant 25 : i32
          %broadcast_in_dim3A_329 = vector.broadcast %broadcast_in_dim3A_328 : i32 to vector<16xi32>
          %gather3A_330 = tpu.vector_load_idx %arg15[%add3A_191, %add3A_214, %broadcast_in_dim3A_329] : memref<2x80x64xf32, #tpu.memory_space<vmem>>[vector<16xi32>, vector<16xi32>, vector<16xi32>], vector<16xf32>,
          %mul3A_331 = arith.mulf %gather3A_330, %gather3A : vector<16xf32>
          tpu.vector_store_idx %arg16[%add3A_191, %add3A_214, %broadcast_in_dim3A_329], %mul3A_331 : memref<2x80x64xf32, #tpu.memory_space<vmem>>[vector<16xi32>, vector<16xi32>, vector<16xi32>], vector<16xf32>,
          %broadcast_in_dim3A_332 = arith.constant 26 : i32
          %broadcast_in_dim3A_333 = vector.broadcast %broadcast_in_dim3A_332 : i32 to vector<16xi32>
          %gather3A_334 = tpu.vector_load_idx %arg15[%add3A_191, %add3A_214, %broadcast_in_dim3A_333] : memref<2x80x64xf32, #tpu.memory_space<vmem>>[vector<16xi32>, vector<16xi32>, vector<16xi32>], vector<16xf32>,
          %mul3A_335 = arith.mulf %gather3A_334, %gather3A : vector<16xf32>
          tpu.vector_store_idx %arg16[%add3A_191, %add3A_214, %broadcast_in_dim3A_333], %mul3A_335 : memref<2x80x64xf32, #tpu.memory_space<vmem>>[vector<16xi32>, vector<16xi32>, vector<16xi32>], vector<16xf32>,
          %broadcast_in_dim3A_336 = arith.constant 27 : i32
          %broadcast_in_dim3A_337 = vector.broadcast %broadcast_in_dim3A_336 : i32 to vector<16xi32>
          %gather3A_338 = tpu.vector_load_idx %arg15[%add3A_191, %add3A_214, %broadcast_in_dim3A_337] : memref<2x80x64xf32, #tpu.memory_space<vmem>>[vector<16xi32>, vector<16xi32>, vector<16xi32>], vector<16xf32>,
          %mul3A_339 = arith.mulf %gather3A_338, %gather3A : vector<16xf32>
          tpu.vector_store_idx %arg16[%add3A_191, %add3A_214, %broadcast_in_dim3A_337], %mul3A_339 : memref<2x80x64xf32, #tpu.memory_space<vmem>>[vector<16xi32>, vector<16xi32>, vector<16xi32>], vector<16xf32>,
          %broadcast_in_dim3A_340 = arith.constant 28 : i32
          %broadcast_in_dim3A_341 = vector.broadcast %broadcast_in_dim3A_340 : i32 to vector<16xi32>
          %gather3A_342 = tpu.vector_load_idx %arg15[%add3A_191, %add3A_214, %broadcast_in_dim3A_341] : memref<2x80x64xf32, #tpu.memory_space<vmem>>[vector<16xi32>, vector<16xi32>, vector<16xi32>], vector<16xf32>,
          %mul3A_343 = arith.mulf %gather3A_342, %gather3A : vector<16xf32>
          tpu.vector_store_idx %arg16[%add3A_191, %add3A_214, %broadcast_in_dim3A_341], %mul3A_343 : memref<2x80x64xf32, #tpu.memory_space<vmem>>[vector<16xi32>, vector<16xi32>, vector<16xi32>], vector<16xf32>,
          %broadcast_in_dim3A_344 = arith.constant 29 : i32
          %broadcast_in_dim3A_345 = vector.broadcast %broadcast_in_dim3A_344 : i32 to vector<16xi32>
          %gather3A_346 = tpu.vector_load_idx %arg15[%add3A_191, %add3A_214, %broadcast_in_dim3A_345] : memref<2x80x64xf32, #tpu.memory_space<vmem>>[vector<16xi32>, vector<16xi32>, vector<16xi32>], vector<16xf32>,
          %mul3A_347 = arith.mulf %gather3A_346, %gather3A : vector<16xf32>
          tpu.vector_store_idx %arg16[%add3A_191, %add3A_214, %broadcast_in_dim3A_345], %mul3A_347 : memref<2x80x64xf32, #tpu.memory_space<vmem>>[vector<16xi32>, vector<16xi32>, vector<16xi32>], vector<16xf32>,
          %broadcast_in_dim3A_348 = arith.constant 30 : i32
          %broadcast_in_dim3A_349 = vector.broadcast %broadcast_in_dim3A_348 : i32 to vector<16xi32>
          %gather3A_350 = tpu.vector_load_idx %arg15[%add3A_191, %add3A_214, %broadcast_in_dim3A_349] : memref<2x80x64xf32, #tpu.memory_space<vmem>>[vector<16xi32>, vector<16xi32>, vector<16xi32>], vector<16xf32>,
          %mul3A_351 = arith.mulf %gather3A_350, %gather3A : vector<16xf32>
          tpu.vector_store_idx %arg16[%add3A_191, %add3A_214, %broadcast_in_dim3A_349], %mul3A_351 : memref<2x80x64xf32, #tpu.memory_space<vmem>>[vector<16xi32>, vector<16xi32>, vector<16xi32>], vector<16xf32>,
          %broadcast_in_dim3A_352 = arith.constant 31 : i32
          %broadcast_in_dim3A_353 = vector.broadcast %broadcast_in_dim3A_352 : i32 to vector<16xi32>
          %gather3A_354 = tpu.vector_load_idx %arg15[%add3A_191, %add3A_214, %broadcast_in_dim3A_353] : memref<2x80x64xf32, #tpu.memory_space<vmem>>[vector<16xi32>, vector<16xi32>, vector<16xi32>], vector<16xf32>,
          %mul3A_355 = arith.mulf %gather3A_354, %gather3A : vector<16xf32>
          tpu.vector_store_idx %arg16[%add3A_191, %add3A_214, %broadcast_in_dim3A_353], %mul3A_355 : memref<2x80x64xf32, #tpu.memory_space<vmem>>[vector<16xi32>, vector<16xi32>, vector<16xi32>], vector<16xf32>,
          %broadcast_in_dim3A_356 = arith.constant 32 : i32
          %broadcast_in_dim3A_357 = vector.broadcast %broadcast_in_dim3A_356 : i32 to vector<16xi32>
          %gather3A_358 = tpu.vector_load_idx %arg15[%add3A_191, %add3A_214, %broadcast_in_dim3A_357] : memref<2x80x64xf32, #tpu.memory_space<vmem>>[vector<16xi32>, vector<16xi32>, vector<16xi32>], vector<16xf32>,
          %mul3A_359 = arith.mulf %gather3A_358, %gather3A : vector<16xf32>
          tpu.vector_store_idx %arg16[%add3A_191, %add3A_214, %broadcast_in_dim3A_357], %mul3A_359 : memref<2x80x64xf32, #tpu.memory_space<vmem>>[vector<16xi32>, vector<16xi32>, vector<16xi32>], vector<16xf32>,
          %broadcast_in_dim3A_360 = arith.constant 33 : i32
          %broadcast_in_dim3A_361 = vector.broadcast %broadcast_in_dim3A_360 : i32 to vector<16xi32>
          %gather3A_362 = tpu.vector_load_idx %arg15[%add3A_191, %add3A_214, %broadcast_in_dim3A_361] : memref<2x80x64xf32, #tpu.memory_space<vmem>>[vector<16xi32>, vector<16xi32>, vector<16xi32>], vector<16xf32>,
          %mul3A_363 = arith.mulf %gather3A_362, %gather3A : vector<16xf32>
          tpu.vector_store_idx %arg16[%add3A_191, %add3A_214, %broadcast_in_dim3A_361], %mul3A_363 : memref<2x80x64xf32, #tpu.memory_space<vmem>>[vector<16xi32>, vector<16xi32>, vector<16xi32>], vector<16xf32>,
          %broadcast_in_dim3A_364 = arith.constant 34 : i32
          %broadcast_in_dim3A_365 = vector.broadcast %broadcast_in_dim3A_364 : i32 to vector<16xi32>
          %gather3A_366 = tpu.vector_load_idx %arg15[%add3A_191, %add3A_214, %broadcast_in_dim3A_365] : memref<2x80x64xf32, #tpu.memory_space<vmem>>[vector<16xi32>, vector<16xi32>, vector<16xi32>], vector<16xf32>,
          %mul3A_367 = arith.mulf %gather3A_366, %gather3A : vector<16xf32>
          tpu.vector_store_idx %arg16[%add3A_191, %add3A_214, %broadcast_in_dim3A_365], %mul3A_367 : memref<2x80x64xf32, #tpu.memory_space<vmem>>[vector<16xi32>, vector<16xi32>, vector<16xi32>], vector<16xf32>,
          %broadcast_in_dim3A_368 = arith.constant 35 : i32
          %broadcast_in_dim3A_369 = vector.broadcast %broadcast_in_dim3A_368 : i32 to vector<16xi32>
          %gather3A_370 = tpu.vector_load_idx %arg15[%add3A_191, %add3A_214, %broadcast_in_dim3A_369] : memref<2x80x64xf32, #tpu.memory_space<vmem>>[vector<16xi32>, vector<16xi32>, vector<16xi32>], vector<16xf32>,
          %mul3A_371 = arith.mulf %gather3A_370, %gather3A : vector<16xf32>
          tpu.vector_store_idx %arg16[%add3A_191, %add3A_214, %broadcast_in_dim3A_369], %mul3A_371 : memref<2x80x64xf32, #tpu.memory_space<vmem>>[vector<16xi32>, vector<16xi32>, vector<16xi32>], vector<16xf32>,
          %broadcast_in_dim3A_372 = arith.constant 36 : i32
          %broadcast_in_dim3A_373 = vector.broadcast %broadcast_in_dim3A_372 : i32 to vector<16xi32>
          %gather3A_374 = tpu.vector_load_idx %arg15[%add3A_191, %add3A_214, %broadcast_in_dim3A_373] : memref<2x80x64xf32, #tpu.memory_space<vmem>>[vector<16xi32>, vector<16xi32>, vector<16xi32>], vector<16xf32>,
          %mul3A_375 = arith.mulf %gather3A_374, %gather3A : vector<16xf32>
          tpu.vector_store_idx %arg16[%add3A_191, %add3A_214, %broadcast_in_dim3A_373], %mul3A_375 : memref<2x80x64xf32, #tpu.memory_space<vmem>>[vector<16xi32>, vector<16xi32>, vector<16xi32>], vector<16xf32>,
          %broadcast_in_dim3A_376 = arith.constant 37 : i32
          %broadcast_in_dim3A_377 = vector.broadcast %broadcast_in_dim3A_376 : i32 to vector<16xi32>
          %gather3A_378 = tpu.vector_load_idx %arg15[%add3A_191, %add3A_214, %broadcast_in_dim3A_377] : memref<2x80x64xf32, #tpu.memory_space<vmem>>[vector<16xi32>, vector<16xi32>, vector<16xi32>], vector<16xf32>,
          %mul3A_379 = arith.mulf %gather3A_378, %gather3A : vector<16xf32>
          tpu.vector_store_idx %arg16[%add3A_191, %add3A_214, %broadcast_in_dim3A_377], %mul3A_379 : memref<2x80x64xf32, #tpu.memory_space<vmem>>[vector<16xi32>, vector<16xi32>, vector<16xi32>], vector<16xf32>,
          %broadcast_in_dim3A_380 = arith.constant 38 : i32
          %broadcast_in_dim3A_381 = vector.broadcast %broadcast_in_dim3A_380 : i32 to vector<16xi32>
          %gather3A_382 = tpu.vector_load_idx %arg15[%add3A_191, %add3A_214, %broadcast_in_dim3A_381] : memref<2x80x64xf32, #tpu.memory_space<vmem>>[vector<16xi32>, vector<16xi32>, vector<16xi32>], vector<16xf32>,
          %mul3A_383 = arith.mulf %gather3A_382, %gather3A : vector<16xf32>
          tpu.vector_store_idx %arg16[%add3A_191, %add3A_214, %broadcast_in_dim3A_381], %mul3A_383 : memref<2x80x64xf32, #tpu.memory_space<vmem>>[vector<16xi32>, vector<16xi32>, vector<16xi32>], vector<16xf32>,
          %broadcast_in_dim3A_384 = arith.constant 39 : i32
          %broadcast_in_dim3A_385 = vector.broadcast %broadcast_in_dim3A_384 : i32 to vector<16xi32>
          %gather3A_386 = tpu.vector_load_idx %arg15[%add3A_191, %add3A_214, %broadcast_in_dim3A_385] : memref<2x80x64xf32, #tpu.memory_space<vmem>>[vector<16xi32>, vector<16xi32>, vector<16xi32>], vector<16xf32>,
          %mul3A_387 = arith.mulf %gather3A_386, %gather3A : vector<16xf32>
          tpu.vector_store_idx %arg16[%add3A_191, %add3A_214, %broadcast_in_dim3A_385], %mul3A_387 : memref<2x80x64xf32, #tpu.memory_space<vmem>>[vector<16xi32>, vector<16xi32>, vector<16xi32>], vector<16xf32>,
          %broadcast_in_dim3A_388 = arith.constant 40 : i32
          %broadcast_in_dim3A_389 = vector.broadcast %broadcast_in_dim3A_388 : i32 to vector<16xi32>
          %gather3A_390 = tpu.vector_load_idx %arg15[%add3A_191, %add3A_214, %broadcast_in_dim3A_389] : memref<2x80x64xf32, #tpu.memory_space<vmem>>[vector<16xi32>, vector<16xi32>, vector<16xi32>], vector<16xf32>,
          %mul3A_391 = arith.mulf %gather3A_390, %gather3A : vector<16xf32>
          tpu.vector_store_idx %arg16[%add3A_191, %add3A_214, %broadcast_in_dim3A_389], %mul3A_391 : memref<2x80x64xf32, #tpu.memory_space<vmem>>[vector<16xi32>, vector<16xi32>, vector<16xi32>], vector<16xf32>,
          %broadcast_in_dim3A_392 = arith.constant 41 : i32
          %broadcast_in_dim3A_393 = vector.broadcast %broadcast_in_dim3A_392 : i32 to vector<16xi32>
          %gather3A_394 = tpu.vector_load_idx %arg15[%add3A_191, %add3A_214, %broadcast_in_dim3A_393] : memref<2x80x64xf32, #tpu.memory_space<vmem>>[vector<16xi32>, vector<16xi32>, vector<16xi32>], vector<16xf32>,
          %mul3A_395 = arith.mulf %gather3A_394, %gather3A : vector<16xf32>
          tpu.vector_store_idx %arg16[%add3A_191, %add3A_214, %broadcast_in_dim3A_393], %mul3A_395 : memref<2x80x64xf32, #tpu.memory_space<vmem>>[vector<16xi32>, vector<16xi32>, vector<16xi32>], vector<16xf32>,
          %broadcast_in_dim3A_396 = arith.constant 42 : i32
          %broadcast_in_dim3A_397 = vector.broadcast %broadcast_in_dim3A_396 : i32 to vector<16xi32>
          %gather3A_398 = tpu.vector_load_idx %arg15[%add3A_191, %add3A_214, %broadcast_in_dim3A_397] : memref<2x80x64xf32, #tpu.memory_space<vmem>>[vector<16xi32>, vector<16xi32>, vector<16xi32>], vector<16xf32>,
          %mul3A_399 = arith.mulf %gather3A_398, %gather3A : vector<16xf32>
          tpu.vector_store_idx %arg16[%add3A_191, %add3A_214, %broadcast_in_dim3A_397], %mul3A_399 : memref<2x80x64xf32, #tpu.memory_space<vmem>>[vector<16xi32>, vector<16xi32>, vector<16xi32>], vector<16xf32>,
          %broadcast_in_dim3A_400 = arith.constant 43 : i32
          %broadcast_in_dim3A_401 = vector.broadcast %broadcast_in_dim3A_400 : i32 to vector<16xi32>
          %gather3A_402 = tpu.vector_load_idx %arg15[%add3A_191, %add3A_214, %broadcast_in_dim3A_401] : memref<2x80x64xf32, #tpu.memory_space<vmem>>[vector<16xi32>, vector<16xi32>, vector<16xi32>], vector<16xf32>,
          %mul3A_403 = arith.mulf %gather3A_402, %gather3A : vector<16xf32>
          tpu.vector_store_idx %arg16[%add3A_191, %add3A_214, %broadcast_in_dim3A_401], %mul3A_403 : memref<2x80x64xf32, #tpu.memory_space<vmem>>[vector<16xi32>, vector<16xi32>, vector<16xi32>], vector<16xf32>,
          %broadcast_in_dim3A_404 = arith.constant 44 : i32
          %broadcast_in_dim3A_405 = vector.broadcast %broadcast_in_dim3A_404 : i32 to vector<16xi32>
          %gather3A_406 = tpu.vector_load_idx %arg15[%add3A_191, %add3A_214, %broadcast_in_dim3A_405] : memref<2x80x64xf32, #tpu.memory_space<vmem>>[vector<16xi32>, vector<16xi32>, vector<16xi32>], vector<16xf32>,
          %mul3A_407 = arith.mulf %gather3A_406, %gather3A : vector<16xf32>
          tpu.vector_store_idx %arg16[%add3A_191, %add3A_214, %broadcast_in_dim3A_405], %mul3A_407 : memref<2x80x64xf32, #tpu.memory_space<vmem>>[vector<16xi32>, vector<16xi32>, vector<16xi32>], vector<16xf32>,
          %broadcast_in_dim3A_408 = arith.constant 45 : i32
          %broadcast_in_dim3A_409 = vector.broadcast %broadcast_in_dim3A_408 : i32 to vector<16xi32>
          %gather3A_410 = tpu.vector_load_idx %arg15[%add3A_191, %add3A_214, %broadcast_in_dim3A_409] : memref<2x80x64xf32, #tpu.memory_space<vmem>>[vector<16xi32>, vector<16xi32>, vector<16xi32>], vector<16xf32>,
          %mul3A_411 = arith.mulf %gather3A_410, %gather3A : vector<16xf32>
          tpu.vector_store_idx %arg16[%add3A_191, %add3A_214, %broadcast_in_dim3A_409], %mul3A_411 : memref<2x80x64xf32, #tpu.memory_space<vmem>>[vector<16xi32>, vector<16xi32>, vector<16xi32>], vector<16xf32>,
          %broadcast_in_dim3A_412 = arith.constant 46 : i32
          %broadcast_in_dim3A_413 = vector.broadcast %broadcast_in_dim3A_412 : i32 to vector<16xi32>
          %gather3A_414 = tpu.vector_load_idx %arg15[%add3A_191, %add3A_214, %broadcast_in_dim3A_413] : memref<2x80x64xf32, #tpu.memory_space<vmem>>[vector<16xi32>, vector<16xi32>, vector<16xi32>], vector<16xf32>,
          %mul3A_415 = arith.mulf %gather3A_414, %gather3A : vector<16xf32>
          tpu.vector_store_idx %arg16[%add3A_191, %add3A_214, %broadcast_in_dim3A_413], %mul3A_415 : memref<2x80x64xf32, #tpu.memory_space<vmem>>[vector<16xi32>, vector<16xi32>, vector<16xi32>], vector<16xf32>,
          %broadcast_in_dim3A_416 = arith.constant 47 : i32
          %broadcast_in_dim3A_417 = vector.broadcast %broadcast_in_dim3A_416 : i32 to vector<16xi32>
          %gather3A_418 = tpu.vector_load_idx %arg15[%add3A_191, %add3A_214, %broadcast_in_dim3A_417] : memref<2x80x64xf32, #tpu.memory_space<vmem>>[vector<16xi32>, vector<16xi32>, vector<16xi32>], vector<16xf32>,
          %mul3A_419 = arith.mulf %gather3A_418, %gather3A : vector<16xf32>
          tpu.vector_store_idx %arg16[%add3A_191, %add3A_214, %broadcast_in_dim3A_417], %mul3A_419 : memref<2x80x64xf32, #tpu.memory_space<vmem>>[vector<16xi32>, vector<16xi32>, vector<16xi32>], vector<16xf32>,
          %broadcast_in_dim3A_420 = arith.constant 48 : i32
          %broadcast_in_dim3A_421 = vector.broadcast %broadcast_in_dim3A_420 : i32 to vector<16xi32>
          %gather3A_422 = tpu.vector_load_idx %arg15[%add3A_191, %add3A_214, %broadcast_in_dim3A_421] : memref<2x80x64xf32, #tpu.memory_space<vmem>>[vector<16xi32>, vector<16xi32>, vector<16xi32>], vector<16xf32>,
          %mul3A_423 = arith.mulf %gather3A_422, %gather3A : vector<16xf32>
          tpu.vector_store_idx %arg16[%add3A_191, %add3A_214, %broadcast_in_dim3A_421], %mul3A_423 : memref<2x80x64xf32, #tpu.memory_space<vmem>>[vector<16xi32>, vector<16xi32>, vector<16xi32>], vector<16xf32>,
          %broadcast_in_dim3A_424 = arith.constant 49 : i32
          %broadcast_in_dim3A_425 = vector.broadcast %broadcast_in_dim3A_424 : i32 to vector<16xi32>
          %gather3A_426 = tpu.vector_load_idx %arg15[%add3A_191, %add3A_214, %broadcast_in_dim3A_425] : memref<2x80x64xf32, #tpu.memory_space<vmem>>[vector<16xi32>, vector<16xi32>, vector<16xi32>], vector<16xf32>,
          %mul3A_427 = arith.mulf %gather3A_426, %gather3A : vector<16xf32>
          tpu.vector_store_idx %arg16[%add3A_191, %add3A_214, %broadcast_in_dim3A_425], %mul3A_427 : memref<2x80x64xf32, #tpu.memory_space<vmem>>[vector<16xi32>, vector<16xi32>, vector<16xi32>], vector<16xf32>,
          %broadcast_in_dim3A_428 = arith.constant 50 : i32
          %broadcast_in_dim3A_429 = vector.broadcast %broadcast_in_dim3A_428 : i32 to vector<16xi32>
          %gather3A_430 = tpu.vector_load_idx %arg15[%add3A_191, %add3A_214, %broadcast_in_dim3A_429] : memref<2x80x64xf32, #tpu.memory_space<vmem>>[vector<16xi32>, vector<16xi32>, vector<16xi32>], vector<16xf32>,
          %mul3A_431 = arith.mulf %gather3A_430, %gather3A : vector<16xf32>
          tpu.vector_store_idx %arg16[%add3A_191, %add3A_214, %broadcast_in_dim3A_429], %mul3A_431 : memref<2x80x64xf32, #tpu.memory_space<vmem>>[vector<16xi32>, vector<16xi32>, vector<16xi32>], vector<16xf32>,
          %broadcast_in_dim3A_432 = arith.constant 51 : i32
          %broadcast_in_dim3A_433 = vector.broadcast %broadcast_in_dim3A_432 : i32 to vector<16xi32>
          %gather3A_434 = tpu.vector_load_idx %arg15[%add3A_191, %add3A_214, %broadcast_in_dim3A_433] : memref<2x80x64xf32, #tpu.memory_space<vmem>>[vector<16xi32>, vector<16xi32>, vector<16xi32>], vector<16xf32>,
          %mul3A_435 = arith.mulf %gather3A_434, %gather3A : vector<16xf32>
          tpu.vector_store_idx %arg16[%add3A_191, %add3A_214, %broadcast_in_dim3A_433], %mul3A_435 : memref<2x80x64xf32, #tpu.memory_space<vmem>>[vector<16xi32>, vector<16xi32>, vector<16xi32>], vector<16xf32>,
          %broadcast_in_dim3A_436 = arith.constant 52 : i32
          %broadcast_in_dim3A_437 = vector.broadcast %broadcast_in_dim3A_436 : i32 to vector<16xi32>
          %gather3A_438 = tpu.vector_load_idx %arg15[%add3A_191, %add3A_214, %broadcast_in_dim3A_437] : memref<2x80x64xf32, #tpu.memory_space<vmem>>[vector<16xi32>, vector<16xi32>, vector<16xi32>], vector<16xf32>,
          %mul3A_439 = arith.mulf %gather3A_438, %gather3A : vector<16xf32>
          tpu.vector_store_idx %arg16[%add3A_191, %add3A_214, %broadcast_in_dim3A_437], %mul3A_439 : memref<2x80x64xf32, #tpu.memory_space<vmem>>[vector<16xi32>, vector<16xi32>, vector<16xi32>], vector<16xf32>,
          %broadcast_in_dim3A_440 = arith.constant 53 : i32
          %broadcast_in_dim3A_441 = vector.broadcast %broadcast_in_dim3A_440 : i32 to vector<16xi32>
          %gather3A_442 = tpu.vector_load_idx %arg15[%add3A_191, %add3A_214, %broadcast_in_dim3A_441] : memref<2x80x64xf32, #tpu.memory_space<vmem>>[vector<16xi32>, vector<16xi32>, vector<16xi32>], vector<16xf32>,
          %mul3A_443 = arith.mulf %gather3A_442, %gather3A : vector<16xf32>
          tpu.vector_store_idx %arg16[%add3A_191, %add3A_214, %broadcast_in_dim3A_441], %mul3A_443 : memref<2x80x64xf32, #tpu.memory_space<vmem>>[vector<16xi32>, vector<16xi32>, vector<16xi32>], vector<16xf32>,
          %broadcast_in_dim3A_444 = arith.constant 54 : i32
          %broadcast_in_dim3A_445 = vector.broadcast %broadcast_in_dim3A_444 : i32 to vector<16xi32>
          %gather3A_446 = tpu.vector_load_idx %arg15[%add3A_191, %add3A_214, %broadcast_in_dim3A_445] : memref<2x80x64xf32, #tpu.memory_space<vmem>>[vector<16xi32>, vector<16xi32>, vector<16xi32>], vector<16xf32>,
          %mul3A_447 = arith.mulf %gather3A_446, %gather3A : vector<16xf32>
          tpu.vector_store_idx %arg16[%add3A_191, %add3A_214, %broadcast_in_dim3A_445], %mul3A_447 : memref<2x80x64xf32, #tpu.memory_space<vmem>>[vector<16xi32>, vector<16xi32>, vector<16xi32>], vector<16xf32>,
          %broadcast_in_dim3A_448 = arith.constant 55 : i32
          %broadcast_in_dim3A_449 = vector.broadcast %broadcast_in_dim3A_448 : i32 to vector<16xi32>
          %gather3A_450 = tpu.vector_load_idx %arg15[%add3A_191, %add3A_214, %broadcast_in_dim3A_449] : memref<2x80x64xf32, #tpu.memory_space<vmem>>[vector<16xi32>, vector<16xi32>, vector<16xi32>], vector<16xf32>,
          %mul3A_451 = arith.mulf %gather3A_450, %gather3A : vector<16xf32>
          tpu.vector_store_idx %arg16[%add3A_191, %add3A_214, %broadcast_in_dim3A_449], %mul3A_451 : memref<2x80x64xf32, #tpu.memory_space<vmem>>[vector<16xi32>, vector<16xi32>, vector<16xi32>], vector<16xf32>,
          %broadcast_in_dim3A_452 = arith.constant 56 : i32
          %broadcast_in_dim3A_453 = vector.broadcast %broadcast_in_dim3A_452 : i32 to vector<16xi32>
          %gather3A_454 = tpu.vector_load_idx %arg15[%add3A_191, %add3A_214, %broadcast_in_dim3A_453] : memref<2x80x64xf32, #tpu.memory_space<vmem>>[vector<16xi32>, vector<16xi32>, vector<16xi32>], vector<16xf32>,
          %mul3A_455 = arith.mulf %gather3A_454, %gather3A : vector<16xf32>
          tpu.vector_store_idx %arg16[%add3A_191, %add3A_214, %broadcast_in_dim3A_453], %mul3A_455 : memref<2x80x64xf32, #tpu.memory_space<vmem>>[vector<16xi32>, vector<16xi32>, vector<16xi32>], vector<16xf32>,
          %broadcast_in_dim3A_456 = arith.constant 57 : i32
          %broadcast_in_dim3A_457 = vector.broadcast %broadcast_in_dim3A_456 : i32 to vector<16xi32>
          %gather3A_458 = tpu.vector_load_idx %arg15[%add3A_191, %add3A_214, %broadcast_in_dim3A_457] : memref<2x80x64xf32, #tpu.memory_space<vmem>>[vector<16xi32>, vector<16xi32>, vector<16xi32>], vector<16xf32>,
          %mul3A_459 = arith.mulf %gather3A_458, %gather3A : vector<16xf32>
          tpu.vector_store_idx %arg16[%add3A_191, %add3A_214, %broadcast_in_dim3A_457], %mul3A_459 : memref<2x80x64xf32, #tpu.memory_space<vmem>>[vector<16xi32>, vector<16xi32>, vector<16xi32>], vector<16xf32>,
          %broadcast_in_dim3A_460 = arith.constant 58 : i32
          %broadcast_in_dim3A_461 = vector.broadcast %broadcast_in_dim3A_460 : i32 to vector<16xi32>
          %gather3A_462 = tpu.vector_load_idx %arg15[%add3A_191, %add3A_214, %broadcast_in_dim3A_461] : memref<2x80x64xf32, #tpu.memory_space<vmem>>[vector<16xi32>, vector<16xi32>, vector<16xi32>], vector<16xf32>,
          %mul3A_463 = arith.mulf %gather3A_462, %gather3A : vector<16xf32>
          tpu.vector_store_idx %arg16[%add3A_191, %add3A_214, %broadcast_in_dim3A_461], %mul3A_463 : memref<2x80x64xf32, #tpu.memory_space<vmem>>[vector<16xi32>, vector<16xi32>, vector<16xi32>], vector<16xf32>,
          %broadcast_in_dim3A_464 = arith.constant 59 : i32
          %broadcast_in_dim3A_465 = vector.broadcast %broadcast_in_dim3A_464 : i32 to vector<16xi32>
          %gather3A_466 = tpu.vector_load_idx %arg15[%add3A_191, %add3A_214, %broadcast_in_dim3A_465] : memref<2x80x64xf32, #tpu.memory_space<vmem>>[vector<16xi32>, vector<16xi32>, vector<16xi32>], vector<16xf32>,
          %mul3A_467 = arith.mulf %gather3A_466, %gather3A : vector<16xf32>
          tpu.vector_store_idx %arg16[%add3A_191, %add3A_214, %broadcast_in_dim3A_465], %mul3A_467 : memref<2x80x64xf32, #tpu.memory_space<vmem>>[vector<16xi32>, vector<16xi32>, vector<16xi32>], vector<16xf32>,
          %broadcast_in_dim3A_468 = arith.constant 60 : i32
          %broadcast_in_dim3A_469 = vector.broadcast %broadcast_in_dim3A_468 : i32 to vector<16xi32>
          %gather3A_470 = tpu.vector_load_idx %arg15[%add3A_191, %add3A_214, %broadcast_in_dim3A_469] : memref<2x80x64xf32, #tpu.memory_space<vmem>>[vector<16xi32>, vector<16xi32>, vector<16xi32>], vector<16xf32>,
          %mul3A_471 = arith.mulf %gather3A_470, %gather3A : vector<16xf32>
          tpu.vector_store_idx %arg16[%add3A_191, %add3A_214, %broadcast_in_dim3A_469], %mul3A_471 : memref<2x80x64xf32, #tpu.memory_space<vmem>>[vector<16xi32>, vector<16xi32>, vector<16xi32>], vector<16xf32>,
          %broadcast_in_dim3A_472 = arith.constant 61 : i32
          %broadcast_in_dim3A_473 = vector.broadcast %broadcast_in_dim3A_472 : i32 to vector<16xi32>
          %gather3A_474 = tpu.vector_load_idx %arg15[%add3A_191, %add3A_214, %broadcast_in_dim3A_473] : memref<2x80x64xf32, #tpu.memory_space<vmem>>[vector<16xi32>, vector<16xi32>, vector<16xi32>], vector<16xf32>,
          %mul3A_475 = arith.mulf %gather3A_474, %gather3A : vector<16xf32>
          tpu.vector_store_idx %arg16[%add3A_191, %add3A_214, %broadcast_in_dim3A_473], %mul3A_475 : memref<2x80x64xf32, #tpu.memory_space<vmem>>[vector<16xi32>, vector<16xi32>, vector<16xi32>], vector<16xf32>,
          %broadcast_in_dim3A_476 = arith.constant 62 : i32
          %broadcast_in_dim3A_477 = vector.broadcast %broadcast_in_dim3A_476 : i32 to vector<16xi32>
          %gather3A_478 = tpu.vector_load_idx %arg15[%add3A_191, %add3A_214, %broadcast_in_dim3A_477] : memref<2x80x64xf32, #tpu.memory_space<vmem>>[vector<16xi32>, vector<16xi32>, vector<16xi32>], vector<16xf32>,
          %mul3A_479 = arith.mulf %gather3A_478, %gather3A : vector<16xf32>
          tpu.vector_store_idx %arg16[%add3A_191, %add3A_214, %broadcast_in_dim3A_477], %mul3A_479 : memref<2x80x64xf32, #tpu.memory_space<vmem>>[vector<16xi32>, vector<16xi32>, vector<16xi32>], vector<16xf32>,
          %broadcast_in_dim3A_480 = arith.constant 63 : i32
          %broadcast_in_dim3A_481 = vector.broadcast %broadcast_in_dim3A_480 : i32 to vector<16xi32>
          %gather3A_482 = tpu.vector_load_idx %arg15[%add3A_191, %add3A_214, %broadcast_in_dim3A_481] : memref<2x80x64xf32, #tpu.memory_space<vmem>>[vector<16xi32>, vector<16xi32>, vector<16xi32>], vector<16xf32>,
          %mul3A_483 = arith.mulf %gather3A_482, %gather3A : vector<16xf32>
          tpu.vector_store_idx %arg16[%add3A_191, %add3A_214, %broadcast_in_dim3A_481], %mul3A_483 : memref<2x80x64xf32, #tpu.memory_space<vmem>>[vector<16xi32>, vector<16xi32>, vector<16xi32>], vector<16xf32>,
        }
        %scan3A_197 = arith.constant 5 : i32
        %dma_start3A_198 = arith.constant 0 : i32
        %dma_start3A_199 = arith.constant 0 : i32
        %dma_start3A_200 = tpu.memref_slice %arg16[%select_n3A_162, %dma_start3A_198, %dma_start3A_199] : memref<2x80x64xf32, #tpu.memory_space<vmem>> -> memref<1x80x64xf32, #tpu.memory_space<vmem>>
        %dma_start3A_201 = tpu.memref_squeeze %dma_start3A_200 : memref<1x80x64xf32, #tpu.memory_space<vmem>> -> memref<80x64xf32, #tpu.memory_space<vmem>>
        %dma_start3A_202 = arith.constant 0 : i32
        %dma_start3A_203 = tpu.memref_slice %arg11[%scan3A_146, %dma_start3A_202] : memref<25x80xi32, #tpu.memory_space<vmem>> -> memref<1x80xi32, #tpu.memory_space<vmem>>
        %dma_start3A_204 = tpu.memref_squeeze %dma_start3A_203 : memref<1x80xi32, #tpu.memory_space<vmem>> -> memref<80xi32, #tpu.memory_space<vmem>>
        %dma_start3A_205 = arith.constant 0 : i32
        %dma_start3A_206 = arith.constant 0 : i32
        %dma_start3A_207 = tpu.memref_slice %arg17[%dma_start3A_205, %dma_start3A_206] : memref<10000x64xf32, #tpu.memory_space<vmem_shared>> -> memref<10000x64xf32, #tpu.memory_space<vmem_shared>>
        %dma_start3A_208 = tpu.memref_slice %arg21[%select_n3A_162] : memref<2x!tpu.dma_semaphore, #tpu.memory_space<semaphore_mem>> -> memref<1x!tpu.dma_semaphore, #tpu.memory_space<semaphore_mem>>
        %dma_start3A_209 = tpu.memref_squeeze %dma_start3A_208 : memref<1x!tpu.dma_semaphore, #tpu.memory_space<semaphore_mem>> -> memref<!tpu.dma_semaphore, #tpu.memory_space<semaphore_mem>>
        tpu.enqueue_indirect_dma source(%dma_start3A_201 : memref<80x64xf32, #tpu.memory_space<vmem>>) target(%dma_start3A_207 : memref<10000x64xf32, #tpu.memory_space<vmem_shared>>) offsets(%dma_start3A_204 : memref<80xi32, #tpu.memory_space<vmem>>) semaphore(%dma_start3A_209 : memref<!tpu.dma_semaphore, #tpu.memory_space<semaphore_mem>>) {add = true}
      }
      %scan3A_116 = arith.constant 25 : i32
      %dma_wait3A = arith.constant 1 : i32
      %dma_wait3A_117 = arith.constant 23 : i32
      %dma_wait3A_118 = arith.constant 1 : i32
      %dma_wait3A_119 = arith.constant 0 : i32
      %dma_wait3A_120 = arith.constant 0 : i32
      %dma_wait3A_121 = tpu.memref_slice %arg16[%dma_wait3A, %dma_wait3A_119, %dma_wait3A_120] : memref<2x80x64xf32, #tpu.memory_space<vmem>> -> memref<1x80x64xf32, #tpu.memory_space<vmem>>
      %dma_wait3A_122 = tpu.memref_squeeze %dma_wait3A_121 : memref<1x80x64xf32, #tpu.memory_space<vmem>> -> memref<80x64xf32, #tpu.memory_space<vmem>>
      %dma_wait3A_123 = arith.constant 0 : i32
      %dma_wait3A_124 = tpu.memref_slice %arg11[%dma_wait3A_117, %dma_wait3A_123] : memref<25x80xi32, #tpu.memory_space<vmem>> -> memref<1x80xi32, #tpu.memory_space<vmem>>
      %dma_wait3A_125 = tpu.memref_squeeze %dma_wait3A_124 : memref<1x80xi32, #tpu.memory_space<vmem>> -> memref<80xi32, #tpu.memory_space<vmem>>
      %dma_wait3A_126 = arith.constant 0 : i32
      %dma_wait3A_127 = arith.constant 0 : i32
      %dma_wait3A_128 = tpu.memref_slice %arg17[%dma_wait3A_126, %dma_wait3A_127] : memref<10000x64xf32, #tpu.memory_space<vmem_shared>> -> memref<10000x64xf32, #tpu.memory_space<vmem_shared>>
      %dma_wait3A_129 = tpu.memref_slice %arg21[%dma_wait3A_118] : memref<2x!tpu.dma_semaphore, #tpu.memory_space<semaphore_mem>> -> memref<1x!tpu.dma_semaphore, #tpu.memory_space<semaphore_mem>>
      %dma_wait3A_130 = tpu.memref_squeeze %dma_wait3A_129 : memref<1x!tpu.dma_semaphore, #tpu.memory_space<semaphore_mem>> -> memref<!tpu.dma_semaphore, #tpu.memory_space<semaphore_mem>>
      tpu.wait_indirect_dma semaphore(%dma_wait3A_130 : memref<!tpu.dma_semaphore, #tpu.memory_space<semaphore_mem>>) src(%dma_wait3A_122 : memref<80x64xf32, #tpu.memory_space<vmem>>) dst(%dma_wait3A_128 : memref<10000x64xf32, #tpu.memory_space<vmem_shared>>)
      %dma_wait3A_131 = arith.constant 0 : i32
      %dma_wait3A_132 = arith.constant 24 : i32
      %dma_wait3A_133 = arith.constant 0 : i32
      %dma_wait3A_134 = arith.constant 0 : i32
      %dma_wait3A_135 = arith.constant 0 : i32
      %dma_wait3A_136 = tpu.memref_slice %arg16[%dma_wait3A_131, %dma_wait3A_134, %dma_wait3A_135] : memref<2x80x64xf32, #tpu.memory_space<vmem>> -> memref<1x80x64xf32, #tpu.memory_space<vmem>>
      %dma_wait3A_137 = tpu.memref_squeeze %dma_wait3A_136 : memref<1x80x64xf32, #tpu.memory_space<vmem>> -> memref<80x64xf32, #tpu.memory_space<vmem>>
      %dma_wait3A_138 = arith.constant 0 : i32
      %dma_wait3A_139 = tpu.memref_slice %arg11[%dma_wait3A_132, %dma_wait3A_138] : memref<25x80xi32, #tpu.memory_space<vmem>> -> memref<1x80xi32, #tpu.memory_space<vmem>>
      %dma_wait3A_140 = tpu.memref_squeeze %dma_wait3A_139 : memref<1x80xi32, #tpu.memory_space<vmem>> -> memref<80xi32, #tpu.memory_space<vmem>>
      %dma_wait3A_141 = arith.constant 0 : i32
      %dma_wait3A_142 = arith.constant 0 : i32
      %dma_wait3A_143 = tpu.memref_slice %arg17[%dma_wait3A_141, %dma_wait3A_142] : memref<10000x64xf32, #tpu.memory_space<vmem_shared>> -> memref<10000x64xf32, #tpu.memory_space<vmem_shared>>
      %dma_wait3A_144 = tpu.memref_slice %arg21[%dma_wait3A_133] : memref<2x!tpu.dma_semaphore, #tpu.memory_space<semaphore_mem>> -> memref<1x!tpu.dma_semaphore, #tpu.memory_space<semaphore_mem>>
      %dma_wait3A_145 = tpu.memref_squeeze %dma_wait3A_144 : memref<1x!tpu.dma_semaphore, #tpu.memory_space<semaphore_mem>> -> memref<!tpu.dma_semaphore, #tpu.memory_space<semaphore_mem>>
      tpu.wait_indirect_dma semaphore(%dma_wait3A_145 : memref<!tpu.dma_semaphore, #tpu.memory_space<semaphore_mem>>) src(%dma_wait3A_137 : memref<80x64xf32, #tpu.memory_space<vmem>>) dst(%dma_wait3A_143 : memref<10000x64xf32, #tpu.memory_space<vmem_shared>>)
    }
    %scan3A_55 = arith.constant 10 : i32
    %barrier3A_56 = arith.constant 0 : index
    tpu.barrier barrier_id(%barrier3A_56)
    "tpu.region"() ({
      %run_scoped3A = tpu.sem_alloc : memref<!tpu.dma_semaphore, #tpu.memory_space<semaphore_mem>>
      %dma_start3A = arith.constant 0 : i32
      %dma_start3A_57 = tpu.memref_slice %arg8[%arg0, %mul3A_0, %dma_start3A] : memref<2x10000x64xf32, #tpu.memory_space<hbm>> -> memref<1x625x64xf32, #tpu.memory_space<hbm>>
      %dma_start3A_58 = tpu.memref_squeeze %dma_start3A_57 : memref<1x625x64xf32, #tpu.memory_space<hbm>> -> memref<625x64xf32, #tpu.memory_space<hbm>>
      %dma_start3A_59 = arith.constant 0 : i32
      %dma_start3A_60 = tpu.memref_slice %arg17[%mul3A_0, %dma_start3A_59] : memref<10000x64xf32, #tpu.memory_space<vmem_shared>> -> memref<625x64xf32, #tpu.memory_space<vmem_shared>>
      tpu.enqueue_dma source(%dma_start3A_60 : memref<625x64xf32, #tpu.memory_space<vmem_shared>>) target(%dma_start3A_58 : memref<625x64xf32, #tpu.memory_space<hbm>>) target_semaphore(%run_scoped3A : memref<!tpu.dma_semaphore, #tpu.memory_space<semaphore_mem>>)
      %dma_wait3A = arith.constant 0 : i32
      %dma_wait3A_61 = tpu.memref_slice %arg8[%arg0, %mul3A_0, %dma_wait3A] : memref<2x10000x64xf32, #tpu.memory_space<hbm>> -> memref<1x625x64xf32, #tpu.memory_space<hbm>>
      %dma_wait3A_62 = tpu.memref_squeeze %dma_wait3A_61 : memref<1x625x64xf32, #tpu.memory_space<hbm>> -> memref<625x64xf32, #tpu.memory_space<hbm>>
      %dma_wait3A_63 = arith.constant 0 : i32
      %dma_wait3A_64 = tpu.memref_slice %arg17[%mul3A_0, %dma_wait3A_63] : memref<10000x64xf32, #tpu.memory_space<vmem_shared>> -> memref<625x64xf32, #tpu.memory_space<vmem_shared>>
      tpu.wait_dma2 semaphore(%run_scoped3A : memref<!tpu.dma_semaphore, #tpu.memory_space<semaphore_mem>>) src(%dma_wait3A_64 : memref<625x64xf32, #tpu.memory_space<vmem_shared>>) dst(%dma_wait3A_62 : memref<625x64xf32, #tpu.memory_space<hbm>>)
      tpu.yield
    }) : () -> ()
    "tpu.region"() ({
      %run_scoped3A = tpu.sem_alloc : memref<!tpu.dma_semaphore, #tpu.memory_space<semaphore_mem>>
      %dma_start3A = arith.constant 0 : i32
      %dma_start3A_57 = tpu.memref_slice %arg9[%arg0, %mul3A_0, %dma_start3A] : memref<2x10000x8xf32, #tpu.memory_space<hbm>> -> memref<1x625x8xf32, #tpu.memory_space<hbm>>
      %dma_start3A_58 = tpu.memref_squeeze %dma_start3A_57 : memref<1x625x8xf32, #tpu.memory_space<hbm>> -> memref<625x8xf32, #tpu.memory_space<hbm>>
      %dma_start3A_59 = arith.constant 0 : i32
      %dma_start3A_60 = tpu.memref_slice %arg18[%mul3A_0, %dma_start3A_59] : memref<10000x8xf32, #tpu.memory_space<vmem_shared>> -> memref<625x8xf32, #tpu.memory_space<vmem_shared>>
      tpu.enqueue_dma source(%dma_start3A_60 : memref<625x8xf32, #tpu.memory_space<vmem_shared>>) target(%dma_start3A_58 : memref<625x8xf32, #tpu.memory_space<hbm>>) target_semaphore(%run_scoped3A : memref<!tpu.dma_semaphore, #tpu.memory_space<semaphore_mem>>)
      %dma_wait3A = arith.constant 0 : i32
      %dma_wait3A_61 = tpu.memref_slice %arg9[%arg0, %mul3A_0, %dma_wait3A] : memref<2x10000x8xf32, #tpu.memory_space<hbm>> -> memref<1x625x8xf32, #tpu.memory_space<hbm>>
      %dma_wait3A_62 = tpu.memref_squeeze %dma_wait3A_61 : memref<1x625x8xf32, #tpu.memory_space<hbm>> -> memref<625x8xf32, #tpu.memory_space<hbm>>
      %dma_wait3A_63 = arith.constant 0 : i32
      %dma_wait3A_64 = tpu.memref_slice %arg18[%mul3A_0, %dma_wait3A_63] : memref<10000x8xf32, #tpu.memory_space<vmem_shared>> -> memref<625x8xf32, #tpu.memory_space<vmem_shared>>
      tpu.wait_dma2 semaphore(%run_scoped3A : memref<!tpu.dma_semaphore, #tpu.memory_space<semaphore_mem>>) src(%dma_wait3A_64 : memref<625x8xf32, #tpu.memory_space<vmem_shared>>) dst(%dma_wait3A_62 : memref<625x8xf32, #tpu.memory_space<hbm>>)
      tpu.yield
    }) : () -> ()
    return
  }
}

module attributes {stable_mosaic.version = 14 : i64} {
  func.func @_lin_body(%arg0: i32, %arg1: memref<80x128xf32, #tpu.memory_space<vmem>>, %arg2: memref<128x128xf32, #tpu.memory_space<vmem>>, %arg3: memref<128x8xf32, #tpu.memory_space<vmem>>, %arg4: memref<2x80x64xf32, #tpu.memory_space<vmem>>, %arg5: memref<80x8xf32, #tpu.memory_space<vmem>>) attributes {dimension_semantics = [#tpu.dimension_semantics<arbitrary>], iteration_bounds = array<i64: 125>, scalar_prefetch = 0 : i64, scratch_operands = 0 : i64, tpu.core_type = #tpu.core_type<tc>, window_params = [{transform_indices = @transform_0, window_bounds = array<i64: 80, 128>}, {pipeline_mode = #tpu.pipeline_mode<synchronous>, transform_indices = @transform_1, window_bounds = array<i64: 128, 128>}, {pipeline_mode = #tpu.pipeline_mode<synchronous>, transform_indices = @transform_2, window_bounds = array<i64: 128, 8>}, {transform_indices = @transform_3, window_bounds = array<i64: 2, 80, 64>}, {transform_indices = @transform_4, window_bounds = array<i64: 80, 8>}]} {
    %get3A = arith.constant 0 : index
    %get3A_0 = arith.constant 0 : index
    %get3A_1 = vector.load %arg1[%get3A, %get3A_0] : memref<80x128xf32, #tpu.memory_space<vmem>>, vector<80x128xf32>
    %get3A_2 = arith.constant 0 : index
    %get3A_3 = arith.constant 0 : index
    %get3A_4 = vector.load %arg2[%get3A_2, %get3A_3] : memref<128x128xf32, #tpu.memory_space<vmem>>, vector<128x128xf32>
    %dot_general3A = arith.constant dense<0.000000e+00> : vector<80x128xf32>
    %dot_general3A_5 = tpu.matmul %get3A_1, %get3A_4, %dot_general3A {dimension_numbers = #tpu.dot_dimension_numbers<[1], [0], [0], [1], [0, 0, 1, 1], [], []>, transpose_lhs_hint = false} : vector<80x128xf32>, vector<128x128xf32>, vector<80x128xf32> -> vector<80x128xf32>
    %slice3A = vector.extract_strided_slice %dot_general3A_5 {offsets = [0, 0], sizes = [80, 64], strides = [1, 1]} : vector<80x128xf32> to vector<80x64xf32>
    %swap3A = arith.constant 0 : index
    %swap3A_6 = arith.constant 0 : index
    %swap3A_7 = arith.constant 0 : index
    %swap3A_8 = vector.load %arg4[%swap3A, %swap3A_6, %swap3A_7] : memref<2x80x64xf32, #tpu.memory_space<vmem>>, vector<1x80x64xf32>
    %swap3A_9 = vector.shape_cast %swap3A_8 : vector<1x80x64xf32> to vector<80x64xf32>
    %swap3A_10 = vector.shape_cast %slice3A : vector<80x64xf32> to vector<1x80x64xf32>
    tpu.vector_store %arg4[%swap3A, %swap3A_6, %swap3A_7], %swap3A_10 {strides = array<i32>} : memref<2x80x64xf32, #tpu.memory_space<vmem>>, vector<1x80x64xf32>,
    %slice3A_11 = vector.extract_strided_slice %dot_general3A_5 {offsets = [0, 64], sizes = [80, 64], strides = [1, 1]} : vector<80x128xf32> to vector<80x64xf32>
    %swap3A_12 = arith.constant 1 : index
    %swap3A_13 = arith.constant 0 : index
    %swap3A_14 = arith.constant 0 : index
    %swap3A_15 = vector.load %arg4[%swap3A_12, %swap3A_13, %swap3A_14] : memref<2x80x64xf32, #tpu.memory_space<vmem>>, vector<1x80x64xf32>
    %swap3A_16 = vector.shape_cast %swap3A_15 : vector<1x80x64xf32> to vector<80x64xf32>
    %swap3A_17 = vector.shape_cast %slice3A_11 : vector<80x64xf32> to vector<1x80x64xf32>
    tpu.vector_store %arg4[%swap3A_12, %swap3A_13, %swap3A_14], %swap3A_17 {strides = array<i32>} : memref<2x80x64xf32, #tpu.memory_space<vmem>>, vector<1x80x64xf32>,
    %get3A_18 = arith.constant 0 : index
    %get3A_19 = arith.constant 0 : index
    %get3A_20 = vector.load %arg3[%get3A_18, %get3A_19] : memref<128x8xf32, #tpu.memory_space<vmem>>, vector<128x8xf32>
    %dot_general3A_21 = arith.constant dense<0.000000e+00> : vector<80x8xf32>
    %dot_general3A_22 = tpu.matmul %get3A_1, %get3A_20, %dot_general3A_21 {dimension_numbers = #tpu.dot_dimension_numbers<[1], [0], [0], [1], [0, 0, 1, 1], [], []>, transpose_lhs_hint = false} : vector<80x128xf32>, vector<128x8xf32>, vector<80x8xf32> -> vector<80x8xf32>
    %swap3A_23 = arith.constant 0 : index
    %swap3A_24 = arith.constant 0 : index
    %swap3A_25 = vector.load %arg5[%swap3A_23, %swap3A_24] : memref<80x8xf32, #tpu.memory_space<vmem>>, vector<80x8xf32>
    tpu.vector_store %arg5[%swap3A_23, %swap3A_24], %dot_general3A_22 {strides = array<i32>} : memref<80x8xf32, #tpu.memory_space<vmem>>, vector<80x8xf32>,
    return
  }
  func.func @transform_0(%arg0: i32) -> (i32, i32) {
    %c0_i32 = arith.constant 0 : i32
    %c0_i32_0 = arith.constant 0 : i32
    return %arg0, %c0_i32 : i32, i32
  }
  func.func @transform_1(%arg0: i32) -> (i32, i32) {
    %c0_i32 = arith.constant 0 : i32
    %c0_i32_0 = arith.constant 0 : i32
    %c0_i32_1 = arith.constant 0 : i32
    return %c0_i32, %c0_i32_0 : i32, i32
  }
  func.func @transform_2(%arg0: i32) -> (i32, i32) {
    %c0_i32 = arith.constant 0 : i32
    %c0_i32_0 = arith.constant 0 : i32
    %c0_i32_1 = arith.constant 0 : i32
    return %c0_i32, %c0_i32_0 : i32, i32
  }
  func.func @transform_3(%arg0: i32) -> (i32, i32, i32) {
    %c0_i32 = arith.constant 0 : i32
    %c0_i32_0 = arith.constant 0 : i32
    %c0_i32_1 = arith.constant 0 : i32
    return %c0_i32, %arg0, %c0_i32_0 : i32, i32, i32
  }
  func.func @transform_4(%arg0: i32) -> (i32, i32) {
    %c0_i32 = arith.constant 0 : i32
    %c0_i32_0 = arith.constant 0 : i32
    return %arg0, %c0_i32 : i32, i32
  }
}

module attributes {stable_mosaic.version = 14 : i64} {
  func.func @_mid_body(%arg0: i32, %arg1: memref<2x80x64xf32, #tpu.memory_space<vmem>>, %arg2: memref<1x80x8xf32, #tpu.memory_space<vmem>>, %arg3: memref<1x128xf32, #tpu.memory_space<vmem>>, %arg4: memref<4x128xf32, #tpu.memory_space<vmem>>, %arg5: memref<128x128xf32, #tpu.memory_space<vmem>>, %arg6: memref<128x8xf32, #tpu.memory_space<vmem>>, %arg7: memref<80x128xf32, #tpu.memory_space<vmem>>, %arg8: memref<2x80x64xf32, #tpu.memory_space<vmem>>, %arg9: memref<80x8xf32, #tpu.memory_space<vmem>>) attributes {dimension_semantics = [#tpu.dimension_semantics<arbitrary>], iteration_bounds = array<i64: 125>, scalar_prefetch = 0 : i64, scratch_operands = 0 : i64, tpu.core_type = #tpu.core_type<tc>, window_params = [{transform_indices = @transform_0, window_bounds = array<i64: 2, 80, 64>}, {transform_indices = @transform_1, window_bounds = array<i64: 1, 80, 8>}, {pipeline_mode = #tpu.pipeline_mode<synchronous>, transform_indices = @transform_2, window_bounds = array<i64: 1, 128>}, {pipeline_mode = #tpu.pipeline_mode<synchronous>, transform_indices = @transform_3, window_bounds = array<i64: 4, 128>}, {pipeline_mode = #tpu.pipeline_mode<synchronous>, transform_indices = @transform_4, window_bounds = array<i64: 128, 128>}, {pipeline_mode = #tpu.pipeline_mode<synchronous>, transform_indices = @transform_5, window_bounds = array<i64: 128, 8>}, {transform_indices = @transform_6, window_bounds = array<i64: 80, 128>}, {transform_indices = @transform_7, window_bounds = array<i64: 2, 80, 64>}, {transform_indices = @transform_8, window_bounds = array<i64: 80, 8>}]} {
    %get3A = arith.constant 0 : index
    %get3A_0 = arith.constant 0 : index
    %get3A_1 = arith.constant 0 : index
    %get3A_2 = vector.load %arg1[%get3A, %get3A_0, %get3A_1] : memref<2x80x64xf32, #tpu.memory_space<vmem>>, vector<1x80x64xf32>
    %get3A_3 = vector.shape_cast %get3A_2 : vector<1x80x64xf32> to vector<80x64xf32>
    %get3A_4 = arith.constant 1 : index
    %get3A_5 = arith.constant 0 : index
    %get3A_6 = arith.constant 0 : index
    %get3A_7 = vector.load %arg1[%get3A_4, %get3A_5, %get3A_6] : memref<2x80x64xf32, #tpu.memory_space<vmem>>, vector<1x80x64xf32>
    %get3A_8 = vector.shape_cast %get3A_7 : vector<1x80x64xf32> to vector<80x64xf32>
    %concatenate3A = tpu.concatenate %get3A_3, %get3A_8 in 1 : vector<80x64xf32>, vector<80x64xf32> -> vector<80x128xf32>
    %get3A_9 = arith.constant 0 : index
    %get3A_10 = arith.constant 0 : index
    %get3A_11 = arith.constant 0 : index
    %get3A_12 = vector.load %arg2[%get3A_9, %get3A_10, %get3A_11] : memref<1x80x8xf32, #tpu.memory_space<vmem>>, vector<1x80x8xf32>
    %get3A_13 = vector.shape_cast %get3A_12 : vector<1x80x8xf32> to vector<80x8xf32>
    %slice3A = vector.extract_strided_slice %get3A_13 {offsets = [0, 0], sizes = [80, 4], strides = [1, 1]} : vector<80x8xf32> to vector<80x4xf32>
    %max3A = arith.constant 9.99999971E-10 : f32
    %max3A_14 = vector.broadcast %max3A : f32 to vector<80x4xf32>
    %max3A_15 = arith.maximumf %slice3A, %max3A_14 : vector<80x4xf32>
    %div3A = arith.constant 1.000000e+00 : f32
    %div3A_16 = vector.broadcast %div3A : f32 to vector<80x4xf32>
    %div3A_17 = arith.divf %div3A_16, %max3A_15 : vector<80x4xf32>
    %get3A_18 = arith.constant 0 : index
    %get3A_19 = arith.constant 0 : index
    %get3A_20 = vector.load %arg4[%get3A_18, %get3A_19] : memref<4x128xf32, #tpu.memory_space<vmem>>, vector<4x128xf32>
    %dot_general3A = arith.constant dense<0.000000e+00> : vector<80x128xf32>
    %dot_general3A_21 = tpu.matmul %div3A_17, %get3A_20, %dot_general3A {dimension_numbers = #tpu.dot_dimension_numbers<[1], [0], [0], [1], [0, 0, 1, 1], [], []>, precision = #tpu.contract_precision<fp32>, transpose_lhs_hint = false} : vector<80x4xf32>, vector<4x128xf32>, vector<80x128xf32> -> vector<80x128xf32>
    %mul3A = arith.mulf %concatenate3A, %dot_general3A_21 : vector<80x128xf32>
    %get3A_22 = arith.constant 0 : index
    %get3A_23 = arith.constant 0 : index
    %get3A_24 = vector.load %arg3[%get3A_22, %get3A_23] : memref<1x128xf32, #tpu.memory_space<vmem>>, vector<1x128xf32>
    %add3A = vector.broadcast %get3A_24 : vector<1x128xf32> to vector<80x128xf32>
    %add3A_25 = arith.addf %mul3A, %add3A : vector<80x128xf32>
    %max3A_26 = arith.constant 0.000000e+00 : f32
    %max3A_27 = vector.broadcast %max3A_26 : f32 to vector<80x128xf32>
    %max3A_28 = arith.maximumf %add3A_25, %max3A_27 : vector<80x128xf32>
    %swap3A = arith.constant 0 : index
    %swap3A_29 = arith.constant 0 : index
    %swap3A_30 = vector.load %arg7[%swap3A, %swap3A_29] : memref<80x128xf32, #tpu.memory_space<vmem>>, vector<80x128xf32>
    tpu.vector_store %arg7[%swap3A, %swap3A_29], %max3A_28 {strides = array<i32>} : memref<80x128xf32, #tpu.memory_space<vmem>>, vector<80x128xf32>,
    %get3A_31 = arith.constant 0 : index
    %get3A_32 = arith.constant 0 : index
    %get3A_33 = vector.load %arg5[%get3A_31, %get3A_32] : memref<128x128xf32, #tpu.memory_space<vmem>>, vector<128x128xf32>
    %dot_general3A_34 = arith.constant dense<0.000000e+00> : vector<80x128xf32>
    %dot_general3A_35 = tpu.matmul %max3A_28, %get3A_33, %dot_general3A_34 {dimension_numbers = #tpu.dot_dimension_numbers<[1], [0], [0], [1], [0, 0, 1, 1], [], []>, transpose_lhs_hint = false} : vector<80x128xf32>, vector<128x128xf32>, vector<80x128xf32> -> vector<80x128xf32>
    %slice3A_36 = vector.extract_strided_slice %dot_general3A_35 {offsets = [0, 0], sizes = [80, 64], strides = [1, 1]} : vector<80x128xf32> to vector<80x64xf32>
    %swap3A_37 = arith.constant 0 : index
    %swap3A_38 = arith.constant 0 : index
    %swap3A_39 = arith.constant 0 : index
    %swap3A_40 = vector.load %arg8[%swap3A_37, %swap3A_38, %swap3A_39] : memref<2x80x64xf32, #tpu.memory_space<vmem>>, vector<1x80x64xf32>
    %swap3A_41 = vector.shape_cast %swap3A_40 : vector<1x80x64xf32> to vector<80x64xf32>
    %swap3A_42 = vector.shape_cast %slice3A_36 : vector<80x64xf32> to vector<1x80x64xf32>
    tpu.vector_store %arg8[%swap3A_37, %swap3A_38, %swap3A_39], %swap3A_42 {strides = array<i32>} : memref<2x80x64xf32, #tpu.memory_space<vmem>>, vector<1x80x64xf32>,
    %slice3A_43 = vector.extract_strided_slice %dot_general3A_35 {offsets = [0, 64], sizes = [80, 64], strides = [1, 1]} : vector<80x128xf32> to vector<80x64xf32>
    %swap3A_44 = arith.constant 1 : index
    %swap3A_45 = arith.constant 0 : index
    %swap3A_46 = arith.constant 0 : index
    %swap3A_47 = vector.load %arg8[%swap3A_44, %swap3A_45, %swap3A_46] : memref<2x80x64xf32, #tpu.memory_space<vmem>>, vector<1x80x64xf32>
    %swap3A_48 = vector.shape_cast %swap3A_47 : vector<1x80x64xf32> to vector<80x64xf32>
    %swap3A_49 = vector.shape_cast %slice3A_43 : vector<80x64xf32> to vector<1x80x64xf32>
    tpu.vector_store %arg8[%swap3A_44, %swap3A_45, %swap3A_46], %swap3A_49 {strides = array<i32>} : memref<2x80x64xf32, #tpu.memory_space<vmem>>, vector<1x80x64xf32>,
    %get3A_50 = arith.constant 0 : index
    %get3A_51 = arith.constant 0 : index
    %get3A_52 = vector.load %arg6[%get3A_50, %get3A_51] : memref<128x8xf32, #tpu.memory_space<vmem>>, vector<128x8xf32>
    %dot_general3A_53 = arith.constant dense<0.000000e+00> : vector<80x8xf32>
    %dot_general3A_54 = tpu.matmul %max3A_28, %get3A_52, %dot_general3A_53 {dimension_numbers = #tpu.dot_dimension_numbers<[1], [0], [0], [1], [0, 0, 1, 1], [], []>, transpose_lhs_hint = false} : vector<80x128xf32>, vector<128x8xf32>, vector<80x8xf32> -> vector<80x8xf32>
    %swap3A_55 = arith.constant 0 : index
    %swap3A_56 = arith.constant 0 : index
    %swap3A_57 = vector.load %arg9[%swap3A_55, %swap3A_56] : memref<80x8xf32, #tpu.memory_space<vmem>>, vector<80x8xf32>
    tpu.vector_store %arg9[%swap3A_55, %swap3A_56], %dot_general3A_54 {strides = array<i32>} : memref<80x8xf32, #tpu.memory_space<vmem>>, vector<80x8xf32>,
    return
  }
  func.func @transform_0(%arg0: i32) -> (i32, i32, i32) {
    %c0_i32 = arith.constant 0 : i32
    %c0_i32_0 = arith.constant 0 : i32
    %c0_i32_1 = arith.constant 0 : i32
    return %c0_i32, %arg0, %c0_i32_0 : i32, i32, i32
  }
  func.func @transform_1(%arg0: i32) -> (i32, i32, i32) {
    %c0_i32 = arith.constant 0 : i32
    %c0_i32_0 = arith.constant 0 : i32
    %c0_i32_1 = arith.constant 0 : i32
    return %c0_i32, %arg0, %c0_i32_0 : i32, i32, i32
  }
  func.func @transform_2(%arg0: i32) -> (i32, i32) {
    %c0_i32 = arith.constant 0 : i32
    %c0_i32_0 = arith.constant 0 : i32
    %c0_i32_1 = arith.constant 0 : i32
    return %c0_i32, %c0_i32_0 : i32, i32
  }
  func.func @transform_3(%arg0: i32) -> (i32, i32) {
    %c0_i32 = arith.constant 0 : i32
    %c0_i32_0 = arith.constant 0 : i32
    %c0_i32_1 = arith.constant 0 : i32
    return %c0_i32, %c0_i32_0 : i32, i32
  }
  func.func @transform_4(%arg0: i32) -> (i32, i32) {
    %c0_i32 = arith.constant 0 : i32
    %c0_i32_0 = arith.constant 0 : i32
    %c0_i32_1 = arith.constant 0 : i32
    return %c0_i32, %c0_i32_0 : i32, i32
  }
  func.func @transform_5(%arg0: i32) -> (i32, i32) {
    %c0_i32 = arith.constant 0 : i32
    %c0_i32_0 = arith.constant 0 : i32
    %c0_i32_1 = arith.constant 0 : i32
    return %c0_i32, %c0_i32_0 : i32, i32
  }
  func.func @transform_6(%arg0: i32) -> (i32, i32) {
    %c0_i32 = arith.constant 0 : i32
    %c0_i32_0 = arith.constant 0 : i32
    return %arg0, %c0_i32 : i32, i32
  }
  func.func @transform_7(%arg0: i32) -> (i32, i32, i32) {
    %c0_i32 = arith.constant 0 : i32
    %c0_i32_0 = arith.constant 0 : i32
    %c0_i32_1 = arith.constant 0 : i32
    return %c0_i32, %arg0, %c0_i32_0 : i32, i32, i32
  }
  func.func @transform_8(%arg0: i32) -> (i32, i32) {
    %c0_i32 = arith.constant 0 : i32
    %c0_i32_0 = arith.constant 0 : i32
    return %arg0, %c0_i32 : i32, i32
  }
}

module attributes {stable_mosaic.version = 14 : i64} {
  func.func @_fin_body(%arg0: i32, %arg1: memref<2x80x64xf32, #tpu.memory_space<vmem>>, %arg2: memref<1x80x8xf32, #tpu.memory_space<vmem>>, %arg3: memref<1x128xf32, #tpu.memory_space<vmem>>, %arg4: memref<1x128xf32, #tpu.memory_space<vmem>>, %arg5: memref<80x128xf32, #tpu.memory_space<vmem>>) attributes {dimension_semantics = [#tpu.dimension_semantics<arbitrary>], iteration_bounds = array<i64: 125>, scalar_prefetch = 0 : i64, scratch_operands = 0 : i64, tpu.core_type = #tpu.core_type<tc>, window_params = [{transform_indices = @transform_0, window_bounds = array<i64: 2, 80, 64>}, {transform_indices = @transform_1, window_bounds = array<i64: 1, 80, 8>}, {pipeline_mode = #tpu.pipeline_mode<synchronous>, transform_indices = @transform_2, window_bounds = array<i64: 1, 128>}, {pipeline_mode = #tpu.pipeline_mode<synchronous>, transform_indices = @transform_3, window_bounds = array<i64: 1, 128>}, {transform_indices = @transform_4, window_bounds = array<i64: 80, 128>}]} {
    %get3A = arith.constant 0 : index
    %get3A_0 = arith.constant 0 : index
    %get3A_1 = arith.constant 0 : index
    %get3A_2 = vector.load %arg1[%get3A, %get3A_0, %get3A_1] : memref<2x80x64xf32, #tpu.memory_space<vmem>>, vector<1x80x64xf32>
    %get3A_3 = vector.shape_cast %get3A_2 : vector<1x80x64xf32> to vector<80x64xf32>
    %get3A_4 = arith.constant 1 : index
    %get3A_5 = arith.constant 0 : index
    %get3A_6 = arith.constant 0 : index
    %get3A_7 = vector.load %arg1[%get3A_4, %get3A_5, %get3A_6] : memref<2x80x64xf32, #tpu.memory_space<vmem>>, vector<1x80x64xf32>
    %get3A_8 = vector.shape_cast %get3A_7 : vector<1x80x64xf32> to vector<80x64xf32>
    %concatenate3A = tpu.concatenate %get3A_3, %get3A_8 in 1 : vector<80x64xf32>, vector<80x64xf32> -> vector<80x128xf32>
    %get3A_9 = arith.constant 0 : index
    %get3A_10 = arith.constant 0 : index
    %get3A_11 = arith.constant 0 : index
    %get3A_12 = vector.load %arg2[%get3A_9, %get3A_10, %get3A_11] : memref<1x80x8xf32, #tpu.memory_space<vmem>>, vector<1x80x8xf32>
    %get3A_13 = vector.shape_cast %get3A_12 : vector<1x80x8xf32> to vector<80x8xf32>
    %slice3A = vector.extract_strided_slice %get3A_13 {offsets = [0, 0], sizes = [80, 1], strides = [1, 1]} : vector<80x8xf32> to vector<80x1xf32>
    %max3A = arith.constant 9.99999971E-10 : f32
    %max3A_14 = vector.broadcast %max3A : f32 to vector<80x1xf32>
    %max3A_15 = arith.maximumf %slice3A, %max3A_14 : vector<80x1xf32>
    %div3A = arith.constant 1.000000e+00 : f32
    %div3A_16 = vector.broadcast %div3A : f32 to vector<80x1xf32>
    %div3A_17 = arith.divf %div3A_16, %max3A_15 : vector<80x1xf32>
    %get3A_18 = arith.constant 0 : index
    %get3A_19 = arith.constant 0 : index
    %get3A_20 = vector.load %arg4[%get3A_18, %get3A_19] : memref<1x128xf32, #tpu.memory_space<vmem>>, vector<1x128xf32>
    %dot_general3A = arith.constant dense<0.000000e+00> : vector<80x128xf32>
    %dot_general3A_21 = tpu.matmul %div3A_17, %get3A_20, %dot_general3A {dimension_numbers = #tpu.dot_dimension_numbers<[1], [0], [0], [1], [0, 0, 1, 1], [], []>, precision = #tpu.contract_precision<fp32>, transpose_lhs_hint = false} : vector<80x1xf32>, vector<1x128xf32>, vector<80x128xf32> -> vector<80x128xf32>
    %mul3A = arith.mulf %concatenate3A, %dot_general3A_21 : vector<80x128xf32>
    %get3A_22 = arith.constant 0 : index
    %get3A_23 = arith.constant 0 : index
    %get3A_24 = vector.load %arg3[%get3A_22, %get3A_23] : memref<1x128xf32, #tpu.memory_space<vmem>>, vector<1x128xf32>
    %add3A = vector.broadcast %get3A_24 : vector<1x128xf32> to vector<80x128xf32>
    %add3A_25 = arith.addf %mul3A, %add3A : vector<80x128xf32>
    %swap3A = arith.constant 0 : index
    %swap3A_26 = arith.constant 0 : index
    %swap3A_27 = vector.load %arg5[%swap3A, %swap3A_26] : memref<80x128xf32, #tpu.memory_space<vmem>>, vector<80x128xf32>
    tpu.vector_store %arg5[%swap3A, %swap3A_26], %add3A_25 {strides = array<i32>} : memref<80x128xf32, #tpu.memory_space<vmem>>, vector<80x128xf32>,
    return
  }
  func.func @transform_0(%arg0: i32) -> (i32, i32, i32) {
    %c0_i32 = arith.constant 0 : i32
    %c0_i32_0 = arith.constant 0 : i32
    %c0_i32_1 = arith.constant 0 : i32
    return %c0_i32, %arg0, %c0_i32_0 : i32, i32, i32
  }
  func.func @transform_1(%arg0: i32) -> (i32, i32, i32) {
    %c0_i32 = arith.constant 0 : i32
    %c0_i32_0 = arith.constant 0 : i32
    %c0_i32_1 = arith.constant 0 : i32
    return %c0_i32, %arg0, %c0_i32_0 : i32, i32, i32
  }
  func.func @transform_2(%arg0: i32) -> (i32, i32) {
    %c0_i32 = arith.constant 0 : i32
    %c0_i32_0 = arith.constant 0 : i32
    %c0_i32_1 = arith.constant 0 : i32
    return %c0_i32, %c0_i32_0 : i32, i32
  }
  func.func @transform_3(%arg0: i32) -> (i32, i32) {
    %c0_i32 = arith.constant 0 : i32
    %c0_i32_0 = arith.constant 0 : i32
    %c0_i32_1 = arith.constant 0 : i32
    return %c0_i32, %c0_i32_0 : i32, i32
  }
  func.func @transform_4(%arg0: i32) -> (i32, i32) {
    %c0_i32 = arith.constant 0 : i32
    %c0_i32_0 = arith.constant 0 : i32
    return %arg0, %c0_i32 : i32, i32
  }
}

</mosaic_0001>

<sc_bundles>
// kernel: kernel.10.cloned.1.call-start
scs
__scs_entry_jumppad:
0x0: {  	(pc) =	sbr.rel $0x88, $3  }
0x1: {  	(tag) =	ssettag $0x0;
	lr =	simm.s32 $0x1  }
0x2: {  	[smem:$0x3F97] =	sst lr;
	_ =	strace $0xD0000000  }
0x3: {  	_ = 	snop  }
0x4: {  	_ = 	snop  }
0x5: {  	_ = 	snop  }
0x6: {  	_ = 	snop  }
0x7: {  	_ = 	snop  }
__scs_overlays_trampoline_lowered:
0x8: {  	[smem:$0x3FA6] =	sst s0  }
0x9: {  	[smem:$0x3FA7] =	sst s1  }
0xa: {  	[smem:$0x3FA8] =	sst s2  }
0xb: {  	[smem:$0x3FA9] =	sst s3  }
0xc: {  	[smem:$0x3FAA] =	sst s4  }
0xd: {  	[smem:$0x3FAB] =	sst s5  }
0xe: {  	[smem:$0x3FAC] =	sst s6  }
0xf: {  	[smem:$0x3FAD] =	sst s7  }
0x10: {  	[smem:$0x3FAE] =	sst s8  }
0x11: {  	[smem:$0x3FAF] =	sst s9;
	s0 =	simm.s32 @!p0 $0x0  }
0x12: {  	s1 =	sld [smem:$0x3F95];
	s0 =	simm.s32 @p0 $0x1  }
0x13: {  	[smem:$0x3FB0] =	sst s0;
	s0 =	simm.s32 @!p1 $0x0  }
0x14: {  	s2 =	sld [smem:$0x3F94];
	s0 =	simm.s32 @p1 $0x1  }
0x15: {  	[smem:$0x3FB1] =	sst s0;
	s0 =	simm.s32 @!p2 $0x0  }
0x16: {  	s3 =	sld [smem:$0x3FDB];
	s0 =	simm.s32 @p2 $0x1  }
0x17: {  	s4 =	simm.s32 $0x1BF5;
	[smem:$0x3FB3] =	sst s0  }
0x18: {  	s0 =	sld [smem:$0x3F96];
	_ =	swait.ge [sflag:s4], $0x0  }
0x19: {  	s7 =	sld [smem:$0x3F97]  }
0x1a: {  	s8 =	sadd.s32 $0xFFFFE003, lr  }
0x1b: {  	s9 =	sadd.s32 $0xFFFFFEF7, lr;
	s5 =	simm.s32 $0xFFFFFFFF;
	p2 =	slt.u32 s8, $0xFFFFF086  }
0x1c: {  	p1 =	slt.u32 s9, $0xF7A;
	s5 =	simm.s32 @!p2 $0x0  }
0x1d: {  	s5 =	simm.s32 @p1 $0x1;
	p0 =	seq.s32 s7, s2  }
0x1e: {  	s7 =	smul.u32 @!p0 $0xF7A, s2;
	p2 =	seq.s32 @!p0 s5, $0x0  }
0x1f: {  	s9 =	smul.u32 $0xF7A, s1;
	s8 =	simm.s32 @!p0 $0x1BF5;
	p2 =	por !p2, p0  }
0x20: {  	[sflag:s8] =	ssyncset.s32 @!p0 $0xFFFFF086;
	s6 =	sadd.s32 @!p0 s3, s7;
	s7 =	simm.s32 @!p0 $0x108  }
0x21: {  	s3 =	sadd.s32 s3, s9;
	s6 =	sadd.s32 @!p0 $0x88, s6;
	s7 =	simm.s32 @p2 $0x1082  }
0x22: {  	[simem:s7], [sflag:s8] =	dma.local @!p0 [hbm:s6], $0xF7A  }
0x23: {  	s9 =	sor.u32 $0xD0000000, s2;
	s6 =	simm.s32 $0x108;
	_ =	swait.ge @!p0 [sflag:s8], $0x0  }
0x24: {  	s3 =	sadd.s32 $0x88, s3;
	s6 =	simm.s32 @!p1 $0x1082;
	[sflag:s4] =	ssyncset.s32 $0xFFFFF086  }
0x25: {  	[simem:s6], [sflag:s4] =	dma.local [hbm:s3], $0xF7A  }
0x26: {  	[smem:$0x3F97] =	sst s1;
	(tag) =	ssettag s2;
	_ =	strace s9  }
0x27: {  	s1 =	sld [smem:$0x3FA7]  }
0x28: {  	s2 =	sld [smem:$0x3FA8]  }
0x29: {  	s4 =	sld [smem:$0x3FAA]  }
0x2a: {  	p0 =	seq.s32 s5, $0x0;
	s5 =	sld [smem:$0x3FAB]  }
0x2b: {  	s6 =	sld [smem:$0x3FAC]  }
0x2c: {  	s7 =	sld [smem:$0x3FAD]  }
0x2d: {  	s3 =	simm.s32 $0x108;
	s8 =	sld [smem:$0x3FAE]  }
0x2e: {  	s3 =	simm.s32 @!p0 $0x1082;
	s9 =	sld [smem:$0x3FAF]  }
0x2f: {  	lr =	sadd.s32 s0, s3;
	s0 =	sld [smem:$0x3FA6]  }
0x30: {  	s3 =	sld [smem:$0x3FA9]  }
0x31: {  	[smem:$0x3FB2] =	sst s10  }
0x32: {  	s10 =	sld [smem:$0x3FB0];
	_ =	sdelay $0x3  }
0x33: {  	p0 =	seq.s32 s10, $0x1;
	s10 =	sld [smem:$0x3FB2];
	_ =	sdelay $0x3  }
0x34: {  	[smem:$0x3FB2] =	sst s10  }
0x35: {  	s10 =	sld [smem:$0x3FB1];
	_ =	sdelay $0x3  }
0x36: {  	p1 =	seq.s32 s10, $0x1;
	s10 =	sld [smem:$0x3FB2];
	_ =	sdelay $0x3  }
0x37: {  	[smem:$0x3FB2] =	sst s10  }
0x38: {  	s10 =	sld [smem:$0x3FB3]  }
0x39: {  	_ = 	snop;
	(pc) =	sbr.ind lr, $3  }
0x3a: {  	_ = 	snop  }
0x3b: {  	_ = 	snop  }
0x3c: {  	p2 =	seq.s32 s10, $0x1;
	s10 =	sld [smem:$0x3FB2]  }
0x3d: {  	_ =	shalt  }
0x3e: {  	_ =	shalt  }
0x3f: {  	_ =	shalt  }
0x40: {  	_ =	shalt  }
0x41: {  	_ =	shalt  }
0x42: {  	_ =	shalt  }
0x43: {  	_ =	shalt  }
0x44: {  	_ =	shalt  }
0x45: {  	_ =	shalt  }
0x46: {  	_ =	shalt  }
0x47: {  	_ =	shalt  }
0x48: {  	_ =	shalt  }
0x49: {  	_ =	shalt  }
0x4a: {  	_ =	shalt  }
0x4b: {  	_ =	shalt  }
0x4c: {  	_ =	shalt  }
0x4d: {  	_ =	shalt  }
0x4e: {  	_ =	shalt  }
0x4f: {  	_ =	shalt  }
0x50: {  	_ =	shalt  }
0x51: {  	_ =	shalt  }
0x52: {  	_ =	shalt  }
0x53: {  	_ =	shalt  }
0x54: {  	_ =	shalt  }
0x55: {  	_ =	shalt  }
0x56: {  	_ =	shalt  }
0x57: {  	_ =	shalt  }
0x58: {  	_ =	shalt  }
0x59: {  	_ =	shalt  }
0x5a: {  	_ =	shalt  }
0x5b: {  	_ =	shalt  }
0x5c: {  	_ =	shalt  }
0x5d: {  	_ =	shalt  }
0x5e: {  	_ =	shalt  }
0x5f: {  	_ =	shalt  }
0x60: {  	_ =	shalt  }
0x61: {  	_ =	shalt  }
0x62: {  	_ =	shalt  }
0x63: {  	_ =	shalt  }
0x64: {  	_ =	shalt  }
0x65: {  	_ =	shalt  }
0x66: {  	_ =	shalt  }
0x67: {  	_ =	shalt  }
0x68: {  	_ =	shalt  }
0x69: {  	_ =	shalt  }
0x6a: {  	_ =	shalt  }
0x6b: {  	_ =	shalt  }
0x6c: {  	_ =	shalt  }
0x6d: {  	_ =	shalt  }
0x6e: {  	_ =	shalt  }
0x6f: {  	_ =	shalt  }
0x70: {  	_ =	shalt  }
0x71: {  	_ =	shalt  }
0x72: {  	_ =	shalt  }
0x73: {  	_ =	shalt  }
0x74: {  	_ =	shalt  }
0x75: {  	_ =	shalt  }
0x76: {  	_ =	shalt  }
0x77: {  	_ =	shalt  }
0x78: {  	_ =	shalt  }
0x79: {  	_ =	shalt  }
0x7a: {  	_ =	shalt  }
0x7b: {  	_ =	shalt  }
0x7c: {  	_ =	shalt  }
0x7d: {  	_ =	shalt  }
0x7e: {  	_ =	shalt  }
0x7f: {  	_ =	shalt  }
0x80: {  	_ =	shalt  }
0x81: {  	_ =	shalt  }
0x82: {  	_ =	shalt  }
0x83: {  	_ =	shalt  }
0x84: {  	_ =	shalt  }
0x85: {  	_ =	shalt  }
0x86: {  	_ =	shalt  }
0x87: {  	_ =	shalt  }
.Lfunc_end0:
.L_simem_size_0:
called_computation.1_lowered:
.L_overlay_start_0:
0x88: {  	s2 =	sld [smem:$0x3FD9]  }
0x89: {  	s3 =	sld [smem:$0x3FFE];
	_ =	sdelay $0x1  }
0x8a: {  	s1 =	srdreg.scid  }
0x8b: {  	s0 =	sand.u32 $0x1, s1  }
0x8c: {  	s14 =	sshll.u32 s0, $0xA;
	s2 =	sadd.s32 s3, s2  }
0x8d: {  	s2 =	sadd.s32 s2, s14  }
0x8e: {  	[smem:$0x3FBE] =	sst s2  }
0x8f: {  	_ = 	snop  }
0x90: {  	s2 =	sld [smem:$0x3FD0];
	_ =	sdelay $0x2  }
0x91: {  	s15 =	simm.s32 $0xA;
	s4 =	simm.s32 $0x10  }
0x92: {  	[smem:s4], [sflag:s15] =	dma.local [hbm:s2], $0x1  }
0x93: {  	_ =	swait.eq [sflag:s15], $0x1  }
0x94: {  	s16 =	sld [smem:$0x10];
	[sflag:s15] =	ssyncset.done $0x0  }
0x95: {  	s17 =	sld [smem:$0x11];
	[sflag:s15] =	ssyncadd.s32 $0xFFFFFFFF  }
0x96: {  	s18 =	sld [smem:$0x13];
	(tm) =	ssettm $0x1  }
0x97: {  	s5 =	sld [smem:$0x3FFB];
	_ =	sdelay $0x3  }
0x98: {  	_ =	strace s5  }
0x99: {  	s5 =	sld [smem:$0x3FFC];
	_ =	sdelay $0x3  }
0x9a: {  	_ =	strace s5  }
0x9b: {  	s5 =	sld [smem:$0x3FFD];
	_ =	sdelay $0x3  }
0x9c: {  	_ =	strace s5  }
0x9d: {  	_ =	strace $0x8FFFFFFF  }
0x9e: {  	s19 =	sld [smem:$0x3FDB];
	_ =	sdelay $0x1  }
0x9f: {  	s6 =	simm.s32 $_scs_section_size  }
0xa0: {  	s7 =	simm.s32 $_size__tile_overlayer_lowered;
	s8 =	simm.s32 $_tile_overlayer_lowered  }
0xa1: {  	s22 =	simm.s32 $0x1BFF;
	s21 =	sshll.u32 s8, $0x1;
	s5 =	sadd.s32 s6, s19  }
0xa2: {  	s9 =	simm.s32 $0x0;
	s20 =	sshll.u32 s7, $0x1;
	s7 =	sadd.s32 s21, s5  }
0xa3: {  	[timem:s9], [sflag:s22] =	dma.local [hbm:s7], s20  }
0xa4: {  	_ =	swait.ge [sflag:s22], s20  }
0xa5: {  	s6 =	ssub.s32 $0x0, s20;
	[sflag:s22] =	ssyncset.done $0x0  }
0xa6: {  	[sflag:s22] =	ssyncadd.s32 s6;
	_ =	sdelay $0x1  }
0xa7: {  	s23 =	simm.s32 $0x1B8B  }
0xa8: {  	_ =	swait.ge [sflag:s23], $0x1  }
0xa9: {  	[sflag:s23] =	ssyncset.done $0x0  }
0xaa: {  	s25 =	simm.s32 $0x1B8E;
	s24 =	sld [smem:$0x3FFE];
	[sflag:s23] =	ssyncadd.s32 $0xFFFFFFFF  }
0xab: {  	s26 =	simm.s32 $execute0_lowered;
	[smem:$0x3FD2] =	sst s25  }
0xac: {  	s7 =	sshll.u32 s26, $0x1;
	_ =	strace $0x80000049;
	[dreg:$0x1] =	wrdreg $0xFFFFFFFF  }
0xad: {  	s28 =	simm.s32 $_size_execute0_lowered;
	s5 =	sadd.s32 s5, s7;
	[dreg:$0x0] =	wrdreg $0x0  }
0xae: {  	s7 =	sshll.u32 s28, $0x1;
	[dreg:$0x2] =	wrdreg s5  }
0xaf: {  	[dreg:$0x3] =	wrdreg s7  }
0xb0: {  	[dreg:$0x4] =	wrdreg $0xC0  }
0xb1: {  	_ =	task [dreg:s9], $0x5FFFF  }
0xb2: {  	[dreg:$0x1] =	wrdreg $0xFFFFFFFF  }
0xb3: {  	[dreg:$0x0] =	wrdreg $0x60  }
0xb4: {  	[dreg:$0x2] =	wrdreg s18  }
0xb5: {  	[dreg:$0x3] =	wrdreg s24  }
0xb6: {  	[dreg:$0x4] =	wrdreg s16  }
0xb7: {  	[dreg:$0x5] =	wrdreg s17  }
0xb8: {  	[dreg:$0x6] =	wrdreg $0x11B200  }
0xb9: {  	[dreg:$0x7] =	wrdreg $0x1B7600  }
0xba: {  	[dreg:$0x8] =	wrdreg $0x9  }
0xbb: {  	_ =	task.clear_ibuf [dreg:s9], $0x9FFFF;
	_ =	strace $0x90000049  }
0xbc: {  	s29 =	simm.s32 $0x9;
	_ =	strace $0x8000004B  }
0xbd: {  	_ =	swait.ge [sflag:s29], $0x1  }
0xbe: {  	[sflag:s29] =	ssyncadd.s32 $0xFFFFFFFF  }
0xbf: {  	_ =	strace $0x9000004B  }
0xc0: {  	_ =	sfence  }
0xc1: {  	s30 =	sld [smem:$0x0];
	_ =	sdelay $0x2  }
0xc2: {  	s31 =	sshll.u32 s1, $0xD;
	s1 =	sshrl.u32 s1, $0x2  }
0xc3: {  	s3 =	sand.u32 $0x4000, s31;
	s1 =	sadd.s32 s1, s30  }
0xc4: {  	s0 =	sor.u32 s3, s0;
	s1 =	sshll.u32 s1, $0x11  }
0xc5: {  	s0 =	sor.u32 s1, s0  }
0xc6: {  	s0 =	sadd.s32 $0x8F2B, s0  }
0xc7: {  	[sflag:s0] =	ssyncadd.remote.s32 $0x1  }
0xc8: {  	_ =	sfence.sel $0xFFFF  }
0xc9: {  	[dreg:$0x0] =	wrdreg $0xFFFFFFFF;
	(pc) =	sbr.abs _section_cstart, $3  }
0xca: {  	[dreg:$0x1] =	wrdreg $0xFFFFFFFF  }
0xcb: {  	_ =	task.clear_ibuf [dreg:s9], $0x2FFFF;
	_ =	strace $0x9FFFFFFF  }
0xcc: {  	(tm) =	ssettm $0x7FFFFFFF  }
0xcd: {  	_ =	shalt  }
tec
execute0_lowered:
.L_overlay_start_1:
0x0: {  	(tag) =	ssettag $0x1  }
0x1: {  	s0 =	rddreg [dreg:$0x0]  }
0x2: {  	s1 =	rddreg [dreg:$0x1]  }
0x3: {  	s3 =	rddreg [dreg:$0x3]  }
0x4: {  	s2 =	rddreg [dreg:$0x4]  }
0x5: {  	s4 =	rddreg [dreg:$0x5]  }
0x6: {  	s6 =	simm.s32 $0x0;
	s5 =	srdreg.scid;
	s14 =	stileid.u32  }
0x7: {  	s15 =	simm.s32 $0x8CA0;
	s18 =	simm.s32 $0x6;
	s20 =	simm.s32 $0x7D0  }
0x8: {  	s21 =	simm.s32 $0x50;
	s22 =	simm.s32 $0x1;
	s23 =	simm.s32 $0xFA0  }
0x9: {  	s17 =	simm.s32 $0x5;
	s19 =	simm.s32 $0x4;
	[smem:$0x7FF] =	sst s6  }
0xa: {  	s5 =	sand.u32 $0x1, s5;
	s8 =	smul.u32 $0x1388, s14;
	s6 =	sadd.s32 $0x2E00, s1  }
0xb: {  	s7 =	sadd.s32 $0x5600, s1;
	s10 =	sadd.s32 $0xF400, s1;
	s24 =	smul.u32 $0x9C40, s14  }
0xc: {  	s13 =	sadd.s32 $0x10800, s1;
	_ =	strace $0x8000004A;
	s9 =	smul.u32 $0x13880, s5  }
0xd: {  	[dreg:$0x7] =	wrdreg s10;
	s12 =	ssub.s32 $0x2, s5;
	s5 =	smul.u32 $0x9C400, s5  }
0xe: {  	s31 =	sshll.u32 s14, $0x6;
	[dreg:$0x8] =	wrdreg s13;
	s10 =	smul.u32 $0xFA, s14  }
0xf: {  	s13 =	simm.s32 $0xCB20;
	s14 =	simm.s32 $0xF320;
	s25 =	sshrl.u32 s12, $0x1  }
0x10: {  	s26 =	sadd.s32 s24, s2;
	s11 =	sadd.s32 s8, s9;
	s12 =	ssub.s32 s12, s25  }
0x11: {  	s5 =	sadd.s32 s24, s5;
	s8 =	sadd.s32 s8, s4;
	s16 =	sshrl.u32 s26, $0x3  }
0x12: {  	s24 =	simm.s32 $0x4E20;
	s11 =	sshrl.u32 s11, $0x3;
	s5 =	sshrl.u32 s5, $0x3  }
0x13: {  	s30 =	smax.u32 s12, $0x1;
	s25 =	sshrl.u32 s8, $0x3;
	[dreg:$0xd] =	wrdreg s16  }
0x14: {  	s8 =	simm.s32 $0xC620;
	s12 =	simm.s32 $0xC8A0;
	[dreg:$0xb] =	wrdreg s30  }
0x15: {  	s1 =	sadd.s32 s11, s1;
	s28 =	sadd.s32 s3, s5;
	[dreg:$0xe] =	wrdreg s25  }
0x16: {  	v4 =	vlaneseq.u32;
	s11 =	sadd.s32 s0, s9;
	s3 =	sor.u32 $0x1C06, s31;
	[dreg:$0x9] =	wrdreg s28  }
0x17: {  	v2 =	vimm.f32 $0.0e+00;
	v0 =	vshrl.u32 v4, $0x3;
	v3 =	vmul.u32 $0x8, v4;
	s5 =	simm.s32 $0xF00;
	s29 =	sadd.s32 $0x10C00, s1;
	[dreg:$0xc] =	wrdreg s3  }
0x18: {  	v1 =	vand.u32 $0x7, v4;
	v4 =	vmul.u32 $0x40, v4;
	v0 =	vmul.u32 $0x8, v0;
	s9 =	simm.s32 $0xF50;
	s1 =	simm.s32 $0x0;
	[dreg:$0xa] =	wrdreg s29  }
.LBB2_1:
0x19: {  	s0 =	simm.s32 $0x0  }
0x1a: {  	v5 =	vmov s0  }
0x1b: {  	v5 =	vshll.u32 v5, $0x3  }
0x1c: {  	v5 =	vor.u32 v0, v5  }
0x1d: {  	[dreg:$0xf] =	wrdreg s1;
	s1 =	simm.s32 $0x2;
	v5 =	vor.u32 v1, v5  }
.LBB2_2:
0x1e: {  	p0 =	sne.s32 s1, $0x7CE  }
.Ltmp0:
0x1f: {  	_ = 	snop;
	(pc) =	sbr.rel @p0 .LBB2_2-.Ltmp0, $4  }
0x20: {  	v6 =	vmov s1  }
0x21: {  	v6 =	vshll.u32 v6, $0x3  }
0x22: {  	v6 =	vor.u32 v0, v6  }
0x23: {  	s1 =	sadd.s32 $0x2, s1;
	[tilespmem:v5+s15+$0x0] =	vst.idx.msk $0xffff, v2;
	v5 =	vor.u32 v1, v6  }
0x24: {  	_ =	sdelay $0x3  }
0x25: {  	[tilespmem:v5+s15+$0x0] =	vst.idx.msk $0xffff, v2;
	s0 =	rddreg [dreg:$0x7]  }
0x26: {  	[spmem:s16], [sflag:s3] =	dma.local [hbm:s0], $0x1388  }
0x27: {  	_ =	swait.ge [sflag:s18], $0x1388  }
0x28: {  	[sflag:s18] =	ssyncset.done $0x0  }
0x29: {  	s31 =	rddreg [dreg:$0x8];
	[sflag:s18] =	ssyncadd.s32 $0xFFFFEC78  }
0x2a: {  	[spmem:s25], [sflag:s3] =	dma.local [hbm:s31], $0x271  }
0x2b: {  	_ =	swait.ge [sflag:s18], $0x271  }
0x2c: {  	[sflag:s18] =	ssyncset.done $0x0  }
0x2d: {  	[sflag:s18] =	ssyncadd.s32 $0xFFFFFD8F  }
0x2e: {  	s1 =	simm.s32 $0x0;
	s16 =	simm.s32 $0x0;
	[bflag:$0x0] =	sbarrier.arrive $0xFFFF  }
.LBB2_4:
0x2f: {  	s25 =	smul.u32 $0x19, s1;
	_ =	sdelay $0x1  }
0x30: {  	s25 =	sadd.s32 s10, s25  }
0x31: {  	s25 =	smul.u32 $0xA, s25;
	_ =	sdelay $0x1  }
0x32: {  	s26 =	sadd.s32 s7, s25  }
0x33: {  	[tilespmem:s16], [sflag:$0x6] =	stream.linear.gather [hbm4b:s26+s16], $0x7D0, $0x38;
	[tilespmem:$0x1CAE8] =	vst v63  }
0x34: {  	_ =	swait.ge [sflag:s18], $0x7D0  }
0x35: {  	[sflag:s18] =	ssyncset.done $0x0  }
0x36: {  	[sflag:s18] =	ssyncadd.s32 $0xFFFFF830  }
0x37: {  	s0 =	rddreg [dreg:$0x2]  }
0x38: {  	s25 =	sadd.s32 s0, s25  }
0x39: {  	[tilespmem:s20], [sflag:$0x6] =	stream.linear.gather [hbm4b:s25+s16], $0x7D0, $0x38;
	[tilespmem:$0x1CAE8] =	vst v63  }
0x3a: {  	_ =	swait.ge [sflag:s18], $0x7D0  }
0x3b: {  	s29 =	simm.s32 $0xFA0;
	[sflag:s18] =	ssyncset.done $0x0  }
0x3c: {  	s30 =	simm.s32 $0x0;
	s31 =	simm.s32 $0x7D0;
	[sflag:s18] =	ssyncadd.s32 $0xFFFFF830  }
0x3d: {  	[tilespmem:s29], [sflag:$0x1] =	stream.indirect.gather [hbm4b:s6+s21], $0x8, s30, s21, $0xb8;
	[tilespmem:$0x1CAE8] =	vst v63  }
0x3e: {  	s28 =	simm.s32 $0x1220;
	s26 =	simm.s32 $0x140;
	s25 =	simm.s32 $0x4E20  }
0x3f: {  	[tilespmem:s25], [sflag:$0x1] =	stream.indirect.gather [hbm4b:s6+s21], $0x8, s31, s21, $0xb8;
	[tilespmem:$0x1CAE8] =	vst v63  }
.LBB2_5:
0x40: {  	s29 =	sshra.s32 s26, $0x2;
	p0 =	sne.s32 s26, $0x1E00;
	s26 =	sadd.s32 $0x140, s26  }
0x41: {  	[tilespmem:s28], [sflag:$0x1] =	stream.indirect.gather [hbm4b:s6+s21], $0x8, s29, s21, $0xb8;
	[tilespmem:$0x1CAE8] =	vst v63  }
.Ltmp1:
0x42: {  	_ = 	snop;
	(pc) =	sbr.rel @p0 .LBB2_5-.Ltmp1, $4  }
0x43: {  	s25 =	sadd.s32 $0x280, s25;
	s29 =	sadd.s32 $0x7D0, s29  }
0x44: {  	[tilespmem:s25], [sflag:$0x1] =	stream.indirect.gather [hbm4b:s6+s21], $0x8, s29, s21, $0xb8;
	[tilespmem:$0x1CAE8] =	vst v63  }
0x45: {  	_ = 	snop  }
0x46: {  	s28 =	sadd.s32 $0x280, s28  }
0x47: {  	_ =	swait.ge [sflag:s22], $0x280  }
0x48: {  	[sflag:s22] =	ssyncset.done $0x0  }
0x49: {  	[sflag:s22] =	ssyncadd.s32 $0xFFFFFD80  }
0x4a: {  	_ =	swait.ge [sflag:s22], $0x280  }
0x4b: {  	s25 =	simm.s32 $0x18;
	[sflag:s22] =	ssyncset.done $0x0  }
.LBB2_7:
0x4c: {  	p0 =	sne.s32 s25, $0x1;
	s25 =	sadd.s32 $0xFFFFFFFF, s25;
	[sflag:s22] =	ssyncadd.s32 $0xFFFFFD80  }
.Ltmp2:
0x4d: {  	_ =	swait.ge [sflag:s22], $0x280;
	(pc) =	sbr.rel @p0 .LBB2_7-.Ltmp2, $4  }
0x4e: {  	[sflag:s22] =	ssyncset.done $0x0  }
0x4f: {  	[sflag:s22] =	ssyncadd.s32 $0xFFFFFD80  }
0x50: {  	_ =	swait.ge [sflag:s22], $0x280  }
0x51: {  	[sflag:s22] =	ssyncset.done $0x0  }
0x52: {  	s25 =	simm.s32 $0x0  }
0x53: {  	v5 =	vmov s25  }
0x54: {  	v5 =	vshll.u32 v5, $0x3  }
0x55: {  	v5 =	vor.u32 v3, v5  }
0x56: {  	v6 =	vor.u32 $0x1, v5;
	_ =	sdelay $0x2  }
0x57: {  	[sflag:s22] =	ssyncadd.s32 $0xFFFFFD80  }
0x58: {  	v7 =	vld.idx.msk [tilespmem:v5+s23+$0x0], $0xffff  }
0x59: {  	v6 =	vld.idx.msk [tilespmem:v6+s24+$0x0], $0xffff;
	_ =	sdelay $0x4  }
0x5a: {  	v6 =	vadd.f32 v6, v7;
	_ =	sdelay $0x1  }
0x5b: {  	v7 =	vmul.f32 $2.000000030e-01, v6;
	_ =	sdelay $0x1  }
0x5c: {  	v6 =	vmax.f32 v6, v7  }
0x5d: {  	v6 =	vmul.f32 $1.442695020e+00, v6;
	_ =	sdelay $0x1  }
0x5e: {  	(erf) = vpow2.f32 v6;
	_ =	sdelay $0x1  }
0x5f: {  	s31 =	simm.s32 $0x10  }
0x60: {  	v7 =	vmov s31  }
0x61: {  	s25 =	simm.s32 $0x20;
	v6 =	vshll.u32 v7, $0x3  }
.LBB2_9:
0x62: {  	p0 =	sne.s32 s25, $0x7C0;
	v6 =	vor.u32 v3, v6  }
0x63: {  	v7 =	vor.u32 $0x1, v6;
	_ =	sdelay $0x2  }
0x64: {  	v8 =	vpop (erf)  }
0x65: {  	[tilespmem:v5+s15+$0x0] =	vst.idx.msk $0xffff, v8;
	v5 =	vmov v6  }
0x66: {  	v7 =	vld.idx.msk [tilespmem:v7+s24+$0x0], $0xffff  }
0x67: {  	v6 =	vld.idx.msk [tilespmem:v6+s23+$0x0], $0xffff;
	_ =	sdelay $0x5  }
0x68: {  	v6 =	vadd.f32 v7, v6;
	_ =	sdelay $0x1  }
0x69: {  	v7 =	vmul.f32 $2.000000030e-01, v6;
	_ =	sdelay $0x1  }
0x6a: {  	v6 =	vmax.f32 v6, v7  }
0x6b: {  	v6 =	vmul.f32 $1.442695020e+00, v6;
	_ =	sdelay $0x1  }
.Ltmp3:
0x6c: {  	(erf) = vpow2.f32 v6;
	(pc) =	sbr.rel @p0 .LBB2_9-.Ltmp3, $3  }
0x6d: {  	_ =	sdelay $0x1  }
0x6e: {  	v6 =	vmov s25  }
0x6f: {  	s25 =	sadd.s32 $0x10, s25;
	v6 =	vshll.u32 v6, $0x3  }
0x70: {  	v6 =	vor.u32 v3, v6  }
0x71: {  	v7 =	vor.u32 $0x1, v6;
	_ =	sdelay $0x2  }
0x72: {  	v8 =	vpop (erf)  }
0x73: {  	[tilespmem:v5+s15+$0x0] =	vst.idx.msk $0xffff, v8  }
0x74: {  	v5 =	vld.idx.msk [tilespmem:v7+s24+$0x0], $0xffff  }
0x75: {  	v7 =	vld.idx.msk [tilespmem:v6+s23+$0x0], $0xffff;
	_ =	sdelay $0x4  }
0x76: {  	v5 =	vadd.f32 v5, v7;
	_ =	sdelay $0x1  }
0x77: {  	v7 =	vmul.f32 $2.000000030e-01, v5;
	_ =	sdelay $0x1  }
0x78: {  	v5 =	vmax.f32 v5, v7  }
0x79: {  	v5 =	vmul.f32 $1.442695020e+00, v5;
	_ =	sdelay $0x1  }
0x7a: {  	(erf) = vpow2.f32 v5;
	_ =	sdelay $0x8  }
0x7b: {  	v5 =	vpop (erf)  }
0x7c: {  	[tilespmem:v6+s15+$0x0] =	vst.idx.msk $0xffff, v5  }
0x7d: {  	[spmem:s4] =	stream.indirect.scatter.add.f32 [tilespmem:s15], [sflag:$0x1], $0x8, s20, s21, $0xb8;
	[tilespmem:$0x1CAE8] =	vst v63  }
0x7e: {  	s0 =	simm.s32 $0x820;
	s3 =	simm.s32 $0x8F20  }
0x7f: {  	[spmem:s4] =	stream.indirect.scatter.add.f32 [tilespmem:s3], [sflag:$0x1], $0x8, s0, s21, $0xb8;
	[tilespmem:$0x1CAE8] =	vst v63  }
0x80: {  	s25 =	simm.s32 $0x870;
	s26 =	simm.s32 $0x91A0  }
0x81: {  	[spmem:s4] =	stream.indirect.scatter.add.f32 [tilespmem:s26], [sflag:$0x1], $0x8, s25, s21, $0xb8;
	[tilespmem:$0x1CAE8] =	vst v63  }
0x82: {  	s28 =	simm.s32 $0x8C0;
	s29 =	simm.s32 $0x9420  }
0x83: {  	[spmem:s4] =	stream.indirect.scatter.add.f32 [tilespmem:s29], [sflag:$0x1], $0x8, s28, s21, $0xb8;
	[tilespmem:$0x1CAE8] =	vst v63  }
0x84: {  	s30 =	simm.s32 $0x910;
	s31 =	simm.s32 $0x96A0  }
0x85: {  	[spmem:s4] =	stream.indirect.scatter.add.f32 [tilespmem:s31], [sflag:$0x1], $0x8, s30, s21, $0xb8;
	[tilespmem:$0x1CAE8] =	vst v63  }
0x86: {  	s25 =	simm.s32 $0x960;
	s26 =	simm.s32 $0x9920  }
0x87: {  	[spmem:s4] =	stream.indirect.scatter.add.f32 [tilespmem:s26], [sflag:$0x1], $0x8, s25, s21, $0xb8;
	[tilespmem:$0x1CAE8] =	vst v63  }
0x88: {  	s28 =	simm.s32 $0x9B0;
	s29 =	simm.s32 $0x9BA0  }
0x89: {  	[spmem:s4] =	stream.indirect.scatter.add.f32 [tilespmem:s29], [sflag:$0x1], $0x8, s28, s21, $0xb8;
	[tilespmem:$0x1CAE8] =	vst v63  }
0x8a: {  	s30 =	simm.s32 $0xA00;
	s31 =	simm.s32 $0x9E20  }
0x8b: {  	[spmem:s4] =	stream.indirect.scatter.add.f32 [tilespmem:s31], [sflag:$0x1], $0x8, s30, s21, $0xb8;
	[tilespmem:$0x1CAE8] =	vst v63  }
0x8c: {  	s25 =	simm.s32 $0xA50;
	s26 =	simm.s32 $0xA0A0  }
0x8d: {  	[spmem:s4] =	stream.indirect.scatter.add.f32 [tilespmem:s26], [sflag:$0x1], $0x8, s25, s21, $0xb8;
	[tilespmem:$0x1CAE8] =	vst v63  }
0x8e: {  	s28 =	simm.s32 $0xAA0;
	s29 =	simm.s32 $0xA320  }
0x8f: {  	[spmem:s4] =	stream.indirect.scatter.add.f32 [tilespmem:s29], [sflag:$0x1], $0x8, s28, s21, $0xb8;
	[tilespmem:$0x1CAE8] =	vst v63  }
0x90: {  	s30 =	simm.s32 $0xAF0;
	s31 =	simm.s32 $0xA5A0  }
0x91: {  	[spmem:s4] =	stream.indirect.scatter.add.f32 [tilespmem:s31], [sflag:$0x1], $0x8, s30, s21, $0xb8;
	[tilespmem:$0x1CAE8] =	vst v63  }
0x92: {  	s25 =	simm.s32 $0xB40;
	s26 =	simm.s32 $0xA820  }
0x93: {  	[spmem:s4] =	stream.indirect.scatter.add.f32 [tilespmem:s26], [sflag:$0x1], $0x8, s25, s21, $0xb8;
	[tilespmem:$0x1CAE8] =	vst v63  }
0x94: {  	s28 =	simm.s32 $0xB90;
	s29 =	simm.s32 $0xAAA0  }
0x95: {  	[spmem:s4] =	stream.indirect.scatter.add.f32 [tilespmem:s29], [sflag:$0x1], $0x8, s28, s21, $0xb8;
	[tilespmem:$0x1CAE8] =	vst v63  }
0x96: {  	s30 =	simm.s32 $0xBE0;
	s31 =	simm.s32 $0xAD20  }
0x97: {  	[spmem:s4] =	stream.indirect.scatter.add.f32 [tilespmem:s31], [sflag:$0x1], $0x8, s30, s21, $0xb8;
	[tilespmem:$0x1CAE8] =	vst v63  }
0x98: {  	s25 =	simm.s32 $0xC30;
	s26 =	simm.s32 $0xAFA0  }
0x99: {  	[spmem:s4] =	stream.indirect.scatter.add.f32 [tilespmem:s26], [sflag:$0x1], $0x8, s25, s21, $0xb8;
	[tilespmem:$0x1CAE8] =	vst v63  }
0x9a: {  	s28 =	simm.s32 $0xC80;
	s29 =	simm.s32 $0xB220  }
0x9b: {  	[spmem:s4] =	stream.indirect.scatter.add.f32 [tilespmem:s29], [sflag:$0x1], $0x8, s28, s21, $0xb8;
	[tilespmem:$0x1CAE8] =	vst v63  }
0x9c: {  	s30 =	simm.s32 $0xCD0;
	s31 =	simm.s32 $0xB4A0  }
0x9d: {  	[spmem:s4] =	stream.indirect.scatter.add.f32 [tilespmem:s31], [sflag:$0x1], $0x8, s30, s21, $0xb8;
	[tilespmem:$0x1CAE8] =	vst v63  }
0x9e: {  	s25 =	simm.s32 $0xD20;
	s26 =	simm.s32 $0xB720  }
0x9f: {  	[spmem:s4] =	stream.indirect.scatter.add.f32 [tilespmem:s26], [sflag:$0x1], $0x8, s25, s21, $0xb8;
	[tilespmem:$0x1CAE8] =	vst v63  }
0xa0: {  	s28 =	simm.s32 $0xD70;
	s29 =	simm.s32 $0xB9A0  }
0xa1: {  	[spmem:s4] =	stream.indirect.scatter.add.f32 [tilespmem:s29], [sflag:$0x1], $0x8, s28, s21, $0xb8;
	[tilespmem:$0x1CAE8] =	vst v63  }
0xa2: {  	s30 =	simm.s32 $0xDC0;
	s31 =	simm.s32 $0xBC20  }
0xa3: {  	[spmem:s4] =	stream.indirect.scatter.add.f32 [tilespmem:s31], [sflag:$0x1], $0x8, s30, s21, $0xb8;
	[tilespmem:$0x1CAE8] =	vst v63  }
0xa4: {  	s25 =	simm.s32 $0xE10;
	s26 =	simm.s32 $0xBEA0  }
0xa5: {  	[spmem:s4] =	stream.indirect.scatter.add.f32 [tilespmem:s26], [sflag:$0x1], $0x8, s25, s21, $0xb8;
	[tilespmem:$0x1CAE8] =	vst v63  }
0xa6: {  	s28 =	simm.s32 $0xE60;
	s29 =	simm.s32 $0xC120  }
0xa7: {  	[spmem:s4] =	stream.indirect.scatter.add.f32 [tilespmem:s29], [sflag:$0x1], $0x8, s28, s21, $0xb8;
	[tilespmem:$0x1CAE8] =	vst v63  }
0xa8: {  	s30 =	simm.s32 $0xEB0;
	s31 =	simm.s32 $0xC3A0  }
0xa9: {  	[spmem:s4] =	stream.indirect.scatter.add.f32 [tilespmem:s31], [sflag:$0x1], $0x8, s30, s21, $0xb8;
	[tilespmem:$0x1CAE8] =	vst v63  }
0xaa: {  	_ = 	snop  }
0xab: {  	[spmem:s4] =	stream.indirect.scatter.add.f32 [tilespmem:s8], [sflag:$0x1], $0x8, s5, s21, $0xb8;
	[tilespmem:$0x1CAE8] =	vst v63  }
0xac: {  	_ = 	snop  }
0xad: {  	[spmem:s4] =	stream.indirect.scatter.add.f32 [tilespmem:s12], [sflag:$0x1], $0x8, s9, s21, $0xb8;
	[tilespmem:$0x1CAE8] =	vst v63  }
0xae: {  	_ =	swait.ge [sflag:s22], $0x280  }
0xaf: {  	[sflag:s22] =	ssyncset.done $0x0  }
0xb0: {  	[sflag:s22] =	ssyncadd.s32 $0xFFFFFD80  }
0xb1: {  	_ =	swait.ge [sflag:s22], $0x280  }
0xb2: {  	[sflag:s22] =	ssyncset.done $0x0  }
0xb3: {  	[sflag:s22] =	ssyncadd.s32 $0xFFFFFD80  }
0xb4: {  	_ =	swait.ge [sflag:s22], $0x280  }
0xb5: {  	[sflag:s22] =	ssyncset.done $0x0  }
0xb6: {  	[sflag:s22] =	ssyncadd.s32 $0xFFFFFD80  }
0xb7: {  	_ =	swait.ge [sflag:s22], $0x280  }
0xb8: {  	[sflag:s22] =	ssyncset.done $0x0  }
0xb9: {  	[sflag:s22] =	ssyncadd.s32 $0xFFFFFD80  }
0xba: {  	_ =	swait.ge [sflag:s22], $0x280  }
0xbb: {  	[sflag:s22] =	ssyncset.done $0x0  }
0xbc: {  	[sflag:s22] =	ssyncadd.s32 $0xFFFFFD80  }
0xbd: {  	_ =	swait.ge [sflag:s22], $0x280  }
0xbe: {  	[sflag:s22] =	ssyncset.done $0x0  }
0xbf: {  	[sflag:s22] =	ssyncadd.s32 $0xFFFFFD80  }
0xc0: {  	_ =	swait.ge [sflag:s22], $0x280  }
0xc1: {  	[sflag:s22] =	ssyncset.done $0x0  }
0xc2: {  	[sflag:s22] =	ssyncadd.s32 $0xFFFFFD80  }
0xc3: {  	_ =	swait.ge [sflag:s22], $0x280  }
0xc4: {  	[sflag:s22] =	ssyncset.done $0x0  }
0xc5: {  	[sflag:s22] =	ssyncadd.s32 $0xFFFFFD80  }
0xc6: {  	_ =	swait.ge [sflag:s22], $0x280  }
0xc7: {  	[sflag:s22] =	ssyncset.done $0x0  }
0xc8: {  	[sflag:s22] =	ssyncadd.s32 $0xFFFFFD80  }
0xc9: {  	_ =	swait.ge [sflag:s22], $0x280  }
0xca: {  	[sflag:s22] =	ssyncset.done $0x0  }
0xcb: {  	[sflag:s22] =	ssyncadd.s32 $0xFFFFFD80  }
0xcc: {  	_ =	swait.ge [sflag:s22], $0x280  }
0xcd: {  	[sflag:s22] =	ssyncset.done $0x0  }
0xce: {  	[sflag:s22] =	ssyncadd.s32 $0xFFFFFD80  }
0xcf: {  	_ =	swait.ge [sflag:s22], $0x280  }
0xd0: {  	[sflag:s22] =	ssyncset.done $0x0  }
0xd1: {  	[sflag:s22] =	ssyncadd.s32 $0xFFFFFD80  }
0xd2: {  	_ =	swait.ge [sflag:s22], $0x280  }
0xd3: {  	[sflag:s22] =	ssyncset.done $0x0  }
0xd4: {  	[sflag:s22] =	ssyncadd.s32 $0xFFFFFD80  }
0xd5: {  	_ =	swait.ge [sflag:s22], $0x280  }
0xd6: {  	[sflag:s22] =	ssyncset.done $0x0  }
0xd7: {  	[sflag:s22] =	ssyncadd.s32 $0xFFFFFD80  }
0xd8: {  	_ =	swait.ge [sflag:s22], $0x280  }
0xd9: {  	[sflag:s22] =	ssyncset.done $0x0  }
0xda: {  	[sflag:s22] =	ssyncadd.s32 $0xFFFFFD80  }
0xdb: {  	_ =	swait.ge [sflag:s22], $0x280  }
0xdc: {  	[sflag:s22] =	ssyncset.done $0x0  }
0xdd: {  	[sflag:s22] =	ssyncadd.s32 $0xFFFFFD80  }
0xde: {  	_ =	swait.ge [sflag:s22], $0x280  }
0xdf: {  	[sflag:s22] =	ssyncset.done $0x0  }
0xe0: {  	[sflag:s22] =	ssyncadd.s32 $0xFFFFFD80  }
0xe1: {  	_ =	swait.ge [sflag:s22], $0x280  }
0xe2: {  	[sflag:s22] =	ssyncset.done $0x0  }
0xe3: {  	[sflag:s22] =	ssyncadd.s32 $0xFFFFFD80  }
0xe4: {  	_ =	swait.ge [sflag:s22], $0x280  }
0xe5: {  	[sflag:s22] =	ssyncset.done $0x0  }
0xe6: {  	[sflag:s22] =	ssyncadd.s32 $0xFFFFFD80  }
0xe7: {  	_ =	swait.ge [sflag:s22], $0x280  }
0xe8: {  	[sflag:s22] =	ssyncset.done $0x0  }
0xe9: {  	[sflag:s22] =	ssyncadd.s32 $0xFFFFFD80  }
0xea: {  	_ =	swait.ge [sflag:s22], $0x280  }
0xeb: {  	[sflag:s22] =	ssyncset.done $0x0  }
0xec: {  	[sflag:s22] =	ssyncadd.s32 $0xFFFFFD80  }
0xed: {  	_ =	swait.ge [sflag:s22], $0x280  }
0xee: {  	[sflag:s22] =	ssyncset.done $0x0  }
0xef: {  	[sflag:s22] =	ssyncadd.s32 $0xFFFFFD80  }
0xf0: {  	_ =	swait.ge [sflag:s22], $0x280  }
0xf1: {  	[sflag:s22] =	ssyncset.done $0x0  }
0xf2: {  	[sflag:s22] =	ssyncadd.s32 $0xFFFFFD80  }
0xf3: {  	_ =	swait.ge [sflag:s22], $0x280  }
0xf4: {  	[sflag:s22] =	ssyncset.done $0x0  }
0xf5: {  	[sflag:s22] =	ssyncadd.s32 $0xFFFFFD80  }
0xf6: {  	_ =	swait.ge [sflag:s22], $0x280  }
0xf7: {  	[sflag:s22] =	ssyncset.done $0x0  }
0xf8: {  	s26 =	simm.s32 $0x0;
	s25 =	simm.s32 $0x0;
	[sflag:s22] =	ssyncadd.s32 $0xFFFFFD80  }
0xf9: {  	[tilespmem:s13], [sflag:$0x2] =	stream.indirect.gather [hbm4b:s11+s21], $0x40, s26, s21, $0xb8;
	[tilespmem:$0x1CAE8] =	vst v63  }
.LBB2_11:
0xfa: {  	s28 =	sand.u32 $0x1, s26;
	p0 =	seq.s32 s26, $0x18  }
0xfb: {  	s30 =	sxor.u32 @!p0 $0x1, s28  }
0xfc: {  	s29 =	sadd.s32 $0x1, s26;
	s31 =	smul.u32 @!p0 $0x5000, s30  }
0xfd: {  	s0 =	smul.u32 @!p0 $0x140, s29  }
0xfe: {  	s3 =	simm.s32 @!p0 $0x50;
	s31 =	sshrl.u32 @!p0 s31, $0x2  }
0xff: {  	s30 =	sor.u32 @!p0 $0x2, s30;
	s0 =	sshra.s32 @!p0 s0, $0x2;
	s31 =	sadd.s32 @!p0 $0xCB20, s31  }
0x100: {  	[tilespmem:s31], [sflag:s30] =	stream.indirect.gather @!p0 [hbm4b:s11+s3], $0x40, s0, s3, $0xb8;
	[tilespmem:$0x1CAE8] =	vst v63  }
0x101: {  	s31 =	sor.u32 $0x2, s28  }
0x102: {  	_ =	swait.ge [sflag:s31], $0x1400  }
0x103: {  	p0 =	slt.u32 s26, $0x2;
	[sflag:s31] =	ssyncset.done $0x0  }
0x104: {  	v5 =	vmov s28;
	s0 =	sor.u32 @!p0 $0x4, s28;
	[sflag:s31] =	ssyncadd.s32 $0xFFFFEC00  }
0x105: {  	v5 =	vmul.u32 $0x1400, v5;
	_ =	swait.ge @!p0 [sflag:s0], $0x1400  }
0x106: {  	[sflag:s0] =	ssyncset.done @!p0 $0x0  }
0x107: {  	v5 =	vbroadcast v5, $0x0;
	s30 =	simm.s32 $0x0;
	[sflag:s0] =	ssyncadd.s32 @!p0 $0xFFFFEC00  }
.LBB2_12:
0x108: {  	s0 =	sadd.s32 s30, s25  }
0x109: {  	v6 =	vmov s30;
	v7 =	vmov s0  }
0x10a: {  	v6 =	vshll.u32 v6, $0x6;
	v7 =	vshll.u32 v7, $0x3  }
0x10b: {  	v6 =	vor.u32 v4, v6;
	v8 =	vor.u32 v3, v7  }
0x10c: {  	v7 =	vadd.s32 v5, v6;
	_ =	sdelay $0x3  }
0x10d: {  	v6 =	vld.idx.msk [tilespmem:v8+s15+$0x0], $0xffff  }
0x10e: {  	v55 =	vld.idx.msk [tilespmem:v7+s13+$0x0], $0xffff;
	_ =	sdelay $0x2  }
0x10f: {  	v9 =	vor.u32 $0x1, v7;
	_ =	sdelay $0x1  }
0x110: {  	v8 =	vmul.f32 v55, v6;
	_ =	sdelay $0x1  }
0x111: {  	[tilespmem:v7+s14+$0x0] =	vst.idx.msk $0xffff, v8  }
0x112: {  	v8 =	vld.idx.msk [tilespmem:v9+s13+$0x0], $0xffff;
	_ =	sdelay $0x2  }
0x113: {  	v10 =	vor.u32 $0x2, v7;
	_ =	sdelay $0x1  }
0x114: {  	v8 =	vmul.f32 v8, v6;
	_ =	sdelay $0x1  }
0x115: {  	[tilespmem:v9+s14+$0x0] =	vst.idx.msk $0xffff, v8  }
0x116: {  	v8 =	vld.idx.msk [tilespmem:v10+s13+$0x0], $0xffff;
	_ =	sdelay $0x2  }
0x117: {  	v56 =	vor.u32 $0x3, v7;
	_ =	sdelay $0x1  }
0x118: {  	v8 =	vmul.f32 v8, v6;
	_ =	sdelay $0x1  }
0x119: {  	[tilespmem:v10+s14+$0x0] =	vst.idx.msk $0xffff, v8  }
0x11a: {  	v8 =	vld.idx.msk [tilespmem:v56+s13+$0x0], $0xffff;
	_ =	sdelay $0x2  }
0x11b: {  	v57 =	vor.u32 $0x4, v7;
	_ =	sdelay $0x1  }
0x11c: {  	v8 =	vmul.f32 v8, v6;
	_ =	sdelay $0x1  }
0x11d: {  	[tilespmem:v56+s14+$0x0] =	vst.idx.msk $0xffff, v8  }
0x11e: {  	v8 =	vld.idx.msk [tilespmem:v57+s13+$0x0], $0xffff;
	_ =	sdelay $0x2  }
0x11f: {  	v58 =	vor.u32 $0x5, v7;
	_ =	sdelay $0x1  }
0x120: {  	v8 =	vmul.f32 v8, v6;
	_ =	sdelay $0x1  }
0x121: {  	[tilespmem:v57+s14+$0x0] =	vst.idx.msk $0xffff, v8  }
0x122: {  	v8 =	vld.idx.msk [tilespmem:v58+s13+$0x0], $0xffff;
	_ =	sdelay $0x2  }
0x123: {  	v59 =	vor.u32 $0x6, v7;
	_ =	sdelay $0x1  }
0x124: {  	v8 =	vmul.f32 v8, v6;
	_ =	sdelay $0x1  }
0x125: {  	[tilespmem:v58+s14+$0x0] =	vst.idx.msk $0xffff, v8  }
0x126: {  	v8 =	vld.idx.msk [tilespmem:v59+s13+$0x0], $0xffff;
	_ =	sdelay $0x2  }
0x127: {  	v60 =	vor.u32 $0x7, v7;
	_ =	sdelay $0x1  }
0x128: {  	v8 =	vmul.f32 v8, v6;
	_ =	sdelay $0x1  }
0x129: {  	[tilespmem:v59+s14+$0x0] =	vst.idx.msk $0xffff, v8  }
0x12a: {  	v8 =	vld.idx.msk [tilespmem:v60+s13+$0x0], $0xffff;
	_ =	sdelay $0x2  }
0x12b: {  	v61 =	vor.u32 $0x8, v7;
	_ =	sdelay $0x1  }
0x12c: {  	v8 =	vmul.f32 v8, v6;
	_ =	sdelay $0x1  }
0x12d: {  	[tilespmem:v60+s14+$0x0] =	vst.idx.msk $0xffff, v8  }
0x12e: {  	v8 =	vld.idx.msk [tilespmem:v61+s13+$0x0], $0xffff;
	_ =	sdelay $0x2  }
0x12f: {  	v62 =	vor.u32 $0x9, v7;
	_ =	sdelay $0x1  }
0x130: {  	v8 =	vmul.f32 v8, v6;
	_ =	sdelay $0x1  }
0x131: {  	[tilespmem:v61+s14+$0x0] =	vst.idx.msk $0xffff, v8  }
0x132: {  	v8 =	vld.idx.msk [tilespmem:v62+s13+$0x0], $0xffff;
	_ =	sdelay $0x2  }
0x133: {  	v63 =	vor.u32 $0xA, v7;
	_ =	sdelay $0x1  }
0x134: {  	v8 =	vmul.f32 v8, v6;
	_ =	sdelay $0x1  }
0x135: {  	[tilespmem:v62+s14+$0x0] =	vst.idx.msk $0xffff, v8  }
0x136: {  	v8 =	vld.idx.msk [tilespmem:v63+s13+$0x0], $0xffff;
	_ =	sdelay $0x2  }
0x137: {  	v12 =	vor.u32 $0xB, v7;
	_ =	sdelay $0x1  }
0x138: {  	v8 =	vmul.f32 v8, v6;
	_ =	sdelay $0x1  }
0x139: {  	[tilespmem:v63+s14+$0x0] =	vst.idx.msk $0xffff, v8  }
0x13a: {  	v8 =	vld.idx.msk [tilespmem:v12+s13+$0x0], $0xffff;
	_ =	sdelay $0x2  }
0x13b: {  	v13 =	vor.u32 $0xC, v7;
	_ =	sdelay $0x1  }
0x13c: {  	v8 =	vmul.f32 v8, v6;
	_ =	sdelay $0x1  }
0x13d: {  	[tilespmem:v12+s14+$0x0] =	vst.idx.msk $0xffff, v8  }
0x13e: {  	v8 =	vld.idx.msk [tilespmem:v13+s13+$0x0], $0xffff;
	_ =	sdelay $0x2  }
0x13f: {  	v14 =	vor.u32 $0xD, v7;
	_ =	sdelay $0x1  }
0x140: {  	v8 =	vmul.f32 v8, v6;
	_ =	sdelay $0x1  }
0x141: {  	[tilespmem:v13+s14+$0x0] =	vst.idx.msk $0xffff, v8  }
0x142: {  	v8 =	vld.idx.msk [tilespmem:v14+s13+$0x0], $0xffff;
	_ =	sdelay $0x2  }
0x143: {  	v15 =	vor.u32 $0xE, v7;
	_ =	sdelay $0x1  }
0x144: {  	v8 =	vmul.f32 v8, v6;
	_ =	sdelay $0x1  }
0x145: {  	[tilespmem:v14+s14+$0x0] =	vst.idx.msk $0xffff, v8  }
0x146: {  	v8 =	vld.idx.msk [tilespmem:v15+s13+$0x0], $0xffff;
	_ =	sdelay $0x2  }
0x147: {  	v16 =	vor.u32 $0xF, v7;
	_ =	sdelay $0x1  }
0x148: {  	v8 =	vmul.f32 v8, v6;
	_ =	sdelay $0x1  }
0x149: {  	[tilespmem:v15+s14+$0x0] =	vst.idx.msk $0xffff, v8  }
0x14a: {  	v8 =	vld.idx.msk [tilespmem:v16+s13+$0x0], $0xffff;
	_ =	sdelay $0x2  }
0x14b: {  	v17 =	vor.u32 $0x10, v7;
	_ =	sdelay $0x1  }
0x14c: {  	v8 =	vmul.f32 v8, v6;
	_ =	sdelay $0x1  }
0x14d: {  	[tilespmem:v16+s14+$0x0] =	vst.idx.msk $0xffff, v8  }
0x14e: {  	v8 =	vld.idx.msk [tilespmem:v17+s13+$0x0], $0xffff;
	_ =	sdelay $0x2  }
0x14f: {  	v18 =	vor.u32 $0x11, v7;
	_ =	sdelay $0x1  }
0x150: {  	v8 =	vmul.f32 v8, v6;
	_ =	sdelay $0x1  }
0x151: {  	[tilespmem:v17+s14+$0x0] =	vst.idx.msk $0xffff, v8  }
0x152: {  	v8 =	vld.idx.msk [tilespmem:v18+s13+$0x0], $0xffff;
	_ =	sdelay $0x2  }
0x153: {  	v19 =	vor.u32 $0x12, v7;
	_ =	sdelay $0x1  }
0x154: {  	v8 =	vmul.f32 v8, v6;
	_ =	sdelay $0x1  }
0x155: {  	[tilespmem:v18+s14+$0x0] =	vst.idx.msk $0xffff, v8  }
0x156: {  	v8 =	vld.idx.msk [tilespmem:v19+s13+$0x0], $0xffff;
	_ =	sdelay $0x2  }
0x157: {  	v20 =	vor.u32 $0x13, v7;
	_ =	sdelay $0x1  }
0x158: {  	v8 =	vmul.f32 v8, v6;
	_ =	sdelay $0x1  }
0x159: {  	[tilespmem:v19+s14+$0x0] =	vst.idx.msk $0xffff, v8  }
0x15a: {  	v8 =	vld.idx.msk [tilespmem:v20+s13+$0x0], $0xffff;
	_ =	sdelay $0x2  }
0x15b: {  	v21 =	vor.u32 $0x14, v7;
	_ =	sdelay $0x1  }
0x15c: {  	v8 =	vmul.f32 v8, v6;
	_ =	sdelay $0x1  }
0x15d: {  	[tilespmem:v20+s14+$0x0] =	vst.idx.msk $0xffff, v8  }
0x15e: {  	v8 =	vld.idx.msk [tilespmem:v21+s13+$0x0], $0xffff;
	_ =	sdelay $0x2  }
0x15f: {  	v22 =	vor.u32 $0x15, v7;
	_ =	sdelay $0x1  }
0x160: {  	v8 =	vmul.f32 v8, v6;
	_ =	sdelay $0x1  }
0x161: {  	[tilespmem:v21+s14+$0x0] =	vst.idx.msk $0xffff, v8  }
0x162: {  	v8 =	vld.idx.msk [tilespmem:v22+s13+$0x0], $0xffff;
	_ =	sdelay $0x2  }
0x163: {  	v23 =	vor.u32 $0x16, v7;
	_ =	sdelay $0x1  }
0x164: {  	v8 =	vmul.f32 v8, v6;
	_ =	sdelay $0x1  }
0x165: {  	[tilespmem:v22+s14+$0x0] =	vst.idx.msk $0xffff, v8  }
0x166: {  	v8 =	vld.idx.msk [tilespmem:v23+s13+$0x0], $0xffff;
	_ =	sdelay $0x2  }
0x167: {  	v24 =	vor.u32 $0x17, v7;
	_ =	sdelay $0x1  }
0x168: {  	v8 =	vmul.f32 v8, v6;
	_ =	sdelay $0x1  }
0x169: {  	[tilespmem:v23+s14+$0x0] =	vst.idx.msk $0xffff, v8  }
0x16a: {  	v8 =	vld.idx.msk [tilespmem:v24+s13+$0x0], $0xffff;
	_ =	sdelay $0x2  }
0x16b: {  	v25 =	vor.u32 $0x18, v7;
	_ =	sdelay $0x1  }
0x16c: {  	v8 =	vmul.f32 v8, v6;
	_ =	sdelay $0x1  }
0x16d: {  	[tilespmem:v24+s14+$0x0] =	vst.idx.msk $0xffff, v8  }
0x16e: {  	v8 =	vld.idx.msk [tilespmem:v25+s13+$0x0], $0xffff;
	_ =	sdelay $0x2  }
0x16f: {  	v26 =	vor.u32 $0x19, v7;
	_ =	sdelay $0x1  }
0x170: {  	v8 =	vmul.f32 v8, v6;
	_ =	sdelay $0x1  }
0x171: {  	[tilespmem:v25+s14+$0x0] =	vst.idx.msk $0xffff, v8  }
0x172: {  	v8 =	vld.idx.msk [tilespmem:v26+s13+$0x0], $0xffff;
	_ =	sdelay $0x2  }
0x173: {  	v27 =	vor.u32 $0x1A, v7;
	_ =	sdelay $0x1  }
0x174: {  	v8 =	vmul.f32 v8, v6;
	_ =	sdelay $0x1  }
0x175: {  	[tilespmem:v26+s14+$0x0] =	vst.idx.msk $0xffff, v8  }
0x176: {  	v8 =	vld.idx.msk [tilespmem:v27+s13+$0x0], $0xffff;
	_ =	sdelay $0x2  }
0x177: {  	v28 =	vor.u32 $0x1B, v7;
	_ =	sdelay $0x1  }
0x178: {  	v8 =	vmul.f32 v8, v6;
	_ =	sdelay $0x1  }
0x179: {  	[tilespmem:v27+s14+$0x0] =	vst.idx.msk $0xffff, v8  }
0x17a: {  	v8 =	vld.idx.msk [tilespmem:v28+s13+$0x0], $0xffff;
	_ =	sdelay $0x2  }
0x17b: {  	v29 =	vor.u32 $0x1C, v7;
	_ =	sdelay $0x1  }
0x17c: {  	v8 =	vmul.f32 v8, v6;
	_ =	sdelay $0x1  }
0x17d: {  	[tilespmem:v28+s14+$0x0] =	vst.idx.msk $0xffff, v8  }
0x17e: {  	v8 =	vld.idx.msk [tilespmem:v29+s13+$0x0], $0xffff;
	_ =	sdelay $0x2  }
0x17f: {  	v30 =	vor.u32 $0x1D, v7;
	_ =	sdelay $0x1  }
0x180: {  	v8 =	vmul.f32 v8, v6;
	_ =	sdelay $0x1  }
0x181: {  	[tilespmem:v29+s14+$0x0] =	vst.idx.msk $0xffff, v8  }
0x182: {  	v8 =	vld.idx.msk [tilespmem:v30+s13+$0x0], $0xffff;
	_ =	sdelay $0x2  }
0x183: {  	v31 =	vor.u32 $0x1E, v7;
	_ =	sdelay $0x1  }
0x184: {  	v8 =	vmul.f32 v8, v6;
	_ =	sdelay $0x1  }
0x185: {  	[tilespmem:v30+s14+$0x0] =	vst.idx.msk $0xffff, v8  }
0x186: {  	v8 =	vld.idx.msk [tilespmem:v31+s13+$0x0], $0xffff;
	_ =	sdelay $0x2  }
0x187: {  	v32 =	vor.u32 $0x1F, v7;
	_ =	sdelay $0x1  }
0x188: {  	v8 =	vmul.f32 v8, v6;
	_ =	sdelay $0x1  }
0x189: {  	[tilespmem:v31+s14+$0x0] =	vst.idx.msk $0xffff, v8  }
0x18a: {  	v8 =	vld.idx.msk [tilespmem:v32+s13+$0x0], $0xffff;
	_ =	sdelay $0x2  }
0x18b: {  	v33 =	vor.u32 $0x20, v7;
	_ =	sdelay $0x1  }
0x18c: {  	v8 =	vmul.f32 v8, v6;
	_ =	sdelay $0x1  }
0x18d: {  	[tilespmem:v32+s14+$0x0] =	vst.idx.msk $0xffff, v8  }
0x18e: {  	v8 =	vld.idx.msk [tilespmem:v33+s13+$0x0], $0xffff;
	_ =	sdelay $0x2  }
0x18f: {  	v34 =	vor.u32 $0x21, v7;
	_ =	sdelay $0x1  }
0x190: {  	v8 =	vmul.f32 v8, v6;
	_ =	sdelay $0x1  }
0x191: {  	[tilespmem:v33+s14+$0x0] =	vst.idx.msk $0xffff, v8  }
0x192: {  	v8 =	vld.idx.msk [tilespmem:v34+s13+$0x0], $0xffff;
	_ =	sdelay $0x2  }
0x193: {  	v35 =	vor.u32 $0x22, v7;
	_ =	sdelay $0x1  }
0x194: {  	v8 =	vmul.f32 v8, v6;
	_ =	sdelay $0x1  }
0x195: {  	[tilespmem:v34+s14+$0x0] =	vst.idx.msk $0xffff, v8  }
0x196: {  	v8 =	vld.idx.msk [tilespmem:v35+s13+$0x0], $0xffff;
	_ =	sdelay $0x2  }
0x197: {  	v36 =	vor.u32 $0x23, v7;
	_ =	sdelay $0x1  }
0x198: {  	v8 =	vmul.f32 v8, v6;
	_ =	sdelay $0x1  }
0x199: {  	[tilespmem:v35+s14+$0x0] =	vst.idx.msk $0xffff, v8  }
0x19a: {  	v8 =	vld.idx.msk [tilespmem:v36+s13+$0x0], $0xffff;
	_ =	sdelay $0x2  }
0x19b: {  	v37 =	vor.u32 $0x24, v7;
	_ =	sdelay $0x1  }
0x19c: {  	v8 =	vmul.f32 v8, v6;
	_ =	sdelay $0x1  }
0x19d: {  	[tilespmem:v36+s14+$0x0] =	vst.idx.msk $0xffff, v8  }
0x19e: {  	v8 =	vld.idx.msk [tilespmem:v37+s13+$0x0], $0xffff;
	_ =	sdelay $0x2  }
0x19f: {  	v38 =	vor.u32 $0x25, v7;
	_ =	sdelay $0x1  }
0x1a0: {  	v8 =	vmul.f32 v8, v6;
	_ =	sdelay $0x1  }
0x1a1: {  	[tilespmem:v37+s14+$0x0] =	vst.idx.msk $0xffff, v8  }
0x1a2: {  	v8 =	vld.idx.msk [tilespmem:v38+s13+$0x0], $0xffff;
	_ =	sdelay $0x2  }
0x1a3: {  	v39 =	vor.u32 $0x26, v7;
	_ =	sdelay $0x1  }
0x1a4: {  	v8 =	vmul.f32 v8, v6;
	_ =	sdelay $0x1  }
0x1a5: {  	[tilespmem:v38+s14+$0x0] =	vst.idx.msk $0xffff, v8  }
0x1a6: {  	v8 =	vld.idx.msk [tilespmem:v39+s13+$0x0], $0xffff;
	_ =	sdelay $0x2  }
0x1a7: {  	v40 =	vor.u32 $0x27, v7;
	_ =	sdelay $0x1  }
0x1a8: {  	v8 =	vmul.f32 v8, v6;
	_ =	sdelay $0x1  }
0x1a9: {  	[tilespmem:v39+s14+$0x0] =	vst.idx.msk $0xffff, v8  }
0x1aa: {  	v8 =	vld.idx.msk [tilespmem:v40+s13+$0x0], $0xffff;
	_ =	sdelay $0x2  }
0x1ab: {  	v41 =	vor.u32 $0x28, v7;
	_ =	sdelay $0x1  }
0x1ac: {  	v8 =	vmul.f32 v8, v6;
	_ =	sdelay $0x1  }
0x1ad: {  	[tilespmem:v40+s14+$0x0] =	vst.idx.msk $0xffff, v8  }
0x1ae: {  	v8 =	vld.idx.msk [tilespmem:v41+s13+$0x0], $0xffff;
	_ =	sdelay $0x2  }
0x1af: {  	v42 =	vor.u32 $0x29, v7;
	_ =	sdelay $0x1  }
0x1b0: {  	v8 =	vmul.f32 v8, v6;
	_ =	sdelay $0x1  }
0x1b1: {  	[tilespmem:v41+s14+$0x0] =	vst.idx.msk $0xffff, v8  }
0x1b2: {  	v8 =	vld.idx.msk [tilespmem:v42+s13+$0x0], $0xffff;
	_ =	sdelay $0x2  }
0x1b3: {  	v43 =	vor.u32 $0x2A, v7;
	_ =	sdelay $0x1  }
0x1b4: {  	v8 =	vmul.f32 v8, v6;
	_ =	sdelay $0x1  }
0x1b5: {  	[tilespmem:v42+s14+$0x0] =	vst.idx.msk $0xffff, v8  }
0x1b6: {  	v8 =	vld.idx.msk [tilespmem:v43+s13+$0x0], $0xffff;
	_ =	sdelay $0x2  }
0x1b7: {  	v44 =	vor.u32 $0x2B, v7;
	_ =	sdelay $0x1  }
0x1b8: {  	v8 =	vmul.f32 v8, v6;
	_ =	sdelay $0x1  }
0x1b9: {  	[tilespmem:v43+s14+$0x0] =	vst.idx.msk $0xffff, v8  }
0x1ba: {  	v8 =	vld.idx.msk [tilespmem:v44+s13+$0x0], $0xffff;
	_ =	sdelay $0x2  }
0x1bb: {  	v45 =	vor.u32 $0x2C, v7;
	_ =	sdelay $0x1  }
0x1bc: {  	v8 =	vmul.f32 v8, v6;
	_ =	sdelay $0x1  }
0x1bd: {  	[tilespmem:v44+s14+$0x0] =	vst.idx.msk $0xffff, v8  }
0x1be: {  	v8 =	vld.idx.msk [tilespmem:v45+s13+$0x0], $0xffff;
	_ =	sdelay $0x2  }
0x1bf: {  	v46 =	vor.u32 $0x2D, v7;
	_ =	sdelay $0x1  }
0x1c0: {  	v8 =	vmul.f32 v8, v6;
	_ =	sdelay $0x1  }
0x1c1: {  	[tilespmem:v45+s14+$0x0] =	vst.idx.msk $0xffff, v8  }
0x1c2: {  	v8 =	vld.idx.msk [tilespmem:v46+s13+$0x0], $0xffff;
	_ =	sdelay $0x2  }
0x1c3: {  	v47 =	vor.u32 $0x2E, v7;
	_ =	sdelay $0x1  }
0x1c4: {  	v8 =	vmul.f32 v8, v6;
	_ =	sdelay $0x1  }
0x1c5: {  	[tilespmem:v46+s14+$0x0] =	vst.idx.msk $0xffff, v8  }
0x1c6: {  	v8 =	vld.idx.msk [tilespmem:v47+s13+$0x0], $0xffff;
	_ =	sdelay $0x2  }
0x1c7: {  	v48 =	vor.u32 $0x2F, v7;
	_ =	sdelay $0x1  }
0x1c8: {  	v8 =	vmul.f32 v8, v6;
	_ =	sdelay $0x1  }
0x1c9: {  	[tilespmem:v47+s14+$0x0] =	vst.idx.msk $0xffff, v8  }
0x1ca: {  	v8 =	vld.idx.msk [tilespmem:v48+s13+$0x0], $0xffff;
	_ =	sdelay $0x2  }
0x1cb: {  	v49 =	vor.u32 $0x30, v7;
	_ =	sdelay $0x1  }
0x1cc: {  	v8 =	vmul.f32 v8, v6;
	_ =	sdelay $0x1  }
0x1cd: {  	[tilespmem:v48+s14+$0x0] =	vst.idx.msk $0xffff, v8  }
0x1ce: {  	v8 =	vld.idx.msk [tilespmem:v49+s13+$0x0], $0xffff;
	_ =	sdelay $0x2  }
0x1cf: {  	v50 =	vor.u32 $0x31, v7;
	_ =	sdelay $0x1  }
0x1d0: {  	v8 =	vmul.f32 v8, v6;
	_ =	sdelay $0x1  }
0x1d1: {  	[tilespmem:v49+s14+$0x0] =	vst.idx.msk $0xffff, v8  }
0x1d2: {  	v8 =	vld.idx.msk [tilespmem:v50+s13+$0x0], $0xffff;
	_ =	sdelay $0x2  }
0x1d3: {  	v51 =	vor.u32 $0x32, v7;
	_ =	sdelay $0x1  }
0x1d4: {  	v8 =	vmul.f32 v8, v6;
	_ =	sdelay $0x1  }
0x1d5: {  	[tilespmem:v50+s14+$0x0] =	vst.idx.msk $0xffff, v8  }
0x1d6: {  	v8 =	vld.idx.msk [tilespmem:v51+s13+$0x0], $0xffff;
	_ =	sdelay $0x2  }
0x1d7: {  	v52 =	vor.u32 $0x33, v7;
	_ =	sdelay $0x1  }
0x1d8: {  	v8 =	vmul.f32 v8, v6;
	_ =	sdelay $0x1  }
0x1d9: {  	[tilespmem:v51+s14+$0x0] =	vst.idx.msk $0xffff, v8  }
0x1da: {  	v8 =	vld.idx.msk [tilespmem:v52+s13+$0x0], $0xffff;
	_ =	sdelay $0x2  }
0x1db: {  	v53 =	vor.u32 $0x34, v7;
	_ =	sdelay $0x1  }
0x1dc: {  	v8 =	vmul.f32 v8, v6;
	_ =	sdelay $0x1  }
0x1dd: {  	[tilespmem:v52+s14+$0x0] =	vst.idx.msk $0xffff, v8  }
0x1de: {  	v8 =	vld.idx.msk [tilespmem:v53+s13+$0x0], $0xffff;
	_ =	sdelay $0x2  }
0x1df: {  	v54 =	vor.u32 $0x35, v7;
	_ =	sdelay $0x1  }
0x1e0: {  	v8 =	vmul.f32 v8, v6;
	_ =	sdelay $0x1  }
0x1e1: {  	[tilespmem:v53+s14+$0x0] =	vst.idx.msk $0xffff, v8  }
0x1e2: {  	v8 =	vld.idx.msk [tilespmem:v54+s13+$0x0], $0xffff;
	_ =	sdelay $0x2  }
0x1e3: {  	v55 =	vor.u32 $0x36, v7;
	_ =	sdelay $0x1  }
0x1e4: {  	v8 =	vmul.f32 v8, v6;
	_ =	sdelay $0x1  }
0x1e5: {  	[tilespmem:v54+s14+$0x0] =	vst.idx.msk $0xffff, v8  }
0x1e6: {  	v8 =	vld.idx.msk [tilespmem:v55+s13+$0x0], $0xffff;
	_ =	sdelay $0x2  }
0x1e7: {  	v56 =	vor.u32 $0x37, v7;
	_ =	sdelay $0x1  }
0x1e8: {  	v8 =	vmul.f32 v8, v6;
	_ =	sdelay $0x1  }
0x1e9: {  	[tilespmem:v55+s14+$0x0] =	vst.idx.msk $0xffff, v8  }
0x1ea: {  	v8 =	vld.idx.msk [tilespmem:v56+s13+$0x0], $0xffff;
	_ =	sdelay $0x2  }
0x1eb: {  	v57 =	vor.u32 $0x38, v7;
	_ =	sdelay $0x1  }
0x1ec: {  	v8 =	vmul.f32 v8, v6;
	_ =	sdelay $0x1  }
0x1ed: {  	[tilespmem:v56+s14+$0x0] =	vst.idx.msk $0xffff, v8  }
0x1ee: {  	v8 =	vld.idx.msk [tilespmem:v57+s13+$0x0], $0xffff;
	_ =	sdelay $0x2  }
0x1ef: {  	v58 =	vor.u32 $0x39, v7;
	_ =	sdelay $0x1  }
0x1f0: {  	v8 =	vmul.f32 v8, v6;
	_ =	sdelay $0x1  }
0x1f1: {  	[tilespmem:v57+s14+$0x0] =	vst.idx.msk $0xffff, v8  }
0x1f2: {  	v8 =	vld.idx.msk [tilespmem:v58+s13+$0x0], $0xffff;
	_ =	sdelay $0x2  }
0x1f3: {  	v59 =	vor.u32 $0x3A, v7;
	_ =	sdelay $0x1  }
0x1f4: {  	v8 =	vmul.f32 v8, v6;
	_ =	sdelay $0x1  }
0x1f5: {  	[tilespmem:v58+s14+$0x0] =	vst.idx.msk $0xffff, v8  }
0x1f6: {  	v8 =	vld.idx.msk [tilespmem:v59+s13+$0x0], $0xffff;
	_ =	sdelay $0x2  }
0x1f7: {  	v60 =	vor.u32 $0x3B, v7;
	_ =	sdelay $0x1  }
0x1f8: {  	v8 =	vmul.f32 v8, v6;
	_ =	sdelay $0x1  }
0x1f9: {  	[tilespmem:v59+s14+$0x0] =	vst.idx.msk $0xffff, v8  }
0x1fa: {  	v8 =	vld.idx.msk [tilespmem:v60+s13+$0x0], $0xffff;
	_ =	sdelay $0x2  }
0x1fb: {  	v61 =	vor.u32 $0x3C, v7;
	_ =	sdelay $0x1  }
0x1fc: {  	v8 =	vmul.f32 v8, v6;
	_ =	sdelay $0x1  }
0x1fd: {  	[tilespmem:v60+s14+$0x0] =	vst.idx.msk $0xffff, v8  }
0x1fe: {  	v8 =	vld.idx.msk [tilespmem:v61+s13+$0x0], $0xffff;
	_ =	sdelay $0x2  }
0x1ff: {  	v62 =	vor.u32 $0x3D, v7;
	_ =	sdelay $0x1  }
0x200: {  	v8 =	vmul.f32 v8, v6;
	_ =	sdelay $0x1  }
0x201: {  	[tilespmem:v61+s14+$0x0] =	vst.idx.msk $0xffff, v8  }
0x202: {  	v8 =	vld.idx.msk [tilespmem:v62+s13+$0x0], $0xffff;
	_ =	sdelay $0x2  }
0x203: {  	v63 =	vor.u32 $0x3E, v7;
	_ =	sdelay $0x1  }
0x204: {  	v8 =	vmul.f32 v8, v6;
	_ =	sdelay $0x1  }
0x205: {  	[tilespmem:v62+s14+$0x0] =	vst.idx.msk $0xffff, v8  }
0x206: {  	v8 =	vld.idx.msk [tilespmem:v63+s13+$0x0], $0xffff;
	_ =	sdelay $0x2  }
0x207: {  	v7 =	vor.u32 $0x3F, v7;
	_ =	sdelay $0x1  }
0x208: {  	v8 =	vmul.f32 v8, v6;
	_ =	sdelay $0x1  }
0x209: {  	[tilespmem:v63+s14+$0x0] =	vst.idx.msk $0xffff, v8  }
0x20a: {  	v8 =	vld.idx.msk [tilespmem:v7+s13+$0x0], $0xffff;
	_ =	sdelay $0x1  }
0x20b: {  	p0 =	sne.s32 s30, $0x40  }
.Ltmp4:
0x20c: {  	_ = 	snop;
	(pc) =	sbr.rel @p0 .LBB2_12-.Ltmp4, $3  }
0x20d: {  	_ = 	snop  }
0x20e: {  	v6 =	vmul.f32 v8, v6;
	_ =	sdelay $0x1  }
0x20f: {  	s30 =	sadd.s32 $0x10, s30;
	[tilespmem:v7+s14+$0x0] =	vst.idx.msk $0xffff, v6  }
0x210: {  	s0 =	smul.u32 $0x5000, s28  }
0x211: {  	s3 =	smul.u32 $0x140, s26;
	p0 =	sne.s32 s29, $0x19  }
.Ltmp5:
0x212: {  	_ = 	snop;
	(pc) =	sbr.rel @p0 .LBB2_11-.Ltmp5, $4  }
0x213: {  	s31 =	sor.u32 $0x4, s28  }
0x214: {  	s25 =	sadd.s32 $0x50, s25;
	s0 =	sshrl.u32 s0, $0x2;
	s3 =	sshra.s32 s3, $0x2  }
0x215: {  	s26 =	smov.u32 s29;
	s0 =	sadd.s32 $0xF320, s0;
	s3 =	sadd.s32 $0x7D0, s3  }
0x216: {  	[spmem:s2] =	stream.indirect.scatter.add.f32 [tilespmem:s0], [sflag:s31], $0x40, s3, s21, $0xb8;
	[tilespmem:$0x1CAE8] =	vst v63  }
0x217: {  	s1 =	sadd.s32 $0x1, s1  }
0x218: {  	_ =	swait.ge [sflag:s17], $0x1400;
	p0 =	sne.s32 s1, $0xA  }
.Ltmp6:
0x219: {  	[sflag:s17] =	ssyncset.done $0x0;
	(pc) =	sbr.rel @p0 .LBB2_4-.Ltmp6, $4  }
0x21a: {  	[sflag:s17] =	ssyncadd.s32 $0xFFFFEC00  }
0x21b: {  	_ =	swait.ge [sflag:s19], $0x1400  }
0x21c: {  	[sflag:s19] =	ssyncset.done $0x0  }
0x21d: {  	[sflag:s19] =	ssyncadd.s32 $0xFFFFEC00  }
0x21e: {  	[bflag:$0x0] =	sbarrier.arrive $0xFFFF  }
0x21f: {  	s0 =	rddreg [dreg:$0x9]  }
0x220: {  	s3 =	rddreg [dreg:$0xc]  }
0x221: {  	s16 =	rddreg [dreg:$0xd]  }
0x222: {  	[hbm:s0], [sflag:s3] =	dma.local [spmem:s16], $0x1388  }
0x223: {  	_ =	swait.ge [sflag:s18], $0x1388  }
0x224: {  	[sflag:s18] =	ssyncset.done $0x0;
	s30 =	rddreg [dreg:$0xa]  }
0x225: {  	s25 =	rddreg [dreg:$0xe];
	[sflag:s18] =	ssyncadd.s32 $0xFFFFEC78  }
0x226: {  	[hbm:s30], [sflag:s3] =	dma.local [spmem:s25], $0x271  }
0x227: {  	_ =	swait.ge [sflag:s18], $0x271  }
0x228: {  	s1 =	rddreg [dreg:$0xf]  }
0x229: {  	s31 =	rddreg [dreg:$0xb];
	s1 =	sadd.s32 $0x1, s1  }
0x22a: {  	p0 =	sne.s32 s1, s31  }
.Ltmp7:
0x22b: {  	_ = 	snop;
	(pc) =	sbr.rel @p0 .LBB2_1-.Ltmp7, $3  }
0x22c: {  	_ =	sdelay $0x1  }
0x22d: {  	[sflag:s18] =	ssyncset.done $0x0  }
0x22e: {  	[sflag:s18] =	ssyncadd.s32 $0xFFFFFD8F  }
0x22f: {  	_ =	sfence.sel $0x180000  }
0x230: {  	[bflag:$0x0] =	sbarrier.arrive $0xFFFF  }
0x231: {  	_ =	strace $0x9000004A  }
0x232: {  	s0 =	stileid.u32;
	[bflag:$0x2] =	sbarrier.arrive $0xFFFF  }
0x233: {  	p0 =	sne.s32 s0, $0x0;
	s0 =	rddreg [dreg:$0x6]  }
0x234: {  	s0 =	sadd.s32 @!p0 $0x100000, s0  }
0x235: {  	[sflag:s0] =	ssyncadd.tile.s32 @!p0 $0x1;
	_ =	shalt  }
.Lfunc_end2:
_tile_overlayer_lowered:
.L_overlay_start_2:
0x236: {  	(tag) =	ssettag $0x2  }
0x237: {  	s0 =	rddreg [dreg:$0x0];
	s2 =	stileid.u32  }
0x238: {  	s1 =	rddreg [dreg:$0x1];
	p0 =	sne.s32 s2, $0x0  }
0x239: {  	s3 =	rddreg [dreg:$0x2];
	[bflag:$0x3] =	sbarrier.arrive $0xFFFF;
	s2 =	simm.s32 @!p0 $0x1C06  }
0x23a: {  	[timem:s3], [sflag:s2] =	dma.local @!p0 [hbm:s0], s1  }
0x23b: {  	s0 =	simm.s32 @!p0 $0x6  }
0x23c: {  	_ =	swait.ge @!p0 [sflag:s0], s1  }
0x23d: {  	s1 =	ssub.s32 @!p0 $0x0, s1;
	[sflag:s0] =	ssyncset.done @!p0 $0x0  }
0x23e: {  	[sflag:s0] =	ssyncadd.s32 @!p0 s1  }
0x23f: {  	[bflag:$0x3] =	sbarrier.arrive $0xFFFF  }
0x240: {  	_ =	shalt  }

// kernel: kernel.7.cloned.1.call-start
scs
__scs_entry_jumppad:
0x0: {  	(pc) =	sbr.rel $0x88, $3  }
0x1: {  	(tag) =	ssettag $0x0;
	lr =	simm.s32 $0x1  }
0x2: {  	[smem:$0x3F97] =	sst lr;
	_ =	strace $0xD0000000  }
0x3: {  	_ = 	snop  }
0x4: {  	_ = 	snop  }
0x5: {  	_ = 	snop  }
0x6: {  	_ = 	snop  }
0x7: {  	_ = 	snop  }
__scs_overlays_trampoline_lowered:
0x8: {  	[smem:$0x3FA6] =	sst s0  }
0x9: {  	[smem:$0x3FA7] =	sst s1  }
0xa: {  	[smem:$0x3FA8] =	sst s2  }
0xb: {  	[smem:$0x3FA9] =	sst s3  }
0xc: {  	[smem:$0x3FAA] =	sst s4  }
0xd: {  	[smem:$0x3FAB] =	sst s5  }
0xe: {  	[smem:$0x3FAC] =	sst s6  }
0xf: {  	[smem:$0x3FAD] =	sst s7  }
0x10: {  	[smem:$0x3FAE] =	sst s8  }
0x11: {  	[smem:$0x3FAF] =	sst s9;
	s0 =	simm.s32 @!p0 $0x0  }
0x12: {  	s1 =	sld [smem:$0x3F95];
	s0 =	simm.s32 @p0 $0x1  }
0x13: {  	[smem:$0x3FB0] =	sst s0;
	s0 =	simm.s32 @!p1 $0x0  }
0x14: {  	s2 =	sld [smem:$0x3F94];
	s0 =	simm.s32 @p1 $0x1  }
0x15: {  	[smem:$0x3FB1] =	sst s0;
	s0 =	simm.s32 @!p2 $0x0  }
0x16: {  	s3 =	sld [smem:$0x3FDB];
	s0 =	simm.s32 @p2 $0x1  }
0x17: {  	s4 =	simm.s32 $0x1BF5;
	[smem:$0x3FB3] =	sst s0  }
0x18: {  	s0 =	sld [smem:$0x3F96];
	_ =	swait.ge [sflag:s4], $0x0  }
0x19: {  	s7 =	sld [smem:$0x3F97]  }
0x1a: {  	s8 =	sadd.s32 $0xFFFFE003, lr  }
0x1b: {  	s9 =	sadd.s32 $0xFFFFFEF7, lr;
	s5 =	simm.s32 $0xFFFFFFFF;
	p2 =	slt.u32 s8, $0xFFFFF086  }
0x1c: {  	p1 =	slt.u32 s9, $0xF7A;
	s5 =	simm.s32 @!p2 $0x0  }
0x1d: {  	s5 =	simm.s32 @p1 $0x1;
	p0 =	seq.s32 s7, s2  }
0x1e: {  	s7 =	smul.u32 @!p0 $0xF7A, s2;
	p2 =	seq.s32 @!p0 s5, $0x0  }
0x1f: {  	s9 =	smul.u32 $0xF7A, s1;
	s8 =	simm.s32 @!p0 $0x1BF5;
	p2 =	por !p2, p0  }
0x20: {  	[sflag:s8] =	ssyncset.s32 @!p0 $0xFFFFF086;
	s6 =	sadd.s32 @!p0 s3, s7;
	s7 =	simm.s32 @!p0 $0x108  }
0x21: {  	s3 =	sadd.s32 s3, s9;
	s6 =	sadd.s32 @!p0 $0x88, s6;
	s7 =	simm.s32 @p2 $0x1082  }
0x22: {  	[simem:s7], [sflag:s8] =	dma.local @!p0 [hbm:s6], $0xF7A  }
0x23: {  	s9 =	sor.u32 $0xD0000000, s2;
	s6 =	simm.s32 $0x108;
	_ =	swait.ge @!p0 [sflag:s8], $0x0  }
0x24: {  	s3 =	sadd.s32 $0x88, s3;
	s6 =	simm.s32 @!p1 $0x1082;
	[sflag:s4] =	ssyncset.s32 $0xFFFFF086  }
0x25: {  	[simem:s6], [sflag:s4] =	dma.local [hbm:s3], $0xF7A  }
0x26: {  	[smem:$0x3F97] =	sst s1;
	(tag) =	ssettag s2;
	_ =	strace s9  }
0x27: {  	s1 =	sld [smem:$0x3FA7]  }
0x28: {  	s2 =	sld [smem:$0x3FA8]  }
0x29: {  	s4 =	sld [smem:$0x3FAA]  }
0x2a: {  	p0 =	seq.s32 s5, $0x0;
	s5 =	sld [smem:$0x3FAB]  }
0x2b: {  	s6 =	sld [smem:$0x3FAC]  }
0x2c: {  	s7 =	sld [smem:$0x3FAD]  }
0x2d: {  	s3 =	simm.s32 $0x108;
	s8 =	sld [smem:$0x3FAE]  }
0x2e: {  	s3 =	simm.s32 @!p0 $0x1082;
	s9 =	sld [smem:$0x3FAF]  }
0x2f: {  	lr =	sadd.s32 s0, s3;
	s0 =	sld [smem:$0x3FA6]  }
0x30: {  	s3 =	sld [smem:$0x3FA9]  }
0x31: {  	[smem:$0x3FB2] =	sst s10  }
0x32: {  	s10 =	sld [smem:$0x3FB0];
	_ =	sdelay $0x3  }
0x33: {  	p0 =	seq.s32 s10, $0x1;
	s10 =	sld [smem:$0x3FB2];
	_ =	sdelay $0x3  }
0x34: {  	[smem:$0x3FB2] =	sst s10  }
0x35: {  	s10 =	sld [smem:$0x3FB1];
	_ =	sdelay $0x3  }
0x36: {  	p1 =	seq.s32 s10, $0x1;
	s10 =	sld [smem:$0x3FB2];
	_ =	sdelay $0x3  }
0x37: {  	[smem:$0x3FB2] =	sst s10  }
0x38: {  	s10 =	sld [smem:$0x3FB3]  }
0x39: {  	_ = 	snop;
	(pc) =	sbr.ind lr, $3  }
0x3a: {  	_ = 	snop  }
0x3b: {  	_ = 	snop  }
0x3c: {  	p2 =	seq.s32 s10, $0x1;
	s10 =	sld [smem:$0x3FB2]  }
0x3d: {  	_ =	shalt  }
0x3e: {  	_ =	shalt  }
0x3f: {  	_ =	shalt  }
0x40: {  	_ =	shalt  }
0x41: {  	_ =	shalt  }
0x42: {  	_ =	shalt  }
0x43: {  	_ =	shalt  }
0x44: {  	_ =	shalt  }
0x45: {  	_ =	shalt  }
0x46: {  	_ =	shalt  }
0x47: {  	_ =	shalt  }
0x48: {  	_ =	shalt  }
0x49: {  	_ =	shalt  }
0x4a: {  	_ =	shalt  }
0x4b: {  	_ =	shalt  }
0x4c: {  	_ =	shalt  }
0x4d: {  	_ =	shalt  }
0x4e: {  	_ =	shalt  }
0x4f: {  	_ =	shalt  }
0x50: {  	_ =	shalt  }
0x51: {  	_ =	shalt  }
0x52: {  	_ =	shalt  }
0x53: {  	_ =	shalt  }
0x54: {  	_ =	shalt  }
0x55: {  	_ =	shalt  }
0x56: {  	_ =	shalt  }
0x57: {  	_ =	shalt  }
0x58: {  	_ =	shalt  }
0x59: {  	_ =	shalt  }
0x5a: {  	_ =	shalt  }
0x5b: {  	_ =	shalt  }
0x5c: {  	_ =	shalt  }
0x5d: {  	_ =	shalt  }
0x5e: {  	_ =	shalt  }
0x5f: {  	_ =	shalt  }
0x60: {  	_ =	shalt  }
0x61: {  	_ =	shalt  }
0x62: {  	_ =	shalt  }
0x63: {  	_ =	shalt  }
0x64: {  	_ =	shalt  }
0x65: {  	_ =	shalt  }
0x66: {  	_ =	shalt  }
0x67: {  	_ =	shalt  }
0x68: {  	_ =	shalt  }
0x69: {  	_ =	shalt  }
0x6a: {  	_ =	shalt  }
0x6b: {  	_ =	shalt  }
0x6c: {  	_ =	shalt  }
0x6d: {  	_ =	shalt  }
0x6e: {  	_ =	shalt  }
0x6f: {  	_ =	shalt  }
0x70: {  	_ =	shalt  }
0x71: {  	_ =	shalt  }
0x72: {  	_ =	shalt  }
0x73: {  	_ =	shalt  }
0x74: {  	_ =	shalt  }
0x75: {  	_ =	shalt  }
0x76: {  	_ =	shalt  }
0x77: {  	_ =	shalt  }
0x78: {  	_ =	shalt  }
0x79: {  	_ =	shalt  }
0x7a: {  	_ =	shalt  }
0x7b: {  	_ =	shalt  }
0x7c: {  	_ =	shalt  }
0x7d: {  	_ =	shalt  }
0x7e: {  	_ =	shalt  }
0x7f: {  	_ =	shalt  }
0x80: {  	_ =	shalt  }
0x81: {  	_ =	shalt  }
0x82: {  	_ =	shalt  }
0x83: {  	_ =	shalt  }
0x84: {  	_ =	shalt  }
0x85: {  	_ =	shalt  }
0x86: {  	_ =	shalt  }
0x87: {  	_ =	shalt  }
.Lfunc_end0:
.L_simem_size_0:
called_computation_lowered:
.L_overlay_start_0:
0x88: {  	s2 =	sld [smem:$0x3FD9]  }
0x89: {  	s3 =	sld [smem:$0x3FFE];
	_ =	sdelay $0x1  }
0x8a: {  	s1 =	srdreg.scid  }
0x8b: {  	s0 =	sand.u32 $0x1, s1  }
0x8c: {  	s14 =	sshll.u32 s0, $0xA;
	s2 =	sadd.s32 s3, s2  }
0x8d: {  	s2 =	sadd.s32 s2, s14  }
0x8e: {  	[smem:$0x3FBE] =	sst s2  }
0x8f: {  	_ = 	snop  }
0x90: {  	s2 =	sld [smem:$0x3FD0];
	_ =	sdelay $0x2  }
0x91: {  	s15 =	simm.s32 $0xA;
	s4 =	simm.s32 $0x10  }
0x92: {  	[smem:s4], [sflag:s15] =	dma.local [hbm:s2], $0x1  }
0x93: {  	_ =	swait.eq [sflag:s15], $0x1  }
0x94: {  	s16 =	sld [smem:$0x10]  }
0x95: {  	s17 =	sld [smem:$0x11];
	[sflag:s15] =	ssyncset.done $0x0  }
0x96: {  	s5 =	sld [smem:$0x12];
	[sflag:s15] =	ssyncadd.s32 $0xFFFFFFFF  }
0x97: {  	s18 =	sld [smem:$0x13];
	(tm) =	ssettm $0x1  }
0x98: {  	s6 =	sld [smem:$0x3FFB];
	_ =	sdelay $0x3  }
0x99: {  	_ =	strace s6  }
0x9a: {  	s6 =	sld [smem:$0x3FFC];
	_ =	sdelay $0x3  }
0x9b: {  	_ =	strace s6  }
0x9c: {  	s6 =	sld [smem:$0x3FFD];
	_ =	sdelay $0x3  }
0x9d: {  	_ =	strace s6  }
0x9e: {  	_ =	strace $0x8FFFFFFF  }
0x9f: {  	s19 =	sld [smem:$0x3FDB];
	_ =	sdelay $0x1  }
0xa0: {  	s7 =	simm.s32 $_scs_section_size  }
0xa1: {  	s8 =	simm.s32 $_size__tile_overlayer_lowered;
	s9 =	simm.s32 $_tile_overlayer_lowered  }
0xa2: {  	s22 =	simm.s32 $0x1BFF;
	s21 =	sshll.u32 s9, $0x1;
	s6 =	sadd.s32 s7, s19  }
0xa3: {  	s10 =	simm.s32 $0x0;
	s20 =	sshll.u32 s8, $0x1;
	s8 =	sadd.s32 s21, s6  }
0xa4: {  	[timem:s10], [sflag:s22] =	dma.local [hbm:s8], s20  }
0xa5: {  	_ =	swait.ge [sflag:s22], s20  }
0xa6: {  	s7 =	ssub.s32 $0x0, s20;
	[sflag:s22] =	ssyncset.done $0x0  }
0xa7: {  	[sflag:s22] =	ssyncadd.s32 s7;
	_ =	sdelay $0x1  }
0xa8: {  	s23 =	simm.s32 $0x1B8B  }
0xa9: {  	_ =	swait.ge [sflag:s23], $0x1  }
0xaa: {  	[sflag:s23] =	ssyncset.done $0x0  }
0xab: {  	s25 =	simm.s32 $0x1B8E;
	s24 =	sld [smem:$0x3FFE];
	[sflag:s23] =	ssyncadd.s32 $0xFFFFFFFF  }
0xac: {  	s26 =	simm.s32 $execute0_lowered;
	[smem:$0x3FD2] =	sst s25  }
0xad: {  	s8 =	sshll.u32 s26, $0x1;
	_ =	strace $0x80000046;
	[dreg:$0x1] =	wrdreg $0xFFFFFFFF  }
0xae: {  	s28 =	simm.s32 $_size_execute0_lowered;
	s6 =	sadd.s32 s6, s8;
	[dreg:$0x0] =	wrdreg $0x0  }
0xaf: {  	s8 =	sshll.u32 s28, $0x1;
	[dreg:$0x2] =	wrdreg s6  }
0xb0: {  	[dreg:$0x3] =	wrdreg s8  }
0xb1: {  	[dreg:$0x4] =	wrdreg $0xC0  }
0xb2: {  	_ =	task [dreg:s10], $0x5FFFF  }
0xb3: {  	[dreg:$0x1] =	wrdreg $0xFFFFFFFF  }
0xb4: {  	[dreg:$0x0] =	wrdreg $0x60  }
0xb5: {  	[dreg:$0x2] =	wrdreg s18  }
0xb6: {  	[dreg:$0x3] =	wrdreg s24  }
0xb7: {  	[dreg:$0x4] =	wrdreg s16  }
0xb8: {  	[dreg:$0x5] =	wrdreg s17  }
0xb9: {  	[dreg:$0x6] =	wrdreg s5  }
0xba: {  	[dreg:$0x7] =	wrdreg $0x11B200  }
0xbb: {  	[dreg:$0x8] =	wrdreg $0x1B7600  }
0xbc: {  	[dreg:$0x9] =	wrdreg $0x9  }
0xbd: {  	_ =	task.clear_ibuf [dreg:s10], $0xAFFFF;
	_ =	strace $0x90000046  }
0xbe: {  	s29 =	simm.s32 $0x9;
	_ =	strace $0x80000048  }
0xbf: {  	_ =	swait.ge [sflag:s29], $0x1  }
0xc0: {  	[sflag:s29] =	ssyncadd.s32 $0xFFFFFFFF  }
0xc1: {  	_ =	strace $0x90000048  }
0xc2: {  	_ =	sfence  }
0xc3: {  	s30 =	sld [smem:$0x0];
	_ =	sdelay $0x2  }
0xc4: {  	s31 =	sshll.u32 s1, $0xD;
	s1 =	sshrl.u32 s1, $0x2  }
0xc5: {  	s3 =	sand.u32 $0x4000, s31;
	s1 =	sadd.s32 s1, s30  }
0xc6: {  	s0 =	sor.u32 s3, s0;
	s1 =	sshll.u32 s1, $0x11  }
0xc7: {  	s0 =	sor.u32 s1, s0  }
0xc8: {  	s0 =	sadd.s32 $0x8F2B, s0  }
0xc9: {  	[sflag:s0] =	ssyncadd.remote.s32 $0x1  }
0xca: {  	_ =	sfence.sel $0xFFFF  }
0xcb: {  	[dreg:$0x0] =	wrdreg $0xFFFFFFFF;
	(pc) =	sbr.abs _section_cstart, $3  }
0xcc: {  	[dreg:$0x1] =	wrdreg $0xFFFFFFFF  }
0xcd: {  	_ =	task.clear_ibuf [dreg:s10], $0x2FFFF;
	_ =	strace $0x9FFFFFFF  }
0xce: {  	(tm) =	ssettm $0x7FFFFFFF  }
0xcf: {  	_ =	shalt  }
tec
execute0_lowered:
.L_overlay_start_1:
0x0: {  	(tag) =	ssettag $0x1  }
0x1: {  	s0 =	rddreg [dreg:$0x0]  }
0x2: {  	s1 =	rddreg [dreg:$0x1]  }
0x3: {  	s4 =	rddreg [dreg:$0x3]  }
0x4: {  	s5 =	rddreg [dreg:$0x4]  }
0x5: {  	s2 =	rddreg [dreg:$0x5]  }
0x6: {  	s3 =	rddreg [dreg:$0x6]  }
0x7: {  	s6 =	simm.s32 $0x0;
	s8 =	srdreg.scid;
	s15 =	stileid.u32  }
0x8: {  	s18 =	simm.s32 $0x6;
	s20 =	simm.s32 $0x7D0;
	s21 =	simm.s32 $0x50  }
0x9: {  	s22 =	simm.s32 $0x1;
	s23 =	simm.s32 $0xFA0;
	s17 =	simm.s32 $0x5  }
0xa: {  	s19 =	simm.s32 $0x4;
	[smem:$0x7FF] =	sst s6;
	s6 =	sadd.s32 $0x2E00, s1  }
0xb: {  	s7 =	sadd.s32 $0x5600, s1;
	s8 =	sand.u32 $0x1, s8;
	s9 =	smul.u32 $0x9C40, s15  }
0xc: {  	s10 =	sadd.s32 $0xF400, s1;
	s12 =	smul.u32 $0x1388, s15;
	s1 =	sadd.s32 $0x10800, s1  }
0xd: {  	s31 =	sshll.u32 s15, $0x6;
	_ =	strace $0x80000047;
	s11 =	smul.u32 $0x9C400, s8  }
0xe: {  	[dreg:$0x8] =	wrdreg s10;
	s24 =	ssub.s32 $0x2, s8;
	s14 =	smul.u32 $0x13880, s8  }
0xf: {  	[dreg:$0x9] =	wrdreg s1;
	s10 =	smul.u32 $0xFA, s15;
	s8 =	sshll.u32 s8, $0x1  }
0x10: {  	s15 =	simm.s32 $0x8CA0;
	s25 =	sshrl.u32 s24, $0x1;
	s13 =	sadd.s32 s9, s2  }
0x11: {  	s16 =	sadd.s32 s12, s3;
	v0 =	vmov s8;
	s8 =	simm.s32 $0xC620;
	s1 =	ssub.s32 s24, s25  }
0x12: {  	s9 =	sadd.s32 s9, s11;
	s11 =	sadd.s32 s0, s14;
	s28 =	sadd.s32 s12, s14  }
0x13: {  	s25 =	sshrl.u32 s13, $0x3;
	s16 =	sshrl.u32 s16, $0x3;
	s24 =	simm.s32 $0x4E20  }
0x14: {  	s12 =	simm.s32 $0xC8A0;
	s13 =	simm.s32 $0xCB20;
	[dreg:$0xe] =	wrdreg s25  }
0x15: {  	s26 =	sshrl.u32 s9, $0x3;
	s30 =	smax.u32 s1, $0x1;
	[dreg:$0xf] =	wrdreg s16  }
0x16: {  	s29 =	sshrl.u32 s28, $0x3;
	s0 =	sadd.s32 s4, s26;
	[dreg:$0xc] =	wrdreg s30  }
0x17: {  	v6 =	vlaneseq.u32;
	v4 =	vimm.f32 $0.0e+00;
	s14 =	simm.s32 $0xF320;
	[dreg:$0xa] =	wrdreg s0;
	s0 =	sadd.s32 s5, s29  }
0x18: {  	v2 =	vshrl.u32 v6, $0x3;
	v3 =	vand.u32 $0x7, v6;
	v5 =	vmul.u32 $0x8, v6;
	s9 =	simm.s32 $0xF50;
	s5 =	sor.u32 $0x1C06, s31;
	[dreg:$0xb] =	wrdreg s0  }
0x19: {  	v6 =	vmul.u32 $0x40, v6;
	v2 =	vmul.u32 $0x8, v2;
	v1 =	vor.u32 $0x1, v0;
	s1 =	simm.s32 $0x0;
	s4 =	simm.s32 $0xF00;
	[dreg:$0xd] =	wrdreg s5  }
.LBB2_1:
0x1a: {  	s0 =	simm.s32 $0x0  }
0x1b: {  	v7 =	vmov s0  }
0x1c: {  	v7 =	vshll.u32 v7, $0x3  }
0x1d: {  	v7 =	vor.u32 v2, v7  }
0x1e: {  	[dreg:$0x10] =	wrdreg s1;
	s1 =	simm.s32 $0x2;
	v7 =	vor.u32 v3, v7  }
.LBB2_2:
0x1f: {  	p0 =	sne.s32 s1, $0x7CE  }
.Ltmp0:
0x20: {  	_ = 	snop;
	(pc) =	sbr.rel @p0 .LBB2_2-.Ltmp0, $4  }
0x21: {  	v8 =	vmov s1  }
0x22: {  	v8 =	vshll.u32 v8, $0x3  }
0x23: {  	v8 =	vor.u32 v2, v8  }
0x24: {  	s1 =	sadd.s32 $0x2, s1;
	[tilespmem:v7+s15+$0x0] =	vst.idx.msk $0xffff, v4;
	v7 =	vor.u32 v3, v8  }
0x25: {  	_ =	sdelay $0x3  }
0x26: {  	[tilespmem:v7+s15+$0x0] =	vst.idx.msk $0xffff, v4;
	s0 =	rddreg [dreg:$0x8]  }
0x27: {  	[spmem:s25], [sflag:s5] =	dma.local [hbm:s0], $0x1388  }
0x28: {  	_ =	swait.ge [sflag:s18], $0x1388  }
0x29: {  	[sflag:s18] =	ssyncset.done $0x0  }
0x2a: {  	s31 =	rddreg [dreg:$0x9];
	[sflag:s18] =	ssyncadd.s32 $0xFFFFEC78  }
0x2b: {  	[spmem:s16], [sflag:s5] =	dma.local [hbm:s31], $0x271  }
0x2c: {  	_ =	swait.ge [sflag:s18], $0x271  }
0x2d: {  	[sflag:s18] =	ssyncset.done $0x0  }
0x2e: {  	[sflag:s18] =	ssyncadd.s32 $0xFFFFFD8F  }
0x2f: {  	s1 =	simm.s32 $0x0;
	s16 =	simm.s32 $0x0;
	[bflag:$0x0] =	sbarrier.arrive $0xFFFF  }
.LBB2_4:
0x30: {  	s25 =	smul.u32 $0x19, s1;
	_ =	sdelay $0x1  }
0x31: {  	s25 =	sadd.s32 s10, s25  }
0x32: {  	s25 =	smul.u32 $0xA, s25;
	_ =	sdelay $0x1  }
0x33: {  	s26 =	sadd.s32 s7, s25  }
0x34: {  	[tilespmem:s16], [sflag:$0x6] =	stream.linear.gather [hbm4b:s26+s16], $0x7D0, $0x38;
	[tilespmem:$0x1CAE8] =	vst v63  }
0x35: {  	_ =	swait.ge [sflag:s18], $0x7D0  }
0x36: {  	[sflag:s18] =	ssyncset.done $0x0  }
0x37: {  	[sflag:s18] =	ssyncadd.s32 $0xFFFFF830  }
0x38: {  	s0 =	rddreg [dreg:$0x2]  }
0x39: {  	s25 =	sadd.s32 s0, s25  }
0x3a: {  	[tilespmem:s20], [sflag:$0x6] =	stream.linear.gather [hbm4b:s25+s16], $0x7D0, $0x38;
	[tilespmem:$0x1CAE8] =	vst v63  }
0x3b: {  	_ =	swait.ge [sflag:s18], $0x7D0  }
0x3c: {  	s29 =	simm.s32 $0xFA0;
	[sflag:s18] =	ssyncset.done $0x0  }
0x3d: {  	s30 =	simm.s32 $0x0;
	s31 =	simm.s32 $0x7D0;
	[sflag:s18] =	ssyncadd.s32 $0xFFFFF830  }
0x3e: {  	[tilespmem:s29], [sflag:$0x1] =	stream.indirect.gather [hbm4b:s6+s21], $0x8, s30, s21, $0xb8;
	[tilespmem:$0x1CAE8] =	vst v63  }
0x3f: {  	s28 =	simm.s32 $0x1220;
	s26 =	simm.s32 $0x140;
	s25 =	simm.s32 $0x4E20  }
0x40: {  	[tilespmem:s25], [sflag:$0x1] =	stream.indirect.gather [hbm4b:s6+s21], $0x8, s31, s21, $0xb8;
	[tilespmem:$0x1CAE8] =	vst v63  }
.LBB2_5:
0x41: {  	s29 =	sshra.s32 s26, $0x2;
	p0 =	sne.s32 s26, $0x1E00;
	s26 =	sadd.s32 $0x140, s26  }
0x42: {  	[tilespmem:s28], [sflag:$0x1] =	stream.indirect.gather [hbm4b:s6+s21], $0x8, s29, s21, $0xb8;
	[tilespmem:$0x1CAE8] =	vst v63  }
.Ltmp1:
0x43: {  	_ = 	snop;
	(pc) =	sbr.rel @p0 .LBB2_5-.Ltmp1, $4  }
0x44: {  	s25 =	sadd.s32 $0x280, s25;
	s29 =	sadd.s32 $0x7D0, s29  }
0x45: {  	[tilespmem:s25], [sflag:$0x1] =	stream.indirect.gather [hbm4b:s6+s21], $0x8, s29, s21, $0xb8;
	[tilespmem:$0x1CAE8] =	vst v63  }
0x46: {  	_ = 	snop  }
0x47: {  	s28 =	sadd.s32 $0x280, s28  }
0x48: {  	_ =	swait.ge [sflag:s22], $0x280  }
0x49: {  	[sflag:s22] =	ssyncset.done $0x0  }
0x4a: {  	[sflag:s22] =	ssyncadd.s32 $0xFFFFFD80  }
0x4b: {  	_ =	swait.ge [sflag:s22], $0x280  }
0x4c: {  	s25 =	simm.s32 $0x18;
	[sflag:s22] =	ssyncset.done $0x0  }
.LBB2_7:
0x4d: {  	p0 =	sne.s32 s25, $0x1;
	s25 =	sadd.s32 $0xFFFFFFFF, s25;
	[sflag:s22] =	ssyncadd.s32 $0xFFFFFD80  }
.Ltmp2:
0x4e: {  	_ =	swait.ge [sflag:s22], $0x280;
	(pc) =	sbr.rel @p0 .LBB2_7-.Ltmp2, $4  }
0x4f: {  	[sflag:s22] =	ssyncset.done $0x0  }
0x50: {  	[sflag:s22] =	ssyncadd.s32 $0xFFFFFD80  }
0x51: {  	_ =	swait.ge [sflag:s22], $0x280  }
0x52: {  	[sflag:s22] =	ssyncset.done $0x0  }
0x53: {  	s25 =	simm.s32 $0x0  }
0x54: {  	v7 =	vmov s25  }
0x55: {  	v7 =	vshll.u32 v7, $0x3  }
0x56: {  	v7 =	vor.u32 v5, v7  }
0x57: {  	v8 =	vor.u32 $0x4, v7;
	_ =	sdelay $0x2  }
0x58: {  	[sflag:s22] =	ssyncadd.s32 $0xFFFFFD80  }
0x59: {  	v9 =	vld.idx.msk [tilespmem:v7+s23+$0x0], $0xffff  }
0x5a: {  	v8 =	vld.idx.msk [tilespmem:v8+s24+$0x0], $0xffff;
	_ =	sdelay $0x4  }
0x5b: {  	v8 =	vadd.f32 v8, v9;
	_ =	sdelay $0x1  }
0x5c: {  	v9 =	vmul.f32 $2.000000030e-01, v8;
	_ =	sdelay $0x1  }
0x5d: {  	v8 =	vmax.f32 v8, v9  }
0x5e: {  	v8 =	vmul.f32 $1.442695020e+00, v8;
	_ =	sdelay $0x1  }
0x5f: {  	(erf) = vpow2.f32 v8;
	_ =	sdelay $0x5  }
0x60: {  	v8 =	vor.u32 $0x1, v7  }
0x61: {  	v9 =	vor.u32 $0x5, v7;
	_ =	sdelay $0x1  }
0x62: {  	v10 =	vpop (erf)  }
0x63: {  	[tilespmem:v7+s15+$0x0] =	vst.idx.msk $0xffff, v10  }
0x64: {  	v10 =	vld.idx.msk [tilespmem:v8+s23+$0x0], $0xffff  }
0x65: {  	v9 =	vld.idx.msk [tilespmem:v9+s24+$0x0], $0xffff;
	_ =	sdelay $0x4  }
0x66: {  	v9 =	vadd.f32 v9, v10;
	_ =	sdelay $0x1  }
0x67: {  	v10 =	vmul.f32 $2.000000030e-01, v9;
	_ =	sdelay $0x1  }
0x68: {  	v9 =	vmax.f32 v9, v10  }
0x69: {  	v9 =	vmul.f32 $1.442695020e+00, v9;
	_ =	sdelay $0x1  }
0x6a: {  	(erf) = vpow2.f32 v9;
	_ =	sdelay $0x5  }
0x6b: {  	v9 =	vor.u32 $0x2, v7  }
0x6c: {  	v10 =	vor.u32 $0x6, v7;
	_ =	sdelay $0x1  }
0x6d: {  	v11 =	vpop (erf)  }
0x6e: {  	[tilespmem:v8+s15+$0x0] =	vst.idx.msk $0xffff, v11  }
0x6f: {  	v8 =	vld.idx.msk [tilespmem:v9+s23+$0x0], $0xffff  }
0x70: {  	v10 =	vld.idx.msk [tilespmem:v10+s24+$0x0], $0xffff;
	_ =	sdelay $0x4  }
0x71: {  	v8 =	vadd.f32 v10, v8;
	_ =	sdelay $0x1  }
0x72: {  	v10 =	vmul.f32 $2.000000030e-01, v8;
	_ =	sdelay $0x1  }
0x73: {  	v8 =	vmax.f32 v8, v10  }
0x74: {  	v8 =	vmul.f32 $1.442695020e+00, v8;
	_ =	sdelay $0x1  }
0x75: {  	(erf) = vpow2.f32 v8;
	_ =	sdelay $0x5  }
0x76: {  	v8 =	vor.u32 $0x3, v7  }
0x77: {  	v7 =	vor.u32 $0x7, v7;
	_ =	sdelay $0x1  }
0x78: {  	v10 =	vpop (erf)  }
0x79: {  	[tilespmem:v9+s15+$0x0] =	vst.idx.msk $0xffff, v10  }
0x7a: {  	v9 =	vld.idx.msk [tilespmem:v8+s23+$0x0], $0xffff  }
0x7b: {  	v7 =	vld.idx.msk [tilespmem:v7+s24+$0x0], $0xffff;
	_ =	sdelay $0x4  }
0x7c: {  	v7 =	vadd.f32 v7, v9;
	_ =	sdelay $0x1  }
0x7d: {  	v9 =	vmul.f32 $2.000000030e-01, v7;
	_ =	sdelay $0x1  }
0x7e: {  	v7 =	vmax.f32 v7, v9  }
0x7f: {  	v7 =	vmul.f32 $1.442695020e+00, v7;
	_ =	sdelay $0x1  }
0x80: {  	(erf) = vpow2.f32 v7;
	_ =	sdelay $0x2  }
0x81: {  	s31 =	simm.s32 $0x10  }
0x82: {  	v9 =	vmov s31  }
0x83: {  	v9 =	vshll.u32 v9, $0x3  }
0x84: {  	s25 =	simm.s32 $0x20;
	v7 =	vor.u32 v5, v9  }
.LBB2_9:
0x85: {  	p0 =	sne.s32 s25, $0x7C0;
	v9 =	vor.u32 $0x4, v7;
	s26 =	smov.u32 s25;
	s25 =	sadd.s32 $0x10, s25  }
0x86: {  	_ = 	snop  }
0x87: {  	v10 =	vpop (erf)  }
0x88: {  	[tilespmem:v8+s15+$0x0] =	vst.idx.msk $0xffff, v10  }
0x89: {  	v8 =	vld.idx.msk [tilespmem:v7+s23+$0x0], $0xffff  }
0x8a: {  	v9 =	vld.idx.msk [tilespmem:v9+s24+$0x0], $0xffff;
	_ =	sdelay $0x5  }
0x8b: {  	v8 =	vadd.f32 v9, v8;
	_ =	sdelay $0x1  }
0x8c: {  	v9 =	vmul.f32 $2.000000030e-01, v8;
	_ =	sdelay $0x1  }
0x8d: {  	v8 =	vmax.f32 v8, v9  }
0x8e: {  	v8 =	vmul.f32 $1.442695020e+00, v8;
	_ =	sdelay $0x1  }
0x8f: {  	(erf) = vpow2.f32 v8;
	_ =	sdelay $0x5  }
0x90: {  	v9 =	vor.u32 $0x5, v7;
	v8 =	vor.u32 $0x1, v7;
	_ =	sdelay $0x2  }
0x91: {  	v10 =	vpop (erf)  }
0x92: {  	[tilespmem:v7+s15+$0x0] =	vst.idx.msk $0xffff, v10  }
0x93: {  	v10 =	vld.idx.msk [tilespmem:v8+s23+$0x0], $0xffff  }
0x94: {  	v9 =	vld.idx.msk [tilespmem:v9+s24+$0x0], $0xffff;
	_ =	sdelay $0x5  }
0x95: {  	v9 =	vadd.f32 v9, v10;
	_ =	sdelay $0x1  }
0x96: {  	v10 =	vmul.f32 $2.000000030e-01, v9;
	_ =	sdelay $0x1  }
0x97: {  	v9 =	vmax.f32 v9, v10  }
0x98: {  	v9 =	vmul.f32 $1.442695020e+00, v9;
	_ =	sdelay $0x1  }
0x99: {  	(erf) = vpow2.f32 v9;
	_ =	sdelay $0x5  }
0x9a: {  	v10 =	vor.u32 $0x6, v7;
	v9 =	vor.u32 $0x2, v7;
	_ =	sdelay $0x2  }
0x9b: {  	v11 =	vpop (erf)  }
0x9c: {  	[tilespmem:v8+s15+$0x0] =	vst.idx.msk $0xffff, v11  }
0x9d: {  	v8 =	vld.idx.msk [tilespmem:v9+s23+$0x0], $0xffff  }
0x9e: {  	v10 =	vld.idx.msk [tilespmem:v10+s24+$0x0], $0xffff;
	_ =	sdelay $0x5  }
0x9f: {  	v8 =	vadd.f32 v10, v8;
	_ =	sdelay $0x1  }
0xa0: {  	v10 =	vmul.f32 $2.000000030e-01, v8;
	_ =	sdelay $0x1  }
0xa1: {  	v8 =	vmax.f32 v8, v10  }
0xa2: {  	v8 =	vmul.f32 $1.442695020e+00, v8;
	_ =	sdelay $0x1  }
0xa3: {  	(erf) = vpow2.f32 v8;
	_ =	sdelay $0x5  }
0xa4: {  	v8 =	vor.u32 $0x3, v7;
	v7 =	vor.u32 $0x7, v7;
	_ =	sdelay $0x2  }
0xa5: {  	v10 =	vpop (erf)  }
0xa6: {  	[tilespmem:v9+s15+$0x0] =	vst.idx.msk $0xffff, v10  }
0xa7: {  	v9 =	vld.idx.msk [tilespmem:v8+s23+$0x0], $0xffff  }
0xa8: {  	v7 =	vld.idx.msk [tilespmem:v7+s24+$0x0], $0xffff;
	_ =	sdelay $0x5  }
0xa9: {  	v7 =	vadd.f32 v7, v9;
	_ =	sdelay $0x1  }
0xaa: {  	v9 =	vmul.f32 $2.000000030e-01, v7;
	_ =	sdelay $0x1  }
0xab: {  	v7 =	vmax.f32 v7, v9  }
0xac: {  	v7 =	vmul.f32 $1.442695020e+00, v7;
	_ =	sdelay $0x1  }
0xad: {  	(erf) = vpow2.f32 v7;
	_ =	sdelay $0x1  }
.Ltmp3:
0xae: {  	(pc) =	sbr.rel @p0 .LBB2_9-.Ltmp3, $4  }
0xaf: {  	_ = 	snop  }
0xb0: {  	v7 =	vmov s26  }
0xb1: {  	v7 =	vshll.u32 v7, $0x3  }
0xb2: {  	v7 =	vor.u32 v5, v7  }
0xb3: {  	_ = 	snop  }
0xb4: {  	v9 =	vor.u32 $0x4, v7;
	_ =	sdelay $0x1  }
0xb5: {  	v10 =	vpop (erf)  }
0xb6: {  	[tilespmem:v8+s15+$0x0] =	vst.idx.msk $0xffff, v10  }
0xb7: {  	v8 =	vld.idx.msk [tilespmem:v7+s23+$0x0], $0xffff  }
0xb8: {  	v9 =	vld.idx.msk [tilespmem:v9+s24+$0x0], $0xffff;
	_ =	sdelay $0x4  }
0xb9: {  	v8 =	vadd.f32 v9, v8;
	_ =	sdelay $0x1  }
0xba: {  	v9 =	vmul.f32 $2.000000030e-01, v8;
	_ =	sdelay $0x1  }
0xbb: {  	v8 =	vmax.f32 v8, v9  }
0xbc: {  	v8 =	vmul.f32 $1.442695020e+00, v8;
	_ =	sdelay $0x1  }
0xbd: {  	(erf) = vpow2.f32 v8;
	_ =	sdelay $0x5  }
0xbe: {  	v8 =	vor.u32 $0x1, v7  }
0xbf: {  	v59 =	vor.u32 $0x5, v7;
	_ =	sdelay $0x1  }
0xc0: {  	v60 =	vpop (erf)  }
0xc1: {  	[tilespmem:v7+s15+$0x0] =	vst.idx.msk $0xffff, v60  }
0xc2: {  	v10 =	vld.idx.msk [tilespmem:v8+s23+$0x0], $0xffff  }
0xc3: {  	v9 =	vld.idx.msk [tilespmem:v59+s24+$0x0], $0xffff;
	_ =	sdelay $0x4  }
0xc4: {  	v9 =	vadd.f32 v9, v10;
	_ =	sdelay $0x1  }
0xc5: {  	v10 =	vmul.f32 $2.000000030e-01, v9;
	_ =	sdelay $0x1  }
0xc6: {  	v9 =	vmax.f32 v9, v10  }
0xc7: {  	v9 =	vmul.f32 $1.442695020e+00, v9;
	_ =	sdelay $0x1  }
0xc8: {  	(erf) = vpow2.f32 v9;
	_ =	sdelay $0x5  }
0xc9: {  	v61 =	vor.u32 $0x2, v7  }
0xca: {  	v62 =	vor.u32 $0x6, v7;
	_ =	sdelay $0x1  }
0xcb: {  	v11 =	vpop (erf)  }
0xcc: {  	[tilespmem:v8+s15+$0x0] =	vst.idx.msk $0xffff, v11  }
0xcd: {  	v8 =	vld.idx.msk [tilespmem:v61+s23+$0x0], $0xffff  }
0xce: {  	v10 =	vld.idx.msk [tilespmem:v62+s24+$0x0], $0xffff;
	_ =	sdelay $0x4  }
0xcf: {  	v8 =	vadd.f32 v10, v8;
	_ =	sdelay $0x1  }
0xd0: {  	v10 =	vmul.f32 $2.000000030e-01, v8;
	_ =	sdelay $0x1  }
0xd1: {  	v8 =	vmax.f32 v8, v10  }
0xd2: {  	v8 =	vmul.f32 $1.442695020e+00, v8;
	_ =	sdelay $0x1  }
0xd3: {  	(erf) = vpow2.f32 v8;
	_ =	sdelay $0x5  }
0xd4: {  	v8 =	vor.u32 $0x3, v7  }
0xd5: {  	v7 =	vor.u32 $0x7, v7;
	_ =	sdelay $0x1  }
0xd6: {  	v63 =	vpop (erf)  }
0xd7: {  	[tilespmem:v61+s15+$0x0] =	vst.idx.msk $0xffff, v63  }
0xd8: {  	v9 =	vld.idx.msk [tilespmem:v8+s23+$0x0], $0xffff  }
0xd9: {  	v7 =	vld.idx.msk [tilespmem:v7+s24+$0x0], $0xffff;
	_ =	sdelay $0x4  }
0xda: {  	v7 =	vadd.f32 v7, v9;
	_ =	sdelay $0x1  }
0xdb: {  	v9 =	vmul.f32 $2.000000030e-01, v7;
	_ =	sdelay $0x1  }
0xdc: {  	v7 =	vmax.f32 v7, v9  }
0xdd: {  	v7 =	vmul.f32 $1.442695020e+00, v7;
	_ =	sdelay $0x1  }
0xde: {  	(erf) = vpow2.f32 v7;
	_ =	sdelay $0x8  }
0xdf: {  	v7 =	vpop (erf)  }
0xe0: {  	[tilespmem:v8+s15+$0x0] =	vst.idx.msk $0xffff, v7  }
0xe1: {  	[spmem:s3] =	stream.indirect.scatter.add.f32 [tilespmem:s15], [sflag:$0x1], $0x8, s20, s21, $0xb8;
	[tilespmem:$0x1CAE8] =	vst v63  }
0xe2: {  	s0 =	simm.s32 $0x820;
	s5 =	simm.s32 $0x8F20  }
0xe3: {  	[spmem:s3] =	stream.indirect.scatter.add.f32 [tilespmem:s5], [sflag:$0x1], $0x8, s0, s21, $0xb8;
	[tilespmem:$0x1CAE8] =	vst v63  }
0xe4: {  	s25 =	simm.s32 $0x870;
	s26 =	simm.s32 $0x91A0  }
0xe5: {  	[spmem:s3] =	stream.indirect.scatter.add.f32 [tilespmem:s26], [sflag:$0x1], $0x8, s25, s21, $0xb8;
	[tilespmem:$0x1CAE8] =	vst v63  }
0xe6: {  	s28 =	simm.s32 $0x8C0;
	s29 =	simm.s32 $0x9420  }
0xe7: {  	[spmem:s3] =	stream.indirect.scatter.add.f32 [tilespmem:s29], [sflag:$0x1], $0x8, s28, s21, $0xb8;
	[tilespmem:$0x1CAE8] =	vst v63  }
0xe8: {  	s30 =	simm.s32 $0x910;
	s31 =	simm.s32 $0x96A0  }
0xe9: {  	[spmem:s3] =	stream.indirect.scatter.add.f32 [tilespmem:s31], [sflag:$0x1], $0x8, s30, s21, $0xb8;
	[tilespmem:$0x1CAE8] =	vst v63  }
0xea: {  	s25 =	simm.s32 $0x960;
	s26 =	simm.s32 $0x9920  }
0xeb: {  	[spmem:s3] =	stream.indirect.scatter.add.f32 [tilespmem:s26], [sflag:$0x1], $0x8, s25, s21, $0xb8;
	[tilespmem:$0x1CAE8] =	vst v63  }
0xec: {  	s28 =	simm.s32 $0x9B0;
	s29 =	simm.s32 $0x9BA0  }
0xed: {  	[spmem:s3] =	stream.indirect.scatter.add.f32 [tilespmem:s29], [sflag:$0x1], $0x8, s28, s21, $0xb8;
	[tilespmem:$0x1CAE8] =	vst v63  }
0xee: {  	s30 =	simm.s32 $0xA00;
	s31 =	simm.s32 $0x9E20  }
0xef: {  	[spmem:s3] =	stream.indirect.scatter.add.f32 [tilespmem:s31], [sflag:$0x1], $0x8, s30, s21, $0xb8;
	[tilespmem:$0x1CAE8] =	vst v63  }
0xf0: {  	s25 =	simm.s32 $0xA50;
	s26 =	simm.s32 $0xA0A0  }
0xf1: {  	[spmem:s3] =	stream.indirect.scatter.add.f32 [tilespmem:s26], [sflag:$0x1], $0x8, s25, s21, $0xb8;
	[tilespmem:$0x1CAE8] =	vst v63  }
0xf2: {  	s28 =	simm.s32 $0xAA0;
	s29 =	simm.s32 $0xA320  }
0xf3: {  	[spmem:s3] =	stream.indirect.scatter.add.f32 [tilespmem:s29], [sflag:$0x1], $0x8, s28, s21, $0xb8;
	[tilespmem:$0x1CAE8] =	vst v63  }
0xf4: {  	s30 =	simm.s32 $0xAF0;
	s31 =	simm.s32 $0xA5A0  }
0xf5: {  	[spmem:s3] =	stream.indirect.scatter.add.f32 [tilespmem:s31], [sflag:$0x1], $0x8, s30, s21, $0xb8;
	[tilespmem:$0x1CAE8] =	vst v63  }
0xf6: {  	s25 =	simm.s32 $0xB40;
	s26 =	simm.s32 $0xA820  }
0xf7: {  	[spmem:s3] =	stream.indirect.scatter.add.f32 [tilespmem:s26], [sflag:$0x1], $0x8, s25, s21, $0xb8;
	[tilespmem:$0x1CAE8] =	vst v63  }
0xf8: {  	s28 =	simm.s32 $0xB90;
	s29 =	simm.s32 $0xAAA0  }
0xf9: {  	[spmem:s3] =	stream.indirect.scatter.add.f32 [tilespmem:s29], [sflag:$0x1], $0x8, s28, s21, $0xb8;
	[tilespmem:$0x1CAE8] =	vst v63  }
0xfa: {  	s30 =	simm.s32 $0xBE0;
	s31 =	simm.s32 $0xAD20  }
0xfb: {  	[spmem:s3] =	stream.indirect.scatter.add.f32 [tilespmem:s31], [sflag:$0x1], $0x8, s30, s21, $0xb8;
	[tilespmem:$0x1CAE8] =	vst v63  }
0xfc: {  	s25 =	simm.s32 $0xC30;
	s26 =	simm.s32 $0xAFA0  }
0xfd: {  	[spmem:s3] =	stream.indirect.scatter.add.f32 [tilespmem:s26], [sflag:$0x1], $0x8, s25, s21, $0xb8;
	[tilespmem:$0x1CAE8] =	vst v63  }
0xfe: {  	s28 =	simm.s32 $0xC80;
	s29 =	simm.s32 $0xB220  }
0xff: {  	[spmem:s3] =	stream.indirect.scatter.add.f32 [tilespmem:s29], [sflag:$0x1], $0x8, s28, s21, $0xb8;
	[tilespmem:$0x1CAE8] =	vst v63  }
0x100: {  	s30 =	simm.s32 $0xCD0;
	s31 =	simm.s32 $0xB4A0  }
0x101: {  	[spmem:s3] =	stream.indirect.scatter.add.f32 [tilespmem:s31], [sflag:$0x1], $0x8, s30, s21, $0xb8;
	[tilespmem:$0x1CAE8] =	vst v63  }
0x102: {  	s25 =	simm.s32 $0xD20;
	s26 =	simm.s32 $0xB720  }
0x103: {  	[spmem:s3] =	stream.indirect.scatter.add.f32 [tilespmem:s26], [sflag:$0x1], $0x8, s25, s21, $0xb8;
	[tilespmem:$0x1CAE8] =	vst v63  }
0x104: {  	s28 =	simm.s32 $0xD70;
	s29 =	simm.s32 $0xB9A0  }
0x105: {  	[spmem:s3] =	stream.indirect.scatter.add.f32 [tilespmem:s29], [sflag:$0x1], $0x8, s28, s21, $0xb8;
	[tilespmem:$0x1CAE8] =	vst v63  }
0x106: {  	s30 =	simm.s32 $0xDC0;
	s31 =	simm.s32 $0xBC20  }
0x107: {  	[spmem:s3] =	stream.indirect.scatter.add.f32 [tilespmem:s31], [sflag:$0x1], $0x8, s30, s21, $0xb8;
	[tilespmem:$0x1CAE8] =	vst v63  }
0x108: {  	s25 =	simm.s32 $0xE10;
	s26 =	simm.s32 $0xBEA0  }
0x109: {  	[spmem:s3] =	stream.indirect.scatter.add.f32 [tilespmem:s26], [sflag:$0x1], $0x8, s25, s21, $0xb8;
	[tilespmem:$0x1CAE8] =	vst v63  }
0x10a: {  	s28 =	simm.s32 $0xE60;
	s29 =	simm.s32 $0xC120  }
0x10b: {  	[spmem:s3] =	stream.indirect.scatter.add.f32 [tilespmem:s29], [sflag:$0x1], $0x8, s28, s21, $0xb8;
	[tilespmem:$0x1CAE8] =	vst v63  }
0x10c: {  	s30 =	simm.s32 $0xEB0;
	s31 =	simm.s32 $0xC3A0  }
0x10d: {  	[spmem:s3] =	stream.indirect.scatter.add.f32 [tilespmem:s31], [sflag:$0x1], $0x8, s30, s21, $0xb8;
	[tilespmem:$0x1CAE8] =	vst v63  }
0x10e: {  	_ = 	snop  }
0x10f: {  	[spmem:s3] =	stream.indirect.scatter.add.f32 [tilespmem:s8], [sflag:$0x1], $0x8, s4, s21, $0xb8;
	[tilespmem:$0x1CAE8] =	vst v63  }
0x110: {  	_ = 	snop  }
0x111: {  	[spmem:s3] =	stream.indirect.scatter.add.f32 [tilespmem:s12], [sflag:$0x1], $0x8, s9, s21, $0xb8;
	[tilespmem:$0x1CAE8] =	vst v63  }
0x112: {  	_ =	swait.ge [sflag:s22], $0x280  }
0x113: {  	[sflag:s22] =	ssyncset.done $0x0  }
0x114: {  	[sflag:s22] =	ssyncadd.s32 $0xFFFFFD80  }
0x115: {  	_ =	swait.ge [sflag:s22], $0x280  }
0x116: {  	[sflag:s22] =	ssyncset.done $0x0  }
0x117: {  	[sflag:s22] =	ssyncadd.s32 $0xFFFFFD80  }
0x118: {  	_ =	swait.ge [sflag:s22], $0x280  }
0x119: {  	[sflag:s22] =	ssyncset.done $0x0  }
0x11a: {  	[sflag:s22] =	ssyncadd.s32 $0xFFFFFD80  }
0x11b: {  	_ =	swait.ge [sflag:s22], $0x280  }
0x11c: {  	[sflag:s22] =	ssyncset.done $0x0  }
0x11d: {  	[sflag:s22] =	ssyncadd.s32 $0xFFFFFD80  }
0x11e: {  	_ =	swait.ge [sflag:s22], $0x280  }
0x11f: {  	[sflag:s22] =	ssyncset.done $0x0  }
0x120: {  	[sflag:s22] =	ssyncadd.s32 $0xFFFFFD80  }
0x121: {  	_ =	swait.ge [sflag:s22], $0x280  }
0x122: {  	[sflag:s22] =	ssyncset.done $0x0  }
0x123: {  	[sflag:s22] =	ssyncadd.s32 $0xFFFFFD80  }
0x124: {  	_ =	swait.ge [sflag:s22], $0x280  }
0x125: {  	[sflag:s22] =	ssyncset.done $0x0  }
0x126: {  	[sflag:s22] =	ssyncadd.s32 $0xFFFFFD80  }
0x127: {  	_ =	swait.ge [sflag:s22], $0x280  }
0x128: {  	[sflag:s22] =	ssyncset.done $0x0  }
0x129: {  	[sflag:s22] =	ssyncadd.s32 $0xFFFFFD80  }
0x12a: {  	_ =	swait.ge [sflag:s22], $0x280  }
0x12b: {  	[sflag:s22] =	ssyncset.done $0x0  }
0x12c: {  	[sflag:s22] =	ssyncadd.s32 $0xFFFFFD80  }
0x12d: {  	_ =	swait.ge [sflag:s22], $0x280  }
0x12e: {  	[sflag:s22] =	ssyncset.done $0x0  }
0x12f: {  	[sflag:s22] =	ssyncadd.s32 $0xFFFFFD80  }
0x130: {  	_ =	swait.ge [sflag:s22], $0x280  }
0x131: {  	[sflag:s22] =	ssyncset.done $0x0  }
0x132: {  	[sflag:s22] =	ssyncadd.s32 $0xFFFFFD80  }
0x133: {  	_ =	swait.ge [sflag:s22], $0x280  }
0x134: {  	[sflag:s22] =	ssyncset.done $0x0  }
0x135: {  	[sflag:s22] =	ssyncadd.s32 $0xFFFFFD80  }
0x136: {  	_ =	swait.ge [sflag:s22], $0x280  }
0x137: {  	[sflag:s22] =	ssyncset.done $0x0  }
0x138: {  	[sflag:s22] =	ssyncadd.s32 $0xFFFFFD80  }
0x139: {  	_ =	swait.ge [sflag:s22], $0x280  }
0x13a: {  	[sflag:s22] =	ssyncset.done $0x0  }
0x13b: {  	[sflag:s22] =	ssyncadd.s32 $0xFFFFFD80  }
0x13c: {  	_ =	swait.ge [sflag:s22], $0x280  }
0x13d: {  	[sflag:s22] =	ssyncset.done $0x0  }
0x13e: {  	[sflag:s22] =	ssyncadd.s32 $0xFFFFFD80  }
0x13f: {  	_ =	swait.ge [sflag:s22], $0x280  }
0x140: {  	[sflag:s22] =	ssyncset.done $0x0  }
0x141: {  	[sflag:s22] =	ssyncadd.s32 $0xFFFFFD80  }
0x142: {  	_ =	swait.ge [sflag:s22], $0x280  }
0x143: {  	[sflag:s22] =	ssyncset.done $0x0  }
0x144: {  	[sflag:s22] =	ssyncadd.s32 $0xFFFFFD80  }
0x145: {  	_ =	swait.ge [sflag:s22], $0x280  }
0x146: {  	[sflag:s22] =	ssyncset.done $0x0  }
0x147: {  	[sflag:s22] =	ssyncadd.s32 $0xFFFFFD80  }
0x148: {  	_ =	swait.ge [sflag:s22], $0x280  }
0x149: {  	[sflag:s22] =	ssyncset.done $0x0  }
0x14a: {  	[sflag:s22] =	ssyncadd.s32 $0xFFFFFD80  }
0x14b: {  	_ =	swait.ge [sflag:s22], $0x280  }
0x14c: {  	[sflag:s22] =	ssyncset.done $0x0  }
0x14d: {  	[sflag:s22] =	ssyncadd.s32 $0xFFFFFD80  }
0x14e: {  	_ =	swait.ge [sflag:s22], $0x280  }
0x14f: {  	[sflag:s22] =	ssyncset.done $0x0  }
0x150: {  	[sflag:s22] =	ssyncadd.s32 $0xFFFFFD80  }
0x151: {  	_ =	swait.ge [sflag:s22], $0x280  }
0x152: {  	[sflag:s22] =	ssyncset.done $0x0  }
0x153: {  	[sflag:s22] =	ssyncadd.s32 $0xFFFFFD80  }
0x154: {  	_ =	swait.ge [sflag:s22], $0x280  }
0x155: {  	[sflag:s22] =	ssyncset.done $0x0  }
0x156: {  	[sflag:s22] =	ssyncadd.s32 $0xFFFFFD80  }
0x157: {  	_ =	swait.ge [sflag:s22], $0x280  }
0x158: {  	[sflag:s22] =	ssyncset.done $0x0  }
0x159: {  	[sflag:s22] =	ssyncadd.s32 $0xFFFFFD80  }
0x15a: {  	_ =	swait.ge [sflag:s22], $0x280  }
0x15b: {  	[sflag:s22] =	ssyncset.done $0x0  }
0x15c: {  	s26 =	simm.s32 $0x0;
	s25 =	simm.s32 $0x0;
	[sflag:s22] =	ssyncadd.s32 $0xFFFFFD80  }
0x15d: {  	[tilespmem:s13], [sflag:$0x2] =	stream.indirect.gather [hbm4b:s11+s21], $0x40, s26, s21, $0xb8;
	[tilespmem:$0x1CAE8] =	vst v63  }
.LBB2_11:
0x15e: {  	s28 =	sand.u32 $0x1, s26;
	p0 =	seq.s32 s26, $0x18  }
0x15f: {  	s30 =	sxor.u32 @!p0 $0x1, s28  }
0x160: {  	s29 =	sadd.s32 $0x1, s26;
	s31 =	smul.u32 @!p0 $0x5000, s30  }
0x161: {  	s0 =	smul.u32 @!p0 $0x140, s29  }
0x162: {  	s5 =	simm.s32 @!p0 $0x50;
	s31 =	sshrl.u32 @!p0 s31, $0x2  }
0x163: {  	s30 =	sor.u32 @!p0 $0x2, s30;
	s0 =	sshra.s32 @!p0 s0, $0x2;
	s31 =	sadd.s32 @!p0 $0xCB20, s31  }
0x164: {  	[tilespmem:s31], [sflag:s30] =	stream.indirect.gather @!p0 [hbm4b:s11+s5], $0x40, s0, s5, $0xb8;
	[tilespmem:$0x1CAE8] =	vst v63  }
0x165: {  	s31 =	sor.u32 $0x2, s28  }
0x166: {  	_ =	swait.ge [sflag:s31], $0x1400  }
0x167: {  	p0 =	slt.u32 s26, $0x2;
	[sflag:s31] =	ssyncset.done $0x0  }
0x168: {  	v7 =	vmov s28;
	s0 =	sor.u32 @!p0 $0x4, s28;
	[sflag:s31] =	ssyncadd.s32 $0xFFFFEC00  }
0x169: {  	v7 =	vmul.u32 $0x1400, v7;
	_ =	swait.ge @!p0 [sflag:s0], $0x1400  }
0x16a: {  	[sflag:s0] =	ssyncset.done @!p0 $0x0  }
0x16b: {  	v7 =	vbroadcast v7, $0x0;
	s30 =	simm.s32 $0x0;
	[sflag:s0] =	ssyncadd.s32 @!p0 $0xFFFFEC00  }
.LBB2_12:
0x16c: {  	s0 =	sadd.s32 s30, s25  }
0x16d: {  	v8 =	vmov s0  }
0x16e: {  	v9 =	vmov s30;
	v8 =	vshll.u32 v8, $0x3  }
0x16f: {  	v9 =	vshll.u32 v9, $0x6;
	v11 =	vor.u32 v5, v8  }
0x170: {  	v8 =	vor.u32 v6, v9;
	v10 =	vor.u32 v0, v11  }
0x171: {  	v8 =	vadd.s32 v7, v8;
	_ =	sdelay $0x3  }
0x172: {  	v10 =	vld.idx.msk [tilespmem:v10+s15+$0x0], $0xffff  }
0x173: {  	v49 =	vld.idx.msk [tilespmem:v8+s13+$0x0], $0xffff;
	_ =	sdelay $0x1  }
0x174: {  	v11 =	vor.u32 v1, v11  }
0x175: {  	v12 =	vor.u32 $0x1, v8;
	_ =	sdelay $0x1  }
0x176: {  	v13 =	vmul.f32 v49, v10;
	_ =	sdelay $0x1  }
0x177: {  	v9 =	vld.idx.msk [tilespmem:v11+s15+$0x0], $0xffff;
	[tilespmem:v8+s14+$0x0] =	vst.idx.msk $0xffff, v13  }
0x178: {  	v50 =	vld.idx.msk [tilespmem:v12+s13+$0x0], $0xffff;
	_ =	sdelay $0x2  }
0x179: {  	v51 =	vor.u32 $0x2, v8;
	_ =	sdelay $0x1  }
0x17a: {  	v11 =	vmul.f32 v50, v10;
	_ =	sdelay $0x1  }
0x17b: {  	[tilespmem:v12+s14+$0x0] =	vst.idx.msk $0xffff, v11  }
0x17c: {  	v11 =	vld.idx.msk [tilespmem:v51+s13+$0x0], $0xffff;
	_ =	sdelay $0x2  }
0x17d: {  	v52 =	vor.u32 $0x3, v8;
	_ =	sdelay $0x1  }
0x17e: {  	v11 =	vmul.f32 v11, v10;
	_ =	sdelay $0x1  }
0x17f: {  	[tilespmem:v51+s14+$0x0] =	vst.idx.msk $0xffff, v11  }
0x180: {  	v11 =	vld.idx.msk [tilespmem:v52+s13+$0x0], $0xffff;
	_ =	sdelay $0x2  }
0x181: {  	v53 =	vor.u32 $0x4, v8;
	_ =	sdelay $0x1  }
0x182: {  	v11 =	vmul.f32 v11, v10;
	_ =	sdelay $0x1  }
0x183: {  	[tilespmem:v52+s14+$0x0] =	vst.idx.msk $0xffff, v11  }
0x184: {  	v11 =	vld.idx.msk [tilespmem:v53+s13+$0x0], $0xffff;
	_ =	sdelay $0x2  }
0x185: {  	v54 =	vor.u32 $0x5, v8;
	_ =	sdelay $0x1  }
0x186: {  	v11 =	vmul.f32 v11, v10;
	_ =	sdelay $0x1  }
0x187: {  	[tilespmem:v53+s14+$0x0] =	vst.idx.msk $0xffff, v11  }
0x188: {  	v11 =	vld.idx.msk [tilespmem:v54+s13+$0x0], $0xffff;
	_ =	sdelay $0x2  }
0x189: {  	v55 =	vor.u32 $0x6, v8;
	_ =	sdelay $0x1  }
0x18a: {  	v11 =	vmul.f32 v11, v10;
	_ =	sdelay $0x1  }
0x18b: {  	[tilespmem:v54+s14+$0x0] =	vst.idx.msk $0xffff, v11  }
0x18c: {  	v11 =	vld.idx.msk [tilespmem:v55+s13+$0x0], $0xffff;
	_ =	sdelay $0x2  }
0x18d: {  	v56 =	vor.u32 $0x7, v8;
	_ =	sdelay $0x1  }
0x18e: {  	v11 =	vmul.f32 v11, v10;
	_ =	sdelay $0x1  }
0x18f: {  	[tilespmem:v55+s14+$0x0] =	vst.idx.msk $0xffff, v11  }
0x190: {  	v11 =	vld.idx.msk [tilespmem:v56+s13+$0x0], $0xffff;
	_ =	sdelay $0x2  }
0x191: {  	v57 =	vor.u32 $0x8, v8;
	_ =	sdelay $0x1  }
0x192: {  	v11 =	vmul.f32 v11, v10;
	_ =	sdelay $0x1  }
0x193: {  	[tilespmem:v56+s14+$0x0] =	vst.idx.msk $0xffff, v11  }
0x194: {  	v11 =	vld.idx.msk [tilespmem:v57+s13+$0x0], $0xffff;
	_ =	sdelay $0x2  }
0x195: {  	v58 =	vor.u32 $0x9, v8;
	_ =	sdelay $0x1  }
0x196: {  	v11 =	vmul.f32 v11, v10;
	_ =	sdelay $0x1  }
0x197: {  	[tilespmem:v57+s14+$0x0] =	vst.idx.msk $0xffff, v11  }
0x198: {  	v11 =	vld.idx.msk [tilespmem:v58+s13+$0x0], $0xffff;
	_ =	sdelay $0x2  }
0x199: {  	v59 =	vor.u32 $0xA, v8;
	_ =	sdelay $0x1  }
0x19a: {  	v11 =	vmul.f32 v11, v10;
	_ =	sdelay $0x1  }
0x19b: {  	[tilespmem:v58+s14+$0x0] =	vst.idx.msk $0xffff, v11  }
0x19c: {  	v11 =	vld.idx.msk [tilespmem:v59+s13+$0x0], $0xffff;
	_ =	sdelay $0x2  }
0x19d: {  	v60 =	vor.u32 $0xB, v8;
	_ =	sdelay $0x1  }
0x19e: {  	v11 =	vmul.f32 v11, v10;
	_ =	sdelay $0x1  }
0x19f: {  	[tilespmem:v59+s14+$0x0] =	vst.idx.msk $0xffff, v11  }
0x1a0: {  	v11 =	vld.idx.msk [tilespmem:v60+s13+$0x0], $0xffff;
	_ =	sdelay $0x2  }
0x1a1: {  	v61 =	vor.u32 $0xC, v8;
	_ =	sdelay $0x1  }
0x1a2: {  	v11 =	vmul.f32 v11, v10;
	_ =	sdelay $0x1  }
0x1a3: {  	[tilespmem:v60+s14+$0x0] =	vst.idx.msk $0xffff, v11  }
0x1a4: {  	v11 =	vld.idx.msk [tilespmem:v61+s13+$0x0], $0xffff;
	_ =	sdelay $0x2  }
0x1a5: {  	v62 =	vor.u32 $0xD, v8;
	_ =	sdelay $0x1  }
0x1a6: {  	v11 =	vmul.f32 v11, v10;
	_ =	sdelay $0x1  }
0x1a7: {  	[tilespmem:v61+s14+$0x0] =	vst.idx.msk $0xffff, v11  }
0x1a8: {  	v11 =	vld.idx.msk [tilespmem:v62+s13+$0x0], $0xffff;
	_ =	sdelay $0x2  }
0x1a9: {  	v63 =	vor.u32 $0xE, v8;
	_ =	sdelay $0x1  }
0x1aa: {  	v11 =	vmul.f32 v11, v10;
	_ =	sdelay $0x1  }
0x1ab: {  	[tilespmem:v62+s14+$0x0] =	vst.idx.msk $0xffff, v11  }
0x1ac: {  	v11 =	vld.idx.msk [tilespmem:v63+s13+$0x0], $0xffff;
	_ =	sdelay $0x2  }
0x1ad: {  	v16 =	vor.u32 $0xF, v8;
	_ =	sdelay $0x1  }
0x1ae: {  	v11 =	vmul.f32 v11, v10;
	_ =	sdelay $0x1  }
0x1af: {  	[tilespmem:v63+s14+$0x0] =	vst.idx.msk $0xffff, v11  }
0x1b0: {  	v11 =	vld.idx.msk [tilespmem:v16+s13+$0x0], $0xffff;
	_ =	sdelay $0x2  }
0x1b1: {  	v17 =	vor.u32 $0x10, v8;
	_ =	sdelay $0x1  }
0x1b2: {  	v11 =	vmul.f32 v11, v10;
	_ =	sdelay $0x1  }
0x1b3: {  	[tilespmem:v16+s14+$0x0] =	vst.idx.msk $0xffff, v11  }
0x1b4: {  	v11 =	vld.idx.msk [tilespmem:v17+s13+$0x0], $0xffff;
	_ =	sdelay $0x2  }
0x1b5: {  	v18 =	vor.u32 $0x11, v8;
	_ =	sdelay $0x1  }
0x1b6: {  	v11 =	vmul.f32 v11, v10;
	_ =	sdelay $0x1  }
0x1b7: {  	[tilespmem:v17+s14+$0x0] =	vst.idx.msk $0xffff, v11  }
0x1b8: {  	v11 =	vld.idx.msk [tilespmem:v18+s13+$0x0], $0xffff;
	_ =	sdelay $0x2  }
0x1b9: {  	v19 =	vor.u32 $0x12, v8;
	_ =	sdelay $0x1  }
0x1ba: {  	v11 =	vmul.f32 v11, v10;
	_ =	sdelay $0x1  }
0x1bb: {  	[tilespmem:v18+s14+$0x0] =	vst.idx.msk $0xffff, v11  }
0x1bc: {  	v11 =	vld.idx.msk [tilespmem:v19+s13+$0x0], $0xffff;
	_ =	sdelay $0x2  }
0x1bd: {  	v20 =	vor.u32 $0x13, v8;
	_ =	sdelay $0x1  }
0x1be: {  	v11 =	vmul.f32 v11, v10;
	_ =	sdelay $0x1  }
0x1bf: {  	[tilespmem:v19+s14+$0x0] =	vst.idx.msk $0xffff, v11  }
0x1c0: {  	v11 =	vld.idx.msk [tilespmem:v20+s13+$0x0], $0xffff;
	_ =	sdelay $0x2  }
0x1c1: {  	v21 =	vor.u32 $0x14, v8;
	_ =	sdelay $0x1  }
0x1c2: {  	v11 =	vmul.f32 v11, v10;
	_ =	sdelay $0x1  }
0x1c3: {  	[tilespmem:v20+s14+$0x0] =	vst.idx.msk $0xffff, v11  }
0x1c4: {  	v11 =	vld.idx.msk [tilespmem:v21+s13+$0x0], $0xffff;
	_ =	sdelay $0x2  }
0x1c5: {  	v22 =	vor.u32 $0x15, v8;
	_ =	sdelay $0x1  }
0x1c6: {  	v11 =	vmul.f32 v11, v10;
	_ =	sdelay $0x1  }
0x1c7: {  	[tilespmem:v21+s14+$0x0] =	vst.idx.msk $0xffff, v11  }
0x1c8: {  	v11 =	vld.idx.msk [tilespmem:v22+s13+$0x0], $0xffff;
	_ =	sdelay $0x2  }
0x1c9: {  	v23 =	vor.u32 $0x16, v8;
	_ =	sdelay $0x1  }
0x1ca: {  	v11 =	vmul.f32 v11, v10;
	_ =	sdelay $0x1  }
0x1cb: {  	[tilespmem:v22+s14+$0x0] =	vst.idx.msk $0xffff, v11  }
0x1cc: {  	v11 =	vld.idx.msk [tilespmem:v23+s13+$0x0], $0xffff;
	_ =	sdelay $0x2  }
0x1cd: {  	v24 =	vor.u32 $0x17, v8;
	_ =	sdelay $0x1  }
0x1ce: {  	v11 =	vmul.f32 v11, v10;
	_ =	sdelay $0x1  }
0x1cf: {  	[tilespmem:v23+s14+$0x0] =	vst.idx.msk $0xffff, v11  }
0x1d0: {  	v11 =	vld.idx.msk [tilespmem:v24+s13+$0x0], $0xffff;
	_ =	sdelay $0x2  }
0x1d1: {  	v25 =	vor.u32 $0x18, v8;
	_ =	sdelay $0x1  }
0x1d2: {  	v11 =	vmul.f32 v11, v10;
	_ =	sdelay $0x1  }
0x1d3: {  	[tilespmem:v24+s14+$0x0] =	vst.idx.msk $0xffff, v11  }
0x1d4: {  	v11 =	vld.idx.msk [tilespmem:v25+s13+$0x0], $0xffff;
	_ =	sdelay $0x2  }
0x1d5: {  	v26 =	vor.u32 $0x19, v8;
	_ =	sdelay $0x1  }
0x1d6: {  	v11 =	vmul.f32 v11, v10;
	_ =	sdelay $0x1  }
0x1d7: {  	[tilespmem:v25+s14+$0x0] =	vst.idx.msk $0xffff, v11  }
0x1d8: {  	v11 =	vld.idx.msk [tilespmem:v26+s13+$0x0], $0xffff;
	_ =	sdelay $0x2  }
0x1d9: {  	v27 =	vor.u32 $0x1A, v8;
	_ =	sdelay $0x1  }
0x1da: {  	v11 =	vmul.f32 v11, v10;
	_ =	sdelay $0x1  }
0x1db: {  	[tilespmem:v26+s14+$0x0] =	vst.idx.msk $0xffff, v11  }
0x1dc: {  	v11 =	vld.idx.msk [tilespmem:v27+s13+$0x0], $0xffff;
	_ =	sdelay $0x2  }
0x1dd: {  	v28 =	vor.u32 $0x1B, v8;
	_ =	sdelay $0x1  }
0x1de: {  	v11 =	vmul.f32 v11, v10;
	_ =	sdelay $0x1  }
0x1df: {  	[tilespmem:v27+s14+$0x0] =	vst.idx.msk $0xffff, v11  }
0x1e0: {  	v11 =	vld.idx.msk [tilespmem:v28+s13+$0x0], $0xffff;
	_ =	sdelay $0x2  }
0x1e1: {  	v29 =	vor.u32 $0x1C, v8;
	_ =	sdelay $0x1  }
0x1e2: {  	v11 =	vmul.f32 v11, v10;
	_ =	sdelay $0x1  }
0x1e3: {  	[tilespmem:v28+s14+$0x0] =	vst.idx.msk $0xffff, v11  }
0x1e4: {  	v11 =	vld.idx.msk [tilespmem:v29+s13+$0x0], $0xffff;
	_ =	sdelay $0x2  }
0x1e5: {  	v30 =	vor.u32 $0x1D, v8;
	_ =	sdelay $0x1  }
0x1e6: {  	v11 =	vmul.f32 v11, v10;
	_ =	sdelay $0x1  }
0x1e7: {  	[tilespmem:v29+s14+$0x0] =	vst.idx.msk $0xffff, v11  }
0x1e8: {  	v11 =	vld.idx.msk [tilespmem:v30+s13+$0x0], $0xffff;
	_ =	sdelay $0x2  }
0x1e9: {  	v31 =	vor.u32 $0x1E, v8;
	_ =	sdelay $0x1  }
0x1ea: {  	v11 =	vmul.f32 v11, v10;
	_ =	sdelay $0x1  }
0x1eb: {  	[tilespmem:v30+s14+$0x0] =	vst.idx.msk $0xffff, v11  }
0x1ec: {  	v11 =	vld.idx.msk [tilespmem:v31+s13+$0x0], $0xffff;
	_ =	sdelay $0x2  }
0x1ed: {  	v32 =	vor.u32 $0x1F, v8;
	_ =	sdelay $0x1  }
0x1ee: {  	v11 =	vmul.f32 v11, v10;
	_ =	sdelay $0x1  }
0x1ef: {  	[tilespmem:v31+s14+$0x0] =	vst.idx.msk $0xffff, v11  }
0x1f0: {  	v11 =	vld.idx.msk [tilespmem:v32+s13+$0x0], $0xffff;
	_ =	sdelay $0x2  }
0x1f1: {  	v33 =	vor.u32 $0x20, v8;
	_ =	sdelay $0x1  }
0x1f2: {  	v10 =	vmul.f32 v11, v10;
	_ =	sdelay $0x1  }
0x1f3: {  	[tilespmem:v32+s14+$0x0] =	vst.idx.msk $0xffff, v10  }
0x1f4: {  	v10 =	vld.idx.msk [tilespmem:v33+s13+$0x0], $0xffff;
	_ =	sdelay $0x2  }
0x1f5: {  	v34 =	vor.u32 $0x21, v8;
	_ =	sdelay $0x1  }
0x1f6: {  	v10 =	vmul.f32 v10, v9;
	_ =	sdelay $0x1  }
0x1f7: {  	[tilespmem:v33+s14+$0x0] =	vst.idx.msk $0xffff, v10  }
0x1f8: {  	v10 =	vld.idx.msk [tilespmem:v34+s13+$0x0], $0xffff;
	_ =	sdelay $0x2  }
0x1f9: {  	v35 =	vor.u32 $0x22, v8;
	_ =	sdelay $0x1  }
0x1fa: {  	v10 =	vmul.f32 v10, v9;
	_ =	sdelay $0x1  }
0x1fb: {  	[tilespmem:v34+s14+$0x0] =	vst.idx.msk $0xffff, v10  }
0x1fc: {  	v10 =	vld.idx.msk [tilespmem:v35+s13+$0x0], $0xffff;
	_ =	sdelay $0x2  }
0x1fd: {  	v36 =	vor.u32 $0x23, v8;
	_ =	sdelay $0x1  }
0x1fe: {  	v10 =	vmul.f32 v10, v9;
	_ =	sdelay $0x1  }
0x1ff: {  	[tilespmem:v35+s14+$0x0] =	vst.idx.msk $0xffff, v10  }
0x200: {  	v10 =	vld.idx.msk [tilespmem:v36+s13+$0x0], $0xffff;
	_ =	sdelay $0x2  }
0x201: {  	v37 =	vor.u32 $0x24, v8;
	_ =	sdelay $0x1  }
0x202: {  	v10 =	vmul.f32 v10, v9;
	_ =	sdelay $0x1  }
0x203: {  	[tilespmem:v36+s14+$0x0] =	vst.idx.msk $0xffff, v10  }
0x204: {  	v10 =	vld.idx.msk [tilespmem:v37+s13+$0x0], $0xffff;
	_ =	sdelay $0x2  }
0x205: {  	v38 =	vor.u32 $0x25, v8;
	_ =	sdelay $0x1  }
0x206: {  	v10 =	vmul.f32 v10, v9;
	_ =	sdelay $0x1  }
0x207: {  	[tilespmem:v37+s14+$0x0] =	vst.idx.msk $0xffff, v10  }
0x208: {  	v10 =	vld.idx.msk [tilespmem:v38+s13+$0x0], $0xffff;
	_ =	sdelay $0x2  }
0x209: {  	v39 =	vor.u32 $0x26, v8;
	_ =	sdelay $0x1  }
0x20a: {  	v10 =	vmul.f32 v10, v9;
	_ =	sdelay $0x1  }
0x20b: {  	[tilespmem:v38+s14+$0x0] =	vst.idx.msk $0xffff, v10  }
0x20c: {  	v10 =	vld.idx.msk [tilespmem:v39+s13+$0x0], $0xffff;
	_ =	sdelay $0x2  }
0x20d: {  	v40 =	vor.u32 $0x27, v8;
	_ =	sdelay $0x1  }
0x20e: {  	v10 =	vmul.f32 v10, v9;
	_ =	sdelay $0x1  }
0x20f: {  	[tilespmem:v39+s14+$0x0] =	vst.idx.msk $0xffff, v10  }
0x210: {  	v10 =	vld.idx.msk [tilespmem:v40+s13+$0x0], $0xffff;
	_ =	sdelay $0x2  }
0x211: {  	v41 =	vor.u32 $0x28, v8;
	_ =	sdelay $0x1  }
0x212: {  	v10 =	vmul.f32 v10, v9;
	_ =	sdelay $0x1  }
0x213: {  	[tilespmem:v40+s14+$0x0] =	vst.idx.msk $0xffff, v10  }
0x214: {  	v10 =	vld.idx.msk [tilespmem:v41+s13+$0x0], $0xffff;
	_ =	sdelay $0x2  }
0x215: {  	v42 =	vor.u32 $0x29, v8;
	_ =	sdelay $0x1  }
0x216: {  	v10 =	vmul.f32 v10, v9;
	_ =	sdelay $0x1  }
0x217: {  	[tilespmem:v41+s14+$0x0] =	vst.idx.msk $0xffff, v10  }
0x218: {  	v10 =	vld.idx.msk [tilespmem:v42+s13+$0x0], $0xffff;
	_ =	sdelay $0x2  }
0x219: {  	v43 =	vor.u32 $0x2A, v8;
	_ =	sdelay $0x1  }
0x21a: {  	v10 =	vmul.f32 v10, v9;
	_ =	sdelay $0x1  }
0x21b: {  	[tilespmem:v42+s14+$0x0] =	vst.idx.msk $0xffff, v10  }
0x21c: {  	v10 =	vld.idx.msk [tilespmem:v43+s13+$0x0], $0xffff;
	_ =	sdelay $0x2  }
0x21d: {  	v44 =	vor.u32 $0x2B, v8;
	_ =	sdelay $0x1  }
0x21e: {  	v10 =	vmul.f32 v10, v9;
	_ =	sdelay $0x1  }
0x21f: {  	[tilespmem:v43+s14+$0x0] =	vst.idx.msk $0xffff, v10  }
0x220: {  	v10 =	vld.idx.msk [tilespmem:v44+s13+$0x0], $0xffff;
	_ =	sdelay $0x2  }
0x221: {  	v45 =	vor.u32 $0x2C, v8;
	_ =	sdelay $0x1  }
0x222: {  	v10 =	vmul.f32 v10, v9;
	_ =	sdelay $0x1  }
0x223: {  	[tilespmem:v44+s14+$0x0] =	vst.idx.msk $0xffff, v10  }
0x224: {  	v10 =	vld.idx.msk [tilespmem:v45+s13+$0x0], $0xffff;
	_ =	sdelay $0x2  }
0x225: {  	v46 =	vor.u32 $0x2D, v8;
	_ =	sdelay $0x1  }
0x226: {  	v10 =	vmul.f32 v10, v9;
	_ =	sdelay $0x1  }
0x227: {  	[tilespmem:v45+s14+$0x0] =	vst.idx.msk $0xffff, v10  }
0x228: {  	v10 =	vld.idx.msk [tilespmem:v46+s13+$0x0], $0xffff;
	_ =	sdelay $0x2  }
0x229: {  	v47 =	vor.u32 $0x2E, v8;
	_ =	sdelay $0x1  }
0x22a: {  	v10 =	vmul.f32 v10, v9;
	_ =	sdelay $0x1  }
0x22b: {  	[tilespmem:v46+s14+$0x0] =	vst.idx.msk $0xffff, v10  }
0x22c: {  	v10 =	vld.idx.msk [tilespmem:v47+s13+$0x0], $0xffff;
	_ =	sdelay $0x2  }
0x22d: {  	v48 =	vor.u32 $0x2F, v8;
	_ =	sdelay $0x1  }
0x22e: {  	v10 =	vmul.f32 v10, v9;
	_ =	sdelay $0x1  }
0x22f: {  	[tilespmem:v47+s14+$0x0] =	vst.idx.msk $0xffff, v10  }
0x230: {  	v10 =	vld.idx.msk [tilespmem:v48+s13+$0x0], $0xffff;
	_ =	sdelay $0x2  }
0x231: {  	v49 =	vor.u32 $0x30, v8;
	_ =	sdelay $0x1  }
0x232: {  	v10 =	vmul.f32 v10, v9;
	_ =	sdelay $0x1  }
0x233: {  	[tilespmem:v48+s14+$0x0] =	vst.idx.msk $0xffff, v10  }
0x234: {  	v10 =	vld.idx.msk [tilespmem:v49+s13+$0x0], $0xffff;
	_ =	sdelay $0x2  }
0x235: {  	v50 =	vor.u32 $0x31, v8;
	_ =	sdelay $0x1  }
0x236: {  	v10 =	vmul.f32 v10, v9;
	_ =	sdelay $0x1  }
0x237: {  	[tilespmem:v49+s14+$0x0] =	vst.idx.msk $0xffff, v10  }
0x238: {  	v10 =	vld.idx.msk [tilespmem:v50+s13+$0x0], $0xffff;
	_ =	sdelay $0x2  }
0x239: {  	v51 =	vor.u32 $0x32, v8;
	_ =	sdelay $0x1  }
0x23a: {  	v10 =	vmul.f32 v10, v9;
	_ =	sdelay $0x1  }
0x23b: {  	[tilespmem:v50+s14+$0x0] =	vst.idx.msk $0xffff, v10  }
0x23c: {  	v10 =	vld.idx.msk [tilespmem:v51+s13+$0x0], $0xffff;
	_ =	sdelay $0x2  }
0x23d: {  	v52 =	vor.u32 $0x33, v8;
	_ =	sdelay $0x1  }
0x23e: {  	v10 =	vmul.f32 v10, v9;
	_ =	sdelay $0x1  }
0x23f: {  	[tilespmem:v51+s14+$0x0] =	vst.idx.msk $0xffff, v10  }
0x240: {  	v10 =	vld.idx.msk [tilespmem:v52+s13+$0x0], $0xffff;
	_ =	sdelay $0x2  }
0x241: {  	v53 =	vor.u32 $0x34, v8;
	_ =	sdelay $0x1  }
0x242: {  	v10 =	vmul.f32 v10, v9;
	_ =	sdelay $0x1  }
0x243: {  	[tilespmem:v52+s14+$0x0] =	vst.idx.msk $0xffff, v10  }
0x244: {  	v10 =	vld.idx.msk [tilespmem:v53+s13+$0x0], $0xffff;
	_ =	sdelay $0x2  }
0x245: {  	v54 =	vor.u32 $0x35, v8;
	_ =	sdelay $0x1  }
0x246: {  	v10 =	vmul.f32 v10, v9;
	_ =	sdelay $0x1  }
0x247: {  	[tilespmem:v53+s14+$0x0] =	vst.idx.msk $0xffff, v10  }
0x248: {  	v10 =	vld.idx.msk [tilespmem:v54+s13+$0x0], $0xffff;
	_ =	sdelay $0x2  }
0x249: {  	v55 =	vor.u32 $0x36, v8;
	_ =	sdelay $0x1  }
0x24a: {  	v10 =	vmul.f32 v10, v9;
	_ =	sdelay $0x1  }
0x24b: {  	[tilespmem:v54+s14+$0x0] =	vst.idx.msk $0xffff, v10  }
0x24c: {  	v10 =	vld.idx.msk [tilespmem:v55+s13+$0x0], $0xffff;
	_ =	sdelay $0x2  }
0x24d: {  	v56 =	vor.u32 $0x37, v8;
	_ =	sdelay $0x1  }
0x24e: {  	v10 =	vmul.f32 v10, v9;
	_ =	sdelay $0x1  }
0x24f: {  	[tilespmem:v55+s14+$0x0] =	vst.idx.msk $0xffff, v10  }
0x250: {  	v10 =	vld.idx.msk [tilespmem:v56+s13+$0x0], $0xffff;
	_ =	sdelay $0x2  }
0x251: {  	v57 =	vor.u32 $0x38, v8;
	_ =	sdelay $0x1  }
0x252: {  	v10 =	vmul.f32 v10, v9;
	_ =	sdelay $0x1  }
0x253: {  	[tilespmem:v56+s14+$0x0] =	vst.idx.msk $0xffff, v10  }
0x254: {  	v10 =	vld.idx.msk [tilespmem:v57+s13+$0x0], $0xffff;
	_ =	sdelay $0x2  }
0x255: {  	v58 =	vor.u32 $0x39, v8;
	_ =	sdelay $0x1  }
0x256: {  	v10 =	vmul.f32 v10, v9;
	_ =	sdelay $0x1  }
0x257: {  	[tilespmem:v57+s14+$0x0] =	vst.idx.msk $0xffff, v10  }
0x258: {  	v10 =	vld.idx.msk [tilespmem:v58+s13+$0x0], $0xffff;
	_ =	sdelay $0x2  }
0x259: {  	v59 =	vor.u32 $0x3A, v8;
	_ =	sdelay $0x1  }
0x25a: {  	v10 =	vmul.f32 v10, v9;
	_ =	sdelay $0x1  }
0x25b: {  	[tilespmem:v58+s14+$0x0] =	vst.idx.msk $0xffff, v10  }
0x25c: {  	v10 =	vld.idx.msk [tilespmem:v59+s13+$0x0], $0xffff;
	_ =	sdelay $0x2  }
0x25d: {  	v60 =	vor.u32 $0x3B, v8;
	_ =	sdelay $0x1  }
0x25e: {  	v10 =	vmul.f32 v10, v9;
	_ =	sdelay $0x1  }
0x25f: {  	[tilespmem:v59+s14+$0x0] =	vst.idx.msk $0xffff, v10  }
0x260: {  	v10 =	vld.idx.msk [tilespmem:v60+s13+$0x0], $0xffff;
	_ =	sdelay $0x2  }
0x261: {  	v61 =	vor.u32 $0x3C, v8;
	_ =	sdelay $0x1  }
0x262: {  	v10 =	vmul.f32 v10, v9;
	_ =	sdelay $0x1  }
0x263: {  	[tilespmem:v60+s14+$0x0] =	vst.idx.msk $0xffff, v10  }
0x264: {  	v10 =	vld.idx.msk [tilespmem:v61+s13+$0x0], $0xffff;
	_ =	sdelay $0x2  }
0x265: {  	v62 =	vor.u32 $0x3D, v8;
	_ =	sdelay $0x1  }
0x266: {  	v10 =	vmul.f32 v10, v9;
	_ =	sdelay $0x1  }
0x267: {  	[tilespmem:v61+s14+$0x0] =	vst.idx.msk $0xffff, v10  }
0x268: {  	v10 =	vld.idx.msk [tilespmem:v62+s13+$0x0], $0xffff;
	_ =	sdelay $0x2  }
0x269: {  	v63 =	vor.u32 $0x3E, v8;
	_ =	sdelay $0x1  }
0x26a: {  	v10 =	vmul.f32 v10, v9;
	_ =	sdelay $0x1  }
0x26b: {  	[tilespmem:v62+s14+$0x0] =	vst.idx.msk $0xffff, v10  }
0x26c: {  	v10 =	vld.idx.msk [tilespmem:v63+s13+$0x0], $0xffff;
	_ =	sdelay $0x2  }
0x26d: {  	v8 =	vor.u32 $0x3F, v8;
	_ =	sdelay $0x1  }
0x26e: {  	v10 =	vmul.f32 v10, v9;
	_ =	sdelay $0x1  }
0x26f: {  	[tilespmem:v63+s14+$0x0] =	vst.idx.msk $0xffff, v10  }
0x270: {  	v10 =	vld.idx.msk [tilespmem:v8+s13+$0x0], $0xffff;
	_ =	sdelay $0x1  }
0x271: {  	p0 =	sne.s32 s30, $0x40  }
.Ltmp4:
0x272: {  	_ = 	snop;
	(pc) =	sbr.rel @p0 .LBB2_12-.Ltmp4, $3  }
0x273: {  	_ = 	snop  }
0x274: {  	v9 =	vmul.f32 v10, v9;
	_ =	sdelay $0x1  }
0x275: {  	s30 =	sadd.s32 $0x10, s30;
	[tilespmem:v8+s14+$0x0] =	vst.idx.msk $0xffff, v9  }
0x276: {  	s0 =	smul.u32 $0x5000, s28  }
0x277: {  	s5 =	smul.u32 $0x140, s26;
	p0 =	sne.s32 s29, $0x19  }
.Ltmp5:
0x278: {  	_ = 	snop;
	(pc) =	sbr.rel @p0 .LBB2_11-.Ltmp5, $4  }
0x279: {  	s31 =	sor.u32 $0x4, s28  }
0x27a: {  	s25 =	sadd.s32 $0x50, s25;
	s0 =	sshrl.u32 s0, $0x2;
	s5 =	sshra.s32 s5, $0x2  }
0x27b: {  	s26 =	smov.u32 s29;
	s0 =	sadd.s32 $0xF320, s0;
	s5 =	sadd.s32 $0x7D0, s5  }
0x27c: {  	[spmem:s2] =	stream.indirect.scatter.add.f32 [tilespmem:s0], [sflag:s31], $0x40, s5, s21, $0xb8;
	[tilespmem:$0x1CAE8] =	vst v63  }
0x27d: {  	s1 =	sadd.s32 $0x1, s1  }
0x27e: {  	_ =	swait.ge [sflag:s17], $0x1400;
	p0 =	sne.s32 s1, $0xA  }
.Ltmp6:
0x27f: {  	[sflag:s17] =	ssyncset.done $0x0;
	(pc) =	sbr.rel @p0 .LBB2_4-.Ltmp6, $4  }
0x280: {  	[sflag:s17] =	ssyncadd.s32 $0xFFFFEC00  }
0x281: {  	_ =	swait.ge [sflag:s19], $0x1400  }
0x282: {  	[sflag:s19] =	ssyncset.done $0x0  }
0x283: {  	[sflag:s19] =	ssyncadd.s32 $0xFFFFEC00  }
0x284: {  	[bflag:$0x0] =	sbarrier.arrive $0xFFFF  }
0x285: {  	s0 =	rddreg [dreg:$0xa]  }
0x286: {  	s5 =	rddreg [dreg:$0xd]  }
0x287: {  	s25 =	rddreg [dreg:$0xe]  }
0x288: {  	[hbm:s0], [sflag:s5] =	dma.local [spmem:s25], $0x1388  }
0x289: {  	_ =	swait.ge [sflag:s18], $0x1388  }
0x28a: {  	[sflag:s18] =	ssyncset.done $0x0;
	s30 =	rddreg [dreg:$0xb]  }
0x28b: {  	s16 =	rddreg [dreg:$0xf];
	[sflag:s18] =	ssyncadd.s32 $0xFFFFEC78  }
0x28c: {  	[hbm:s30], [sflag:s5] =	dma.local [spmem:s16], $0x271  }
0x28d: {  	_ =	swait.ge [sflag:s18], $0x271  }
0x28e: {  	s1 =	rddreg [dreg:$0x10]  }
0x28f: {  	s31 =	rddreg [dreg:$0xc];
	s1 =	sadd.s32 $0x1, s1  }
0x290: {  	p0 =	sne.s32 s1, s31  }
.Ltmp7:
0x291: {  	_ = 	snop;
	(pc) =	sbr.rel @p0 .LBB2_1-.Ltmp7, $3  }
0x292: {  	_ =	sdelay $0x1  }
0x293: {  	[sflag:s18] =	ssyncset.done $0x0  }
0x294: {  	[sflag:s18] =	ssyncadd.s32 $0xFFFFFD8F  }
0x295: {  	_ =	sfence.sel $0x180000  }
0x296: {  	[bflag:$0x0] =	sbarrier.arrive $0xFFFF  }
0x297: {  	_ =	strace $0x90000047  }
0x298: {  	s0 =	stileid.u32;
	[bflag:$0x2] =	sbarrier.arrive $0xFFFF  }
0x299: {  	p0 =	sne.s32 s0, $0x0;
	s0 =	rddreg [dreg:$0x7]  }
0x29a: {  	s0 =	sadd.s32 @!p0 $0x100000, s0  }
0x29b: {  	[sflag:s0] =	ssyncadd.tile.s32 @!p0 $0x1;
	_ =	shalt  }
.Lfunc_end2:
_tile_overlayer_lowered:
.L_overlay_start_2:
0x29c: {  	(tag) =	ssettag $0x2  }
0x29d: {  	s0 =	rddreg [dreg:$0x0];
	s2 =	stileid.u32  }
0x29e: {  	s1 =	rddreg [dreg:$0x1];
	p0 =	sne.s32 s2, $0x0  }
0x29f: {  	s3 =	rddreg [dreg:$0x2];
	[bflag:$0x3] =	sbarrier.arrive $0xFFFF;
	s2 =	simm.s32 @!p0 $0x1C06  }
0x2a0: {  	[timem:s3], [sflag:s2] =	dma.local @!p0 [hbm:s0], s1  }
0x2a1: {  	s0 =	simm.s32 @!p0 $0x6  }
0x2a2: {  	_ =	swait.ge @!p0 [sflag:s0], s1  }
0x2a3: {  	s1 =	ssub.s32 @!p0 $0x0, s1;
	[sflag:s0] =	ssyncset.done @!p0 $0x0  }
0x2a4: {  	[sflag:s0] =	ssyncadd.s32 @!p0 s1  }
0x2a5: {  	[bflag:$0x3] =	sbarrier.arrive $0xFFFF  }
0x2a6: {  	_ =	shalt  }

</sc_bundles>
